<compile_context>
chip_gen: v7x
topology: tpu7x:2x2x1
jax: 0.10.2.dev20260603
libtpu: 0.0.44.dev20260713+nightly
codegen_flags: <defaults>
</compile_context>

<pallas_src>
import functools

import jax
import jax.numpy as jnp
from jax import lax
from jax.experimental import pallas as pl
from jax.experimental.pallas import tpu as pltpu
from jax.experimental.pallas import tpu_sc as plsc

N_NODES = 100000
N_EDGES = 3200000
N_GRAPHS = 512
F_IN = 16

NC = 2
NS = 16
NW = NC * NS

ECHUNK = 512
N_CHUNKS = N_EDGES // ECHUNK
MAX_K = (N_CHUNKS + NW - 1) // NW
T_OUTER = MAX_K // 4

RCHUNK = 400
N_RCHUNKS = N_NODES // RCHUNK
MAX_RCHUNKS_PER_TILE = (N_RCHUNKS + NS - 1) // NS

BLK = 1024
NB = (N_NODES + BLK - 1) // BLK
NPAD = NB * BLK
FW = 48


def _sc_body(src_hbm, dst_hbm, x_hbm, agg_out, cnt_out,
             agg_sh, cnt_sh,
             src_v0, src_v1, src_v2, src_v3,
             dst_v0, dst_v1, dst_v2, dst_v3,
             rows_v0, rows_v1, ones_v, cnt_stage,
             semi0, semi1, semi2, semi3, semg0, semg1, sems0, sems1):
    c = lax.axis_index("c")
    s = lax.axis_index("s")
    wid = s * NC + c

    SRC = [src_v0, src_v1, src_v2, src_v3]
    DST = [dst_v0, dst_v1, dst_v2, dst_v3]
    ROWS = [rows_v0, rows_v1]
    SEMI = [semi0, semi1, semi2, semi3]
    SEMG = [semg0, semg1]
    SEMS = [sems0, sems1]

    nk = (N_CHUNKS - 1 - wid) // NW + 1

    def _zero_rows(r, carry):
        rows_v0[r, :] = jnp.zeros((16,), jnp.float32)
        return carry
    lax.fori_loop(0, RCHUNK, _zero_rows, 0)

    def _fill_1d(r, carry):
        ones_v[pl.ds(r * 16, 16)] = jnp.ones((16,), jnp.float32)
        return carry
    lax.fori_loop(0, ECHUNK // 16, _fill_1d, 0)

    def _zero_cs(r, carry):
        cnt_stage[pl.ds(r * 16, 16)] = jnp.zeros((16,), jnp.float32)
        return carry
    lax.fori_loop(0, RCHUNK // 16, _zero_cs, 0)

    zrows = rows_v0.at[pl.ds(0, RCHUNK)]

    for k in range(MAX_RCHUNKS_PER_TILE):
        m = s + NS * k

        @pl.when(m < N_RCHUNKS)
        def _():
            r0 = pl.multiple_of(m * RCHUNK, 8)
            pltpu.sync_copy(zrows, agg_sh.at[pl.ds(r0, RCHUNK)])
            pltpu.sync_copy(cnt_stage, cnt_sh.at[pl.ds(r0, RCHUNK)])

    plsc.subcore_barrier()

    def chunk_base(k):
        return pl.multiple_of((wid + NW * k) * ECHUNK, 8)

    def issue_idx(k, ib):
        b0 = chunk_base(k)
        pltpu.async_copy(src_hbm.at[pl.ds(b0, ECHUNK)], SRC[ib], SEMI[ib])
        pltpu.async_copy(dst_hbm.at[pl.ds(b0, ECHUNK)], DST[ib], SEMI[ib])

    def wait_idx(ib):
        pltpu.make_async_copy(src_hbm.at[pl.ds(0, ECHUNK)], SRC[ib],
                              SEMI[ib]).wait()
        pltpu.make_async_copy(dst_hbm.at[pl.ds(0, ECHUNK)], DST[ib],
                              SEMI[ib]).wait()

    def issue_gather(ib, rb):
        pltpu.async_copy(x_hbm.at[SRC[ib]], ROWS[rb], SEMG[rb])

    def wait_gather(ib, rb):
        pltpu.make_async_copy(x_hbm.at[SRC[ib]], ROWS[rb], SEMG[rb]).wait()

    def issue_scatter(ib, rb):
        pltpu.async_copy(ROWS[rb], agg_sh.at[DST[ib]], SEMS[rb], add=True)
        pltpu.async_copy(ones_v, cnt_sh.at[DST[ib]], SEMS[rb], add=True)

    def wait_scatter(ib, rb):
        pltpu.make_async_copy(ROWS[rb], agg_sh.at[DST[ib]], SEMS[rb]).wait()
        pltpu.make_async_copy(ones_v, cnt_sh.at[DST[ib]], SEMS[rb]).wait()

    issue_idx(0, 0)
    issue_idx(1, 1)
    issue_idx(2, 2)
    wait_idx(0)
    issue_gather(0, 0)

    def _pipe_step(t, carry):
        for b in range(4):
            k = 4 * t + b

            @pl.when((k >= 1) & (k - 1 < nk))
            def _():
                wait_scatter((b - 1) % 4, (b - 1) % 2)

            @pl.when(k + 3 < nk)
            def _():
                issue_idx(k + 3, (b + 3) % 4)

            @pl.when(k + 1 < nk)
            def _():
                wait_idx((b + 1) % 4)
                issue_gather((b + 1) % 4, (b + 1) % 2)

            @pl.when(k < nk)
            def _():
                wait_gather(b % 4, b % 2)
                issue_scatter(b % 4, b % 2)
        return carry
    lax.fori_loop(0, T_OUTER, _pipe_step, 0)

    @pl.when(nk > MAX_K - 1)
    def _():
        wait_scatter(3, 1)

    plsc.subcore_barrier()

    for k in range(MAX_RCHUNKS_PER_TILE):
        m = s + NS * k

        @pl.when(m < N_RCHUNKS)
        def _():
            r0 = pl.multiple_of(m * RCHUNK, 8)
            pltpu.sync_copy(agg_sh.at[pl.ds(r0, RCHUNK)], zrows)
            pltpu.sync_copy(zrows, agg_out.at[c, pl.ds(r0, RCHUNK)])
            pltpu.sync_copy(cnt_sh.at[pl.ds(r0, RCHUNK)], cnt_stage)
            c0 = pl.multiple_of(c * N_NODES + r0, 8)
            pltpu.sync_copy(cnt_stage, cnt_out.at[pl.ds(c0, RCHUNK)])


_sc_aggregate = functools.partial(
    pl.kernel,
    out_type=[
        jax.ShapeDtypeStruct((NC, N_NODES, F_IN), jnp.float32),
        jax.ShapeDtypeStruct((NC * N_NODES,), jnp.float32),
    ],
    mesh=plsc.VectorSubcoreMesh(core_axis_name="c", subcore_axis_name="s"),
    scratch_types=[
        pltpu.VMEM_SHARED((N_NODES, F_IN), jnp.float32),
        pltpu.VMEM_SHARED((N_NODES,), jnp.float32),
        pltpu.VMEM((ECHUNK,), jnp.int32),
        pltpu.VMEM((ECHUNK,), jnp.int32),
        pltpu.VMEM((ECHUNK,), jnp.int32),
        pltpu.VMEM((ECHUNK,), jnp.int32),
        pltpu.VMEM((ECHUNK,), jnp.int32),
        pltpu.VMEM((ECHUNK,), jnp.int32),
        pltpu.VMEM((ECHUNK,), jnp.int32),
        pltpu.VMEM((ECHUNK,), jnp.int32),
        pltpu.VMEM((ECHUNK, F_IN), jnp.float32),
        pltpu.VMEM((ECHUNK, F_IN), jnp.float32),
        pltpu.VMEM((ECHUNK,), jnp.float32),
        pltpu.VMEM((RCHUNK,), jnp.float32),
        pltpu.SemaphoreType.DMA,
        pltpu.SemaphoreType.DMA,
        pltpu.SemaphoreType.DMA,
        pltpu.SemaphoreType.DMA,
        pltpu.SemaphoreType.DMA,
        pltpu.SemaphoreType.DMA,
        pltpu.SemaphoreType.DMA,
        pltpu.SemaphoreType.DMA,
    ],
    compiler_params=pltpu.CompilerParams(use_tc_tiling_on_sc=False),
)(_sc_body)


def _tc_body(agg_ref, cnt_ref, x_ref, batch_ref, wl_ref, bl_ref, wr_ref,
             wlin_ref, blin_ref, out_ref, acc_ref):
    i = pl.program_id(0)

    @pl.when(i == 0)
    def _():
        acc_ref[...] = jnp.zeros_like(acc_ref)

    agg = agg_ref[0] + agg_ref[1]
    cnt = cnt_ref[0] + cnt_ref[1]
    mean = agg / jnp.maximum(cnt, 1.0)
    ids = batch_ref[0]

    node = i * BLK + lax.broadcasted_iota(jnp.int32, (BLK, 1), 0)
    valid = node < N_NODES

    gid = lax.broadcasted_iota(jnp.int32, (BLK, N_GRAPHS), 1)
    onehot = jnp.where((ids == gid) & valid, 1.0, 0.0)

    feat = jnp.concatenate(
        [mean, x_ref[...], jnp.ones((BLK, 1), jnp.float32),
         jnp.zeros((BLK, FW - 2 * F_IN - 1), jnp.float32)], axis=1)
    feat = jnp.where(valid, feat, 0.0)

    acc_ref[...] += lax.dot_general(
        onehot, feat, (((0,), (0,)), ((), ())),
        preferred_element_type=jnp.float32)

    @pl.when(i == NB - 1)
    def _():
        acc = acc_ref[...]
        pmean = acc[:, 0:F_IN]
        px = acc[:, F_IN:2 * F_IN]
        gcnt = acc[:, 2 * F_IN:2 * F_IN + 1]
        gsum = (
            lax.dot_general(pmean, wl_ref[...], (((1,), (1,)), ((), ())),
                            preferred_element_type=jnp.float32)
            + lax.dot_general(px, wr_ref[...], (((1,), (1,)), ((), ())),
                              preferred_element_type=jnp.float32)
            + gcnt * bl_ref[...])
        gmean = gsum / jnp.maximum(gcnt, 1.0)
        out_ref[...] = (
            lax.dot_general(gmean, wlin_ref[...], (((1,), (1,)), ((), ())),
                            preferred_element_type=jnp.float32)
            + blin_ref[...])


def _tc_finish(agg2, cnt2, x, batch3, w_l, b_l, w_r, w_lin, b_lin):
    return pl.pallas_call(
        _tc_body,
        grid=(NB,),
        in_specs=[
            pl.BlockSpec((NC, BLK, F_IN), lambda i: (0, i, 0)),
            pl.BlockSpec((NC, BLK, 1), lambda i: (0, i, 0)),
            pl.BlockSpec((BLK, F_IN), lambda i: (i, 0)),
            pl.BlockSpec((1, BLK, 1), lambda i: (i, 0, 0)),
            pl.BlockSpec((32, 16), lambda i: (0, 0)),
            pl.BlockSpec((1, 32), lambda i: (0, 0)),
            pl.BlockSpec((32, 16), lambda i: (0, 0)),
            pl.BlockSpec((64, 32), lambda i: (0, 0)),
            pl.BlockSpec((1, 64), lambda i: (0, 0)),
        ],
        out_specs=pl.BlockSpec((N_GRAPHS, 64), lambda i: (0, 0)),
        out_shape=jax.ShapeDtypeStruct((N_GRAPHS, 64), jnp.float32),
        scratch_shapes=[pltpu.VMEM((N_GRAPHS, FW), jnp.float32)],
    )(agg2, cnt2, x, batch3, w_l, b_l, w_r, w_lin, b_lin)


def kernel(x, edge_index, batch, W_l, b_l, W_r, W_lin, b_lin):
    src = edge_index[0].astype(jnp.int32)
    dst = edge_index[1].astype(jnp.int32)
    agg2, cnt2 = _sc_aggregate(src, dst, x)
    cnt2 = cnt2.reshape(NC, N_NODES, 1)
    batch_pad = jnp.concatenate(
        [batch.astype(jnp.int32),
         jnp.full((NPAD - N_NODES,), N_GRAPHS, jnp.int32)]).reshape(NB, BLK, 1)
    return _tc_finish(agg2, cnt2, x, batch_pad,
                      W_l, b_l.reshape(1, 32), W_r, W_lin, b_lin.reshape(1, 64))

# --- scband reference (transcript-rebuilt; emitter-appended) ---
"""Pipeline reference for scband-graph-level-gnn-29755533427173 (READ-ONLY COPY).

The authoritative reference and input builder live on the scoring server;
editing this copy changes nothing except your own understanding.
"""

import jax, jax.numpy as jnp
import numpy as np

N_NODES = 100000
N_EDGES = 3200000
N_GRAPHS = 512

def setup_inputs(seed: int = 0) -> dict:
    key = jax.random.key(seed)
    ks = jax.random.split(key, 8)
    x = jax.random.normal(ks[0], (N_NODES, 16), dtype=jnp.float32)
    edge_index = jax.random.randint(ks[1], (2, N_EDGES), 0, N_NODES, dtype=jnp.int64)
    batch = jnp.sort(jax.random.randint(ks[2], (N_NODES,), 0, N_GRAPHS, dtype=jnp.int64))
    # SAGEConv(16, 32): lin_l (neighbor aggr, with bias), lin_r (root, no bias)
    W_l = jax.random.normal(ks[3], (32, 16), dtype=jnp.float32) * (1.0 / np.sqrt(16))
    b_l = jnp.zeros((32,), dtype=jnp.float32)
    W_r = jax.random.normal(ks[4], (32, 16), dtype=jnp.float32) * (1.0 / np.sqrt(16))
    # Linear(32, 64)
    W_lin = jax.random.normal(ks[5], (64, 32), dtype=jnp.float32) * (1.0 / np.sqrt(32))
    b_lin = jnp.zeros((64,), dtype=jnp.float32)
    return {"x": x, "edge_index": edge_index, "batch": batch,
            "W_l": W_l, "b_l": b_l, "W_r": W_r, "W_lin": W_lin, "b_lin": b_lin}

def reference(x, edge_index, batch, W_l, b_l, W_r, W_lin, b_lin):
    src = edge_index[0]
    dst = edge_index[1]
    # SAGEConv with mean aggregation: gather source features, scatter-mean to dst
    msg = jnp.take(x, src, axis=0)                                  # [E, 16] gather
    agg = jax.ops.segment_sum(msg, dst, num_segments=N_NODES)       # [N, 16] scatter-add
    cnt = jax.ops.segment_sum(jnp.ones((msg.shape[0],), dtype=jnp.float32), dst, num_segments=N_NODES)
    mean = agg / jnp.clip(cnt, 1.0)[:, None]
    h = mean @ W_l.T + b_l + x @ W_r.T                               # [N, 32]
    # MeanAggregation over graph ids (readout)
    gsum = jax.ops.segment_sum(h, batch, num_segments=N_GRAPHS)      # [G, 32]
    gcnt = jax.ops.segment_sum(jnp.ones((h.shape[0],), dtype=jnp.float32), batch, num_segments=N_GRAPHS)
    gmean = gsum / jnp.clip(gcnt, 1.0)[:, None]
    out = gmean @ W_lin.T + b_lin                                    # [G, 64]
    return out

if __name__ == "__main__":
    import jax
    _d = setup_inputs()
    print(jax.jit(kernel)(*tuple(_d.values())))

</pallas_src>

<mosaic_0001>
#map = affine_map<(d0, d1) -> (0)>
#map1 = affine_map<(d0, d1) -> (0, 0)>
#map2 = affine_map<(d0, d1) -> (0, 0, 0)>
module attributes {stable_mosaic.version = 14 : i64} {
  func.func @_sc_body(%arg0: i32, %arg1: i32, %arg2: memref<3200000xi32, #tpu.memory_space<hbm>>, %arg3: memref<3200000xi32, #tpu.memory_space<hbm>>, %arg4: memref<100000x16xf32, #tpu.memory_space<hbm>>, %arg5: memref<2x100000x16xf32, #tpu.memory_space<hbm>>, %arg6: memref<200000xf32, #tpu.memory_space<hbm>>, %arg7: memref<100000x16xf32, #tpu.memory_space<vmem_shared>>, %arg8: memref<100000xf32, #tpu.memory_space<vmem_shared>>, %arg9: memref<512xi32, #tpu.memory_space<vmem>>, %arg10: memref<512xi32, #tpu.memory_space<vmem>>, %arg11: memref<512xi32, #tpu.memory_space<vmem>>, %arg12: memref<512xi32, #tpu.memory_space<vmem>>, %arg13: memref<512xi32, #tpu.memory_space<vmem>>, %arg14: memref<512xi32, #tpu.memory_space<vmem>>, %arg15: memref<512xi32, #tpu.memory_space<vmem>>, %arg16: memref<512xi32, #tpu.memory_space<vmem>>, %arg17: memref<512x16xf32, #tpu.memory_space<vmem>>, %arg18: memref<512x16xf32, #tpu.memory_space<vmem>>, %arg19: memref<512xf32, #tpu.memory_space<vmem>>, %arg20: memref<400xf32, #tpu.memory_space<vmem>>, %arg21: memref<!tpu.dma_semaphore, #tpu.memory_space<semaphore_mem>>, %arg22: memref<!tpu.dma_semaphore, #tpu.memory_space<semaphore_mem>>, %arg23: memref<!tpu.dma_semaphore, #tpu.memory_space<semaphore_mem>>, %arg24: memref<!tpu.dma_semaphore, #tpu.memory_space<semaphore_mem>>, %arg25: memref<!tpu.dma_semaphore, #tpu.memory_space<semaphore_mem>>, %arg26: memref<!tpu.dma_semaphore, #tpu.memory_space<semaphore_mem>>, %arg27: memref<!tpu.dma_semaphore, #tpu.memory_space<semaphore_mem>>, %arg28: memref<!tpu.dma_semaphore, #tpu.memory_space<semaphore_mem>>) attributes {dimension_semantics = [#tpu.dimension_semantics<core_parallel>, #tpu.dimension_semantics<subcore_parallel>], iteration_bounds = array<i64: 2, 16>, scalar_prefetch = 0 : i64, scratch_operands = 22 : i64, tpu.core_type = #tpu.core_type<sc_vector_subcore>, window_params = [{transform_indices = #map}, {transform_indices = #map}, {transform_indices = #map1}, {transform_indices = #map2}, {transform_indices = #map}]} {
    %mul3A = arith.constant 2 : i32
    %mul3A_0 = arith.muli %arg1, %mul3A : i32
    %add3A = arith.addi %mul3A_0, %arg0 : i32
    %sub3A = arith.constant 6249 : i32
    %sub3A_1 = arith.subi %sub3A, %add3A : i32
    %jit3A = arith.constant 32 : i32
    %div3A = arith.divsi %sub3A_1, %jit3A : i32
    %sign3A = arith.constant 0 : i32
    %sign3A_2 = arith.cmpi sgt, %sub3A_1, %sign3A : i32
    %sign3A_3 = arith.extui %sign3A_2 : i1 to i32
    %sign3A_4 = arith.constant 0 : i32
    %sign3A_5 = arith.cmpi slt, %sub3A_1, %sign3A_4 : i32
    %sign3A_6 = arith.extui %sign3A_5 : i1 to i32
    %sign3A_7 = arith.subi %sign3A_3, %sign3A_6 : i32
    %sign3A_8 = arith.constant 0 : i32
    %sign3A_9 = arith.cmpi sgt, %jit3A, %sign3A_8 : i32
    %sign3A_10 = arith.extui %sign3A_9 : i1 to i32
    %sign3A_11 = arith.constant 0 : i32
    %sign3A_12 = arith.cmpi slt, %jit3A, %sign3A_11 : i32
    %sign3A_13 = arith.extui %sign3A_12 : i1 to i32
    %sign3A_14 = arith.subi %sign3A_10, %sign3A_13 : i32
    %ne3A = arith.cmpi ne, %sign3A_7, %sign3A_14 : i32
    %rem3A = arith.remsi %sub3A_1, %jit3A : i32
    %ne3A_15 = arith.constant 0 : i32
    %ne3A_16 = arith.cmpi ne, %rem3A, %ne3A_15 : i32
    %and3A = arith.andi %ne3A, %ne3A_16 : i1
    %sub3A_17 = arith.constant 1 : i32
    %sub3A_18 = arith.subi %div3A, %sub3A_17 : i32
    %select_n3A = arith.select %and3A, %sub3A_18, %div3A : i32
    %add3A_19 = arith.constant 1 : i32
    %add3A_20 = arith.addi %select_n3A, %add3A_19 : i32
    %scan3A = arith.constant 0 : i32
    %scan3A_21 = arith.constant 0 : i32
    %scan3A_22 = arith.constant 400 : i32
    %scan3A_23 = arith.addi %scan3A_21, %scan3A_22 : i32
    %scan3A_24 = arith.constant 1 : i32
    scf.for %scan3A_305 = %scan3A_21 to %scan3A_23 step %scan3A_24  : i32 {
      %broadcast_in_dim3A = arith.constant 0.000000e+00 : f32
      %broadcast_in_dim3A_306 = vector.broadcast %broadcast_in_dim3A : f32 to vector<16xf32>
      %swap3A = arith.index_cast %scan3A_305 : i32 to index
      %swap3A_307 = arith.constant 0 : index
      %swap3A_308 = tpu.vector_load %arg17[%swap3A, %swap3A_307] {strides = array<i32>} : memref<512x16xf32, #tpu.memory_space<vmem>>, vector<1x16xf32>,
      %swap3A_309 = vector.shape_cast %swap3A_308 : vector<1x16xf32> to vector<16xf32>
      %swap3A_310 = vector.shape_cast %broadcast_in_dim3A_306 : vector<16xf32> to vector<1x16xf32>
      tpu.vector_store %arg17[%swap3A, %swap3A_307], %swap3A_310 {strides = array<i32>} : memref<512x16xf32, #tpu.memory_space<vmem>>, vector<1x16xf32>,
    }
    %scan3A_25 = arith.constant 400 : i32
    %scan3A_26 = arith.constant 0 : i32
    %scan3A_27 = arith.constant 0 : i32
    %scan3A_28 = arith.constant 32 : i32
    %scan3A_29 = arith.addi %scan3A_27, %scan3A_28 : i32
    %scan3A_30 = arith.constant 1 : i32
    scf.for %scan3A_305 = %scan3A_27 to %scan3A_29 step %scan3A_30  : i32 {
      %broadcast_in_dim3A = arith.constant 1.000000e+00 : f32
      %broadcast_in_dim3A_306 = vector.broadcast %broadcast_in_dim3A : f32 to vector<16xf32>
      %mul3A_307 = arith.constant 16 : i32
      %mul3A_308 = arith.muli %scan3A_305, %mul3A_307 : i32
      %swap3A = arith.index_cast %mul3A_308 : i32 to index
      %swap3A_309 = tpu.vector_load %arg19[%swap3A] {strides = array<i32>} : memref<512xf32, #tpu.memory_space<vmem>>, vector<16xf32>,
      %swap3A_310 = vector.shape_cast %swap3A_309 : vector<16xf32> to vector<16xf32>
      %swap3A_311 = vector.shape_cast %broadcast_in_dim3A_306 : vector<16xf32> to vector<16xf32>
      tpu.vector_store %arg19[%swap3A], %swap3A_311 {strides = array<i32>} : memref<512xf32, #tpu.memory_space<vmem>>, vector<16xf32>,
    }
    %scan3A_31 = arith.constant 32 : i32
    %scan3A_32 = arith.constant 0 : i32
    %scan3A_33 = arith.constant 0 : i32
    %scan3A_34 = arith.constant 25 : i32
    %scan3A_35 = arith.addi %scan3A_33, %scan3A_34 : i32
    %scan3A_36 = arith.constant 1 : i32
    scf.for %scan3A_305 = %scan3A_33 to %scan3A_35 step %scan3A_36  : i32 {
      %broadcast_in_dim3A = arith.constant 0.000000e+00 : f32
      %broadcast_in_dim3A_306 = vector.broadcast %broadcast_in_dim3A : f32 to vector<16xf32>
      %mul3A_307 = arith.constant 16 : i32
      %mul3A_308 = arith.muli %scan3A_305, %mul3A_307 : i32
      %swap3A = arith.index_cast %mul3A_308 : i32 to index
      %swap3A_309 = tpu.vector_load %arg20[%swap3A] {strides = array<i32>} : memref<400xf32, #tpu.memory_space<vmem>>, vector<16xf32>,
      %swap3A_310 = vector.shape_cast %swap3A_309 : vector<16xf32> to vector<16xf32>
      %swap3A_311 = vector.shape_cast %broadcast_in_dim3A_306 : vector<16xf32> to vector<16xf32>
      tpu.vector_store %arg20[%swap3A], %swap3A_311 {strides = array<i32>} : memref<400xf32, #tpu.memory_space<vmem>>, vector<16xf32>,
    }
    %scan3A_37 = arith.constant 25 : i32
    %add3A_38 = arith.constant 0 : i32
    %add3A_39 = arith.addi %arg1, %add3A_38 : i32
    %lt3A = arith.constant 250 : i32
    %lt3A_40 = arith.cmpi slt, %add3A_39, %lt3A : i32
    %convert_element_type3A = arith.extui %lt3A_40 : i1 to i32
    %cond3A = arith.constant 0 : i32
    %cond3A_41 = arith.cmpi ne, %convert_element_type3A, %cond3A : i32
    scf.if %cond3A_41 {
      %mul3A_305 = arith.constant 400 : i32
      %mul3A_306 = arith.muli %add3A_39, %mul3A_305 : i32
      %multiple_of3A_307 = tpu.assume_multiple %mul3A_306, 8 : i32
      "tpu.region"() ({
        %run_scoped3A = tpu.sem_alloc : memref<!tpu.dma_semaphore, #tpu.memory_space<semaphore_mem>>
        %dma_start3A_308 = arith.constant 0 : i32
        %dma_start3A_309 = arith.constant 0 : i32
        %dma_start3A_310 = tpu.memref_slice %arg17[%dma_start3A_308, %dma_start3A_309] : memref<512x16xf32, #tpu.memory_space<vmem>> -> memref<400x16xf32, #tpu.memory_space<vmem>>
        %dma_start3A_311 = arith.constant 0 : i32
        %dma_start3A_312 = tpu.memref_slice %arg7[%multiple_of3A_307, %dma_start3A_311] : memref<100000x16xf32, #tpu.memory_space<vmem_shared>> -> memref<400x16xf32, #tpu.memory_space<vmem_shared>>
        %dma_start3A_313 = arith.constant 0 : i32
        %dma_start3A_314 = tpu.memref_slice %arg7[%multiple_of3A_307, %dma_start3A_313] : memref<100000x16xf32, #tpu.memory_space<vmem_shared>> -> memref<400x16xf32, #tpu.memory_space<vmem_shared>>
        %dma_start3A_315 = arith.constant 0 : i32
        %dma_start3A_316 = arith.constant 0 : i32
        %dma_start3A_317 = tpu.memref_slice %arg17[%dma_start3A_315, %dma_start3A_316] : memref<512x16xf32, #tpu.memory_space<vmem>> -> memref<400x16xf32, #tpu.memory_space<vmem>>
        tpu.enqueue_dma source(%dma_start3A_317 : memref<400x16xf32, #tpu.memory_space<vmem>>) target(%dma_start3A_314 : memref<400x16xf32, #tpu.memory_space<vmem_shared>>) target_semaphore(%run_scoped3A : memref<!tpu.dma_semaphore, #tpu.memory_space<semaphore_mem>>)
        %dma_wait3A_318 = arith.constant 0 : i32
        %dma_wait3A_319 = arith.constant 0 : i32
        %dma_wait3A_320 = tpu.memref_slice %arg17[%dma_wait3A_318, %dma_wait3A_319] : memref<512x16xf32, #tpu.memory_space<vmem>> -> memref<400x16xf32, #tpu.memory_space<vmem>>
        %dma_wait3A_321 = arith.constant 0 : i32
        %dma_wait3A_322 = tpu.memref_slice %arg7[%multiple_of3A_307, %dma_wait3A_321] : memref<100000x16xf32, #tpu.memory_space<vmem_shared>> -> memref<400x16xf32, #tpu.memory_space<vmem_shared>>
        %dma_wait3A_323 = arith.constant 0 : i32
        %dma_wait3A_324 = tpu.memref_slice %arg7[%multiple_of3A_307, %dma_wait3A_323] : memref<100000x16xf32, #tpu.memory_space<vmem_shared>> -> memref<400x16xf32, #tpu.memory_space<vmem_shared>>
        %dma_wait3A_325 = arith.constant 0 : i32
        %dma_wait3A_326 = arith.constant 0 : i32
        %dma_wait3A_327 = tpu.memref_slice %arg17[%dma_wait3A_325, %dma_wait3A_326] : memref<512x16xf32, #tpu.memory_space<vmem>> -> memref<400x16xf32, #tpu.memory_space<vmem>>
        tpu.wait_dma2 semaphore(%run_scoped3A : memref<!tpu.dma_semaphore, #tpu.memory_space<semaphore_mem>>) src(%dma_wait3A_327 : memref<400x16xf32, #tpu.memory_space<vmem>>) dst(%dma_wait3A_324 : memref<400x16xf32, #tpu.memory_space<vmem_shared>>)
        tpu.yield
      }) : () -> ()
      "tpu.region"() ({
        %run_scoped3A = tpu.sem_alloc : memref<!tpu.dma_semaphore, #tpu.memory_space<semaphore_mem>>
        %dma_start3A_308 = tpu.memref_slice %arg8[%multiple_of3A_307] : memref<100000xf32, #tpu.memory_space<vmem_shared>> -> memref<400xf32, #tpu.memory_space<vmem_shared>>
        %dma_start3A_309 = tpu.memref_slice %arg8[%multiple_of3A_307] : memref<100000xf32, #tpu.memory_space<vmem_shared>> -> memref<400xf32, #tpu.memory_space<vmem_shared>>
        tpu.enqueue_dma source(%arg20 : memref<400xf32, #tpu.memory_space<vmem>>) target(%dma_start3A_309 : memref<400xf32, #tpu.memory_space<vmem_shared>>) target_semaphore(%run_scoped3A : memref<!tpu.dma_semaphore, #tpu.memory_space<semaphore_mem>>)
        %dma_wait3A_310 = tpu.memref_slice %arg8[%multiple_of3A_307] : memref<100000xf32, #tpu.memory_space<vmem_shared>> -> memref<400xf32, #tpu.memory_space<vmem_shared>>
        %dma_wait3A_311 = tpu.memref_slice %arg8[%multiple_of3A_307] : memref<100000xf32, #tpu.memory_space<vmem_shared>> -> memref<400xf32, #tpu.memory_space<vmem_shared>>
        tpu.wait_dma2 semaphore(%run_scoped3A : memref<!tpu.dma_semaphore, #tpu.memory_space<semaphore_mem>>) src(%arg20 : memref<400xf32, #tpu.memory_space<vmem>>) dst(%dma_wait3A_311 : memref<400xf32, #tpu.memory_space<vmem_shared>>)
        tpu.yield
      }) : () -> ()
    } else {
    }
    %add3A_42 = arith.constant 16 : i32
    %add3A_43 = arith.addi %arg1, %add3A_42 : i32
    %lt3A_44 = arith.constant 250 : i32
    %lt3A_45 = arith.cmpi slt, %add3A_43, %lt3A_44 : i32
    %convert_element_type3A_46 = arith.extui %lt3A_45 : i1 to i32
    %cond3A_47 = arith.constant 0 : i32
    %cond3A_48 = arith.cmpi ne, %convert_element_type3A_46, %cond3A_47 : i32
    scf.if %cond3A_48 {
      %mul3A_305 = arith.constant 400 : i32
      %mul3A_306 = arith.muli %add3A_43, %mul3A_305 : i32
      %multiple_of3A_307 = tpu.assume_multiple %mul3A_306, 8 : i32
      "tpu.region"() ({
        %run_scoped3A = tpu.sem_alloc : memref<!tpu.dma_semaphore, #tpu.memory_space<semaphore_mem>>
        %dma_start3A_308 = arith.constant 0 : i32
        %dma_start3A_309 = arith.constant 0 : i32
        %dma_start3A_310 = tpu.memref_slice %arg17[%dma_start3A_308, %dma_start3A_309] : memref<512x16xf32, #tpu.memory_space<vmem>> -> memref<400x16xf32, #tpu.memory_space<vmem>>
        %dma_start3A_311 = arith.constant 0 : i32
        %dma_start3A_312 = tpu.memref_slice %arg7[%multiple_of3A_307, %dma_start3A_311] : memref<100000x16xf32, #tpu.memory_space<vmem_shared>> -> memref<400x16xf32, #tpu.memory_space<vmem_shared>>
        %dma_start3A_313 = arith.constant 0 : i32
        %dma_start3A_314 = tpu.memref_slice %arg7[%multiple_of3A_307, %dma_start3A_313] : memref<100000x16xf32, #tpu.memory_space<vmem_shared>> -> memref<400x16xf32, #tpu.memory_space<vmem_shared>>
        %dma_start3A_315 = arith.constant 0 : i32
        %dma_start3A_316 = arith.constant 0 : i32
        %dma_start3A_317 = tpu.memref_slice %arg17[%dma_start3A_315, %dma_start3A_316] : memref<512x16xf32, #tpu.memory_space<vmem>> -> memref<400x16xf32, #tpu.memory_space<vmem>>
        tpu.enqueue_dma source(%dma_start3A_317 : memref<400x16xf32, #tpu.memory_space<vmem>>) target(%dma_start3A_314 : memref<400x16xf32, #tpu.memory_space<vmem_shared>>) target_semaphore(%run_scoped3A : memref<!tpu.dma_semaphore, #tpu.memory_space<semaphore_mem>>)
        %dma_wait3A_318 = arith.constant 0 : i32
        %dma_wait3A_319 = arith.constant 0 : i32
        %dma_wait3A_320 = tpu.memref_slice %arg17[%dma_wait3A_318, %dma_wait3A_319] : memref<512x16xf32, #tpu.memory_space<vmem>> -> memref<400x16xf32, #tpu.memory_space<vmem>>
        %dma_wait3A_321 = arith.constant 0 : i32
        %dma_wait3A_322 = tpu.memref_slice %arg7[%multiple_of3A_307, %dma_wait3A_321] : memref<100000x16xf32, #tpu.memory_space<vmem_shared>> -> memref<400x16xf32, #tpu.memory_space<vmem_shared>>
        %dma_wait3A_323 = arith.constant 0 : i32
        %dma_wait3A_324 = tpu.memref_slice %arg7[%multiple_of3A_307, %dma_wait3A_323] : memref<100000x16xf32, #tpu.memory_space<vmem_shared>> -> memref<400x16xf32, #tpu.memory_space<vmem_shared>>
        %dma_wait3A_325 = arith.constant 0 : i32
        %dma_wait3A_326 = arith.constant 0 : i32
        %dma_wait3A_327 = tpu.memref_slice %arg17[%dma_wait3A_325, %dma_wait3A_326] : memref<512x16xf32, #tpu.memory_space<vmem>> -> memref<400x16xf32, #tpu.memory_space<vmem>>
        tpu.wait_dma2 semaphore(%run_scoped3A : memref<!tpu.dma_semaphore, #tpu.memory_space<semaphore_mem>>) src(%dma_wait3A_327 : memref<400x16xf32, #tpu.memory_space<vmem>>) dst(%dma_wait3A_324 : memref<400x16xf32, #tpu.memory_space<vmem_shared>>)
        tpu.yield
      }) : () -> ()
      "tpu.region"() ({
        %run_scoped3A = tpu.sem_alloc : memref<!tpu.dma_semaphore, #tpu.memory_space<semaphore_mem>>
        %dma_start3A_308 = tpu.memref_slice %arg8[%multiple_of3A_307] : memref<100000xf32, #tpu.memory_space<vmem_shared>> -> memref<400xf32, #tpu.memory_space<vmem_shared>>
        %dma_start3A_309 = tpu.memref_slice %arg8[%multiple_of3A_307] : memref<100000xf32, #tpu.memory_space<vmem_shared>> -> memref<400xf32, #tpu.memory_space<vmem_shared>>
        tpu.enqueue_dma source(%arg20 : memref<400xf32, #tpu.memory_space<vmem>>) target(%dma_start3A_309 : memref<400xf32, #tpu.memory_space<vmem_shared>>) target_semaphore(%run_scoped3A : memref<!tpu.dma_semaphore, #tpu.memory_space<semaphore_mem>>)
        %dma_wait3A_310 = tpu.memref_slice %arg8[%multiple_of3A_307] : memref<100000xf32, #tpu.memory_space<vmem_shared>> -> memref<400xf32, #tpu.memory_space<vmem_shared>>
        %dma_wait3A_311 = tpu.memref_slice %arg8[%multiple_of3A_307] : memref<100000xf32, #tpu.memory_space<vmem_shared>> -> memref<400xf32, #tpu.memory_space<vmem_shared>>
        tpu.wait_dma2 semaphore(%run_scoped3A : memref<!tpu.dma_semaphore, #tpu.memory_space<semaphore_mem>>) src(%arg20 : memref<400xf32, #tpu.memory_space<vmem>>) dst(%dma_wait3A_311 : memref<400xf32, #tpu.memory_space<vmem_shared>>)
        tpu.yield
      }) : () -> ()
    } else {
    }
    %add3A_49 = arith.constant 32 : i32
    %add3A_50 = arith.addi %arg1, %add3A_49 : i32
    %lt3A_51 = arith.constant 250 : i32
    %lt3A_52 = arith.cmpi slt, %add3A_50, %lt3A_51 : i32
    %convert_element_type3A_53 = arith.extui %lt3A_52 : i1 to i32
    %cond3A_54 = arith.constant 0 : i32
    %cond3A_55 = arith.cmpi ne, %convert_element_type3A_53, %cond3A_54 : i32
    scf.if %cond3A_55 {
      %mul3A_305 = arith.constant 400 : i32
      %mul3A_306 = arith.muli %add3A_50, %mul3A_305 : i32
      %multiple_of3A_307 = tpu.assume_multiple %mul3A_306, 8 : i32
      "tpu.region"() ({
        %run_scoped3A = tpu.sem_alloc : memref<!tpu.dma_semaphore, #tpu.memory_space<semaphore_mem>>
        %dma_start3A_308 = arith.constant 0 : i32
        %dma_start3A_309 = arith.constant 0 : i32
        %dma_start3A_310 = tpu.memref_slice %arg17[%dma_start3A_308, %dma_start3A_309] : memref<512x16xf32, #tpu.memory_space<vmem>> -> memref<400x16xf32, #tpu.memory_space<vmem>>
        %dma_start3A_311 = arith.constant 0 : i32
        %dma_start3A_312 = tpu.memref_slice %arg7[%multiple_of3A_307, %dma_start3A_311] : memref<100000x16xf32, #tpu.memory_space<vmem_shared>> -> memref<400x16xf32, #tpu.memory_space<vmem_shared>>
        %dma_start3A_313 = arith.constant 0 : i32
        %dma_start3A_314 = tpu.memref_slice %arg7[%multiple_of3A_307, %dma_start3A_313] : memref<100000x16xf32, #tpu.memory_space<vmem_shared>> -> memref<400x16xf32, #tpu.memory_space<vmem_shared>>
        %dma_start3A_315 = arith.constant 0 : i32
        %dma_start3A_316 = arith.constant 0 : i32
        %dma_start3A_317 = tpu.memref_slice %arg17[%dma_start3A_315, %dma_start3A_316] : memref<512x16xf32, #tpu.memory_space<vmem>> -> memref<400x16xf32, #tpu.memory_space<vmem>>
        tpu.enqueue_dma source(%dma_start3A_317 : memref<400x16xf32, #tpu.memory_space<vmem>>) target(%dma_start3A_314 : memref<400x16xf32, #tpu.memory_space<vmem_shared>>) target_semaphore(%run_scoped3A : memref<!tpu.dma_semaphore, #tpu.memory_space<semaphore_mem>>)
        %dma_wait3A_318 = arith.constant 0 : i32
        %dma_wait3A_319 = arith.constant 0 : i32
        %dma_wait3A_320 = tpu.memref_slice %arg17[%dma_wait3A_318, %dma_wait3A_319] : memref<512x16xf32, #tpu.memory_space<vmem>> -> memref<400x16xf32, #tpu.memory_space<vmem>>
        %dma_wait3A_321 = arith.constant 0 : i32
        %dma_wait3A_322 = tpu.memref_slice %arg7[%multiple_of3A_307, %dma_wait3A_321] : memref<100000x16xf32, #tpu.memory_space<vmem_shared>> -> memref<400x16xf32, #tpu.memory_space<vmem_shared>>
        %dma_wait3A_323 = arith.constant 0 : i32
        %dma_wait3A_324 = tpu.memref_slice %arg7[%multiple_of3A_307, %dma_wait3A_323] : memref<100000x16xf32, #tpu.memory_space<vmem_shared>> -> memref<400x16xf32, #tpu.memory_space<vmem_shared>>
        %dma_wait3A_325 = arith.constant 0 : i32
        %dma_wait3A_326 = arith.constant 0 : i32
        %dma_wait3A_327 = tpu.memref_slice %arg17[%dma_wait3A_325, %dma_wait3A_326] : memref<512x16xf32, #tpu.memory_space<vmem>> -> memref<400x16xf32, #tpu.memory_space<vmem>>
        tpu.wait_dma2 semaphore(%run_scoped3A : memref<!tpu.dma_semaphore, #tpu.memory_space<semaphore_mem>>) src(%dma_wait3A_327 : memref<400x16xf32, #tpu.memory_space<vmem>>) dst(%dma_wait3A_324 : memref<400x16xf32, #tpu.memory_space<vmem_shared>>)
        tpu.yield
      }) : () -> ()
      "tpu.region"() ({
        %run_scoped3A = tpu.sem_alloc : memref<!tpu.dma_semaphore, #tpu.memory_space<semaphore_mem>>
        %dma_start3A_308 = tpu.memref_slice %arg8[%multiple_of3A_307] : memref<100000xf32, #tpu.memory_space<vmem_shared>> -> memref<400xf32, #tpu.memory_space<vmem_shared>>
        %dma_start3A_309 = tpu.memref_slice %arg8[%multiple_of3A_307] : memref<100000xf32, #tpu.memory_space<vmem_shared>> -> memref<400xf32, #tpu.memory_space<vmem_shared>>
        tpu.enqueue_dma source(%arg20 : memref<400xf32, #tpu.memory_space<vmem>>) target(%dma_start3A_309 : memref<400xf32, #tpu.memory_space<vmem_shared>>) target_semaphore(%run_scoped3A : memref<!tpu.dma_semaphore, #tpu.memory_space<semaphore_mem>>)
        %dma_wait3A_310 = tpu.memref_slice %arg8[%multiple_of3A_307] : memref<100000xf32, #tpu.memory_space<vmem_shared>> -> memref<400xf32, #tpu.memory_space<vmem_shared>>
        %dma_wait3A_311 = tpu.memref_slice %arg8[%multiple_of3A_307] : memref<100000xf32, #tpu.memory_space<vmem_shared>> -> memref<400xf32, #tpu.memory_space<vmem_shared>>
        tpu.wait_dma2 semaphore(%run_scoped3A : memref<!tpu.dma_semaphore, #tpu.memory_space<semaphore_mem>>) src(%arg20 : memref<400xf32, #tpu.memory_space<vmem>>) dst(%dma_wait3A_311 : memref<400xf32, #tpu.memory_space<vmem_shared>>)
        tpu.yield
      }) : () -> ()
    } else {
    }
    %add3A_56 = arith.constant 48 : i32
    %add3A_57 = arith.addi %arg1, %add3A_56 : i32
    %lt3A_58 = arith.constant 250 : i32
    %lt3A_59 = arith.cmpi slt, %add3A_57, %lt3A_58 : i32
    %convert_element_type3A_60 = arith.extui %lt3A_59 : i1 to i32
    %cond3A_61 = arith.constant 0 : i32
    %cond3A_62 = arith.cmpi ne, %convert_element_type3A_60, %cond3A_61 : i32
    scf.if %cond3A_62 {
      %mul3A_305 = arith.constant 400 : i32
      %mul3A_306 = arith.muli %add3A_57, %mul3A_305 : i32
      %multiple_of3A_307 = tpu.assume_multiple %mul3A_306, 8 : i32
      "tpu.region"() ({
        %run_scoped3A = tpu.sem_alloc : memref<!tpu.dma_semaphore, #tpu.memory_space<semaphore_mem>>
        %dma_start3A_308 = arith.constant 0 : i32
        %dma_start3A_309 = arith.constant 0 : i32
        %dma_start3A_310 = tpu.memref_slice %arg17[%dma_start3A_308, %dma_start3A_309] : memref<512x16xf32, #tpu.memory_space<vmem>> -> memref<400x16xf32, #tpu.memory_space<vmem>>
        %dma_start3A_311 = arith.constant 0 : i32
        %dma_start3A_312 = tpu.memref_slice %arg7[%multiple_of3A_307, %dma_start3A_311] : memref<100000x16xf32, #tpu.memory_space<vmem_shared>> -> memref<400x16xf32, #tpu.memory_space<vmem_shared>>
        %dma_start3A_313 = arith.constant 0 : i32
        %dma_start3A_314 = tpu.memref_slice %arg7[%multiple_of3A_307, %dma_start3A_313] : memref<100000x16xf32, #tpu.memory_space<vmem_shared>> -> memref<400x16xf32, #tpu.memory_space<vmem_shared>>
        %dma_start3A_315 = arith.constant 0 : i32
        %dma_start3A_316 = arith.constant 0 : i32
        %dma_start3A_317 = tpu.memref_slice %arg17[%dma_start3A_315, %dma_start3A_316] : memref<512x16xf32, #tpu.memory_space<vmem>> -> memref<400x16xf32, #tpu.memory_space<vmem>>
        tpu.enqueue_dma source(%dma_start3A_317 : memref<400x16xf32, #tpu.memory_space<vmem>>) target(%dma_start3A_314 : memref<400x16xf32, #tpu.memory_space<vmem_shared>>) target_semaphore(%run_scoped3A : memref<!tpu.dma_semaphore, #tpu.memory_space<semaphore_mem>>)
        %dma_wait3A_318 = arith.constant 0 : i32
        %dma_wait3A_319 = arith.constant 0 : i32
        %dma_wait3A_320 = tpu.memref_slice %arg17[%dma_wait3A_318, %dma_wait3A_319] : memref<512x16xf32, #tpu.memory_space<vmem>> -> memref<400x16xf32, #tpu.memory_space<vmem>>
        %dma_wait3A_321 = arith.constant 0 : i32
        %dma_wait3A_322 = tpu.memref_slice %arg7[%multiple_of3A_307, %dma_wait3A_321] : memref<100000x16xf32, #tpu.memory_space<vmem_shared>> -> memref<400x16xf32, #tpu.memory_space<vmem_shared>>
        %dma_wait3A_323 = arith.constant 0 : i32
        %dma_wait3A_324 = tpu.memref_slice %arg7[%multiple_of3A_307, %dma_wait3A_323] : memref<100000x16xf32, #tpu.memory_space<vmem_shared>> -> memref<400x16xf32, #tpu.memory_space<vmem_shared>>
        %dma_wait3A_325 = arith.constant 0 : i32
        %dma_wait3A_326 = arith.constant 0 : i32
        %dma_wait3A_327 = tpu.memref_slice %arg17[%dma_wait3A_325, %dma_wait3A_326] : memref<512x16xf32, #tpu.memory_space<vmem>> -> memref<400x16xf32, #tpu.memory_space<vmem>>
        tpu.wait_dma2 semaphore(%run_scoped3A : memref<!tpu.dma_semaphore, #tpu.memory_space<semaphore_mem>>) src(%dma_wait3A_327 : memref<400x16xf32, #tpu.memory_space<vmem>>) dst(%dma_wait3A_324 : memref<400x16xf32, #tpu.memory_space<vmem_shared>>)
        tpu.yield
      }) : () -> ()
      "tpu.region"() ({
        %run_scoped3A = tpu.sem_alloc : memref<!tpu.dma_semaphore, #tpu.memory_space<semaphore_mem>>
        %dma_start3A_308 = tpu.memref_slice %arg8[%multiple_of3A_307] : memref<100000xf32, #tpu.memory_space<vmem_shared>> -> memref<400xf32, #tpu.memory_space<vmem_shared>>
        %dma_start3A_309 = tpu.memref_slice %arg8[%multiple_of3A_307] : memref<100000xf32, #tpu.memory_space<vmem_shared>> -> memref<400xf32, #tpu.memory_space<vmem_shared>>
        tpu.enqueue_dma source(%arg20 : memref<400xf32, #tpu.memory_space<vmem>>) target(%dma_start3A_309 : memref<400xf32, #tpu.memory_space<vmem_shared>>) target_semaphore(%run_scoped3A : memref<!tpu.dma_semaphore, #tpu.memory_space<semaphore_mem>>)
        %dma_wait3A_310 = tpu.memref_slice %arg8[%multiple_of3A_307] : memref<100000xf32, #tpu.memory_space<vmem_shared>> -> memref<400xf32, #tpu.memory_space<vmem_shared>>
        %dma_wait3A_311 = tpu.memref_slice %arg8[%multiple_of3A_307] : memref<100000xf32, #tpu.memory_space<vmem_shared>> -> memref<400xf32, #tpu.memory_space<vmem_shared>>
        tpu.wait_dma2 semaphore(%run_scoped3A : memref<!tpu.dma_semaphore, #tpu.memory_space<semaphore_mem>>) src(%arg20 : memref<400xf32, #tpu.memory_space<vmem>>) dst(%dma_wait3A_311 : memref<400xf32, #tpu.memory_space<vmem_shared>>)
        tpu.yield
      }) : () -> ()
    } else {
    }
    %add3A_63 = arith.constant 64 : i32
    %add3A_64 = arith.addi %arg1, %add3A_63 : i32
    %lt3A_65 = arith.constant 250 : i32
    %lt3A_66 = arith.cmpi slt, %add3A_64, %lt3A_65 : i32
    %convert_element_type3A_67 = arith.extui %lt3A_66 : i1 to i32
    %cond3A_68 = arith.constant 0 : i32
    %cond3A_69 = arith.cmpi ne, %convert_element_type3A_67, %cond3A_68 : i32
    scf.if %cond3A_69 {
      %mul3A_305 = arith.constant 400 : i32
      %mul3A_306 = arith.muli %add3A_64, %mul3A_305 : i32
      %multiple_of3A_307 = tpu.assume_multiple %mul3A_306, 8 : i32
      "tpu.region"() ({
        %run_scoped3A = tpu.sem_alloc : memref<!tpu.dma_semaphore, #tpu.memory_space<semaphore_mem>>
        %dma_start3A_308 = arith.constant 0 : i32
        %dma_start3A_309 = arith.constant 0 : i32
        %dma_start3A_310 = tpu.memref_slice %arg17[%dma_start3A_308, %dma_start3A_309] : memref<512x16xf32, #tpu.memory_space<vmem>> -> memref<400x16xf32, #tpu.memory_space<vmem>>
        %dma_start3A_311 = arith.constant 0 : i32
        %dma_start3A_312 = tpu.memref_slice %arg7[%multiple_of3A_307, %dma_start3A_311] : memref<100000x16xf32, #tpu.memory_space<vmem_shared>> -> memref<400x16xf32, #tpu.memory_space<vmem_shared>>
        %dma_start3A_313 = arith.constant 0 : i32
        %dma_start3A_314 = tpu.memref_slice %arg7[%multiple_of3A_307, %dma_start3A_313] : memref<100000x16xf32, #tpu.memory_space<vmem_shared>> -> memref<400x16xf32, #tpu.memory_space<vmem_shared>>
        %dma_start3A_315 = arith.constant 0 : i32
        %dma_start3A_316 = arith.constant 0 : i32
        %dma_start3A_317 = tpu.memref_slice %arg17[%dma_start3A_315, %dma_start3A_316] : memref<512x16xf32, #tpu.memory_space<vmem>> -> memref<400x16xf32, #tpu.memory_space<vmem>>
        tpu.enqueue_dma source(%dma_start3A_317 : memref<400x16xf32, #tpu.memory_space<vmem>>) target(%dma_start3A_314 : memref<400x16xf32, #tpu.memory_space<vmem_shared>>) target_semaphore(%run_scoped3A : memref<!tpu.dma_semaphore, #tpu.memory_space<semaphore_mem>>)
        %dma_wait3A_318 = arith.constant 0 : i32
        %dma_wait3A_319 = arith.constant 0 : i32
        %dma_wait3A_320 = tpu.memref_slice %arg17[%dma_wait3A_318, %dma_wait3A_319] : memref<512x16xf32, #tpu.memory_space<vmem>> -> memref<400x16xf32, #tpu.memory_space<vmem>>
        %dma_wait3A_321 = arith.constant 0 : i32
        %dma_wait3A_322 = tpu.memref_slice %arg7[%multiple_of3A_307, %dma_wait3A_321] : memref<100000x16xf32, #tpu.memory_space<vmem_shared>> -> memref<400x16xf32, #tpu.memory_space<vmem_shared>>
        %dma_wait3A_323 = arith.constant 0 : i32
        %dma_wait3A_324 = tpu.memref_slice %arg7[%multiple_of3A_307, %dma_wait3A_323] : memref<100000x16xf32, #tpu.memory_space<vmem_shared>> -> memref<400x16xf32, #tpu.memory_space<vmem_shared>>
        %dma_wait3A_325 = arith.constant 0 : i32
        %dma_wait3A_326 = arith.constant 0 : i32
        %dma_wait3A_327 = tpu.memref_slice %arg17[%dma_wait3A_325, %dma_wait3A_326] : memref<512x16xf32, #tpu.memory_space<vmem>> -> memref<400x16xf32, #tpu.memory_space<vmem>>
        tpu.wait_dma2 semaphore(%run_scoped3A : memref<!tpu.dma_semaphore, #tpu.memory_space<semaphore_mem>>) src(%dma_wait3A_327 : memref<400x16xf32, #tpu.memory_space<vmem>>) dst(%dma_wait3A_324 : memref<400x16xf32, #tpu.memory_space<vmem_shared>>)
        tpu.yield
      }) : () -> ()
      "tpu.region"() ({
        %run_scoped3A = tpu.sem_alloc : memref<!tpu.dma_semaphore, #tpu.memory_space<semaphore_mem>>
        %dma_start3A_308 = tpu.memref_slice %arg8[%multiple_of3A_307] : memref<100000xf32, #tpu.memory_space<vmem_shared>> -> memref<400xf32, #tpu.memory_space<vmem_shared>>
        %dma_start3A_309 = tpu.memref_slice %arg8[%multiple_of3A_307] : memref<100000xf32, #tpu.memory_space<vmem_shared>> -> memref<400xf32, #tpu.memory_space<vmem_shared>>
        tpu.enqueue_dma source(%arg20 : memref<400xf32, #tpu.memory_space<vmem>>) target(%dma_start3A_309 : memref<400xf32, #tpu.memory_space<vmem_shared>>) target_semaphore(%run_scoped3A : memref<!tpu.dma_semaphore, #tpu.memory_space<semaphore_mem>>)
        %dma_wait3A_310 = tpu.memref_slice %arg8[%multiple_of3A_307] : memref<100000xf32, #tpu.memory_space<vmem_shared>> -> memref<400xf32, #tpu.memory_space<vmem_shared>>
        %dma_wait3A_311 = tpu.memref_slice %arg8[%multiple_of3A_307] : memref<100000xf32, #tpu.memory_space<vmem_shared>> -> memref<400xf32, #tpu.memory_space<vmem_shared>>
        tpu.wait_dma2 semaphore(%run_scoped3A : memref<!tpu.dma_semaphore, #tpu.memory_space<semaphore_mem>>) src(%arg20 : memref<400xf32, #tpu.memory_space<vmem>>) dst(%dma_wait3A_311 : memref<400xf32, #tpu.memory_space<vmem_shared>>)
        tpu.yield
      }) : () -> ()
    } else {
    }
    %add3A_70 = arith.constant 80 : i32
    %add3A_71 = arith.addi %arg1, %add3A_70 : i32
    %lt3A_72 = arith.constant 250 : i32
    %lt3A_73 = arith.cmpi slt, %add3A_71, %lt3A_72 : i32
    %convert_element_type3A_74 = arith.extui %lt3A_73 : i1 to i32
    %cond3A_75 = arith.constant 0 : i32
    %cond3A_76 = arith.cmpi ne, %convert_element_type3A_74, %cond3A_75 : i32
    scf.if %cond3A_76 {
      %mul3A_305 = arith.constant 400 : i32
      %mul3A_306 = arith.muli %add3A_71, %mul3A_305 : i32
      %multiple_of3A_307 = tpu.assume_multiple %mul3A_306, 8 : i32
      "tpu.region"() ({
        %run_scoped3A = tpu.sem_alloc : memref<!tpu.dma_semaphore, #tpu.memory_space<semaphore_mem>>
        %dma_start3A_308 = arith.constant 0 : i32
        %dma_start3A_309 = arith.constant 0 : i32
        %dma_start3A_310 = tpu.memref_slice %arg17[%dma_start3A_308, %dma_start3A_309] : memref<512x16xf32, #tpu.memory_space<vmem>> -> memref<400x16xf32, #tpu.memory_space<vmem>>
        %dma_start3A_311 = arith.constant 0 : i32
        %dma_start3A_312 = tpu.memref_slice %arg7[%multiple_of3A_307, %dma_start3A_311] : memref<100000x16xf32, #tpu.memory_space<vmem_shared>> -> memref<400x16xf32, #tpu.memory_space<vmem_shared>>
        %dma_start3A_313 = arith.constant 0 : i32
        %dma_start3A_314 = tpu.memref_slice %arg7[%multiple_of3A_307, %dma_start3A_313] : memref<100000x16xf32, #tpu.memory_space<vmem_shared>> -> memref<400x16xf32, #tpu.memory_space<vmem_shared>>
        %dma_start3A_315 = arith.constant 0 : i32
        %dma_start3A_316 = arith.constant 0 : i32
        %dma_start3A_317 = tpu.memref_slice %arg17[%dma_start3A_315, %dma_start3A_316] : memref<512x16xf32, #tpu.memory_space<vmem>> -> memref<400x16xf32, #tpu.memory_space<vmem>>
        tpu.enqueue_dma source(%dma_start3A_317 : memref<400x16xf32, #tpu.memory_space<vmem>>) target(%dma_start3A_314 : memref<400x16xf32, #tpu.memory_space<vmem_shared>>) target_semaphore(%run_scoped3A : memref<!tpu.dma_semaphore, #tpu.memory_space<semaphore_mem>>)
        %dma_wait3A_318 = arith.constant 0 : i32
        %dma_wait3A_319 = arith.constant 0 : i32
        %dma_wait3A_320 = tpu.memref_slice %arg17[%dma_wait3A_318, %dma_wait3A_319] : memref<512x16xf32, #tpu.memory_space<vmem>> -> memref<400x16xf32, #tpu.memory_space<vmem>>
        %dma_wait3A_321 = arith.constant 0 : i32
        %dma_wait3A_322 = tpu.memref_slice %arg7[%multiple_of3A_307, %dma_wait3A_321] : memref<100000x16xf32, #tpu.memory_space<vmem_shared>> -> memref<400x16xf32, #tpu.memory_space<vmem_shared>>
        %dma_wait3A_323 = arith.constant 0 : i32
        %dma_wait3A_324 = tpu.memref_slice %arg7[%multiple_of3A_307, %dma_wait3A_323] : memref<100000x16xf32, #tpu.memory_space<vmem_shared>> -> memref<400x16xf32, #tpu.memory_space<vmem_shared>>
        %dma_wait3A_325 = arith.constant 0 : i32
        %dma_wait3A_326 = arith.constant 0 : i32
        %dma_wait3A_327 = tpu.memref_slice %arg17[%dma_wait3A_325, %dma_wait3A_326] : memref<512x16xf32, #tpu.memory_space<vmem>> -> memref<400x16xf32, #tpu.memory_space<vmem>>
        tpu.wait_dma2 semaphore(%run_scoped3A : memref<!tpu.dma_semaphore, #tpu.memory_space<semaphore_mem>>) src(%dma_wait3A_327 : memref<400x16xf32, #tpu.memory_space<vmem>>) dst(%dma_wait3A_324 : memref<400x16xf32, #tpu.memory_space<vmem_shared>>)
        tpu.yield
      }) : () -> ()
      "tpu.region"() ({
        %run_scoped3A = tpu.sem_alloc : memref<!tpu.dma_semaphore, #tpu.memory_space<semaphore_mem>>
        %dma_start3A_308 = tpu.memref_slice %arg8[%multiple_of3A_307] : memref<100000xf32, #tpu.memory_space<vmem_shared>> -> memref<400xf32, #tpu.memory_space<vmem_shared>>
        %dma_start3A_309 = tpu.memref_slice %arg8[%multiple_of3A_307] : memref<100000xf32, #tpu.memory_space<vmem_shared>> -> memref<400xf32, #tpu.memory_space<vmem_shared>>
        tpu.enqueue_dma source(%arg20 : memref<400xf32, #tpu.memory_space<vmem>>) target(%dma_start3A_309 : memref<400xf32, #tpu.memory_space<vmem_shared>>) target_semaphore(%run_scoped3A : memref<!tpu.dma_semaphore, #tpu.memory_space<semaphore_mem>>)
        %dma_wait3A_310 = tpu.memref_slice %arg8[%multiple_of3A_307] : memref<100000xf32, #tpu.memory_space<vmem_shared>> -> memref<400xf32, #tpu.memory_space<vmem_shared>>
        %dma_wait3A_311 = tpu.memref_slice %arg8[%multiple_of3A_307] : memref<100000xf32, #tpu.memory_space<vmem_shared>> -> memref<400xf32, #tpu.memory_space<vmem_shared>>
        tpu.wait_dma2 semaphore(%run_scoped3A : memref<!tpu.dma_semaphore, #tpu.memory_space<semaphore_mem>>) src(%arg20 : memref<400xf32, #tpu.memory_space<vmem>>) dst(%dma_wait3A_311 : memref<400xf32, #tpu.memory_space<vmem_shared>>)
        tpu.yield
      }) : () -> ()
    } else {
    }
    %add3A_77 = arith.constant 96 : i32
    %add3A_78 = arith.addi %arg1, %add3A_77 : i32
    %lt3A_79 = arith.constant 250 : i32
    %lt3A_80 = arith.cmpi slt, %add3A_78, %lt3A_79 : i32
    %convert_element_type3A_81 = arith.extui %lt3A_80 : i1 to i32
    %cond3A_82 = arith.constant 0 : i32
    %cond3A_83 = arith.cmpi ne, %convert_element_type3A_81, %cond3A_82 : i32
    scf.if %cond3A_83 {
      %mul3A_305 = arith.constant 400 : i32
      %mul3A_306 = arith.muli %add3A_78, %mul3A_305 : i32
      %multiple_of3A_307 = tpu.assume_multiple %mul3A_306, 8 : i32
      "tpu.region"() ({
        %run_scoped3A = tpu.sem_alloc : memref<!tpu.dma_semaphore, #tpu.memory_space<semaphore_mem>>
        %dma_start3A_308 = arith.constant 0 : i32
        %dma_start3A_309 = arith.constant 0 : i32
        %dma_start3A_310 = tpu.memref_slice %arg17[%dma_start3A_308, %dma_start3A_309] : memref<512x16xf32, #tpu.memory_space<vmem>> -> memref<400x16xf32, #tpu.memory_space<vmem>>
        %dma_start3A_311 = arith.constant 0 : i32
        %dma_start3A_312 = tpu.memref_slice %arg7[%multiple_of3A_307, %dma_start3A_311] : memref<100000x16xf32, #tpu.memory_space<vmem_shared>> -> memref<400x16xf32, #tpu.memory_space<vmem_shared>>
        %dma_start3A_313 = arith.constant 0 : i32
        %dma_start3A_314 = tpu.memref_slice %arg7[%multiple_of3A_307, %dma_start3A_313] : memref<100000x16xf32, #tpu.memory_space<vmem_shared>> -> memref<400x16xf32, #tpu.memory_space<vmem_shared>>
        %dma_start3A_315 = arith.constant 0 : i32
        %dma_start3A_316 = arith.constant 0 : i32
        %dma_start3A_317 = tpu.memref_slice %arg17[%dma_start3A_315, %dma_start3A_316] : memref<512x16xf32, #tpu.memory_space<vmem>> -> memref<400x16xf32, #tpu.memory_space<vmem>>
        tpu.enqueue_dma source(%dma_start3A_317 : memref<400x16xf32, #tpu.memory_space<vmem>>) target(%dma_start3A_314 : memref<400x16xf32, #tpu.memory_space<vmem_shared>>) target_semaphore(%run_scoped3A : memref<!tpu.dma_semaphore, #tpu.memory_space<semaphore_mem>>)
        %dma_wait3A_318 = arith.constant 0 : i32
        %dma_wait3A_319 = arith.constant 0 : i32
        %dma_wait3A_320 = tpu.memref_slice %arg17[%dma_wait3A_318, %dma_wait3A_319] : memref<512x16xf32, #tpu.memory_space<vmem>> -> memref<400x16xf32, #tpu.memory_space<vmem>>
        %dma_wait3A_321 = arith.constant 0 : i32
        %dma_wait3A_322 = tpu.memref_slice %arg7[%multiple_of3A_307, %dma_wait3A_321] : memref<100000x16xf32, #tpu.memory_space<vmem_shared>> -> memref<400x16xf32, #tpu.memory_space<vmem_shared>>
        %dma_wait3A_323 = arith.constant 0 : i32
        %dma_wait3A_324 = tpu.memref_slice %arg7[%multiple_of3A_307, %dma_wait3A_323] : memref<100000x16xf32, #tpu.memory_space<vmem_shared>> -> memref<400x16xf32, #tpu.memory_space<vmem_shared>>
        %dma_wait3A_325 = arith.constant 0 : i32
        %dma_wait3A_326 = arith.constant 0 : i32
        %dma_wait3A_327 = tpu.memref_slice %arg17[%dma_wait3A_325, %dma_wait3A_326] : memref<512x16xf32, #tpu.memory_space<vmem>> -> memref<400x16xf32, #tpu.memory_space<vmem>>
        tpu.wait_dma2 semaphore(%run_scoped3A : memref<!tpu.dma_semaphore, #tpu.memory_space<semaphore_mem>>) src(%dma_wait3A_327 : memref<400x16xf32, #tpu.memory_space<vmem>>) dst(%dma_wait3A_324 : memref<400x16xf32, #tpu.memory_space<vmem_shared>>)
        tpu.yield
      }) : () -> ()
      "tpu.region"() ({
        %run_scoped3A = tpu.sem_alloc : memref<!tpu.dma_semaphore, #tpu.memory_space<semaphore_mem>>
        %dma_start3A_308 = tpu.memref_slice %arg8[%multiple_of3A_307] : memref<100000xf32, #tpu.memory_space<vmem_shared>> -> memref<400xf32, #tpu.memory_space<vmem_shared>>
        %dma_start3A_309 = tpu.memref_slice %arg8[%multiple_of3A_307] : memref<100000xf32, #tpu.memory_space<vmem_shared>> -> memref<400xf32, #tpu.memory_space<vmem_shared>>
        tpu.enqueue_dma source(%arg20 : memref<400xf32, #tpu.memory_space<vmem>>) target(%dma_start3A_309 : memref<400xf32, #tpu.memory_space<vmem_shared>>) target_semaphore(%run_scoped3A : memref<!tpu.dma_semaphore, #tpu.memory_space<semaphore_mem>>)
        %dma_wait3A_310 = tpu.memref_slice %arg8[%multiple_of3A_307] : memref<100000xf32, #tpu.memory_space<vmem_shared>> -> memref<400xf32, #tpu.memory_space<vmem_shared>>
        %dma_wait3A_311 = tpu.memref_slice %arg8[%multiple_of3A_307] : memref<100000xf32, #tpu.memory_space<vmem_shared>> -> memref<400xf32, #tpu.memory_space<vmem_shared>>
        tpu.wait_dma2 semaphore(%run_scoped3A : memref<!tpu.dma_semaphore, #tpu.memory_space<semaphore_mem>>) src(%arg20 : memref<400xf32, #tpu.memory_space<vmem>>) dst(%dma_wait3A_311 : memref<400xf32, #tpu.memory_space<vmem_shared>>)
        tpu.yield
      }) : () -> ()
    } else {
    }
    %add3A_84 = arith.constant 112 : i32
    %add3A_85 = arith.addi %arg1, %add3A_84 : i32
    %lt3A_86 = arith.constant 250 : i32
    %lt3A_87 = arith.cmpi slt, %add3A_85, %lt3A_86 : i32
    %convert_element_type3A_88 = arith.extui %lt3A_87 : i1 to i32
    %cond3A_89 = arith.constant 0 : i32
    %cond3A_90 = arith.cmpi ne, %convert_element_type3A_88, %cond3A_89 : i32
    scf.if %cond3A_90 {
      %mul3A_305 = arith.constant 400 : i32
      %mul3A_306 = arith.muli %add3A_85, %mul3A_305 : i32
      %multiple_of3A_307 = tpu.assume_multiple %mul3A_306, 8 : i32
      "tpu.region"() ({
        %run_scoped3A = tpu.sem_alloc : memref<!tpu.dma_semaphore, #tpu.memory_space<semaphore_mem>>
        %dma_start3A_308 = arith.constant 0 : i32
        %dma_start3A_309 = arith.constant 0 : i32
        %dma_start3A_310 = tpu.memref_slice %arg17[%dma_start3A_308, %dma_start3A_309] : memref<512x16xf32, #tpu.memory_space<vmem>> -> memref<400x16xf32, #tpu.memory_space<vmem>>
        %dma_start3A_311 = arith.constant 0 : i32
        %dma_start3A_312 = tpu.memref_slice %arg7[%multiple_of3A_307, %dma_start3A_311] : memref<100000x16xf32, #tpu.memory_space<vmem_shared>> -> memref<400x16xf32, #tpu.memory_space<vmem_shared>>
        %dma_start3A_313 = arith.constant 0 : i32
        %dma_start3A_314 = tpu.memref_slice %arg7[%multiple_of3A_307, %dma_start3A_313] : memref<100000x16xf32, #tpu.memory_space<vmem_shared>> -> memref<400x16xf32, #tpu.memory_space<vmem_shared>>
        %dma_start3A_315 = arith.constant 0 : i32
        %dma_start3A_316 = arith.constant 0 : i32
        %dma_start3A_317 = tpu.memref_slice %arg17[%dma_start3A_315, %dma_start3A_316] : memref<512x16xf32, #tpu.memory_space<vmem>> -> memref<400x16xf32, #tpu.memory_space<vmem>>
        tpu.enqueue_dma source(%dma_start3A_317 : memref<400x16xf32, #tpu.memory_space<vmem>>) target(%dma_start3A_314 : memref<400x16xf32, #tpu.memory_space<vmem_shared>>) target_semaphore(%run_scoped3A : memref<!tpu.dma_semaphore, #tpu.memory_space<semaphore_mem>>)
        %dma_wait3A_318 = arith.constant 0 : i32
        %dma_wait3A_319 = arith.constant 0 : i32
        %dma_wait3A_320 = tpu.memref_slice %arg17[%dma_wait3A_318, %dma_wait3A_319] : memref<512x16xf32, #tpu.memory_space<vmem>> -> memref<400x16xf32, #tpu.memory_space<vmem>>
        %dma_wait3A_321 = arith.constant 0 : i32
        %dma_wait3A_322 = tpu.memref_slice %arg7[%multiple_of3A_307, %dma_wait3A_321] : memref<100000x16xf32, #tpu.memory_space<vmem_shared>> -> memref<400x16xf32, #tpu.memory_space<vmem_shared>>
        %dma_wait3A_323 = arith.constant 0 : i32
        %dma_wait3A_324 = tpu.memref_slice %arg7[%multiple_of3A_307, %dma_wait3A_323] : memref<100000x16xf32, #tpu.memory_space<vmem_shared>> -> memref<400x16xf32, #tpu.memory_space<vmem_shared>>
        %dma_wait3A_325 = arith.constant 0 : i32
        %dma_wait3A_326 = arith.constant 0 : i32
        %dma_wait3A_327 = tpu.memref_slice %arg17[%dma_wait3A_325, %dma_wait3A_326] : memref<512x16xf32, #tpu.memory_space<vmem>> -> memref<400x16xf32, #tpu.memory_space<vmem>>
        tpu.wait_dma2 semaphore(%run_scoped3A : memref<!tpu.dma_semaphore, #tpu.memory_space<semaphore_mem>>) src(%dma_wait3A_327 : memref<400x16xf32, #tpu.memory_space<vmem>>) dst(%dma_wait3A_324 : memref<400x16xf32, #tpu.memory_space<vmem_shared>>)
        tpu.yield
      }) : () -> ()
      "tpu.region"() ({
        %run_scoped3A = tpu.sem_alloc : memref<!tpu.dma_semaphore, #tpu.memory_space<semaphore_mem>>
        %dma_start3A_308 = tpu.memref_slice %arg8[%multiple_of3A_307] : memref<100000xf32, #tpu.memory_space<vmem_shared>> -> memref<400xf32, #tpu.memory_space<vmem_shared>>
        %dma_start3A_309 = tpu.memref_slice %arg8[%multiple_of3A_307] : memref<100000xf32, #tpu.memory_space<vmem_shared>> -> memref<400xf32, #tpu.memory_space<vmem_shared>>
        tpu.enqueue_dma source(%arg20 : memref<400xf32, #tpu.memory_space<vmem>>) target(%dma_start3A_309 : memref<400xf32, #tpu.memory_space<vmem_shared>>) target_semaphore(%run_scoped3A : memref<!tpu.dma_semaphore, #tpu.memory_space<semaphore_mem>>)
        %dma_wait3A_310 = tpu.memref_slice %arg8[%multiple_of3A_307] : memref<100000xf32, #tpu.memory_space<vmem_shared>> -> memref<400xf32, #tpu.memory_space<vmem_shared>>
        %dma_wait3A_311 = tpu.memref_slice %arg8[%multiple_of3A_307] : memref<100000xf32, #tpu.memory_space<vmem_shared>> -> memref<400xf32, #tpu.memory_space<vmem_shared>>
        tpu.wait_dma2 semaphore(%run_scoped3A : memref<!tpu.dma_semaphore, #tpu.memory_space<semaphore_mem>>) src(%arg20 : memref<400xf32, #tpu.memory_space<vmem>>) dst(%dma_wait3A_311 : memref<400xf32, #tpu.memory_space<vmem_shared>>)
        tpu.yield
      }) : () -> ()
    } else {
    }
    %add3A_91 = arith.constant 128 : i32
    %add3A_92 = arith.addi %arg1, %add3A_91 : i32
    %lt3A_93 = arith.constant 250 : i32
    %lt3A_94 = arith.cmpi slt, %add3A_92, %lt3A_93 : i32
    %convert_element_type3A_95 = arith.extui %lt3A_94 : i1 to i32
    %cond3A_96 = arith.constant 0 : i32
    %cond3A_97 = arith.cmpi ne, %convert_element_type3A_95, %cond3A_96 : i32
    scf.if %cond3A_97 {
      %mul3A_305 = arith.constant 400 : i32
      %mul3A_306 = arith.muli %add3A_92, %mul3A_305 : i32
      %multiple_of3A_307 = tpu.assume_multiple %mul3A_306, 8 : i32
      "tpu.region"() ({
        %run_scoped3A = tpu.sem_alloc : memref<!tpu.dma_semaphore, #tpu.memory_space<semaphore_mem>>
        %dma_start3A_308 = arith.constant 0 : i32
        %dma_start3A_309 = arith.constant 0 : i32
        %dma_start3A_310 = tpu.memref_slice %arg17[%dma_start3A_308, %dma_start3A_309] : memref<512x16xf32, #tpu.memory_space<vmem>> -> memref<400x16xf32, #tpu.memory_space<vmem>>
        %dma_start3A_311 = arith.constant 0 : i32
        %dma_start3A_312 = tpu.memref_slice %arg7[%multiple_of3A_307, %dma_start3A_311] : memref<100000x16xf32, #tpu.memory_space<vmem_shared>> -> memref<400x16xf32, #tpu.memory_space<vmem_shared>>
        %dma_start3A_313 = arith.constant 0 : i32
        %dma_start3A_314 = tpu.memref_slice %arg7[%multiple_of3A_307, %dma_start3A_313] : memref<100000x16xf32, #tpu.memory_space<vmem_shared>> -> memref<400x16xf32, #tpu.memory_space<vmem_shared>>
        %dma_start3A_315 = arith.constant 0 : i32
        %dma_start3A_316 = arith.constant 0 : i32
        %dma_start3A_317 = tpu.memref_slice %arg17[%dma_start3A_315, %dma_start3A_316] : memref<512x16xf32, #tpu.memory_space<vmem>> -> memref<400x16xf32, #tpu.memory_space<vmem>>
        tpu.enqueue_dma source(%dma_start3A_317 : memref<400x16xf32, #tpu.memory_space<vmem>>) target(%dma_start3A_314 : memref<400x16xf32, #tpu.memory_space<vmem_shared>>) target_semaphore(%run_scoped3A : memref<!tpu.dma_semaphore, #tpu.memory_space<semaphore_mem>>)
        %dma_wait3A_318 = arith.constant 0 : i32
        %dma_wait3A_319 = arith.constant 0 : i32
        %dma_wait3A_320 = tpu.memref_slice %arg17[%dma_wait3A_318, %dma_wait3A_319] : memref<512x16xf32, #tpu.memory_space<vmem>> -> memref<400x16xf32, #tpu.memory_space<vmem>>
        %dma_wait3A_321 = arith.constant 0 : i32
        %dma_wait3A_322 = tpu.memref_slice %arg7[%multiple_of3A_307, %dma_wait3A_321] : memref<100000x16xf32, #tpu.memory_space<vmem_shared>> -> memref<400x16xf32, #tpu.memory_space<vmem_shared>>
        %dma_wait3A_323 = arith.constant 0 : i32
        %dma_wait3A_324 = tpu.memref_slice %arg7[%multiple_of3A_307, %dma_wait3A_323] : memref<100000x16xf32, #tpu.memory_space<vmem_shared>> -> memref<400x16xf32, #tpu.memory_space<vmem_shared>>
        %dma_wait3A_325 = arith.constant 0 : i32
        %dma_wait3A_326 = arith.constant 0 : i32
        %dma_wait3A_327 = tpu.memref_slice %arg17[%dma_wait3A_325, %dma_wait3A_326] : memref<512x16xf32, #tpu.memory_space<vmem>> -> memref<400x16xf32, #tpu.memory_space<vmem>>
        tpu.wait_dma2 semaphore(%run_scoped3A : memref<!tpu.dma_semaphore, #tpu.memory_space<semaphore_mem>>) src(%dma_wait3A_327 : memref<400x16xf32, #tpu.memory_space<vmem>>) dst(%dma_wait3A_324 : memref<400x16xf32, #tpu.memory_space<vmem_shared>>)
        tpu.yield
      }) : () -> ()
      "tpu.region"() ({
        %run_scoped3A = tpu.sem_alloc : memref<!tpu.dma_semaphore, #tpu.memory_space<semaphore_mem>>
        %dma_start3A_308 = tpu.memref_slice %arg8[%multiple_of3A_307] : memref<100000xf32, #tpu.memory_space<vmem_shared>> -> memref<400xf32, #tpu.memory_space<vmem_shared>>
        %dma_start3A_309 = tpu.memref_slice %arg8[%multiple_of3A_307] : memref<100000xf32, #tpu.memory_space<vmem_shared>> -> memref<400xf32, #tpu.memory_space<vmem_shared>>
        tpu.enqueue_dma source(%arg20 : memref<400xf32, #tpu.memory_space<vmem>>) target(%dma_start3A_309 : memref<400xf32, #tpu.memory_space<vmem_shared>>) target_semaphore(%run_scoped3A : memref<!tpu.dma_semaphore, #tpu.memory_space<semaphore_mem>>)
        %dma_wait3A_310 = tpu.memref_slice %arg8[%multiple_of3A_307] : memref<100000xf32, #tpu.memory_space<vmem_shared>> -> memref<400xf32, #tpu.memory_space<vmem_shared>>
        %dma_wait3A_311 = tpu.memref_slice %arg8[%multiple_of3A_307] : memref<100000xf32, #tpu.memory_space<vmem_shared>> -> memref<400xf32, #tpu.memory_space<vmem_shared>>
        tpu.wait_dma2 semaphore(%run_scoped3A : memref<!tpu.dma_semaphore, #tpu.memory_space<semaphore_mem>>) src(%arg20 : memref<400xf32, #tpu.memory_space<vmem>>) dst(%dma_wait3A_311 : memref<400xf32, #tpu.memory_space<vmem_shared>>)
        tpu.yield
      }) : () -> ()
    } else {
    }
    %add3A_98 = arith.constant 144 : i32
    %add3A_99 = arith.addi %arg1, %add3A_98 : i32
    %lt3A_100 = arith.constant 250 : i32
    %lt3A_101 = arith.cmpi slt, %add3A_99, %lt3A_100 : i32
    %convert_element_type3A_102 = arith.extui %lt3A_101 : i1 to i32
    %cond3A_103 = arith.constant 0 : i32
    %cond3A_104 = arith.cmpi ne, %convert_element_type3A_102, %cond3A_103 : i32
    scf.if %cond3A_104 {
      %mul3A_305 = arith.constant 400 : i32
      %mul3A_306 = arith.muli %add3A_99, %mul3A_305 : i32
      %multiple_of3A_307 = tpu.assume_multiple %mul3A_306, 8 : i32
      "tpu.region"() ({
        %run_scoped3A = tpu.sem_alloc : memref<!tpu.dma_semaphore, #tpu.memory_space<semaphore_mem>>
        %dma_start3A_308 = arith.constant 0 : i32
        %dma_start3A_309 = arith.constant 0 : i32
        %dma_start3A_310 = tpu.memref_slice %arg17[%dma_start3A_308, %dma_start3A_309] : memref<512x16xf32, #tpu.memory_space<vmem>> -> memref<400x16xf32, #tpu.memory_space<vmem>>
        %dma_start3A_311 = arith.constant 0 : i32
        %dma_start3A_312 = tpu.memref_slice %arg7[%multiple_of3A_307, %dma_start3A_311] : memref<100000x16xf32, #tpu.memory_space<vmem_shared>> -> memref<400x16xf32, #tpu.memory_space<vmem_shared>>
        %dma_start3A_313 = arith.constant 0 : i32
        %dma_start3A_314 = tpu.memref_slice %arg7[%multiple_of3A_307, %dma_start3A_313] : memref<100000x16xf32, #tpu.memory_space<vmem_shared>> -> memref<400x16xf32, #tpu.memory_space<vmem_shared>>
        %dma_start3A_315 = arith.constant 0 : i32
        %dma_start3A_316 = arith.constant 0 : i32
        %dma_start3A_317 = tpu.memref_slice %arg17[%dma_start3A_315, %dma_start3A_316] : memref<512x16xf32, #tpu.memory_space<vmem>> -> memref<400x16xf32, #tpu.memory_space<vmem>>
        tpu.enqueue_dma source(%dma_start3A_317 : memref<400x16xf32, #tpu.memory_space<vmem>>) target(%dma_start3A_314 : memref<400x16xf32, #tpu.memory_space<vmem_shared>>) target_semaphore(%run_scoped3A : memref<!tpu.dma_semaphore, #tpu.memory_space<semaphore_mem>>)
        %dma_wait3A_318 = arith.constant 0 : i32
        %dma_wait3A_319 = arith.constant 0 : i32
        %dma_wait3A_320 = tpu.memref_slice %arg17[%dma_wait3A_318, %dma_wait3A_319] : memref<512x16xf32, #tpu.memory_space<vmem>> -> memref<400x16xf32, #tpu.memory_space<vmem>>
        %dma_wait3A_321 = arith.constant 0 : i32
        %dma_wait3A_322 = tpu.memref_slice %arg7[%multiple_of3A_307, %dma_wait3A_321] : memref<100000x16xf32, #tpu.memory_space<vmem_shared>> -> memref<400x16xf32, #tpu.memory_space<vmem_shared>>
        %dma_wait3A_323 = arith.constant 0 : i32
        %dma_wait3A_324 = tpu.memref_slice %arg7[%multiple_of3A_307, %dma_wait3A_323] : memref<100000x16xf32, #tpu.memory_space<vmem_shared>> -> memref<400x16xf32, #tpu.memory_space<vmem_shared>>
        %dma_wait3A_325 = arith.constant 0 : i32
        %dma_wait3A_326 = arith.constant 0 : i32
        %dma_wait3A_327 = tpu.memref_slice %arg17[%dma_wait3A_325, %dma_wait3A_326] : memref<512x16xf32, #tpu.memory_space<vmem>> -> memref<400x16xf32, #tpu.memory_space<vmem>>
        tpu.wait_dma2 semaphore(%run_scoped3A : memref<!tpu.dma_semaphore, #tpu.memory_space<semaphore_mem>>) src(%dma_wait3A_327 : memref<400x16xf32, #tpu.memory_space<vmem>>) dst(%dma_wait3A_324 : memref<400x16xf32, #tpu.memory_space<vmem_shared>>)
        tpu.yield
      }) : () -> ()
      "tpu.region"() ({
        %run_scoped3A = tpu.sem_alloc : memref<!tpu.dma_semaphore, #tpu.memory_space<semaphore_mem>>
        %dma_start3A_308 = tpu.memref_slice %arg8[%multiple_of3A_307] : memref<100000xf32, #tpu.memory_space<vmem_shared>> -> memref<400xf32, #tpu.memory_space<vmem_shared>>
        %dma_start3A_309 = tpu.memref_slice %arg8[%multiple_of3A_307] : memref<100000xf32, #tpu.memory_space<vmem_shared>> -> memref<400xf32, #tpu.memory_space<vmem_shared>>
        tpu.enqueue_dma source(%arg20 : memref<400xf32, #tpu.memory_space<vmem>>) target(%dma_start3A_309 : memref<400xf32, #tpu.memory_space<vmem_shared>>) target_semaphore(%run_scoped3A : memref<!tpu.dma_semaphore, #tpu.memory_space<semaphore_mem>>)
        %dma_wait3A_310 = tpu.memref_slice %arg8[%multiple_of3A_307] : memref<100000xf32, #tpu.memory_space<vmem_shared>> -> memref<400xf32, #tpu.memory_space<vmem_shared>>
        %dma_wait3A_311 = tpu.memref_slice %arg8[%multiple_of3A_307] : memref<100000xf32, #tpu.memory_space<vmem_shared>> -> memref<400xf32, #tpu.memory_space<vmem_shared>>
        tpu.wait_dma2 semaphore(%run_scoped3A : memref<!tpu.dma_semaphore, #tpu.memory_space<semaphore_mem>>) src(%arg20 : memref<400xf32, #tpu.memory_space<vmem>>) dst(%dma_wait3A_311 : memref<400xf32, #tpu.memory_space<vmem_shared>>)
        tpu.yield
      }) : () -> ()
    } else {
    }
    %add3A_105 = arith.constant 160 : i32
    %add3A_106 = arith.addi %arg1, %add3A_105 : i32
    %lt3A_107 = arith.constant 250 : i32
    %lt3A_108 = arith.cmpi slt, %add3A_106, %lt3A_107 : i32
    %convert_element_type3A_109 = arith.extui %lt3A_108 : i1 to i32
    %cond3A_110 = arith.constant 0 : i32
    %cond3A_111 = arith.cmpi ne, %convert_element_type3A_109, %cond3A_110 : i32
    scf.if %cond3A_111 {
      %mul3A_305 = arith.constant 400 : i32
      %mul3A_306 = arith.muli %add3A_106, %mul3A_305 : i32
      %multiple_of3A_307 = tpu.assume_multiple %mul3A_306, 8 : i32
      "tpu.region"() ({
        %run_scoped3A = tpu.sem_alloc : memref<!tpu.dma_semaphore, #tpu.memory_space<semaphore_mem>>
        %dma_start3A_308 = arith.constant 0 : i32
        %dma_start3A_309 = arith.constant 0 : i32
        %dma_start3A_310 = tpu.memref_slice %arg17[%dma_start3A_308, %dma_start3A_309] : memref<512x16xf32, #tpu.memory_space<vmem>> -> memref<400x16xf32, #tpu.memory_space<vmem>>
        %dma_start3A_311 = arith.constant 0 : i32
        %dma_start3A_312 = tpu.memref_slice %arg7[%multiple_of3A_307, %dma_start3A_311] : memref<100000x16xf32, #tpu.memory_space<vmem_shared>> -> memref<400x16xf32, #tpu.memory_space<vmem_shared>>
        %dma_start3A_313 = arith.constant 0 : i32
        %dma_start3A_314 = tpu.memref_slice %arg7[%multiple_of3A_307, %dma_start3A_313] : memref<100000x16xf32, #tpu.memory_space<vmem_shared>> -> memref<400x16xf32, #tpu.memory_space<vmem_shared>>
        %dma_start3A_315 = arith.constant 0 : i32
        %dma_start3A_316 = arith.constant 0 : i32
        %dma_start3A_317 = tpu.memref_slice %arg17[%dma_start3A_315, %dma_start3A_316] : memref<512x16xf32, #tpu.memory_space<vmem>> -> memref<400x16xf32, #tpu.memory_space<vmem>>
        tpu.enqueue_dma source(%dma_start3A_317 : memref<400x16xf32, #tpu.memory_space<vmem>>) target(%dma_start3A_314 : memref<400x16xf32, #tpu.memory_space<vmem_shared>>) target_semaphore(%run_scoped3A : memref<!tpu.dma_semaphore, #tpu.memory_space<semaphore_mem>>)
        %dma_wait3A_318 = arith.constant 0 : i32
        %dma_wait3A_319 = arith.constant 0 : i32
        %dma_wait3A_320 = tpu.memref_slice %arg17[%dma_wait3A_318, %dma_wait3A_319] : memref<512x16xf32, #tpu.memory_space<vmem>> -> memref<400x16xf32, #tpu.memory_space<vmem>>
        %dma_wait3A_321 = arith.constant 0 : i32
        %dma_wait3A_322 = tpu.memref_slice %arg7[%multiple_of3A_307, %dma_wait3A_321] : memref<100000x16xf32, #tpu.memory_space<vmem_shared>> -> memref<400x16xf32, #tpu.memory_space<vmem_shared>>
        %dma_wait3A_323 = arith.constant 0 : i32
        %dma_wait3A_324 = tpu.memref_slice %arg7[%multiple_of3A_307, %dma_wait3A_323] : memref<100000x16xf32, #tpu.memory_space<vmem_shared>> -> memref<400x16xf32, #tpu.memory_space<vmem_shared>>
        %dma_wait3A_325 = arith.constant 0 : i32
        %dma_wait3A_326 = arith.constant 0 : i32
        %dma_wait3A_327 = tpu.memref_slice %arg17[%dma_wait3A_325, %dma_wait3A_326] : memref<512x16xf32, #tpu.memory_space<vmem>> -> memref<400x16xf32, #tpu.memory_space<vmem>>
        tpu.wait_dma2 semaphore(%run_scoped3A : memref<!tpu.dma_semaphore, #tpu.memory_space<semaphore_mem>>) src(%dma_wait3A_327 : memref<400x16xf32, #tpu.memory_space<vmem>>) dst(%dma_wait3A_324 : memref<400x16xf32, #tpu.memory_space<vmem_shared>>)
        tpu.yield
      }) : () -> ()
      "tpu.region"() ({
        %run_scoped3A = tpu.sem_alloc : memref<!tpu.dma_semaphore, #tpu.memory_space<semaphore_mem>>
        %dma_start3A_308 = tpu.memref_slice %arg8[%multiple_of3A_307] : memref<100000xf32, #tpu.memory_space<vmem_shared>> -> memref<400xf32, #tpu.memory_space<vmem_shared>>
        %dma_start3A_309 = tpu.memref_slice %arg8[%multiple_of3A_307] : memref<100000xf32, #tpu.memory_space<vmem_shared>> -> memref<400xf32, #tpu.memory_space<vmem_shared>>
        tpu.enqueue_dma source(%arg20 : memref<400xf32, #tpu.memory_space<vmem>>) target(%dma_start3A_309 : memref<400xf32, #tpu.memory_space<vmem_shared>>) target_semaphore(%run_scoped3A : memref<!tpu.dma_semaphore, #tpu.memory_space<semaphore_mem>>)
        %dma_wait3A_310 = tpu.memref_slice %arg8[%multiple_of3A_307] : memref<100000xf32, #tpu.memory_space<vmem_shared>> -> memref<400xf32, #tpu.memory_space<vmem_shared>>
        %dma_wait3A_311 = tpu.memref_slice %arg8[%multiple_of3A_307] : memref<100000xf32, #tpu.memory_space<vmem_shared>> -> memref<400xf32, #tpu.memory_space<vmem_shared>>
        tpu.wait_dma2 semaphore(%run_scoped3A : memref<!tpu.dma_semaphore, #tpu.memory_space<semaphore_mem>>) src(%arg20 : memref<400xf32, #tpu.memory_space<vmem>>) dst(%dma_wait3A_311 : memref<400xf32, #tpu.memory_space<vmem_shared>>)
        tpu.yield
      }) : () -> ()
    } else {
    }
    %add3A_112 = arith.constant 176 : i32
    %add3A_113 = arith.addi %arg1, %add3A_112 : i32
    %lt3A_114 = arith.constant 250 : i32
    %lt3A_115 = arith.cmpi slt, %add3A_113, %lt3A_114 : i32
    %convert_element_type3A_116 = arith.extui %lt3A_115 : i1 to i32
    %cond3A_117 = arith.constant 0 : i32
    %cond3A_118 = arith.cmpi ne, %convert_element_type3A_116, %cond3A_117 : i32
    scf.if %cond3A_118 {
      %mul3A_305 = arith.constant 400 : i32
      %mul3A_306 = arith.muli %add3A_113, %mul3A_305 : i32
      %multiple_of3A_307 = tpu.assume_multiple %mul3A_306, 8 : i32
      "tpu.region"() ({
        %run_scoped3A = tpu.sem_alloc : memref<!tpu.dma_semaphore, #tpu.memory_space<semaphore_mem>>
        %dma_start3A_308 = arith.constant 0 : i32
        %dma_start3A_309 = arith.constant 0 : i32
        %dma_start3A_310 = tpu.memref_slice %arg17[%dma_start3A_308, %dma_start3A_309] : memref<512x16xf32, #tpu.memory_space<vmem>> -> memref<400x16xf32, #tpu.memory_space<vmem>>
        %dma_start3A_311 = arith.constant 0 : i32
        %dma_start3A_312 = tpu.memref_slice %arg7[%multiple_of3A_307, %dma_start3A_311] : memref<100000x16xf32, #tpu.memory_space<vmem_shared>> -> memref<400x16xf32, #tpu.memory_space<vmem_shared>>
        %dma_start3A_313 = arith.constant 0 : i32
        %dma_start3A_314 = tpu.memref_slice %arg7[%multiple_of3A_307, %dma_start3A_313] : memref<100000x16xf32, #tpu.memory_space<vmem_shared>> -> memref<400x16xf32, #tpu.memory_space<vmem_shared>>
        %dma_start3A_315 = arith.constant 0 : i32
        %dma_start3A_316 = arith.constant 0 : i32
        %dma_start3A_317 = tpu.memref_slice %arg17[%dma_start3A_315, %dma_start3A_316] : memref<512x16xf32, #tpu.memory_space<vmem>> -> memref<400x16xf32, #tpu.memory_space<vmem>>
        tpu.enqueue_dma source(%dma_start3A_317 : memref<400x16xf32, #tpu.memory_space<vmem>>) target(%dma_start3A_314 : memref<400x16xf32, #tpu.memory_space<vmem_shared>>) target_semaphore(%run_scoped3A : memref<!tpu.dma_semaphore, #tpu.memory_space<semaphore_mem>>)
        %dma_wait3A_318 = arith.constant 0 : i32
        %dma_wait3A_319 = arith.constant 0 : i32
        %dma_wait3A_320 = tpu.memref_slice %arg17[%dma_wait3A_318, %dma_wait3A_319] : memref<512x16xf32, #tpu.memory_space<vmem>> -> memref<400x16xf32, #tpu.memory_space<vmem>>
        %dma_wait3A_321 = arith.constant 0 : i32
        %dma_wait3A_322 = tpu.memref_slice %arg7[%multiple_of3A_307, %dma_wait3A_321] : memref<100000x16xf32, #tpu.memory_space<vmem_shared>> -> memref<400x16xf32, #tpu.memory_space<vmem_shared>>
        %dma_wait3A_323 = arith.constant 0 : i32
        %dma_wait3A_324 = tpu.memref_slice %arg7[%multiple_of3A_307, %dma_wait3A_323] : memref<100000x16xf32, #tpu.memory_space<vmem_shared>> -> memref<400x16xf32, #tpu.memory_space<vmem_shared>>
        %dma_wait3A_325 = arith.constant 0 : i32
        %dma_wait3A_326 = arith.constant 0 : i32
        %dma_wait3A_327 = tpu.memref_slice %arg17[%dma_wait3A_325, %dma_wait3A_326] : memref<512x16xf32, #tpu.memory_space<vmem>> -> memref<400x16xf32, #tpu.memory_space<vmem>>
        tpu.wait_dma2 semaphore(%run_scoped3A : memref<!tpu.dma_semaphore, #tpu.memory_space<semaphore_mem>>) src(%dma_wait3A_327 : memref<400x16xf32, #tpu.memory_space<vmem>>) dst(%dma_wait3A_324 : memref<400x16xf32, #tpu.memory_space<vmem_shared>>)
        tpu.yield
      }) : () -> ()
      "tpu.region"() ({
        %run_scoped3A = tpu.sem_alloc : memref<!tpu.dma_semaphore, #tpu.memory_space<semaphore_mem>>
        %dma_start3A_308 = tpu.memref_slice %arg8[%multiple_of3A_307] : memref<100000xf32, #tpu.memory_space<vmem_shared>> -> memref<400xf32, #tpu.memory_space<vmem_shared>>
        %dma_start3A_309 = tpu.memref_slice %arg8[%multiple_of3A_307] : memref<100000xf32, #tpu.memory_space<vmem_shared>> -> memref<400xf32, #tpu.memory_space<vmem_shared>>
        tpu.enqueue_dma source(%arg20 : memref<400xf32, #tpu.memory_space<vmem>>) target(%dma_start3A_309 : memref<400xf32, #tpu.memory_space<vmem_shared>>) target_semaphore(%run_scoped3A : memref<!tpu.dma_semaphore, #tpu.memory_space<semaphore_mem>>)
        %dma_wait3A_310 = tpu.memref_slice %arg8[%multiple_of3A_307] : memref<100000xf32, #tpu.memory_space<vmem_shared>> -> memref<400xf32, #tpu.memory_space<vmem_shared>>
        %dma_wait3A_311 = tpu.memref_slice %arg8[%multiple_of3A_307] : memref<100000xf32, #tpu.memory_space<vmem_shared>> -> memref<400xf32, #tpu.memory_space<vmem_shared>>
        tpu.wait_dma2 semaphore(%run_scoped3A : memref<!tpu.dma_semaphore, #tpu.memory_space<semaphore_mem>>) src(%arg20 : memref<400xf32, #tpu.memory_space<vmem>>) dst(%dma_wait3A_311 : memref<400xf32, #tpu.memory_space<vmem_shared>>)
        tpu.yield
      }) : () -> ()
    } else {
    }
    %add3A_119 = arith.constant 192 : i32
    %add3A_120 = arith.addi %arg1, %add3A_119 : i32
    %lt3A_121 = arith.constant 250 : i32
    %lt3A_122 = arith.cmpi slt, %add3A_120, %lt3A_121 : i32
    %convert_element_type3A_123 = arith.extui %lt3A_122 : i1 to i32
    %cond3A_124 = arith.constant 0 : i32
    %cond3A_125 = arith.cmpi ne, %convert_element_type3A_123, %cond3A_124 : i32
    scf.if %cond3A_125 {
      %mul3A_305 = arith.constant 400 : i32
      %mul3A_306 = arith.muli %add3A_120, %mul3A_305 : i32
      %multiple_of3A_307 = tpu.assume_multiple %mul3A_306, 8 : i32
      "tpu.region"() ({
        %run_scoped3A = tpu.sem_alloc : memref<!tpu.dma_semaphore, #tpu.memory_space<semaphore_mem>>
        %dma_start3A_308 = arith.constant 0 : i32
        %dma_start3A_309 = arith.constant 0 : i32
        %dma_start3A_310 = tpu.memref_slice %arg17[%dma_start3A_308, %dma_start3A_309] : memref<512x16xf32, #tpu.memory_space<vmem>> -> memref<400x16xf32, #tpu.memory_space<vmem>>
        %dma_start3A_311 = arith.constant 0 : i32
        %dma_start3A_312 = tpu.memref_slice %arg7[%multiple_of3A_307, %dma_start3A_311] : memref<100000x16xf32, #tpu.memory_space<vmem_shared>> -> memref<400x16xf32, #tpu.memory_space<vmem_shared>>
        %dma_start3A_313 = arith.constant 0 : i32
        %dma_start3A_314 = tpu.memref_slice %arg7[%multiple_of3A_307, %dma_start3A_313] : memref<100000x16xf32, #tpu.memory_space<vmem_shared>> -> memref<400x16xf32, #tpu.memory_space<vmem_shared>>
        %dma_start3A_315 = arith.constant 0 : i32
        %dma_start3A_316 = arith.constant 0 : i32
        %dma_start3A_317 = tpu.memref_slice %arg17[%dma_start3A_315, %dma_start3A_316] : memref<512x16xf32, #tpu.memory_space<vmem>> -> memref<400x16xf32, #tpu.memory_space<vmem>>
        tpu.enqueue_dma source(%dma_start3A_317 : memref<400x16xf32, #tpu.memory_space<vmem>>) target(%dma_start3A_314 : memref<400x16xf32, #tpu.memory_space<vmem_shared>>) target_semaphore(%run_scoped3A : memref<!tpu.dma_semaphore, #tpu.memory_space<semaphore_mem>>)
        %dma_wait3A_318 = arith.constant 0 : i32
        %dma_wait3A_319 = arith.constant 0 : i32
        %dma_wait3A_320 = tpu.memref_slice %arg17[%dma_wait3A_318, %dma_wait3A_319] : memref<512x16xf32, #tpu.memory_space<vmem>> -> memref<400x16xf32, #tpu.memory_space<vmem>>
        %dma_wait3A_321 = arith.constant 0 : i32
        %dma_wait3A_322 = tpu.memref_slice %arg7[%multiple_of3A_307, %dma_wait3A_321] : memref<100000x16xf32, #tpu.memory_space<vmem_shared>> -> memref<400x16xf32, #tpu.memory_space<vmem_shared>>
        %dma_wait3A_323 = arith.constant 0 : i32
        %dma_wait3A_324 = tpu.memref_slice %arg7[%multiple_of3A_307, %dma_wait3A_323] : memref<100000x16xf32, #tpu.memory_space<vmem_shared>> -> memref<400x16xf32, #tpu.memory_space<vmem_shared>>
        %dma_wait3A_325 = arith.constant 0 : i32
        %dma_wait3A_326 = arith.constant 0 : i32
        %dma_wait3A_327 = tpu.memref_slice %arg17[%dma_wait3A_325, %dma_wait3A_326] : memref<512x16xf32, #tpu.memory_space<vmem>> -> memref<400x16xf32, #tpu.memory_space<vmem>>
        tpu.wait_dma2 semaphore(%run_scoped3A : memref<!tpu.dma_semaphore, #tpu.memory_space<semaphore_mem>>) src(%dma_wait3A_327 : memref<400x16xf32, #tpu.memory_space<vmem>>) dst(%dma_wait3A_324 : memref<400x16xf32, #tpu.memory_space<vmem_shared>>)
        tpu.yield
      }) : () -> ()
      "tpu.region"() ({
        %run_scoped3A = tpu.sem_alloc : memref<!tpu.dma_semaphore, #tpu.memory_space<semaphore_mem>>
        %dma_start3A_308 = tpu.memref_slice %arg8[%multiple_of3A_307] : memref<100000xf32, #tpu.memory_space<vmem_shared>> -> memref<400xf32, #tpu.memory_space<vmem_shared>>
        %dma_start3A_309 = tpu.memref_slice %arg8[%multiple_of3A_307] : memref<100000xf32, #tpu.memory_space<vmem_shared>> -> memref<400xf32, #tpu.memory_space<vmem_shared>>
        tpu.enqueue_dma source(%arg20 : memref<400xf32, #tpu.memory_space<vmem>>) target(%dma_start3A_309 : memref<400xf32, #tpu.memory_space<vmem_shared>>) target_semaphore(%run_scoped3A : memref<!tpu.dma_semaphore, #tpu.memory_space<semaphore_mem>>)
        %dma_wait3A_310 = tpu.memref_slice %arg8[%multiple_of3A_307] : memref<100000xf32, #tpu.memory_space<vmem_shared>> -> memref<400xf32, #tpu.memory_space<vmem_shared>>
        %dma_wait3A_311 = tpu.memref_slice %arg8[%multiple_of3A_307] : memref<100000xf32, #tpu.memory_space<vmem_shared>> -> memref<400xf32, #tpu.memory_space<vmem_shared>>
        tpu.wait_dma2 semaphore(%run_scoped3A : memref<!tpu.dma_semaphore, #tpu.memory_space<semaphore_mem>>) src(%arg20 : memref<400xf32, #tpu.memory_space<vmem>>) dst(%dma_wait3A_311 : memref<400xf32, #tpu.memory_space<vmem_shared>>)
        tpu.yield
      }) : () -> ()
    } else {
    }
    %add3A_126 = arith.constant 208 : i32
    %add3A_127 = arith.addi %arg1, %add3A_126 : i32
    %lt3A_128 = arith.constant 250 : i32
    %lt3A_129 = arith.cmpi slt, %add3A_127, %lt3A_128 : i32
    %convert_element_type3A_130 = arith.extui %lt3A_129 : i1 to i32
    %cond3A_131 = arith.constant 0 : i32
    %cond3A_132 = arith.cmpi ne, %convert_element_type3A_130, %cond3A_131 : i32
    scf.if %cond3A_132 {
      %mul3A_305 = arith.constant 400 : i32
      %mul3A_306 = arith.muli %add3A_127, %mul3A_305 : i32
      %multiple_of3A_307 = tpu.assume_multiple %mul3A_306, 8 : i32
      "tpu.region"() ({
        %run_scoped3A = tpu.sem_alloc : memref<!tpu.dma_semaphore, #tpu.memory_space<semaphore_mem>>
        %dma_start3A_308 = arith.constant 0 : i32
        %dma_start3A_309 = arith.constant 0 : i32
        %dma_start3A_310 = tpu.memref_slice %arg17[%dma_start3A_308, %dma_start3A_309] : memref<512x16xf32, #tpu.memory_space<vmem>> -> memref<400x16xf32, #tpu.memory_space<vmem>>
        %dma_start3A_311 = arith.constant 0 : i32
        %dma_start3A_312 = tpu.memref_slice %arg7[%multiple_of3A_307, %dma_start3A_311] : memref<100000x16xf32, #tpu.memory_space<vmem_shared>> -> memref<400x16xf32, #tpu.memory_space<vmem_shared>>
        %dma_start3A_313 = arith.constant 0 : i32
        %dma_start3A_314 = tpu.memref_slice %arg7[%multiple_of3A_307, %dma_start3A_313] : memref<100000x16xf32, #tpu.memory_space<vmem_shared>> -> memref<400x16xf32, #tpu.memory_space<vmem_shared>>
        %dma_start3A_315 = arith.constant 0 : i32
        %dma_start3A_316 = arith.constant 0 : i32
        %dma_start3A_317 = tpu.memref_slice %arg17[%dma_start3A_315, %dma_start3A_316] : memref<512x16xf32, #tpu.memory_space<vmem>> -> memref<400x16xf32, #tpu.memory_space<vmem>>
        tpu.enqueue_dma source(%dma_start3A_317 : memref<400x16xf32, #tpu.memory_space<vmem>>) target(%dma_start3A_314 : memref<400x16xf32, #tpu.memory_space<vmem_shared>>) target_semaphore(%run_scoped3A : memref<!tpu.dma_semaphore, #tpu.memory_space<semaphore_mem>>)
        %dma_wait3A_318 = arith.constant 0 : i32
        %dma_wait3A_319 = arith.constant 0 : i32
        %dma_wait3A_320 = tpu.memref_slice %arg17[%dma_wait3A_318, %dma_wait3A_319] : memref<512x16xf32, #tpu.memory_space<vmem>> -> memref<400x16xf32, #tpu.memory_space<vmem>>
        %dma_wait3A_321 = arith.constant 0 : i32
        %dma_wait3A_322 = tpu.memref_slice %arg7[%multiple_of3A_307, %dma_wait3A_321] : memref<100000x16xf32, #tpu.memory_space<vmem_shared>> -> memref<400x16xf32, #tpu.memory_space<vmem_shared>>
        %dma_wait3A_323 = arith.constant 0 : i32
        %dma_wait3A_324 = tpu.memref_slice %arg7[%multiple_of3A_307, %dma_wait3A_323] : memref<100000x16xf32, #tpu.memory_space<vmem_shared>> -> memref<400x16xf32, #tpu.memory_space<vmem_shared>>
        %dma_wait3A_325 = arith.constant 0 : i32
        %dma_wait3A_326 = arith.constant 0 : i32
        %dma_wait3A_327 = tpu.memref_slice %arg17[%dma_wait3A_325, %dma_wait3A_326] : memref<512x16xf32, #tpu.memory_space<vmem>> -> memref<400x16xf32, #tpu.memory_space<vmem>>
        tpu.wait_dma2 semaphore(%run_scoped3A : memref<!tpu.dma_semaphore, #tpu.memory_space<semaphore_mem>>) src(%dma_wait3A_327 : memref<400x16xf32, #tpu.memory_space<vmem>>) dst(%dma_wait3A_324 : memref<400x16xf32, #tpu.memory_space<vmem_shared>>)
        tpu.yield
      }) : () -> ()
      "tpu.region"() ({
        %run_scoped3A = tpu.sem_alloc : memref<!tpu.dma_semaphore, #tpu.memory_space<semaphore_mem>>
        %dma_start3A_308 = tpu.memref_slice %arg8[%multiple_of3A_307] : memref<100000xf32, #tpu.memory_space<vmem_shared>> -> memref<400xf32, #tpu.memory_space<vmem_shared>>
        %dma_start3A_309 = tpu.memref_slice %arg8[%multiple_of3A_307] : memref<100000xf32, #tpu.memory_space<vmem_shared>> -> memref<400xf32, #tpu.memory_space<vmem_shared>>
        tpu.enqueue_dma source(%arg20 : memref<400xf32, #tpu.memory_space<vmem>>) target(%dma_start3A_309 : memref<400xf32, #tpu.memory_space<vmem_shared>>) target_semaphore(%run_scoped3A : memref<!tpu.dma_semaphore, #tpu.memory_space<semaphore_mem>>)
        %dma_wait3A_310 = tpu.memref_slice %arg8[%multiple_of3A_307] : memref<100000xf32, #tpu.memory_space<vmem_shared>> -> memref<400xf32, #tpu.memory_space<vmem_shared>>
        %dma_wait3A_311 = tpu.memref_slice %arg8[%multiple_of3A_307] : memref<100000xf32, #tpu.memory_space<vmem_shared>> -> memref<400xf32, #tpu.memory_space<vmem_shared>>
        tpu.wait_dma2 semaphore(%run_scoped3A : memref<!tpu.dma_semaphore, #tpu.memory_space<semaphore_mem>>) src(%arg20 : memref<400xf32, #tpu.memory_space<vmem>>) dst(%dma_wait3A_311 : memref<400xf32, #tpu.memory_space<vmem_shared>>)
        tpu.yield
      }) : () -> ()
    } else {
    }
    %add3A_133 = arith.constant 224 : i32
    %add3A_134 = arith.addi %arg1, %add3A_133 : i32
    %lt3A_135 = arith.constant 250 : i32
    %lt3A_136 = arith.cmpi slt, %add3A_134, %lt3A_135 : i32
    %convert_element_type3A_137 = arith.extui %lt3A_136 : i1 to i32
    %cond3A_138 = arith.constant 0 : i32
    %cond3A_139 = arith.cmpi ne, %convert_element_type3A_137, %cond3A_138 : i32
    scf.if %cond3A_139 {
      %mul3A_305 = arith.constant 400 : i32
      %mul3A_306 = arith.muli %add3A_134, %mul3A_305 : i32
      %multiple_of3A_307 = tpu.assume_multiple %mul3A_306, 8 : i32
      "tpu.region"() ({
        %run_scoped3A = tpu.sem_alloc : memref<!tpu.dma_semaphore, #tpu.memory_space<semaphore_mem>>
        %dma_start3A_308 = arith.constant 0 : i32
        %dma_start3A_309 = arith.constant 0 : i32
        %dma_start3A_310 = tpu.memref_slice %arg17[%dma_start3A_308, %dma_start3A_309] : memref<512x16xf32, #tpu.memory_space<vmem>> -> memref<400x16xf32, #tpu.memory_space<vmem>>
        %dma_start3A_311 = arith.constant 0 : i32
        %dma_start3A_312 = tpu.memref_slice %arg7[%multiple_of3A_307, %dma_start3A_311] : memref<100000x16xf32, #tpu.memory_space<vmem_shared>> -> memref<400x16xf32, #tpu.memory_space<vmem_shared>>
        %dma_start3A_313 = arith.constant 0 : i32
        %dma_start3A_314 = tpu.memref_slice %arg7[%multiple_of3A_307, %dma_start3A_313] : memref<100000x16xf32, #tpu.memory_space<vmem_shared>> -> memref<400x16xf32, #tpu.memory_space<vmem_shared>>
        %dma_start3A_315 = arith.constant 0 : i32
        %dma_start3A_316 = arith.constant 0 : i32
        %dma_start3A_317 = tpu.memref_slice %arg17[%dma_start3A_315, %dma_start3A_316] : memref<512x16xf32, #tpu.memory_space<vmem>> -> memref<400x16xf32, #tpu.memory_space<vmem>>
        tpu.enqueue_dma source(%dma_start3A_317 : memref<400x16xf32, #tpu.memory_space<vmem>>) target(%dma_start3A_314 : memref<400x16xf32, #tpu.memory_space<vmem_shared>>) target_semaphore(%run_scoped3A : memref<!tpu.dma_semaphore, #tpu.memory_space<semaphore_mem>>)
        %dma_wait3A_318 = arith.constant 0 : i32
        %dma_wait3A_319 = arith.constant 0 : i32
        %dma_wait3A_320 = tpu.memref_slice %arg17[%dma_wait3A_318, %dma_wait3A_319] : memref<512x16xf32, #tpu.memory_space<vmem>> -> memref<400x16xf32, #tpu.memory_space<vmem>>
        %dma_wait3A_321 = arith.constant 0 : i32
        %dma_wait3A_322 = tpu.memref_slice %arg7[%multiple_of3A_307, %dma_wait3A_321] : memref<100000x16xf32, #tpu.memory_space<vmem_shared>> -> memref<400x16xf32, #tpu.memory_space<vmem_shared>>
        %dma_wait3A_323 = arith.constant 0 : i32
        %dma_wait3A_324 = tpu.memref_slice %arg7[%multiple_of3A_307, %dma_wait3A_323] : memref<100000x16xf32, #tpu.memory_space<vmem_shared>> -> memref<400x16xf32, #tpu.memory_space<vmem_shared>>
        %dma_wait3A_325 = arith.constant 0 : i32
        %dma_wait3A_326 = arith.constant 0 : i32
        %dma_wait3A_327 = tpu.memref_slice %arg17[%dma_wait3A_325, %dma_wait3A_326] : memref<512x16xf32, #tpu.memory_space<vmem>> -> memref<400x16xf32, #tpu.memory_space<vmem>>
        tpu.wait_dma2 semaphore(%run_scoped3A : memref<!tpu.dma_semaphore, #tpu.memory_space<semaphore_mem>>) src(%dma_wait3A_327 : memref<400x16xf32, #tpu.memory_space<vmem>>) dst(%dma_wait3A_324 : memref<400x16xf32, #tpu.memory_space<vmem_shared>>)
        tpu.yield
      }) : () -> ()
      "tpu.region"() ({
        %run_scoped3A = tpu.sem_alloc : memref<!tpu.dma_semaphore, #tpu.memory_space<semaphore_mem>>
        %dma_start3A_308 = tpu.memref_slice %arg8[%multiple_of3A_307] : memref<100000xf32, #tpu.memory_space<vmem_shared>> -> memref<400xf32, #tpu.memory_space<vmem_shared>>
        %dma_start3A_309 = tpu.memref_slice %arg8[%multiple_of3A_307] : memref<100000xf32, #tpu.memory_space<vmem_shared>> -> memref<400xf32, #tpu.memory_space<vmem_shared>>
        tpu.enqueue_dma source(%arg20 : memref<400xf32, #tpu.memory_space<vmem>>) target(%dma_start3A_309 : memref<400xf32, #tpu.memory_space<vmem_shared>>) target_semaphore(%run_scoped3A : memref<!tpu.dma_semaphore, #tpu.memory_space<semaphore_mem>>)
        %dma_wait3A_310 = tpu.memref_slice %arg8[%multiple_of3A_307] : memref<100000xf32, #tpu.memory_space<vmem_shared>> -> memref<400xf32, #tpu.memory_space<vmem_shared>>
        %dma_wait3A_311 = tpu.memref_slice %arg8[%multiple_of3A_307] : memref<100000xf32, #tpu.memory_space<vmem_shared>> -> memref<400xf32, #tpu.memory_space<vmem_shared>>
        tpu.wait_dma2 semaphore(%run_scoped3A : memref<!tpu.dma_semaphore, #tpu.memory_space<semaphore_mem>>) src(%arg20 : memref<400xf32, #tpu.memory_space<vmem>>) dst(%dma_wait3A_311 : memref<400xf32, #tpu.memory_space<vmem_shared>>)
        tpu.yield
      }) : () -> ()
    } else {
    }
    %add3A_140 = arith.constant 240 : i32
    %add3A_141 = arith.addi %arg1, %add3A_140 : i32
    %lt3A_142 = arith.constant 250 : i32
    %lt3A_143 = arith.cmpi slt, %add3A_141, %lt3A_142 : i32
    %convert_element_type3A_144 = arith.extui %lt3A_143 : i1 to i32
    %cond3A_145 = arith.constant 0 : i32
    %cond3A_146 = arith.cmpi ne, %convert_element_type3A_144, %cond3A_145 : i32
    scf.if %cond3A_146 {
      %mul3A_305 = arith.constant 400 : i32
      %mul3A_306 = arith.muli %add3A_141, %mul3A_305 : i32
      %multiple_of3A_307 = tpu.assume_multiple %mul3A_306, 8 : i32
      "tpu.region"() ({
        %run_scoped3A = tpu.sem_alloc : memref<!tpu.dma_semaphore, #tpu.memory_space<semaphore_mem>>
        %dma_start3A_308 = arith.constant 0 : i32
        %dma_start3A_309 = arith.constant 0 : i32
        %dma_start3A_310 = tpu.memref_slice %arg17[%dma_start3A_308, %dma_start3A_309] : memref<512x16xf32, #tpu.memory_space<vmem>> -> memref<400x16xf32, #tpu.memory_space<vmem>>
        %dma_start3A_311 = arith.constant 0 : i32
        %dma_start3A_312 = tpu.memref_slice %arg7[%multiple_of3A_307, %dma_start3A_311] : memref<100000x16xf32, #tpu.memory_space<vmem_shared>> -> memref<400x16xf32, #tpu.memory_space<vmem_shared>>
        %dma_start3A_313 = arith.constant 0 : i32
        %dma_start3A_314 = tpu.memref_slice %arg7[%multiple_of3A_307, %dma_start3A_313] : memref<100000x16xf32, #tpu.memory_space<vmem_shared>> -> memref<400x16xf32, #tpu.memory_space<vmem_shared>>
        %dma_start3A_315 = arith.constant 0 : i32
        %dma_start3A_316 = arith.constant 0 : i32
        %dma_start3A_317 = tpu.memref_slice %arg17[%dma_start3A_315, %dma_start3A_316] : memref<512x16xf32, #tpu.memory_space<vmem>> -> memref<400x16xf32, #tpu.memory_space<vmem>>
        tpu.enqueue_dma source(%dma_start3A_317 : memref<400x16xf32, #tpu.memory_space<vmem>>) target(%dma_start3A_314 : memref<400x16xf32, #tpu.memory_space<vmem_shared>>) target_semaphore(%run_scoped3A : memref<!tpu.dma_semaphore, #tpu.memory_space<semaphore_mem>>)
        %dma_wait3A_318 = arith.constant 0 : i32
        %dma_wait3A_319 = arith.constant 0 : i32
        %dma_wait3A_320 = tpu.memref_slice %arg17[%dma_wait3A_318, %dma_wait3A_319] : memref<512x16xf32, #tpu.memory_space<vmem>> -> memref<400x16xf32, #tpu.memory_space<vmem>>
        %dma_wait3A_321 = arith.constant 0 : i32
        %dma_wait3A_322 = tpu.memref_slice %arg7[%multiple_of3A_307, %dma_wait3A_321] : memref<100000x16xf32, #tpu.memory_space<vmem_shared>> -> memref<400x16xf32, #tpu.memory_space<vmem_shared>>
        %dma_wait3A_323 = arith.constant 0 : i32
        %dma_wait3A_324 = tpu.memref_slice %arg7[%multiple_of3A_307, %dma_wait3A_323] : memref<100000x16xf32, #tpu.memory_space<vmem_shared>> -> memref<400x16xf32, #tpu.memory_space<vmem_shared>>
        %dma_wait3A_325 = arith.constant 0 : i32
        %dma_wait3A_326 = arith.constant 0 : i32
        %dma_wait3A_327 = tpu.memref_slice %arg17[%dma_wait3A_325, %dma_wait3A_326] : memref<512x16xf32, #tpu.memory_space<vmem>> -> memref<400x16xf32, #tpu.memory_space<vmem>>
        tpu.wait_dma2 semaphore(%run_scoped3A : memref<!tpu.dma_semaphore, #tpu.memory_space<semaphore_mem>>) src(%dma_wait3A_327 : memref<400x16xf32, #tpu.memory_space<vmem>>) dst(%dma_wait3A_324 : memref<400x16xf32, #tpu.memory_space<vmem_shared>>)
        tpu.yield
      }) : () -> ()
      "tpu.region"() ({
        %run_scoped3A = tpu.sem_alloc : memref<!tpu.dma_semaphore, #tpu.memory_space<semaphore_mem>>
        %dma_start3A_308 = tpu.memref_slice %arg8[%multiple_of3A_307] : memref<100000xf32, #tpu.memory_space<vmem_shared>> -> memref<400xf32, #tpu.memory_space<vmem_shared>>
        %dma_start3A_309 = tpu.memref_slice %arg8[%multiple_of3A_307] : memref<100000xf32, #tpu.memory_space<vmem_shared>> -> memref<400xf32, #tpu.memory_space<vmem_shared>>
        tpu.enqueue_dma source(%arg20 : memref<400xf32, #tpu.memory_space<vmem>>) target(%dma_start3A_309 : memref<400xf32, #tpu.memory_space<vmem_shared>>) target_semaphore(%run_scoped3A : memref<!tpu.dma_semaphore, #tpu.memory_space<semaphore_mem>>)
        %dma_wait3A_310 = tpu.memref_slice %arg8[%multiple_of3A_307] : memref<100000xf32, #tpu.memory_space<vmem_shared>> -> memref<400xf32, #tpu.memory_space<vmem_shared>>
        %dma_wait3A_311 = tpu.memref_slice %arg8[%multiple_of3A_307] : memref<100000xf32, #tpu.memory_space<vmem_shared>> -> memref<400xf32, #tpu.memory_space<vmem_shared>>
        tpu.wait_dma2 semaphore(%run_scoped3A : memref<!tpu.dma_semaphore, #tpu.memory_space<semaphore_mem>>) src(%arg20 : memref<400xf32, #tpu.memory_space<vmem>>) dst(%dma_wait3A_311 : memref<400xf32, #tpu.memory_space<vmem_shared>>)
        tpu.yield
      }) : () -> ()
    } else {
    }
    %barrier3A = arith.constant 0 : index
    tpu.barrier barrier_id(%barrier3A)
    %add3A_147 = arith.constant 0 : i32
    %add3A_148 = arith.addi %add3A, %add3A_147 : i32
    %mul3A_149 = arith.constant 512 : i32
    %mul3A_150 = arith.muli %add3A_148, %mul3A_149 : i32
    %multiple_of3A = tpu.assume_multiple %mul3A_150, 8 : i32
    %dma_start3A = tpu.memref_slice %arg2[%multiple_of3A] : memref<3200000xi32, #tpu.memory_space<hbm>> -> memref<512xi32, #tpu.memory_space<hbm>>
    %dma_start3A_151 = tpu.memref_slice %arg2[%multiple_of3A] : memref<3200000xi32, #tpu.memory_space<hbm>> -> memref<512xi32, #tpu.memory_space<hbm>>
    tpu.enqueue_dma source(%dma_start3A_151 : memref<512xi32, #tpu.memory_space<hbm>>) target(%arg9 : memref<512xi32, #tpu.memory_space<vmem>>) target_semaphore(%arg21 : memref<!tpu.dma_semaphore, #tpu.memory_space<semaphore_mem>>)
    %dma_start3A_152 = tpu.memref_slice %arg3[%multiple_of3A] : memref<3200000xi32, #tpu.memory_space<hbm>> -> memref<512xi32, #tpu.memory_space<hbm>>
    %dma_start3A_153 = tpu.memref_slice %arg3[%multiple_of3A] : memref<3200000xi32, #tpu.memory_space<hbm>> -> memref<512xi32, #tpu.memory_space<hbm>>
    tpu.enqueue_dma source(%dma_start3A_153 : memref<512xi32, #tpu.memory_space<hbm>>) target(%arg13 : memref<512xi32, #tpu.memory_space<vmem>>) target_semaphore(%arg21 : memref<!tpu.dma_semaphore, #tpu.memory_space<semaphore_mem>>)
    %add3A_154 = arith.constant 32 : i32
    %add3A_155 = arith.addi %add3A, %add3A_154 : i32
    %mul3A_156 = arith.constant 512 : i32
    %mul3A_157 = arith.muli %add3A_155, %mul3A_156 : i32
    %multiple_of3A_158 = tpu.assume_multiple %mul3A_157, 8 : i32
    %dma_start3A_159 = tpu.memref_slice %arg2[%multiple_of3A_158] : memref<3200000xi32, #tpu.memory_space<hbm>> -> memref<512xi32, #tpu.memory_space<hbm>>
    %dma_start3A_160 = tpu.memref_slice %arg2[%multiple_of3A_158] : memref<3200000xi32, #tpu.memory_space<hbm>> -> memref<512xi32, #tpu.memory_space<hbm>>
    tpu.enqueue_dma source(%dma_start3A_160 : memref<512xi32, #tpu.memory_space<hbm>>) target(%arg10 : memref<512xi32, #tpu.memory_space<vmem>>) target_semaphore(%arg22 : memref<!tpu.dma_semaphore, #tpu.memory_space<semaphore_mem>>)
    %dma_start3A_161 = tpu.memref_slice %arg3[%multiple_of3A_158] : memref<3200000xi32, #tpu.memory_space<hbm>> -> memref<512xi32, #tpu.memory_space<hbm>>
    %dma_start3A_162 = tpu.memref_slice %arg3[%multiple_of3A_158] : memref<3200000xi32, #tpu.memory_space<hbm>> -> memref<512xi32, #tpu.memory_space<hbm>>
    tpu.enqueue_dma source(%dma_start3A_162 : memref<512xi32, #tpu.memory_space<hbm>>) target(%arg14 : memref<512xi32, #tpu.memory_space<vmem>>) target_semaphore(%arg22 : memref<!tpu.dma_semaphore, #tpu.memory_space<semaphore_mem>>)
    %add3A_163 = arith.constant 64 : i32
    %add3A_164 = arith.addi %add3A, %add3A_163 : i32
    %mul3A_165 = arith.constant 512 : i32
    %mul3A_166 = arith.muli %add3A_164, %mul3A_165 : i32
    %multiple_of3A_167 = tpu.assume_multiple %mul3A_166, 8 : i32
    %dma_start3A_168 = tpu.memref_slice %arg2[%multiple_of3A_167] : memref<3200000xi32, #tpu.memory_space<hbm>> -> memref<512xi32, #tpu.memory_space<hbm>>
    %dma_start3A_169 = tpu.memref_slice %arg2[%multiple_of3A_167] : memref<3200000xi32, #tpu.memory_space<hbm>> -> memref<512xi32, #tpu.memory_space<hbm>>
    tpu.enqueue_dma source(%dma_start3A_169 : memref<512xi32, #tpu.memory_space<hbm>>) target(%arg11 : memref<512xi32, #tpu.memory_space<vmem>>) target_semaphore(%arg23 : memref<!tpu.dma_semaphore, #tpu.memory_space<semaphore_mem>>)
    %dma_start3A_170 = tpu.memref_slice %arg3[%multiple_of3A_167] : memref<3200000xi32, #tpu.memory_space<hbm>> -> memref<512xi32, #tpu.memory_space<hbm>>
    %dma_start3A_171 = tpu.memref_slice %arg3[%multiple_of3A_167] : memref<3200000xi32, #tpu.memory_space<hbm>> -> memref<512xi32, #tpu.memory_space<hbm>>
    tpu.enqueue_dma source(%dma_start3A_171 : memref<512xi32, #tpu.memory_space<hbm>>) target(%arg15 : memref<512xi32, #tpu.memory_space<vmem>>) target_semaphore(%arg23 : memref<!tpu.dma_semaphore, #tpu.memory_space<semaphore_mem>>)
    %dma_wait3A = arith.constant 0 : i32
    %dma_wait3A_172 = tpu.memref_slice %arg2[%dma_wait3A] : memref<3200000xi32, #tpu.memory_space<hbm>> -> memref<512xi32, #tpu.memory_space<hbm>>
    %dma_wait3A_173 = arith.constant 0 : i32
    %dma_wait3A_174 = tpu.memref_slice %arg2[%dma_wait3A_173] : memref<3200000xi32, #tpu.memory_space<hbm>> -> memref<512xi32, #tpu.memory_space<hbm>>
    tpu.wait_dma2 semaphore(%arg21 : memref<!tpu.dma_semaphore, #tpu.memory_space<semaphore_mem>>) src(%dma_wait3A_174 : memref<512xi32, #tpu.memory_space<hbm>>) dst(%arg9 : memref<512xi32, #tpu.memory_space<vmem>>)
    %dma_wait3A_175 = arith.constant 0 : i32
    %dma_wait3A_176 = tpu.memref_slice %arg3[%dma_wait3A_175] : memref<3200000xi32, #tpu.memory_space<hbm>> -> memref<512xi32, #tpu.memory_space<hbm>>
    %dma_wait3A_177 = arith.constant 0 : i32
    %dma_wait3A_178 = tpu.memref_slice %arg3[%dma_wait3A_177] : memref<3200000xi32, #tpu.memory_space<hbm>> -> memref<512xi32, #tpu.memory_space<hbm>>
    tpu.wait_dma2 semaphore(%arg21 : memref<!tpu.dma_semaphore, #tpu.memory_space<semaphore_mem>>) src(%dma_wait3A_178 : memref<512xi32, #tpu.memory_space<hbm>>) dst(%arg13 : memref<512xi32, #tpu.memory_space<vmem>>)
    %dma_start3A_179 = arith.constant 0 : i32
    %dma_start3A_180 = arith.constant 0 : i32
    %dma_start3A_181 = tpu.memref_slice %arg4[%dma_start3A_179, %dma_start3A_180] : memref<100000x16xf32, #tpu.memory_space<hbm>> -> memref<100000x16xf32, #tpu.memory_space<hbm>>
    tpu.enqueue_indirect_dma source(%dma_start3A_181 : memref<100000x16xf32, #tpu.memory_space<hbm>>) target(%arg17 : memref<512x16xf32, #tpu.memory_space<vmem>>) offsets(%arg9 : memref<512xi32, #tpu.memory_space<vmem>>) semaphore(%arg25 : memref<!tpu.dma_semaphore, #tpu.memory_space<semaphore_mem>>)
    %scan3A_182 = arith.constant 0 : i32
    %scan3A_183 = arith.constant 0 : i32
    %scan3A_184 = arith.constant 49 : i32
    %scan3A_185 = arith.addi %scan3A_183, %scan3A_184 : i32
    %scan3A_186 = arith.constant 1 : i32
    scf.for %scan3A_305 = %scan3A_183 to %scan3A_185 step %scan3A_186  : i32 {
      %mul3A_306 = arith.constant 4 : i32
      %mul3A_307 = arith.muli %mul3A_306, %scan3A_305 : i32
      %add3A_308 = arith.constant 0 : i32
      %add3A_309 = arith.addi %mul3A_307, %add3A_308 : i32
      %ge3A = arith.constant 1 : i32
      %ge3A_310 = arith.cmpi sge, %add3A_309, %ge3A : i32
      %sub3A_311 = arith.constant 1 : i32
      %sub3A_312 = arith.subi %add3A_309, %sub3A_311 : i32
      %lt3A_313 = arith.cmpi slt, %sub3A_312, %add3A_20 : i32
      %and3A_314 = arith.andi %ge3A_310, %lt3A_313 : i1
      %convert_element_type3A_315 = arith.extui %and3A_314 : i1 to i32
      %cond3A_316 = arith.constant 0 : i32
      %cond3A_317 = arith.cmpi ne, %convert_element_type3A_315, %cond3A_316 : i32
      scf.if %cond3A_317 {
        %dma_wait3A_421 = arith.constant 0 : i32
        %dma_wait3A_422 = arith.constant 0 : i32
        %dma_wait3A_423 = tpu.memref_slice %arg7[%dma_wait3A_421, %dma_wait3A_422] : memref<100000x16xf32, #tpu.memory_space<vmem_shared>> -> memref<100000x16xf32, #tpu.memory_space<vmem_shared>>
        tpu.wait_indirect_dma semaphore(%arg28 : memref<!tpu.dma_semaphore, #tpu.memory_space<semaphore_mem>>) src(%arg18 : memref<512x16xf32, #tpu.memory_space<vmem>>) dst(%dma_wait3A_423 : memref<100000x16xf32, #tpu.memory_space<vmem_shared>>)
        %dma_wait3A_424 = arith.constant 0 : i32
        %dma_wait3A_425 = tpu.memref_slice %arg8[%dma_wait3A_424] : memref<100000xf32, #tpu.memory_space<vmem_shared>> -> memref<100000xf32, #tpu.memory_space<vmem_shared>>
        tpu.wait_indirect_dma semaphore(%arg28 : memref<!tpu.dma_semaphore, #tpu.memory_space<semaphore_mem>>) src(%arg19 : memref<512xf32, #tpu.memory_space<vmem>>) dst(%dma_wait3A_425 : memref<100000xf32, #tpu.memory_space<vmem_shared>>)
      } else {
      }
      %add3A_318 = arith.constant 3 : i32
      %add3A_319 = arith.addi %add3A_309, %add3A_318 : i32
      %lt3A_320 = arith.cmpi slt, %add3A_319, %add3A_20 : i32
      %convert_element_type3A_321 = arith.extui %lt3A_320 : i1 to i32
      %cond3A_322 = arith.constant 0 : i32
      %cond3A_323 = arith.cmpi ne, %convert_element_type3A_321, %cond3A_322 : i32
      scf.if %cond3A_323 {
        %add3A_421 = arith.constant 3 : i32
        %add3A_422 = arith.addi %add3A_309, %add3A_421 : i32
        %mul3A_423 = arith.constant 32 : i32
        %mul3A_424 = arith.muli %mul3A_423, %add3A_422 : i32
        %add3A_425 = arith.addi %add3A, %mul3A_424 : i32
        %mul3A_426 = arith.constant 512 : i32
        %mul3A_427 = arith.muli %add3A_425, %mul3A_426 : i32
        %multiple_of3A_428 = tpu.assume_multiple %mul3A_427, 8 : i32
        %dma_start3A_429 = tpu.memref_slice %arg2[%multiple_of3A_428] : memref<3200000xi32, #tpu.memory_space<hbm>> -> memref<512xi32, #tpu.memory_space<hbm>>
        %dma_start3A_430 = tpu.memref_slice %arg2[%multiple_of3A_428] : memref<3200000xi32, #tpu.memory_space<hbm>> -> memref<512xi32, #tpu.memory_space<hbm>>
        tpu.enqueue_dma source(%dma_start3A_430 : memref<512xi32, #tpu.memory_space<hbm>>) target(%arg12 : memref<512xi32, #tpu.memory_space<vmem>>) target_semaphore(%arg24 : memref<!tpu.dma_semaphore, #tpu.memory_space<semaphore_mem>>)
        %dma_start3A_431 = tpu.memref_slice %arg3[%multiple_of3A_428] : memref<3200000xi32, #tpu.memory_space<hbm>> -> memref<512xi32, #tpu.memory_space<hbm>>
        %dma_start3A_432 = tpu.memref_slice %arg3[%multiple_of3A_428] : memref<3200000xi32, #tpu.memory_space<hbm>> -> memref<512xi32, #tpu.memory_space<hbm>>
        tpu.enqueue_dma source(%dma_start3A_432 : memref<512xi32, #tpu.memory_space<hbm>>) target(%arg16 : memref<512xi32, #tpu.memory_space<vmem>>) target_semaphore(%arg24 : memref<!tpu.dma_semaphore, #tpu.memory_space<semaphore_mem>>)
      } else {
      }
      %add3A_324 = arith.constant 1 : i32
      %add3A_325 = arith.addi %add3A_309, %add3A_324 : i32
      %lt3A_326 = arith.cmpi slt, %add3A_325, %add3A_20 : i32
      %convert_element_type3A_327 = arith.extui %lt3A_326 : i1 to i32
      %cond3A_328 = arith.constant 0 : i32
      %cond3A_329 = arith.cmpi ne, %convert_element_type3A_327, %cond3A_328 : i32
      scf.if %cond3A_329 {
        %dma_wait3A_421 = arith.constant 0 : i32
        %dma_wait3A_422 = tpu.memref_slice %arg2[%dma_wait3A_421] : memref<3200000xi32, #tpu.memory_space<hbm>> -> memref<512xi32, #tpu.memory_space<hbm>>
        %dma_wait3A_423 = arith.constant 0 : i32
        %dma_wait3A_424 = tpu.memref_slice %arg2[%dma_wait3A_423] : memref<3200000xi32, #tpu.memory_space<hbm>> -> memref<512xi32, #tpu.memory_space<hbm>>
        tpu.wait_dma2 semaphore(%arg22 : memref<!tpu.dma_semaphore, #tpu.memory_space<semaphore_mem>>) src(%dma_wait3A_424 : memref<512xi32, #tpu.memory_space<hbm>>) dst(%arg10 : memref<512xi32, #tpu.memory_space<vmem>>)
        %dma_wait3A_425 = arith.constant 0 : i32
        %dma_wait3A_426 = tpu.memref_slice %arg3[%dma_wait3A_425] : memref<3200000xi32, #tpu.memory_space<hbm>> -> memref<512xi32, #tpu.memory_space<hbm>>
        %dma_wait3A_427 = arith.constant 0 : i32
        %dma_wait3A_428 = tpu.memref_slice %arg3[%dma_wait3A_427] : memref<3200000xi32, #tpu.memory_space<hbm>> -> memref<512xi32, #tpu.memory_space<hbm>>
        tpu.wait_dma2 semaphore(%arg22 : memref<!tpu.dma_semaphore, #tpu.memory_space<semaphore_mem>>) src(%dma_wait3A_428 : memref<512xi32, #tpu.memory_space<hbm>>) dst(%arg14 : memref<512xi32, #tpu.memory_space<vmem>>)
        %dma_start3A_429 = arith.constant 0 : i32
        %dma_start3A_430 = arith.constant 0 : i32
        %dma_start3A_431 = tpu.memref_slice %arg4[%dma_start3A_429, %dma_start3A_430] : memref<100000x16xf32, #tpu.memory_space<hbm>> -> memref<100000x16xf32, #tpu.memory_space<hbm>>
        tpu.enqueue_indirect_dma source(%dma_start3A_431 : memref<100000x16xf32, #tpu.memory_space<hbm>>) target(%arg18 : memref<512x16xf32, #tpu.memory_space<vmem>>) offsets(%arg10 : memref<512xi32, #tpu.memory_space<vmem>>) semaphore(%arg26 : memref<!tpu.dma_semaphore, #tpu.memory_space<semaphore_mem>>)
      } else {
      }
      %lt3A_330 = arith.cmpi slt, %add3A_309, %add3A_20 : i32
      %convert_element_type3A_331 = arith.extui %lt3A_330 : i1 to i32
      %cond3A_332 = arith.constant 0 : i32
      %cond3A_333 = arith.cmpi ne, %convert_element_type3A_331, %cond3A_332 : i32
      scf.if %cond3A_333 {
        %dma_wait3A_421 = arith.constant 0 : i32
        %dma_wait3A_422 = arith.constant 0 : i32
        %dma_wait3A_423 = tpu.memref_slice %arg4[%dma_wait3A_421, %dma_wait3A_422] : memref<100000x16xf32, #tpu.memory_space<hbm>> -> memref<100000x16xf32, #tpu.memory_space<hbm>>
        tpu.wait_indirect_dma semaphore(%arg25 : memref<!tpu.dma_semaphore, #tpu.memory_space<semaphore_mem>>) src(%dma_wait3A_423 : memref<100000x16xf32, #tpu.memory_space<hbm>>) dst(%arg17 : memref<512x16xf32, #tpu.memory_space<vmem>>)
        %dma_start3A_424 = arith.constant 0 : i32
        %dma_start3A_425 = arith.constant 0 : i32
        %dma_start3A_426 = tpu.memref_slice %arg7[%dma_start3A_424, %dma_start3A_425] : memref<100000x16xf32, #tpu.memory_space<vmem_shared>> -> memref<100000x16xf32, #tpu.memory_space<vmem_shared>>
        tpu.enqueue_indirect_dma source(%arg17 : memref<512x16xf32, #tpu.memory_space<vmem>>) target(%dma_start3A_426 : memref<100000x16xf32, #tpu.memory_space<vmem_shared>>) offsets(%arg13 : memref<512xi32, #tpu.memory_space<vmem>>) semaphore(%arg27 : memref<!tpu.dma_semaphore, #tpu.memory_space<semaphore_mem>>) {add = true}
        %dma_start3A_427 = arith.constant 0 : i32
        %dma_start3A_428 = tpu.memref_slice %arg8[%dma_start3A_427] : memref<100000xf32, #tpu.memory_space<vmem_shared>> -> memref<100000xf32, #tpu.memory_space<vmem_shared>>
        tpu.enqueue_indirect_dma source(%arg19 : memref<512xf32, #tpu.memory_space<vmem>>) target(%dma_start3A_428 : memref<100000xf32, #tpu.memory_space<vmem_shared>>) offsets(%arg13 : memref<512xi32, #tpu.memory_space<vmem>>) semaphore(%arg27 : memref<!tpu.dma_semaphore, #tpu.memory_space<semaphore_mem>>) {add = true}
      } else {
      }
      %mul3A_334 = arith.constant 4 : i32
      %mul3A_335 = arith.muli %mul3A_334, %scan3A_305 : i32
      %add3A_336 = arith.constant 1 : i32
      %add3A_337 = arith.addi %mul3A_335, %add3A_336 : i32
      %ge3A_338 = arith.constant 1 : i32
      %ge3A_339 = arith.cmpi sge, %add3A_337, %ge3A_338 : i32
      %sub3A_340 = arith.constant 1 : i32
      %sub3A_341 = arith.subi %add3A_337, %sub3A_340 : i32
      %lt3A_342 = arith.cmpi slt, %sub3A_341, %add3A_20 : i32
      %and3A_343 = arith.andi %ge3A_339, %lt3A_342 : i1
      %convert_element_type3A_344 = arith.extui %and3A_343 : i1 to i32
      %cond3A_345 = arith.constant 0 : i32
      %cond3A_346 = arith.cmpi ne, %convert_element_type3A_344, %cond3A_345 : i32
      scf.if %cond3A_346 {
        %dma_wait3A_421 = arith.constant 0 : i32
        %dma_wait3A_422 = arith.constant 0 : i32
        %dma_wait3A_423 = tpu.memref_slice %arg7[%dma_wait3A_421, %dma_wait3A_422] : memref<100000x16xf32, #tpu.memory_space<vmem_shared>> -> memref<100000x16xf32, #tpu.memory_space<vmem_shared>>
        tpu.wait_indirect_dma semaphore(%arg27 : memref<!tpu.dma_semaphore, #tpu.memory_space<semaphore_mem>>) src(%arg17 : memref<512x16xf32, #tpu.memory_space<vmem>>) dst(%dma_wait3A_423 : memref<100000x16xf32, #tpu.memory_space<vmem_shared>>)
        %dma_wait3A_424 = arith.constant 0 : i32
        %dma_wait3A_425 = tpu.memref_slice %arg8[%dma_wait3A_424] : memref<100000xf32, #tpu.memory_space<vmem_shared>> -> memref<100000xf32, #tpu.memory_space<vmem_shared>>
        tpu.wait_indirect_dma semaphore(%arg27 : memref<!tpu.dma_semaphore, #tpu.memory_space<semaphore_mem>>) src(%arg19 : memref<512xf32, #tpu.memory_space<vmem>>) dst(%dma_wait3A_425 : memref<100000xf32, #tpu.memory_space<vmem_shared>>)
      } else {
      }
      %add3A_347 = arith.constant 3 : i32
      %add3A_348 = arith.addi %add3A_337, %add3A_347 : i32
      %lt3A_349 = arith.cmpi slt, %add3A_348, %add3A_20 : i32
      %convert_element_type3A_350 = arith.extui %lt3A_349 : i1 to i32
      %cond3A_351 = arith.constant 0 : i32
      %cond3A_352 = arith.cmpi ne, %convert_element_type3A_350, %cond3A_351 : i32
      scf.if %cond3A_352 {
        %add3A_421 = arith.constant 3 : i32
        %add3A_422 = arith.addi %add3A_337, %add3A_421 : i32
        %mul3A_423 = arith.constant 32 : i32
        %mul3A_424 = arith.muli %mul3A_423, %add3A_422 : i32
        %add3A_425 = arith.addi %add3A, %mul3A_424 : i32
        %mul3A_426 = arith.constant 512 : i32
        %mul3A_427 = arith.muli %add3A_425, %mul3A_426 : i32
        %multiple_of3A_428 = tpu.assume_multiple %mul3A_427, 8 : i32
        %dma_start3A_429 = tpu.memref_slice %arg2[%multiple_of3A_428] : memref<3200000xi32, #tpu.memory_space<hbm>> -> memref<512xi32, #tpu.memory_space<hbm>>
        %dma_start3A_430 = tpu.memref_slice %arg2[%multiple_of3A_428] : memref<3200000xi32, #tpu.memory_space<hbm>> -> memref<512xi32, #tpu.memory_space<hbm>>
        tpu.enqueue_dma source(%dma_start3A_430 : memref<512xi32, #tpu.memory_space<hbm>>) target(%arg9 : memref<512xi32, #tpu.memory_space<vmem>>) target_semaphore(%arg21 : memref<!tpu.dma_semaphore, #tpu.memory_space<semaphore_mem>>)
        %dma_start3A_431 = tpu.memref_slice %arg3[%multiple_of3A_428] : memref<3200000xi32, #tpu.memory_space<hbm>> -> memref<512xi32, #tpu.memory_space<hbm>>
        %dma_start3A_432 = tpu.memref_slice %arg3[%multiple_of3A_428] : memref<3200000xi32, #tpu.memory_space<hbm>> -> memref<512xi32, #tpu.memory_space<hbm>>
        tpu.enqueue_dma source(%dma_start3A_432 : memref<512xi32, #tpu.memory_space<hbm>>) target(%arg13 : memref<512xi32, #tpu.memory_space<vmem>>) target_semaphore(%arg21 : memref<!tpu.dma_semaphore, #tpu.memory_space<semaphore_mem>>)
      } else {
      }
      %add3A_353 = arith.constant 1 : i32
      %add3A_354 = arith.addi %add3A_337, %add3A_353 : i32
      %lt3A_355 = arith.cmpi slt, %add3A_354, %add3A_20 : i32
      %convert_element_type3A_356 = arith.extui %lt3A_355 : i1 to i32
      %cond3A_357 = arith.constant 0 : i32
      %cond3A_358 = arith.cmpi ne, %convert_element_type3A_356, %cond3A_357 : i32
      scf.if %cond3A_358 {
        %dma_wait3A_421 = arith.constant 0 : i32
        %dma_wait3A_422 = tpu.memref_slice %arg2[%dma_wait3A_421] : memref<3200000xi32, #tpu.memory_space<hbm>> -> memref<512xi32, #tpu.memory_space<hbm>>
        %dma_wait3A_423 = arith.constant 0 : i32
        %dma_wait3A_424 = tpu.memref_slice %arg2[%dma_wait3A_423] : memref<3200000xi32, #tpu.memory_space<hbm>> -> memref<512xi32, #tpu.memory_space<hbm>>
        tpu.wait_dma2 semaphore(%arg23 : memref<!tpu.dma_semaphore, #tpu.memory_space<semaphore_mem>>) src(%dma_wait3A_424 : memref<512xi32, #tpu.memory_space<hbm>>) dst(%arg11 : memref<512xi32, #tpu.memory_space<vmem>>)
        %dma_wait3A_425 = arith.constant 0 : i32
        %dma_wait3A_426 = tpu.memref_slice %arg3[%dma_wait3A_425] : memref<3200000xi32, #tpu.memory_space<hbm>> -> memref<512xi32, #tpu.memory_space<hbm>>
        %dma_wait3A_427 = arith.constant 0 : i32
        %dma_wait3A_428 = tpu.memref_slice %arg3[%dma_wait3A_427] : memref<3200000xi32, #tpu.memory_space<hbm>> -> memref<512xi32, #tpu.memory_space<hbm>>
        tpu.wait_dma2 semaphore(%arg23 : memref<!tpu.dma_semaphore, #tpu.memory_space<semaphore_mem>>) src(%dma_wait3A_428 : memref<512xi32, #tpu.memory_space<hbm>>) dst(%arg15 : memref<512xi32, #tpu.memory_space<vmem>>)
        %dma_start3A_429 = arith.constant 0 : i32
        %dma_start3A_430 = arith.constant 0 : i32
        %dma_start3A_431 = tpu.memref_slice %arg4[%dma_start3A_429, %dma_start3A_430] : memref<100000x16xf32, #tpu.memory_space<hbm>> -> memref<100000x16xf32, #tpu.memory_space<hbm>>
        tpu.enqueue_indirect_dma source(%dma_start3A_431 : memref<100000x16xf32, #tpu.memory_space<hbm>>) target(%arg17 : memref<512x16xf32, #tpu.memory_space<vmem>>) offsets(%arg11 : memref<512xi32, #tpu.memory_space<vmem>>) semaphore(%arg25 : memref<!tpu.dma_semaphore, #tpu.memory_space<semaphore_mem>>)
      } else {
      }
      %lt3A_359 = arith.cmpi slt, %add3A_337, %add3A_20 : i32
      %convert_element_type3A_360 = arith.extui %lt3A_359 : i1 to i32
      %cond3A_361 = arith.constant 0 : i32
      %cond3A_362 = arith.cmpi ne, %convert_element_type3A_360, %cond3A_361 : i32
      scf.if %cond3A_362 {
        %dma_wait3A_421 = arith.constant 0 : i32
        %dma_wait3A_422 = arith.constant 0 : i32
        %dma_wait3A_423 = tpu.memref_slice %arg4[%dma_wait3A_421, %dma_wait3A_422] : memref<100000x16xf32, #tpu.memory_space<hbm>> -> memref<100000x16xf32, #tpu.memory_space<hbm>>
        tpu.wait_indirect_dma semaphore(%arg26 : memref<!tpu.dma_semaphore, #tpu.memory_space<semaphore_mem>>) src(%dma_wait3A_423 : memref<100000x16xf32, #tpu.memory_space<hbm>>) dst(%arg18 : memref<512x16xf32, #tpu.memory_space<vmem>>)
        %dma_start3A_424 = arith.constant 0 : i32
        %dma_start3A_425 = arith.constant 0 : i32
        %dma_start3A_426 = tpu.memref_slice %arg7[%dma_start3A_424, %dma_start3A_425] : memref<100000x16xf32, #tpu.memory_space<vmem_shared>> -> memref<100000x16xf32, #tpu.memory_space<vmem_shared>>
        tpu.enqueue_indirect_dma source(%arg18 : memref<512x16xf32, #tpu.memory_space<vmem>>) target(%dma_start3A_426 : memref<100000x16xf32, #tpu.memory_space<vmem_shared>>) offsets(%arg14 : memref<512xi32, #tpu.memory_space<vmem>>) semaphore(%arg28 : memref<!tpu.dma_semaphore, #tpu.memory_space<semaphore_mem>>) {add = true}
        %dma_start3A_427 = arith.constant 0 : i32
        %dma_start3A_428 = tpu.memref_slice %arg8[%dma_start3A_427] : memref<100000xf32, #tpu.memory_space<vmem_shared>> -> memref<100000xf32, #tpu.memory_space<vmem_shared>>
        tpu.enqueue_indirect_dma source(%arg19 : memref<512xf32, #tpu.memory_space<vmem>>) target(%dma_start3A_428 : memref<100000xf32, #tpu.memory_space<vmem_shared>>) offsets(%arg14 : memref<512xi32, #tpu.memory_space<vmem>>) semaphore(%arg28 : memref<!tpu.dma_semaphore, #tpu.memory_space<semaphore_mem>>) {add = true}
      } else {
      }
      %mul3A_363 = arith.constant 4 : i32
      %mul3A_364 = arith.muli %mul3A_363, %scan3A_305 : i32
      %add3A_365 = arith.constant 2 : i32
      %add3A_366 = arith.addi %mul3A_364, %add3A_365 : i32
      %ge3A_367 = arith.constant 1 : i32
      %ge3A_368 = arith.cmpi sge, %add3A_366, %ge3A_367 : i32
      %sub3A_369 = arith.constant 1 : i32
      %sub3A_370 = arith.subi %add3A_366, %sub3A_369 : i32
      %lt3A_371 = arith.cmpi slt, %sub3A_370, %add3A_20 : i32
      %and3A_372 = arith.andi %ge3A_368, %lt3A_371 : i1
      %convert_element_type3A_373 = arith.extui %and3A_372 : i1 to i32
      %cond3A_374 = arith.constant 0 : i32
      %cond3A_375 = arith.cmpi ne, %convert_element_type3A_373, %cond3A_374 : i32
      scf.if %cond3A_375 {
        %dma_wait3A_421 = arith.constant 0 : i32
        %dma_wait3A_422 = arith.constant 0 : i32
        %dma_wait3A_423 = tpu.memref_slice %arg7[%dma_wait3A_421, %dma_wait3A_422] : memref<100000x16xf32, #tpu.memory_space<vmem_shared>> -> memref<100000x16xf32, #tpu.memory_space<vmem_shared>>
        tpu.wait_indirect_dma semaphore(%arg28 : memref<!tpu.dma_semaphore, #tpu.memory_space<semaphore_mem>>) src(%arg18 : memref<512x16xf32, #tpu.memory_space<vmem>>) dst(%dma_wait3A_423 : memref<100000x16xf32, #tpu.memory_space<vmem_shared>>)
        %dma_wait3A_424 = arith.constant 0 : i32
        %dma_wait3A_425 = tpu.memref_slice %arg8[%dma_wait3A_424] : memref<100000xf32, #tpu.memory_space<vmem_shared>> -> memref<100000xf32, #tpu.memory_space<vmem_shared>>
        tpu.wait_indirect_dma semaphore(%arg28 : memref<!tpu.dma_semaphore, #tpu.memory_space<semaphore_mem>>) src(%arg19 : memref<512xf32, #tpu.memory_space<vmem>>) dst(%dma_wait3A_425 : memref<100000xf32, #tpu.memory_space<vmem_shared>>)
      } else {
      }
      %add3A_376 = arith.constant 3 : i32
      %add3A_377 = arith.addi %add3A_366, %add3A_376 : i32
      %lt3A_378 = arith.cmpi slt, %add3A_377, %add3A_20 : i32
      %convert_element_type3A_379 = arith.extui %lt3A_378 : i1 to i32
      %cond3A_380 = arith.constant 0 : i32
      %cond3A_381 = arith.cmpi ne, %convert_element_type3A_379, %cond3A_380 : i32
      scf.if %cond3A_381 {
        %add3A_421 = arith.constant 3 : i32
        %add3A_422 = arith.addi %add3A_366, %add3A_421 : i32
        %mul3A_423 = arith.constant 32 : i32
        %mul3A_424 = arith.muli %mul3A_423, %add3A_422 : i32
        %add3A_425 = arith.addi %add3A, %mul3A_424 : i32
        %mul3A_426 = arith.constant 512 : i32
        %mul3A_427 = arith.muli %add3A_425, %mul3A_426 : i32
        %multiple_of3A_428 = tpu.assume_multiple %mul3A_427, 8 : i32
        %dma_start3A_429 = tpu.memref_slice %arg2[%multiple_of3A_428] : memref<3200000xi32, #tpu.memory_space<hbm>> -> memref<512xi32, #tpu.memory_space<hbm>>
        %dma_start3A_430 = tpu.memref_slice %arg2[%multiple_of3A_428] : memref<3200000xi32, #tpu.memory_space<hbm>> -> memref<512xi32, #tpu.memory_space<hbm>>
        tpu.enqueue_dma source(%dma_start3A_430 : memref<512xi32, #tpu.memory_space<hbm>>) target(%arg10 : memref<512xi32, #tpu.memory_space<vmem>>) target_semaphore(%arg22 : memref<!tpu.dma_semaphore, #tpu.memory_space<semaphore_mem>>)
        %dma_start3A_431 = tpu.memref_slice %arg3[%multiple_of3A_428] : memref<3200000xi32, #tpu.memory_space<hbm>> -> memref<512xi32, #tpu.memory_space<hbm>>
        %dma_start3A_432 = tpu.memref_slice %arg3[%multiple_of3A_428] : memref<3200000xi32, #tpu.memory_space<hbm>> -> memref<512xi32, #tpu.memory_space<hbm>>
        tpu.enqueue_dma source(%dma_start3A_432 : memref<512xi32, #tpu.memory_space<hbm>>) target(%arg14 : memref<512xi32, #tpu.memory_space<vmem>>) target_semaphore(%arg22 : memref<!tpu.dma_semaphore, #tpu.memory_space<semaphore_mem>>)
      } else {
      }
      %add3A_382 = arith.constant 1 : i32
      %add3A_383 = arith.addi %add3A_366, %add3A_382 : i32
      %lt3A_384 = arith.cmpi slt, %add3A_383, %add3A_20 : i32
      %convert_element_type3A_385 = arith.extui %lt3A_384 : i1 to i32
      %cond3A_386 = arith.constant 0 : i32
      %cond3A_387 = arith.cmpi ne, %convert_element_type3A_385, %cond3A_386 : i32
      scf.if %cond3A_387 {
        %dma_wait3A_421 = arith.constant 0 : i32
        %dma_wait3A_422 = tpu.memref_slice %arg2[%dma_wait3A_421] : memref<3200000xi32, #tpu.memory_space<hbm>> -> memref<512xi32, #tpu.memory_space<hbm>>
        %dma_wait3A_423 = arith.constant 0 : i32
        %dma_wait3A_424 = tpu.memref_slice %arg2[%dma_wait3A_423] : memref<3200000xi32, #tpu.memory_space<hbm>> -> memref<512xi32, #tpu.memory_space<hbm>>
        tpu.wait_dma2 semaphore(%arg24 : memref<!tpu.dma_semaphore, #tpu.memory_space<semaphore_mem>>) src(%dma_wait3A_424 : memref<512xi32, #tpu.memory_space<hbm>>) dst(%arg12 : memref<512xi32, #tpu.memory_space<vmem>>)
        %dma_wait3A_425 = arith.constant 0 : i32
        %dma_wait3A_426 = tpu.memref_slice %arg3[%dma_wait3A_425] : memref<3200000xi32, #tpu.memory_space<hbm>> -> memref<512xi32, #tpu.memory_space<hbm>>
        %dma_wait3A_427 = arith.constant 0 : i32
        %dma_wait3A_428 = tpu.memref_slice %arg3[%dma_wait3A_427] : memref<3200000xi32, #tpu.memory_space<hbm>> -> memref<512xi32, #tpu.memory_space<hbm>>
        tpu.wait_dma2 semaphore(%arg24 : memref<!tpu.dma_semaphore, #tpu.memory_space<semaphore_mem>>) src(%dma_wait3A_428 : memref<512xi32, #tpu.memory_space<hbm>>) dst(%arg16 : memref<512xi32, #tpu.memory_space<vmem>>)
        %dma_start3A_429 = arith.constant 0 : i32
        %dma_start3A_430 = arith.constant 0 : i32
        %dma_start3A_431 = tpu.memref_slice %arg4[%dma_start3A_429, %dma_start3A_430] : memref<100000x16xf32, #tpu.memory_space<hbm>> -> memref<100000x16xf32, #tpu.memory_space<hbm>>
        tpu.enqueue_indirect_dma source(%dma_start3A_431 : memref<100000x16xf32, #tpu.memory_space<hbm>>) target(%arg18 : memref<512x16xf32, #tpu.memory_space<vmem>>) offsets(%arg12 : memref<512xi32, #tpu.memory_space<vmem>>) semaphore(%arg26 : memref<!tpu.dma_semaphore, #tpu.memory_space<semaphore_mem>>)
      } else {
      }
      %lt3A_388 = arith.cmpi slt, %add3A_366, %add3A_20 : i32
      %convert_element_type3A_389 = arith.extui %lt3A_388 : i1 to i32
      %cond3A_390 = arith.constant 0 : i32
      %cond3A_391 = arith.cmpi ne, %convert_element_type3A_389, %cond3A_390 : i32
      scf.if %cond3A_391 {
        %dma_wait3A_421 = arith.constant 0 : i32
        %dma_wait3A_422 = arith.constant 0 : i32
        %dma_wait3A_423 = tpu.memref_slice %arg4[%dma_wait3A_421, %dma_wait3A_422] : memref<100000x16xf32, #tpu.memory_space<hbm>> -> memref<100000x16xf32, #tpu.memory_space<hbm>>
        tpu.wait_indirect_dma semaphore(%arg25 : memref<!tpu.dma_semaphore, #tpu.memory_space<semaphore_mem>>) src(%dma_wait3A_423 : memref<100000x16xf32, #tpu.memory_space<hbm>>) dst(%arg17 : memref<512x16xf32, #tpu.memory_space<vmem>>)
        %dma_start3A_424 = arith.constant 0 : i32
        %dma_start3A_425 = arith.constant 0 : i32
        %dma_start3A_426 = tpu.memref_slice %arg7[%dma_start3A_424, %dma_start3A_425] : memref<100000x16xf32, #tpu.memory_space<vmem_shared>> -> memref<100000x16xf32, #tpu.memory_space<vmem_shared>>
        tpu.enqueue_indirect_dma source(%arg17 : memref<512x16xf32, #tpu.memory_space<vmem>>) target(%dma_start3A_426 : memref<100000x16xf32, #tpu.memory_space<vmem_shared>>) offsets(%arg15 : memref<512xi32, #tpu.memory_space<vmem>>) semaphore(%arg27 : memref<!tpu.dma_semaphore, #tpu.memory_space<semaphore_mem>>) {add = true}
        %dma_start3A_427 = arith.constant 0 : i32
        %dma_start3A_428 = tpu.memref_slice %arg8[%dma_start3A_427] : memref<100000xf32, #tpu.memory_space<vmem_shared>> -> memref<100000xf32, #tpu.memory_space<vmem_shared>>
        tpu.enqueue_indirect_dma source(%arg19 : memref<512xf32, #tpu.memory_space<vmem>>) target(%dma_start3A_428 : memref<100000xf32, #tpu.memory_space<vmem_shared>>) offsets(%arg15 : memref<512xi32, #tpu.memory_space<vmem>>) semaphore(%arg27 : memref<!tpu.dma_semaphore, #tpu.memory_space<semaphore_mem>>) {add = true}
      } else {
      }
      %mul3A_392 = arith.constant 4 : i32
      %mul3A_393 = arith.muli %mul3A_392, %scan3A_305 : i32
      %add3A_394 = arith.constant 3 : i32
      %add3A_395 = arith.addi %mul3A_393, %add3A_394 : i32
      %ge3A_396 = arith.constant 1 : i32
      %ge3A_397 = arith.cmpi sge, %add3A_395, %ge3A_396 : i32
      %sub3A_398 = arith.constant 1 : i32
      %sub3A_399 = arith.subi %add3A_395, %sub3A_398 : i32
      %lt3A_400 = arith.cmpi slt, %sub3A_399, %add3A_20 : i32
      %and3A_401 = arith.andi %ge3A_397, %lt3A_400 : i1
      %convert_element_type3A_402 = arith.extui %and3A_401 : i1 to i32
      %cond3A_403 = arith.constant 0 : i32
      %cond3A_404 = arith.cmpi ne, %convert_element_type3A_402, %cond3A_403 : i32
      scf.if %cond3A_404 {
        %dma_wait3A_421 = arith.constant 0 : i32
        %dma_wait3A_422 = arith.constant 0 : i32
        %dma_wait3A_423 = tpu.memref_slice %arg7[%dma_wait3A_421, %dma_wait3A_422] : memref<100000x16xf32, #tpu.memory_space<vmem_shared>> -> memref<100000x16xf32, #tpu.memory_space<vmem_shared>>
        tpu.wait_indirect_dma semaphore(%arg27 : memref<!tpu.dma_semaphore, #tpu.memory_space<semaphore_mem>>) src(%arg17 : memref<512x16xf32, #tpu.memory_space<vmem>>) dst(%dma_wait3A_423 : memref<100000x16xf32, #tpu.memory_space<vmem_shared>>)
        %dma_wait3A_424 = arith.constant 0 : i32
        %dma_wait3A_425 = tpu.memref_slice %arg8[%dma_wait3A_424] : memref<100000xf32, #tpu.memory_space<vmem_shared>> -> memref<100000xf32, #tpu.memory_space<vmem_shared>>
        tpu.wait_indirect_dma semaphore(%arg27 : memref<!tpu.dma_semaphore, #tpu.memory_space<semaphore_mem>>) src(%arg19 : memref<512xf32, #tpu.memory_space<vmem>>) dst(%dma_wait3A_425 : memref<100000xf32, #tpu.memory_space<vmem_shared>>)
      } else {
      }
      %add3A_405 = arith.constant 3 : i32
      %add3A_406 = arith.addi %add3A_395, %add3A_405 : i32
      %lt3A_407 = arith.cmpi slt, %add3A_406, %add3A_20 : i32
      %convert_element_type3A_408 = arith.extui %lt3A_407 : i1 to i32
      %cond3A_409 = arith.constant 0 : i32
      %cond3A_410 = arith.cmpi ne, %convert_element_type3A_408, %cond3A_409 : i32
      scf.if %cond3A_410 {
        %add3A_421 = arith.constant 3 : i32
        %add3A_422 = arith.addi %add3A_395, %add3A_421 : i32
        %mul3A_423 = arith.constant 32 : i32
        %mul3A_424 = arith.muli %mul3A_423, %add3A_422 : i32
        %add3A_425 = arith.addi %add3A, %mul3A_424 : i32
        %mul3A_426 = arith.constant 512 : i32
        %mul3A_427 = arith.muli %add3A_425, %mul3A_426 : i32
        %multiple_of3A_428 = tpu.assume_multiple %mul3A_427, 8 : i32
        %dma_start3A_429 = tpu.memref_slice %arg2[%multiple_of3A_428] : memref<3200000xi32, #tpu.memory_space<hbm>> -> memref<512xi32, #tpu.memory_space<hbm>>
        %dma_start3A_430 = tpu.memref_slice %arg2[%multiple_of3A_428] : memref<3200000xi32, #tpu.memory_space<hbm>> -> memref<512xi32, #tpu.memory_space<hbm>>
        tpu.enqueue_dma source(%dma_start3A_430 : memref<512xi32, #tpu.memory_space<hbm>>) target(%arg11 : memref<512xi32, #tpu.memory_space<vmem>>) target_semaphore(%arg23 : memref<!tpu.dma_semaphore, #tpu.memory_space<semaphore_mem>>)
        %dma_start3A_431 = tpu.memref_slice %arg3[%multiple_of3A_428] : memref<3200000xi32, #tpu.memory_space<hbm>> -> memref<512xi32, #tpu.memory_space<hbm>>
        %dma_start3A_432 = tpu.memref_slice %arg3[%multiple_of3A_428] : memref<3200000xi32, #tpu.memory_space<hbm>> -> memref<512xi32, #tpu.memory_space<hbm>>
        tpu.enqueue_dma source(%dma_start3A_432 : memref<512xi32, #tpu.memory_space<hbm>>) target(%arg15 : memref<512xi32, #tpu.memory_space<vmem>>) target_semaphore(%arg23 : memref<!tpu.dma_semaphore, #tpu.memory_space<semaphore_mem>>)
      } else {
      }
      %add3A_411 = arith.constant 1 : i32
      %add3A_412 = arith.addi %add3A_395, %add3A_411 : i32
      %lt3A_413 = arith.cmpi slt, %add3A_412, %add3A_20 : i32
      %convert_element_type3A_414 = arith.extui %lt3A_413 : i1 to i32
      %cond3A_415 = arith.constant 0 : i32
      %cond3A_416 = arith.cmpi ne, %convert_element_type3A_414, %cond3A_415 : i32
      scf.if %cond3A_416 {
        %dma_wait3A_421 = arith.constant 0 : i32
        %dma_wait3A_422 = tpu.memref_slice %arg2[%dma_wait3A_421] : memref<3200000xi32, #tpu.memory_space<hbm>> -> memref<512xi32, #tpu.memory_space<hbm>>
        %dma_wait3A_423 = arith.constant 0 : i32
        %dma_wait3A_424 = tpu.memref_slice %arg2[%dma_wait3A_423] : memref<3200000xi32, #tpu.memory_space<hbm>> -> memref<512xi32, #tpu.memory_space<hbm>>
        tpu.wait_dma2 semaphore(%arg21 : memref<!tpu.dma_semaphore, #tpu.memory_space<semaphore_mem>>) src(%dma_wait3A_424 : memref<512xi32, #tpu.memory_space<hbm>>) dst(%arg9 : memref<512xi32, #tpu.memory_space<vmem>>)
        %dma_wait3A_425 = arith.constant 0 : i32
        %dma_wait3A_426 = tpu.memref_slice %arg3[%dma_wait3A_425] : memref<3200000xi32, #tpu.memory_space<hbm>> -> memref<512xi32, #tpu.memory_space<hbm>>
        %dma_wait3A_427 = arith.constant 0 : i32
        %dma_wait3A_428 = tpu.memref_slice %arg3[%dma_wait3A_427] : memref<3200000xi32, #tpu.memory_space<hbm>> -> memref<512xi32, #tpu.memory_space<hbm>>
        tpu.wait_dma2 semaphore(%arg21 : memref<!tpu.dma_semaphore, #tpu.memory_space<semaphore_mem>>) src(%dma_wait3A_428 : memref<512xi32, #tpu.memory_space<hbm>>) dst(%arg13 : memref<512xi32, #tpu.memory_space<vmem>>)
        %dma_start3A_429 = arith.constant 0 : i32
        %dma_start3A_430 = arith.constant 0 : i32
        %dma_start3A_431 = tpu.memref_slice %arg4[%dma_start3A_429, %dma_start3A_430] : memref<100000x16xf32, #tpu.memory_space<hbm>> -> memref<100000x16xf32, #tpu.memory_space<hbm>>
        tpu.enqueue_indirect_dma source(%dma_start3A_431 : memref<100000x16xf32, #tpu.memory_space<hbm>>) target(%arg17 : memref<512x16xf32, #tpu.memory_space<vmem>>) offsets(%arg9 : memref<512xi32, #tpu.memory_space<vmem>>) semaphore(%arg25 : memref<!tpu.dma_semaphore, #tpu.memory_space<semaphore_mem>>)
      } else {
      }
      %lt3A_417 = arith.cmpi slt, %add3A_395, %add3A_20 : i32
      %convert_element_type3A_418 = arith.extui %lt3A_417 : i1 to i32
      %cond3A_419 = arith.constant 0 : i32
      %cond3A_420 = arith.cmpi ne, %convert_element_type3A_418, %cond3A_419 : i32
      scf.if %cond3A_420 {
        %dma_wait3A_421 = arith.constant 0 : i32
        %dma_wait3A_422 = arith.constant 0 : i32
        %dma_wait3A_423 = tpu.memref_slice %arg4[%dma_wait3A_421, %dma_wait3A_422] : memref<100000x16xf32, #tpu.memory_space<hbm>> -> memref<100000x16xf32, #tpu.memory_space<hbm>>
        tpu.wait_indirect_dma semaphore(%arg26 : memref<!tpu.dma_semaphore, #tpu.memory_space<semaphore_mem>>) src(%dma_wait3A_423 : memref<100000x16xf32, #tpu.memory_space<hbm>>) dst(%arg18 : memref<512x16xf32, #tpu.memory_space<vmem>>)
        %dma_start3A_424 = arith.constant 0 : i32
        %dma_start3A_425 = arith.constant 0 : i32
        %dma_start3A_426 = tpu.memref_slice %arg7[%dma_start3A_424, %dma_start3A_425] : memref<100000x16xf32, #tpu.memory_space<vmem_shared>> -> memref<100000x16xf32, #tpu.memory_space<vmem_shared>>
        tpu.enqueue_indirect_dma source(%arg18 : memref<512x16xf32, #tpu.memory_space<vmem>>) target(%dma_start3A_426 : memref<100000x16xf32, #tpu.memory_space<vmem_shared>>) offsets(%arg16 : memref<512xi32, #tpu.memory_space<vmem>>) semaphore(%arg28 : memref<!tpu.dma_semaphore, #tpu.memory_space<semaphore_mem>>) {add = true}
        %dma_start3A_427 = arith.constant 0 : i32
        %dma_start3A_428 = tpu.memref_slice %arg8[%dma_start3A_427] : memref<100000xf32, #tpu.memory_space<vmem_shared>> -> memref<100000xf32, #tpu.memory_space<vmem_shared>>
        tpu.enqueue_indirect_dma source(%arg19 : memref<512xf32, #tpu.memory_space<vmem>>) target(%dma_start3A_428 : memref<100000xf32, #tpu.memory_space<vmem_shared>>) offsets(%arg16 : memref<512xi32, #tpu.memory_space<vmem>>) semaphore(%arg28 : memref<!tpu.dma_semaphore, #tpu.memory_space<semaphore_mem>>) {add = true}
      } else {
      }
    }
    %scan3A_187 = arith.constant 49 : i32
    %gt3A = arith.constant 195 : i32
    %gt3A_188 = arith.cmpi sgt, %add3A_20, %gt3A : i32
    %convert_element_type3A_189 = arith.extui %gt3A_188 : i1 to i32
    %cond3A_190 = arith.constant 0 : i32
    %cond3A_191 = arith.cmpi ne, %convert_element_type3A_189, %cond3A_190 : i32
    scf.if %cond3A_191 {
      %dma_wait3A_305 = arith.constant 0 : i32
      %dma_wait3A_306 = arith.constant 0 : i32
      %dma_wait3A_307 = tpu.memref_slice %arg7[%dma_wait3A_305, %dma_wait3A_306] : memref<100000x16xf32, #tpu.memory_space<vmem_shared>> -> memref<100000x16xf32, #tpu.memory_space<vmem_shared>>
      tpu.wait_indirect_dma semaphore(%arg28 : memref<!tpu.dma_semaphore, #tpu.memory_space<semaphore_mem>>) src(%arg18 : memref<512x16xf32, #tpu.memory_space<vmem>>) dst(%dma_wait3A_307 : memref<100000x16xf32, #tpu.memory_space<vmem_shared>>)
      %dma_wait3A_308 = arith.constant 0 : i32
      %dma_wait3A_309 = tpu.memref_slice %arg8[%dma_wait3A_308] : memref<100000xf32, #tpu.memory_space<vmem_shared>> -> memref<100000xf32, #tpu.memory_space<vmem_shared>>
      tpu.wait_indirect_dma semaphore(%arg28 : memref<!tpu.dma_semaphore, #tpu.memory_space<semaphore_mem>>) src(%arg19 : memref<512xf32, #tpu.memory_space<vmem>>) dst(%dma_wait3A_309 : memref<100000xf32, #tpu.memory_space<vmem_shared>>)
    } else {
    }
    %barrier3A_192 = arith.constant 0 : index
    tpu.barrier barrier_id(%barrier3A_192)
    %add3A_193 = arith.constant 0 : i32
    %add3A_194 = arith.addi %arg1, %add3A_193 : i32
    %lt3A_195 = arith.constant 250 : i32
    %lt3A_196 = arith.cmpi slt, %add3A_194, %lt3A_195 : i32
    %convert_element_type3A_197 = arith.extui %lt3A_196 : i1 to i32
    %cond3A_198 = arith.constant 0 : i32
    %cond3A_199 = arith.cmpi ne, %convert_element_type3A_197, %cond3A_198 : i32
    scf.if %cond3A_199 {
      %mul3A_305 = arith.constant 400 : i32
      %mul3A_306 = arith.muli %add3A_194, %mul3A_305 : i32
      %multiple_of3A_307 = tpu.assume_multiple %mul3A_306, 8 : i32
      "tpu.region"() ({
        %run_scoped3A = tpu.sem_alloc : memref<!tpu.dma_semaphore, #tpu.memory_space<semaphore_mem>>
        %dma_start3A_312 = arith.constant 0 : i32
        %dma_start3A_313 = arith.constant 0 : i32
        %dma_start3A_314 = tpu.memref_slice %arg17[%dma_start3A_312, %dma_start3A_313] : memref<512x16xf32, #tpu.memory_space<vmem>> -> memref<400x16xf32, #tpu.memory_space<vmem>>
        %dma_start3A_315 = arith.constant 0 : i32
        %dma_start3A_316 = tpu.memref_slice %arg7[%multiple_of3A_307, %dma_start3A_315] : memref<100000x16xf32, #tpu.memory_space<vmem_shared>> -> memref<400x16xf32, #tpu.memory_space<vmem_shared>>
        %dma_start3A_317 = arith.constant 0 : i32
        %dma_start3A_318 = arith.constant 0 : i32
        %dma_start3A_319 = tpu.memref_slice %arg17[%dma_start3A_317, %dma_start3A_318] : memref<512x16xf32, #tpu.memory_space<vmem>> -> memref<400x16xf32, #tpu.memory_space<vmem>>
        %dma_start3A_320 = arith.constant 0 : i32
        %dma_start3A_321 = tpu.memref_slice %arg7[%multiple_of3A_307, %dma_start3A_320] : memref<100000x16xf32, #tpu.memory_space<vmem_shared>> -> memref<400x16xf32, #tpu.memory_space<vmem_shared>>
        tpu.enqueue_dma source(%dma_start3A_321 : memref<400x16xf32, #tpu.memory_space<vmem_shared>>) target(%dma_start3A_319 : memref<400x16xf32, #tpu.memory_space<vmem>>) target_semaphore(%run_scoped3A : memref<!tpu.dma_semaphore, #tpu.memory_space<semaphore_mem>>)
        %dma_wait3A_322 = arith.constant 0 : i32
        %dma_wait3A_323 = arith.constant 0 : i32
        %dma_wait3A_324 = tpu.memref_slice %arg17[%dma_wait3A_322, %dma_wait3A_323] : memref<512x16xf32, #tpu.memory_space<vmem>> -> memref<400x16xf32, #tpu.memory_space<vmem>>
        %dma_wait3A_325 = arith.constant 0 : i32
        %dma_wait3A_326 = tpu.memref_slice %arg7[%multiple_of3A_307, %dma_wait3A_325] : memref<100000x16xf32, #tpu.memory_space<vmem_shared>> -> memref<400x16xf32, #tpu.memory_space<vmem_shared>>
        %dma_wait3A_327 = arith.constant 0 : i32
        %dma_wait3A_328 = arith.constant 0 : i32
        %dma_wait3A_329 = tpu.memref_slice %arg17[%dma_wait3A_327, %dma_wait3A_328] : memref<512x16xf32, #tpu.memory_space<vmem>> -> memref<400x16xf32, #tpu.memory_space<vmem>>
        %dma_wait3A_330 = arith.constant 0 : i32
        %dma_wait3A_331 = tpu.memref_slice %arg7[%multiple_of3A_307, %dma_wait3A_330] : memref<100000x16xf32, #tpu.memory_space<vmem_shared>> -> memref<400x16xf32, #tpu.memory_space<vmem_shared>>
        tpu.wait_dma2 semaphore(%run_scoped3A : memref<!tpu.dma_semaphore, #tpu.memory_space<semaphore_mem>>) src(%dma_wait3A_331 : memref<400x16xf32, #tpu.memory_space<vmem_shared>>) dst(%dma_wait3A_329 : memref<400x16xf32, #tpu.memory_space<vmem>>)
        tpu.yield
      }) : () -> ()
      "tpu.region"() ({
        %run_scoped3A = tpu.sem_alloc : memref<!tpu.dma_semaphore, #tpu.memory_space<semaphore_mem>>
        %dma_start3A_312 = arith.constant 0 : i32
        %dma_start3A_313 = arith.constant 0 : i32
        %dma_start3A_314 = tpu.memref_slice %arg17[%dma_start3A_312, %dma_start3A_313] : memref<512x16xf32, #tpu.memory_space<vmem>> -> memref<400x16xf32, #tpu.memory_space<vmem>>
        %dma_start3A_315 = arith.constant 0 : i32
        %dma_start3A_316 = tpu.memref_slice %arg5[%arg0, %multiple_of3A_307, %dma_start3A_315] : memref<2x100000x16xf32, #tpu.memory_space<hbm>> -> memref<1x400x16xf32, #tpu.memory_space<hbm>>
        %dma_start3A_317 = tpu.memref_squeeze %dma_start3A_316 : memref<1x400x16xf32, #tpu.memory_space<hbm>> -> memref<400x16xf32, #tpu.memory_space<hbm>>
        %dma_start3A_318 = arith.constant 0 : i32
        %dma_start3A_319 = tpu.memref_slice %arg5[%arg0, %multiple_of3A_307, %dma_start3A_318] : memref<2x100000x16xf32, #tpu.memory_space<hbm>> -> memref<1x400x16xf32, #tpu.memory_space<hbm>>
        %dma_start3A_320 = tpu.memref_squeeze %dma_start3A_319 : memref<1x400x16xf32, #tpu.memory_space<hbm>> -> memref<400x16xf32, #tpu.memory_space<hbm>>
        %dma_start3A_321 = arith.constant 0 : i32
        %dma_start3A_322 = arith.constant 0 : i32
        %dma_start3A_323 = tpu.memref_slice %arg17[%dma_start3A_321, %dma_start3A_322] : memref<512x16xf32, #tpu.memory_space<vmem>> -> memref<400x16xf32, #tpu.memory_space<vmem>>
        tpu.enqueue_dma source(%dma_start3A_323 : memref<400x16xf32, #tpu.memory_space<vmem>>) target(%dma_start3A_320 : memref<400x16xf32, #tpu.memory_space<hbm>>) target_semaphore(%run_scoped3A : memref<!tpu.dma_semaphore, #tpu.memory_space<semaphore_mem>>)
        %dma_wait3A_324 = arith.constant 0 : i32
        %dma_wait3A_325 = arith.constant 0 : i32
        %dma_wait3A_326 = tpu.memref_slice %arg17[%dma_wait3A_324, %dma_wait3A_325] : memref<512x16xf32, #tpu.memory_space<vmem>> -> memref<400x16xf32, #tpu.memory_space<vmem>>
        %dma_wait3A_327 = arith.constant 0 : i32
        %dma_wait3A_328 = tpu.memref_slice %arg5[%arg0, %multiple_of3A_307, %dma_wait3A_327] : memref<2x100000x16xf32, #tpu.memory_space<hbm>> -> memref<1x400x16xf32, #tpu.memory_space<hbm>>
        %dma_wait3A_329 = tpu.memref_squeeze %dma_wait3A_328 : memref<1x400x16xf32, #tpu.memory_space<hbm>> -> memref<400x16xf32, #tpu.memory_space<hbm>>
        %dma_wait3A_330 = arith.constant 0 : i32
        %dma_wait3A_331 = tpu.memref_slice %arg5[%arg0, %multiple_of3A_307, %dma_wait3A_330] : memref<2x100000x16xf32, #tpu.memory_space<hbm>> -> memref<1x400x16xf32, #tpu.memory_space<hbm>>
        %dma_wait3A_332 = tpu.memref_squeeze %dma_wait3A_331 : memref<1x400x16xf32, #tpu.memory_space<hbm>> -> memref<400x16xf32, #tpu.memory_space<hbm>>
        %dma_wait3A_333 = arith.constant 0 : i32
        %dma_wait3A_334 = arith.constant 0 : i32
        %dma_wait3A_335 = tpu.memref_slice %arg17[%dma_wait3A_333, %dma_wait3A_334] : memref<512x16xf32, #tpu.memory_space<vmem>> -> memref<400x16xf32, #tpu.memory_space<vmem>>
        tpu.wait_dma2 semaphore(%run_scoped3A : memref<!tpu.dma_semaphore, #tpu.memory_space<semaphore_mem>>) src(%dma_wait3A_335 : memref<400x16xf32, #tpu.memory_space<vmem>>) dst(%dma_wait3A_332 : memref<400x16xf32, #tpu.memory_space<hbm>>)
        tpu.yield
      }) : () -> ()
      "tpu.region"() ({
        %run_scoped3A = tpu.sem_alloc : memref<!tpu.dma_semaphore, #tpu.memory_space<semaphore_mem>>
        %dma_start3A_312 = tpu.memref_slice %arg8[%multiple_of3A_307] : memref<100000xf32, #tpu.memory_space<vmem_shared>> -> memref<400xf32, #tpu.memory_space<vmem_shared>>
        %dma_start3A_313 = tpu.memref_slice %arg8[%multiple_of3A_307] : memref<100000xf32, #tpu.memory_space<vmem_shared>> -> memref<400xf32, #tpu.memory_space<vmem_shared>>
        tpu.enqueue_dma source(%dma_start3A_313 : memref<400xf32, #tpu.memory_space<vmem_shared>>) target(%arg20 : memref<400xf32, #tpu.memory_space<vmem>>) target_semaphore(%run_scoped3A : memref<!tpu.dma_semaphore, #tpu.memory_space<semaphore_mem>>)
        %dma_wait3A_314 = tpu.memref_slice %arg8[%multiple_of3A_307] : memref<100000xf32, #tpu.memory_space<vmem_shared>> -> memref<400xf32, #tpu.memory_space<vmem_shared>>
        %dma_wait3A_315 = tpu.memref_slice %arg8[%multiple_of3A_307] : memref<100000xf32, #tpu.memory_space<vmem_shared>> -> memref<400xf32, #tpu.memory_space<vmem_shared>>
        tpu.wait_dma2 semaphore(%run_scoped3A : memref<!tpu.dma_semaphore, #tpu.memory_space<semaphore_mem>>) src(%dma_wait3A_315 : memref<400xf32, #tpu.memory_space<vmem_shared>>) dst(%arg20 : memref<400xf32, #tpu.memory_space<vmem>>)
        tpu.yield
      }) : () -> ()
      %mul3A_308 = arith.constant 100000 : i32
      %mul3A_309 = arith.muli %arg0, %mul3A_308 : i32
      %add3A_310 = arith.addi %mul3A_309, %multiple_of3A_307 : i32
      %multiple_of3A_311 = tpu.assume_multiple %add3A_310, 8 : i32
      "tpu.region"() ({
        %run_scoped3A = tpu.sem_alloc : memref<!tpu.dma_semaphore, #tpu.memory_space<semaphore_mem>>
        %dma_start3A_312 = tpu.memref_slice %arg6[%multiple_of3A_311] : memref<200000xf32, #tpu.memory_space<hbm>> -> memref<400xf32, #tpu.memory_space<hbm>>
        %dma_start3A_313 = tpu.memref_slice %arg6[%multiple_of3A_311] : memref<200000xf32, #tpu.memory_space<hbm>> -> memref<400xf32, #tpu.memory_space<hbm>>
        tpu.enqueue_dma source(%arg20 : memref<400xf32, #tpu.memory_space<vmem>>) target(%dma_start3A_313 : memref<400xf32, #tpu.memory_space<hbm>>) target_semaphore(%run_scoped3A : memref<!tpu.dma_semaphore, #tpu.memory_space<semaphore_mem>>)
        %dma_wait3A_314 = tpu.memref_slice %arg6[%multiple_of3A_311] : memref<200000xf32, #tpu.memory_space<hbm>> -> memref<400xf32, #tpu.memory_space<hbm>>
        %dma_wait3A_315 = tpu.memref_slice %arg6[%multiple_of3A_311] : memref<200000xf32, #tpu.memory_space<hbm>> -> memref<400xf32, #tpu.memory_space<hbm>>
        tpu.wait_dma2 semaphore(%run_scoped3A : memref<!tpu.dma_semaphore, #tpu.memory_space<semaphore_mem>>) src(%arg20 : memref<400xf32, #tpu.memory_space<vmem>>) dst(%dma_wait3A_315 : memref<400xf32, #tpu.memory_space<hbm>>)
        tpu.yield
      }) : () -> ()
    } else {
    }
    %add3A_200 = arith.constant 16 : i32
    %add3A_201 = arith.addi %arg1, %add3A_200 : i32
    %lt3A_202 = arith.constant 250 : i32
    %lt3A_203 = arith.cmpi slt, %add3A_201, %lt3A_202 : i32
    %convert_element_type3A_204 = arith.extui %lt3A_203 : i1 to i32
    %cond3A_205 = arith.constant 0 : i32
    %cond3A_206 = arith.cmpi ne, %convert_element_type3A_204, %cond3A_205 : i32
    scf.if %cond3A_206 {
      %mul3A_305 = arith.constant 400 : i32
      %mul3A_306 = arith.muli %add3A_201, %mul3A_305 : i32
      %multiple_of3A_307 = tpu.assume_multiple %mul3A_306, 8 : i32
      "tpu.region"() ({
        %run_scoped3A = tpu.sem_alloc : memref<!tpu.dma_semaphore, #tpu.memory_space<semaphore_mem>>
        %dma_start3A_312 = arith.constant 0 : i32
        %dma_start3A_313 = arith.constant 0 : i32
        %dma_start3A_314 = tpu.memref_slice %arg17[%dma_start3A_312, %dma_start3A_313] : memref<512x16xf32, #tpu.memory_space<vmem>> -> memref<400x16xf32, #tpu.memory_space<vmem>>
        %dma_start3A_315 = arith.constant 0 : i32
        %dma_start3A_316 = tpu.memref_slice %arg7[%multiple_of3A_307, %dma_start3A_315] : memref<100000x16xf32, #tpu.memory_space<vmem_shared>> -> memref<400x16xf32, #tpu.memory_space<vmem_shared>>
        %dma_start3A_317 = arith.constant 0 : i32
        %dma_start3A_318 = arith.constant 0 : i32
        %dma_start3A_319 = tpu.memref_slice %arg17[%dma_start3A_317, %dma_start3A_318] : memref<512x16xf32, #tpu.memory_space<vmem>> -> memref<400x16xf32, #tpu.memory_space<vmem>>
        %dma_start3A_320 = arith.constant 0 : i32
        %dma_start3A_321 = tpu.memref_slice %arg7[%multiple_of3A_307, %dma_start3A_320] : memref<100000x16xf32, #tpu.memory_space<vmem_shared>> -> memref<400x16xf32, #tpu.memory_space<vmem_shared>>
        tpu.enqueue_dma source(%dma_start3A_321 : memref<400x16xf32, #tpu.memory_space<vmem_shared>>) target(%dma_start3A_319 : memref<400x16xf32, #tpu.memory_space<vmem>>) target_semaphore(%run_scoped3A : memref<!tpu.dma_semaphore, #tpu.memory_space<semaphore_mem>>)
        %dma_wait3A_322 = arith.constant 0 : i32
        %dma_wait3A_323 = arith.constant 0 : i32
        %dma_wait3A_324 = tpu.memref_slice %arg17[%dma_wait3A_322, %dma_wait3A_323] : memref<512x16xf32, #tpu.memory_space<vmem>> -> memref<400x16xf32, #tpu.memory_space<vmem>>
        %dma_wait3A_325 = arith.constant 0 : i32
        %dma_wait3A_326 = tpu.memref_slice %arg7[%multiple_of3A_307, %dma_wait3A_325] : memref<100000x16xf32, #tpu.memory_space<vmem_shared>> -> memref<400x16xf32, #tpu.memory_space<vmem_shared>>
        %dma_wait3A_327 = arith.constant 0 : i32
        %dma_wait3A_328 = arith.constant 0 : i32
        %dma_wait3A_329 = tpu.memref_slice %arg17[%dma_wait3A_327, %dma_wait3A_328] : memref<512x16xf32, #tpu.memory_space<vmem>> -> memref<400x16xf32, #tpu.memory_space<vmem>>
        %dma_wait3A_330 = arith.constant 0 : i32
        %dma_wait3A_331 = tpu.memref_slice %arg7[%multiple_of3A_307, %dma_wait3A_330] : memref<100000x16xf32, #tpu.memory_space<vmem_shared>> -> memref<400x16xf32, #tpu.memory_space<vmem_shared>>
        tpu.wait_dma2 semaphore(%run_scoped3A : memref<!tpu.dma_semaphore, #tpu.memory_space<semaphore_mem>>) src(%dma_wait3A_331 : memref<400x16xf32, #tpu.memory_space<vmem_shared>>) dst(%dma_wait3A_329 : memref<400x16xf32, #tpu.memory_space<vmem>>)
        tpu.yield
      }) : () -> ()
      "tpu.region"() ({
        %run_scoped3A = tpu.sem_alloc : memref<!tpu.dma_semaphore, #tpu.memory_space<semaphore_mem>>
        %dma_start3A_312 = arith.constant 0 : i32
        %dma_start3A_313 = arith.constant 0 : i32
        %dma_start3A_314 = tpu.memref_slice %arg17[%dma_start3A_312, %dma_start3A_313] : memref<512x16xf32, #tpu.memory_space<vmem>> -> memref<400x16xf32, #tpu.memory_space<vmem>>
        %dma_start3A_315 = arith.constant 0 : i32
        %dma_start3A_316 = tpu.memref_slice %arg5[%arg0, %multiple_of3A_307, %dma_start3A_315] : memref<2x100000x16xf32, #tpu.memory_space<hbm>> -> memref<1x400x16xf32, #tpu.memory_space<hbm>>
        %dma_start3A_317 = tpu.memref_squeeze %dma_start3A_316 : memref<1x400x16xf32, #tpu.memory_space<hbm>> -> memref<400x16xf32, #tpu.memory_space<hbm>>
        %dma_start3A_318 = arith.constant 0 : i32
        %dma_start3A_319 = tpu.memref_slice %arg5[%arg0, %multiple_of3A_307, %dma_start3A_318] : memref<2x100000x16xf32, #tpu.memory_space<hbm>> -> memref<1x400x16xf32, #tpu.memory_space<hbm>>
        %dma_start3A_320 = tpu.memref_squeeze %dma_start3A_319 : memref<1x400x16xf32, #tpu.memory_space<hbm>> -> memref<400x16xf32, #tpu.memory_space<hbm>>
        %dma_start3A_321 = arith.constant 0 : i32
        %dma_start3A_322 = arith.constant 0 : i32
        %dma_start3A_323 = tpu.memref_slice %arg17[%dma_start3A_321, %dma_start3A_322] : memref<512x16xf32, #tpu.memory_space<vmem>> -> memref<400x16xf32, #tpu.memory_space<vmem>>
        tpu.enqueue_dma source(%dma_start3A_323 : memref<400x16xf32, #tpu.memory_space<vmem>>) target(%dma_start3A_320 : memref<400x16xf32, #tpu.memory_space<hbm>>) target_semaphore(%run_scoped3A : memref<!tpu.dma_semaphore, #tpu.memory_space<semaphore_mem>>)
        %dma_wait3A_324 = arith.constant 0 : i32
        %dma_wait3A_325 = arith.constant 0 : i32
        %dma_wait3A_326 = tpu.memref_slice %arg17[%dma_wait3A_324, %dma_wait3A_325] : memref<512x16xf32, #tpu.memory_space<vmem>> -> memref<400x16xf32, #tpu.memory_space<vmem>>
        %dma_wait3A_327 = arith.constant 0 : i32
        %dma_wait3A_328 = tpu.memref_slice %arg5[%arg0, %multiple_of3A_307, %dma_wait3A_327] : memref<2x100000x16xf32, #tpu.memory_space<hbm>> -> memref<1x400x16xf32, #tpu.memory_space<hbm>>
        %dma_wait3A_329 = tpu.memref_squeeze %dma_wait3A_328 : memref<1x400x16xf32, #tpu.memory_space<hbm>> -> memref<400x16xf32, #tpu.memory_space<hbm>>
        %dma_wait3A_330 = arith.constant 0 : i32
        %dma_wait3A_331 = tpu.memref_slice %arg5[%arg0, %multiple_of3A_307, %dma_wait3A_330] : memref<2x100000x16xf32, #tpu.memory_space<hbm>> -> memref<1x400x16xf32, #tpu.memory_space<hbm>>
        %dma_wait3A_332 = tpu.memref_squeeze %dma_wait3A_331 : memref<1x400x16xf32, #tpu.memory_space<hbm>> -> memref<400x16xf32, #tpu.memory_space<hbm>>
        %dma_wait3A_333 = arith.constant 0 : i32
        %dma_wait3A_334 = arith.constant 0 : i32
        %dma_wait3A_335 = tpu.memref_slice %arg17[%dma_wait3A_333, %dma_wait3A_334] : memref<512x16xf32, #tpu.memory_space<vmem>> -> memref<400x16xf32, #tpu.memory_space<vmem>>
        tpu.wait_dma2 semaphore(%run_scoped3A : memref<!tpu.dma_semaphore, #tpu.memory_space<semaphore_mem>>) src(%dma_wait3A_335 : memref<400x16xf32, #tpu.memory_space<vmem>>) dst(%dma_wait3A_332 : memref<400x16xf32, #tpu.memory_space<hbm>>)
        tpu.yield
      }) : () -> ()
      "tpu.region"() ({
        %run_scoped3A = tpu.sem_alloc : memref<!tpu.dma_semaphore, #tpu.memory_space<semaphore_mem>>
        %dma_start3A_312 = tpu.memref_slice %arg8[%multiple_of3A_307] : memref<100000xf32, #tpu.memory_space<vmem_shared>> -> memref<400xf32, #tpu.memory_space<vmem_shared>>
        %dma_start3A_313 = tpu.memref_slice %arg8[%multiple_of3A_307] : memref<100000xf32, #tpu.memory_space<vmem_shared>> -> memref<400xf32, #tpu.memory_space<vmem_shared>>
        tpu.enqueue_dma source(%dma_start3A_313 : memref<400xf32, #tpu.memory_space<vmem_shared>>) target(%arg20 : memref<400xf32, #tpu.memory_space<vmem>>) target_semaphore(%run_scoped3A : memref<!tpu.dma_semaphore, #tpu.memory_space<semaphore_mem>>)
        %dma_wait3A_314 = tpu.memref_slice %arg8[%multiple_of3A_307] : memref<100000xf32, #tpu.memory_space<vmem_shared>> -> memref<400xf32, #tpu.memory_space<vmem_shared>>
        %dma_wait3A_315 = tpu.memref_slice %arg8[%multiple_of3A_307] : memref<100000xf32, #tpu.memory_space<vmem_shared>> -> memref<400xf32, #tpu.memory_space<vmem_shared>>
        tpu.wait_dma2 semaphore(%run_scoped3A : memref<!tpu.dma_semaphore, #tpu.memory_space<semaphore_mem>>) src(%dma_wait3A_315 : memref<400xf32, #tpu.memory_space<vmem_shared>>) dst(%arg20 : memref<400xf32, #tpu.memory_space<vmem>>)
        tpu.yield
      }) : () -> ()
      %mul3A_308 = arith.constant 100000 : i32
      %mul3A_309 = arith.muli %arg0, %mul3A_308 : i32
      %add3A_310 = arith.addi %mul3A_309, %multiple_of3A_307 : i32
      %multiple_of3A_311 = tpu.assume_multiple %add3A_310, 8 : i32
      "tpu.region"() ({
        %run_scoped3A = tpu.sem_alloc : memref<!tpu.dma_semaphore, #tpu.memory_space<semaphore_mem>>
        %dma_start3A_312 = tpu.memref_slice %arg6[%multiple_of3A_311] : memref<200000xf32, #tpu.memory_space<hbm>> -> memref<400xf32, #tpu.memory_space<hbm>>
        %dma_start3A_313 = tpu.memref_slice %arg6[%multiple_of3A_311] : memref<200000xf32, #tpu.memory_space<hbm>> -> memref<400xf32, #tpu.memory_space<hbm>>
        tpu.enqueue_dma source(%arg20 : memref<400xf32, #tpu.memory_space<vmem>>) target(%dma_start3A_313 : memref<400xf32, #tpu.memory_space<hbm>>) target_semaphore(%run_scoped3A : memref<!tpu.dma_semaphore, #tpu.memory_space<semaphore_mem>>)
        %dma_wait3A_314 = tpu.memref_slice %arg6[%multiple_of3A_311] : memref<200000xf32, #tpu.memory_space<hbm>> -> memref<400xf32, #tpu.memory_space<hbm>>
        %dma_wait3A_315 = tpu.memref_slice %arg6[%multiple_of3A_311] : memref<200000xf32, #tpu.memory_space<hbm>> -> memref<400xf32, #tpu.memory_space<hbm>>
        tpu.wait_dma2 semaphore(%run_scoped3A : memref<!tpu.dma_semaphore, #tpu.memory_space<semaphore_mem>>) src(%arg20 : memref<400xf32, #tpu.memory_space<vmem>>) dst(%dma_wait3A_315 : memref<400xf32, #tpu.memory_space<hbm>>)
        tpu.yield
      }) : () -> ()
    } else {
    }
    %add3A_207 = arith.constant 32 : i32
    %add3A_208 = arith.addi %arg1, %add3A_207 : i32
    %lt3A_209 = arith.constant 250 : i32
    %lt3A_210 = arith.cmpi slt, %add3A_208, %lt3A_209 : i32
    %convert_element_type3A_211 = arith.extui %lt3A_210 : i1 to i32
    %cond3A_212 = arith.constant 0 : i32
    %cond3A_213 = arith.cmpi ne, %convert_element_type3A_211, %cond3A_212 : i32
    scf.if %cond3A_213 {
      %mul3A_305 = arith.constant 400 : i32
      %mul3A_306 = arith.muli %add3A_208, %mul3A_305 : i32
      %multiple_of3A_307 = tpu.assume_multiple %mul3A_306, 8 : i32
      "tpu.region"() ({
        %run_scoped3A = tpu.sem_alloc : memref<!tpu.dma_semaphore, #tpu.memory_space<semaphore_mem>>
        %dma_start3A_312 = arith.constant 0 : i32
        %dma_start3A_313 = arith.constant 0 : i32
        %dma_start3A_314 = tpu.memref_slice %arg17[%dma_start3A_312, %dma_start3A_313] : memref<512x16xf32, #tpu.memory_space<vmem>> -> memref<400x16xf32, #tpu.memory_space<vmem>>
        %dma_start3A_315 = arith.constant 0 : i32
        %dma_start3A_316 = tpu.memref_slice %arg7[%multiple_of3A_307, %dma_start3A_315] : memref<100000x16xf32, #tpu.memory_space<vmem_shared>> -> memref<400x16xf32, #tpu.memory_space<vmem_shared>>
        %dma_start3A_317 = arith.constant 0 : i32
        %dma_start3A_318 = arith.constant 0 : i32
        %dma_start3A_319 = tpu.memref_slice %arg17[%dma_start3A_317, %dma_start3A_318] : memref<512x16xf32, #tpu.memory_space<vmem>> -> memref<400x16xf32, #tpu.memory_space<vmem>>
        %dma_start3A_320 = arith.constant 0 : i32
        %dma_start3A_321 = tpu.memref_slice %arg7[%multiple_of3A_307, %dma_start3A_320] : memref<100000x16xf32, #tpu.memory_space<vmem_shared>> -> memref<400x16xf32, #tpu.memory_space<vmem_shared>>
        tpu.enqueue_dma source(%dma_start3A_321 : memref<400x16xf32, #tpu.memory_space<vmem_shared>>) target(%dma_start3A_319 : memref<400x16xf32, #tpu.memory_space<vmem>>) target_semaphore(%run_scoped3A : memref<!tpu.dma_semaphore, #tpu.memory_space<semaphore_mem>>)
        %dma_wait3A_322 = arith.constant 0 : i32
        %dma_wait3A_323 = arith.constant 0 : i32
        %dma_wait3A_324 = tpu.memref_slice %arg17[%dma_wait3A_322, %dma_wait3A_323] : memref<512x16xf32, #tpu.memory_space<vmem>> -> memref<400x16xf32, #tpu.memory_space<vmem>>
        %dma_wait3A_325 = arith.constant 0 : i32
        %dma_wait3A_326 = tpu.memref_slice %arg7[%multiple_of3A_307, %dma_wait3A_325] : memref<100000x16xf32, #tpu.memory_space<vmem_shared>> -> memref<400x16xf32, #tpu.memory_space<vmem_shared>>
        %dma_wait3A_327 = arith.constant 0 : i32
        %dma_wait3A_328 = arith.constant 0 : i32
        %dma_wait3A_329 = tpu.memref_slice %arg17[%dma_wait3A_327, %dma_wait3A_328] : memref<512x16xf32, #tpu.memory_space<vmem>> -> memref<400x16xf32, #tpu.memory_space<vmem>>
        %dma_wait3A_330 = arith.constant 0 : i32
        %dma_wait3A_331 = tpu.memref_slice %arg7[%multiple_of3A_307, %dma_wait3A_330] : memref<100000x16xf32, #tpu.memory_space<vmem_shared>> -> memref<400x16xf32, #tpu.memory_space<vmem_shared>>
        tpu.wait_dma2 semaphore(%run_scoped3A : memref<!tpu.dma_semaphore, #tpu.memory_space<semaphore_mem>>) src(%dma_wait3A_331 : memref<400x16xf32, #tpu.memory_space<vmem_shared>>) dst(%dma_wait3A_329 : memref<400x16xf32, #tpu.memory_space<vmem>>)
        tpu.yield
      }) : () -> ()
      "tpu.region"() ({
        %run_scoped3A = tpu.sem_alloc : memref<!tpu.dma_semaphore, #tpu.memory_space<semaphore_mem>>
        %dma_start3A_312 = arith.constant 0 : i32
        %dma_start3A_313 = arith.constant 0 : i32
        %dma_start3A_314 = tpu.memref_slice %arg17[%dma_start3A_312, %dma_start3A_313] : memref<512x16xf32, #tpu.memory_space<vmem>> -> memref<400x16xf32, #tpu.memory_space<vmem>>
        %dma_start3A_315 = arith.constant 0 : i32
        %dma_start3A_316 = tpu.memref_slice %arg5[%arg0, %multiple_of3A_307, %dma_start3A_315] : memref<2x100000x16xf32, #tpu.memory_space<hbm>> -> memref<1x400x16xf32, #tpu.memory_space<hbm>>
        %dma_start3A_317 = tpu.memref_squeeze %dma_start3A_316 : memref<1x400x16xf32, #tpu.memory_space<hbm>> -> memref<400x16xf32, #tpu.memory_space<hbm>>
        %dma_start3A_318 = arith.constant 0 : i32
        %dma_start3A_319 = tpu.memref_slice %arg5[%arg0, %multiple_of3A_307, %dma_start3A_318] : memref<2x100000x16xf32, #tpu.memory_space<hbm>> -> memref<1x400x16xf32, #tpu.memory_space<hbm>>
        %dma_start3A_320 = tpu.memref_squeeze %dma_start3A_319 : memref<1x400x16xf32, #tpu.memory_space<hbm>> -> memref<400x16xf32, #tpu.memory_space<hbm>>
        %dma_start3A_321 = arith.constant 0 : i32
        %dma_start3A_322 = arith.constant 0 : i32
        %dma_start3A_323 = tpu.memref_slice %arg17[%dma_start3A_321, %dma_start3A_322] : memref<512x16xf32, #tpu.memory_space<vmem>> -> memref<400x16xf32, #tpu.memory_space<vmem>>
        tpu.enqueue_dma source(%dma_start3A_323 : memref<400x16xf32, #tpu.memory_space<vmem>>) target(%dma_start3A_320 : memref<400x16xf32, #tpu.memory_space<hbm>>) target_semaphore(%run_scoped3A : memref<!tpu.dma_semaphore, #tpu.memory_space<semaphore_mem>>)
        %dma_wait3A_324 = arith.constant 0 : i32
        %dma_wait3A_325 = arith.constant 0 : i32
        %dma_wait3A_326 = tpu.memref_slice %arg17[%dma_wait3A_324, %dma_wait3A_325] : memref<512x16xf32, #tpu.memory_space<vmem>> -> memref<400x16xf32, #tpu.memory_space<vmem>>
        %dma_wait3A_327 = arith.constant 0 : i32
        %dma_wait3A_328 = tpu.memref_slice %arg5[%arg0, %multiple_of3A_307, %dma_wait3A_327] : memref<2x100000x16xf32, #tpu.memory_space<hbm>> -> memref<1x400x16xf32, #tpu.memory_space<hbm>>
        %dma_wait3A_329 = tpu.memref_squeeze %dma_wait3A_328 : memref<1x400x16xf32, #tpu.memory_space<hbm>> -> memref<400x16xf32, #tpu.memory_space<hbm>>
        %dma_wait3A_330 = arith.constant 0 : i32
        %dma_wait3A_331 = tpu.memref_slice %arg5[%arg0, %multiple_of3A_307, %dma_wait3A_330] : memref<2x100000x16xf32, #tpu.memory_space<hbm>> -> memref<1x400x16xf32, #tpu.memory_space<hbm>>
        %dma_wait3A_332 = tpu.memref_squeeze %dma_wait3A_331 : memref<1x400x16xf32, #tpu.memory_space<hbm>> -> memref<400x16xf32, #tpu.memory_space<hbm>>
        %dma_wait3A_333 = arith.constant 0 : i32
        %dma_wait3A_334 = arith.constant 0 : i32
        %dma_wait3A_335 = tpu.memref_slice %arg17[%dma_wait3A_333, %dma_wait3A_334] : memref<512x16xf32, #tpu.memory_space<vmem>> -> memref<400x16xf32, #tpu.memory_space<vmem>>
        tpu.wait_dma2 semaphore(%run_scoped3A : memref<!tpu.dma_semaphore, #tpu.memory_space<semaphore_mem>>) src(%dma_wait3A_335 : memref<400x16xf32, #tpu.memory_space<vmem>>) dst(%dma_wait3A_332 : memref<400x16xf32, #tpu.memory_space<hbm>>)
        tpu.yield
      }) : () -> ()
      "tpu.region"() ({
        %run_scoped3A = tpu.sem_alloc : memref<!tpu.dma_semaphore, #tpu.memory_space<semaphore_mem>>
        %dma_start3A_312 = tpu.memref_slice %arg8[%multiple_of3A_307] : memref<100000xf32, #tpu.memory_space<vmem_shared>> -> memref<400xf32, #tpu.memory_space<vmem_shared>>
        %dma_start3A_313 = tpu.memref_slice %arg8[%multiple_of3A_307] : memref<100000xf32, #tpu.memory_space<vmem_shared>> -> memref<400xf32, #tpu.memory_space<vmem_shared>>
        tpu.enqueue_dma source(%dma_start3A_313 : memref<400xf32, #tpu.memory_space<vmem_shared>>) target(%arg20 : memref<400xf32, #tpu.memory_space<vmem>>) target_semaphore(%run_scoped3A : memref<!tpu.dma_semaphore, #tpu.memory_space<semaphore_mem>>)
        %dma_wait3A_314 = tpu.memref_slice %arg8[%multiple_of3A_307] : memref<100000xf32, #tpu.memory_space<vmem_shared>> -> memref<400xf32, #tpu.memory_space<vmem_shared>>
        %dma_wait3A_315 = tpu.memref_slice %arg8[%multiple_of3A_307] : memref<100000xf32, #tpu.memory_space<vmem_shared>> -> memref<400xf32, #tpu.memory_space<vmem_shared>>
        tpu.wait_dma2 semaphore(%run_scoped3A : memref<!tpu.dma_semaphore, #tpu.memory_space<semaphore_mem>>) src(%dma_wait3A_315 : memref<400xf32, #tpu.memory_space<vmem_shared>>) dst(%arg20 : memref<400xf32, #tpu.memory_space<vmem>>)
        tpu.yield
      }) : () -> ()
      %mul3A_308 = arith.constant 100000 : i32
      %mul3A_309 = arith.muli %arg0, %mul3A_308 : i32
      %add3A_310 = arith.addi %mul3A_309, %multiple_of3A_307 : i32
      %multiple_of3A_311 = tpu.assume_multiple %add3A_310, 8 : i32
      "tpu.region"() ({
        %run_scoped3A = tpu.sem_alloc : memref<!tpu.dma_semaphore, #tpu.memory_space<semaphore_mem>>
        %dma_start3A_312 = tpu.memref_slice %arg6[%multiple_of3A_311] : memref<200000xf32, #tpu.memory_space<hbm>> -> memref<400xf32, #tpu.memory_space<hbm>>
        %dma_start3A_313 = tpu.memref_slice %arg6[%multiple_of3A_311] : memref<200000xf32, #tpu.memory_space<hbm>> -> memref<400xf32, #tpu.memory_space<hbm>>
        tpu.enqueue_dma source(%arg20 : memref<400xf32, #tpu.memory_space<vmem>>) target(%dma_start3A_313 : memref<400xf32, #tpu.memory_space<hbm>>) target_semaphore(%run_scoped3A : memref<!tpu.dma_semaphore, #tpu.memory_space<semaphore_mem>>)
        %dma_wait3A_314 = tpu.memref_slice %arg6[%multiple_of3A_311] : memref<200000xf32, #tpu.memory_space<hbm>> -> memref<400xf32, #tpu.memory_space<hbm>>
        %dma_wait3A_315 = tpu.memref_slice %arg6[%multiple_of3A_311] : memref<200000xf32, #tpu.memory_space<hbm>> -> memref<400xf32, #tpu.memory_space<hbm>>
        tpu.wait_dma2 semaphore(%run_scoped3A : memref<!tpu.dma_semaphore, #tpu.memory_space<semaphore_mem>>) src(%arg20 : memref<400xf32, #tpu.memory_space<vmem>>) dst(%dma_wait3A_315 : memref<400xf32, #tpu.memory_space<hbm>>)
        tpu.yield
      }) : () -> ()
    } else {
    }
    %add3A_214 = arith.constant 48 : i32
    %add3A_215 = arith.addi %arg1, %add3A_214 : i32
    %lt3A_216 = arith.constant 250 : i32
    %lt3A_217 = arith.cmpi slt, %add3A_215, %lt3A_216 : i32
    %convert_element_type3A_218 = arith.extui %lt3A_217 : i1 to i32
    %cond3A_219 = arith.constant 0 : i32
    %cond3A_220 = arith.cmpi ne, %convert_element_type3A_218, %cond3A_219 : i32
    scf.if %cond3A_220 {
      %mul3A_305 = arith.constant 400 : i32
      %mul3A_306 = arith.muli %add3A_215, %mul3A_305 : i32
      %multiple_of3A_307 = tpu.assume_multiple %mul3A_306, 8 : i32
      "tpu.region"() ({
        %run_scoped3A = tpu.sem_alloc : memref<!tpu.dma_semaphore, #tpu.memory_space<semaphore_mem>>
        %dma_start3A_312 = arith.constant 0 : i32
        %dma_start3A_313 = arith.constant 0 : i32
        %dma_start3A_314 = tpu.memref_slice %arg17[%dma_start3A_312, %dma_start3A_313] : memref<512x16xf32, #tpu.memory_space<vmem>> -> memref<400x16xf32, #tpu.memory_space<vmem>>
        %dma_start3A_315 = arith.constant 0 : i32
        %dma_start3A_316 = tpu.memref_slice %arg7[%multiple_of3A_307, %dma_start3A_315] : memref<100000x16xf32, #tpu.memory_space<vmem_shared>> -> memref<400x16xf32, #tpu.memory_space<vmem_shared>>
        %dma_start3A_317 = arith.constant 0 : i32
        %dma_start3A_318 = arith.constant 0 : i32
        %dma_start3A_319 = tpu.memref_slice %arg17[%dma_start3A_317, %dma_start3A_318] : memref<512x16xf32, #tpu.memory_space<vmem>> -> memref<400x16xf32, #tpu.memory_space<vmem>>
        %dma_start3A_320 = arith.constant 0 : i32
        %dma_start3A_321 = tpu.memref_slice %arg7[%multiple_of3A_307, %dma_start3A_320] : memref<100000x16xf32, #tpu.memory_space<vmem_shared>> -> memref<400x16xf32, #tpu.memory_space<vmem_shared>>
        tpu.enqueue_dma source(%dma_start3A_321 : memref<400x16xf32, #tpu.memory_space<vmem_shared>>) target(%dma_start3A_319 : memref<400x16xf32, #tpu.memory_space<vmem>>) target_semaphore(%run_scoped3A : memref<!tpu.dma_semaphore, #tpu.memory_space<semaphore_mem>>)
        %dma_wait3A_322 = arith.constant 0 : i32
        %dma_wait3A_323 = arith.constant 0 : i32
        %dma_wait3A_324 = tpu.memref_slice %arg17[%dma_wait3A_322, %dma_wait3A_323] : memref<512x16xf32, #tpu.memory_space<vmem>> -> memref<400x16xf32, #tpu.memory_space<vmem>>
        %dma_wait3A_325 = arith.constant 0 : i32
        %dma_wait3A_326 = tpu.memref_slice %arg7[%multiple_of3A_307, %dma_wait3A_325] : memref<100000x16xf32, #tpu.memory_space<vmem_shared>> -> memref<400x16xf32, #tpu.memory_space<vmem_shared>>
        %dma_wait3A_327 = arith.constant 0 : i32
        %dma_wait3A_328 = arith.constant 0 : i32
        %dma_wait3A_329 = tpu.memref_slice %arg17[%dma_wait3A_327, %dma_wait3A_328] : memref<512x16xf32, #tpu.memory_space<vmem>> -> memref<400x16xf32, #tpu.memory_space<vmem>>
        %dma_wait3A_330 = arith.constant 0 : i32
        %dma_wait3A_331 = tpu.memref_slice %arg7[%multiple_of3A_307, %dma_wait3A_330] : memref<100000x16xf32, #tpu.memory_space<vmem_shared>> -> memref<400x16xf32, #tpu.memory_space<vmem_shared>>
        tpu.wait_dma2 semaphore(%run_scoped3A : memref<!tpu.dma_semaphore, #tpu.memory_space<semaphore_mem>>) src(%dma_wait3A_331 : memref<400x16xf32, #tpu.memory_space<vmem_shared>>) dst(%dma_wait3A_329 : memref<400x16xf32, #tpu.memory_space<vmem>>)
        tpu.yield
      }) : () -> ()
      "tpu.region"() ({
        %run_scoped3A = tpu.sem_alloc : memref<!tpu.dma_semaphore, #tpu.memory_space<semaphore_mem>>
        %dma_start3A_312 = arith.constant 0 : i32
        %dma_start3A_313 = arith.constant 0 : i32
        %dma_start3A_314 = tpu.memref_slice %arg17[%dma_start3A_312, %dma_start3A_313] : memref<512x16xf32, #tpu.memory_space<vmem>> -> memref<400x16xf32, #tpu.memory_space<vmem>>
        %dma_start3A_315 = arith.constant 0 : i32
        %dma_start3A_316 = tpu.memref_slice %arg5[%arg0, %multiple_of3A_307, %dma_start3A_315] : memref<2x100000x16xf32, #tpu.memory_space<hbm>> -> memref<1x400x16xf32, #tpu.memory_space<hbm>>
        %dma_start3A_317 = tpu.memref_squeeze %dma_start3A_316 : memref<1x400x16xf32, #tpu.memory_space<hbm>> -> memref<400x16xf32, #tpu.memory_space<hbm>>
        %dma_start3A_318 = arith.constant 0 : i32
        %dma_start3A_319 = tpu.memref_slice %arg5[%arg0, %multiple_of3A_307, %dma_start3A_318] : memref<2x100000x16xf32, #tpu.memory_space<hbm>> -> memref<1x400x16xf32, #tpu.memory_space<hbm>>
        %dma_start3A_320 = tpu.memref_squeeze %dma_start3A_319 : memref<1x400x16xf32, #tpu.memory_space<hbm>> -> memref<400x16xf32, #tpu.memory_space<hbm>>
        %dma_start3A_321 = arith.constant 0 : i32
        %dma_start3A_322 = arith.constant 0 : i32
        %dma_start3A_323 = tpu.memref_slice %arg17[%dma_start3A_321, %dma_start3A_322] : memref<512x16xf32, #tpu.memory_space<vmem>> -> memref<400x16xf32, #tpu.memory_space<vmem>>
        tpu.enqueue_dma source(%dma_start3A_323 : memref<400x16xf32, #tpu.memory_space<vmem>>) target(%dma_start3A_320 : memref<400x16xf32, #tpu.memory_space<hbm>>) target_semaphore(%run_scoped3A : memref<!tpu.dma_semaphore, #tpu.memory_space<semaphore_mem>>)
        %dma_wait3A_324 = arith.constant 0 : i32
        %dma_wait3A_325 = arith.constant 0 : i32
        %dma_wait3A_326 = tpu.memref_slice %arg17[%dma_wait3A_324, %dma_wait3A_325] : memref<512x16xf32, #tpu.memory_space<vmem>> -> memref<400x16xf32, #tpu.memory_space<vmem>>
        %dma_wait3A_327 = arith.constant 0 : i32
        %dma_wait3A_328 = tpu.memref_slice %arg5[%arg0, %multiple_of3A_307, %dma_wait3A_327] : memref<2x100000x16xf32, #tpu.memory_space<hbm>> -> memref<1x400x16xf32, #tpu.memory_space<hbm>>
        %dma_wait3A_329 = tpu.memref_squeeze %dma_wait3A_328 : memref<1x400x16xf32, #tpu.memory_space<hbm>> -> memref<400x16xf32, #tpu.memory_space<hbm>>
        %dma_wait3A_330 = arith.constant 0 : i32
        %dma_wait3A_331 = tpu.memref_slice %arg5[%arg0, %multiple_of3A_307, %dma_wait3A_330] : memref<2x100000x16xf32, #tpu.memory_space<hbm>> -> memref<1x400x16xf32, #tpu.memory_space<hbm>>
        %dma_wait3A_332 = tpu.memref_squeeze %dma_wait3A_331 : memref<1x400x16xf32, #tpu.memory_space<hbm>> -> memref<400x16xf32, #tpu.memory_space<hbm>>
        %dma_wait3A_333 = arith.constant 0 : i32
        %dma_wait3A_334 = arith.constant 0 : i32
        %dma_wait3A_335 = tpu.memref_slice %arg17[%dma_wait3A_333, %dma_wait3A_334] : memref<512x16xf32, #tpu.memory_space<vmem>> -> memref<400x16xf32, #tpu.memory_space<vmem>>
        tpu.wait_dma2 semaphore(%run_scoped3A : memref<!tpu.dma_semaphore, #tpu.memory_space<semaphore_mem>>) src(%dma_wait3A_335 : memref<400x16xf32, #tpu.memory_space<vmem>>) dst(%dma_wait3A_332 : memref<400x16xf32, #tpu.memory_space<hbm>>)
        tpu.yield
      }) : () -> ()
      "tpu.region"() ({
        %run_scoped3A = tpu.sem_alloc : memref<!tpu.dma_semaphore, #tpu.memory_space<semaphore_mem>>
        %dma_start3A_312 = tpu.memref_slice %arg8[%multiple_of3A_307] : memref<100000xf32, #tpu.memory_space<vmem_shared>> -> memref<400xf32, #tpu.memory_space<vmem_shared>>
        %dma_start3A_313 = tpu.memref_slice %arg8[%multiple_of3A_307] : memref<100000xf32, #tpu.memory_space<vmem_shared>> -> memref<400xf32, #tpu.memory_space<vmem_shared>>
        tpu.enqueue_dma source(%dma_start3A_313 : memref<400xf32, #tpu.memory_space<vmem_shared>>) target(%arg20 : memref<400xf32, #tpu.memory_space<vmem>>) target_semaphore(%run_scoped3A : memref<!tpu.dma_semaphore, #tpu.memory_space<semaphore_mem>>)
        %dma_wait3A_314 = tpu.memref_slice %arg8[%multiple_of3A_307] : memref<100000xf32, #tpu.memory_space<vmem_shared>> -> memref<400xf32, #tpu.memory_space<vmem_shared>>
        %dma_wait3A_315 = tpu.memref_slice %arg8[%multiple_of3A_307] : memref<100000xf32, #tpu.memory_space<vmem_shared>> -> memref<400xf32, #tpu.memory_space<vmem_shared>>
        tpu.wait_dma2 semaphore(%run_scoped3A : memref<!tpu.dma_semaphore, #tpu.memory_space<semaphore_mem>>) src(%dma_wait3A_315 : memref<400xf32, #tpu.memory_space<vmem_shared>>) dst(%arg20 : memref<400xf32, #tpu.memory_space<vmem>>)
        tpu.yield
      }) : () -> ()
      %mul3A_308 = arith.constant 100000 : i32
      %mul3A_309 = arith.muli %arg0, %mul3A_308 : i32
      %add3A_310 = arith.addi %mul3A_309, %multiple_of3A_307 : i32
      %multiple_of3A_311 = tpu.assume_multiple %add3A_310, 8 : i32
      "tpu.region"() ({
        %run_scoped3A = tpu.sem_alloc : memref<!tpu.dma_semaphore, #tpu.memory_space<semaphore_mem>>
        %dma_start3A_312 = tpu.memref_slice %arg6[%multiple_of3A_311] : memref<200000xf32, #tpu.memory_space<hbm>> -> memref<400xf32, #tpu.memory_space<hbm>>
        %dma_start3A_313 = tpu.memref_slice %arg6[%multiple_of3A_311] : memref<200000xf32, #tpu.memory_space<hbm>> -> memref<400xf32, #tpu.memory_space<hbm>>
        tpu.enqueue_dma source(%arg20 : memref<400xf32, #tpu.memory_space<vmem>>) target(%dma_start3A_313 : memref<400xf32, #tpu.memory_space<hbm>>) target_semaphore(%run_scoped3A : memref<!tpu.dma_semaphore, #tpu.memory_space<semaphore_mem>>)
        %dma_wait3A_314 = tpu.memref_slice %arg6[%multiple_of3A_311] : memref<200000xf32, #tpu.memory_space<hbm>> -> memref<400xf32, #tpu.memory_space<hbm>>
        %dma_wait3A_315 = tpu.memref_slice %arg6[%multiple_of3A_311] : memref<200000xf32, #tpu.memory_space<hbm>> -> memref<400xf32, #tpu.memory_space<hbm>>
        tpu.wait_dma2 semaphore(%run_scoped3A : memref<!tpu.dma_semaphore, #tpu.memory_space<semaphore_mem>>) src(%arg20 : memref<400xf32, #tpu.memory_space<vmem>>) dst(%dma_wait3A_315 : memref<400xf32, #tpu.memory_space<hbm>>)
        tpu.yield
      }) : () -> ()
    } else {
    }
    %add3A_221 = arith.constant 64 : i32
    %add3A_222 = arith.addi %arg1, %add3A_221 : i32
    %lt3A_223 = arith.constant 250 : i32
    %lt3A_224 = arith.cmpi slt, %add3A_222, %lt3A_223 : i32
    %convert_element_type3A_225 = arith.extui %lt3A_224 : i1 to i32
    %cond3A_226 = arith.constant 0 : i32
    %cond3A_227 = arith.cmpi ne, %convert_element_type3A_225, %cond3A_226 : i32
    scf.if %cond3A_227 {
      %mul3A_305 = arith.constant 400 : i32
      %mul3A_306 = arith.muli %add3A_222, %mul3A_305 : i32
      %multiple_of3A_307 = tpu.assume_multiple %mul3A_306, 8 : i32
      "tpu.region"() ({
        %run_scoped3A = tpu.sem_alloc : memref<!tpu.dma_semaphore, #tpu.memory_space<semaphore_mem>>
        %dma_start3A_312 = arith.constant 0 : i32
        %dma_start3A_313 = arith.constant 0 : i32
        %dma_start3A_314 = tpu.memref_slice %arg17[%dma_start3A_312, %dma_start3A_313] : memref<512x16xf32, #tpu.memory_space<vmem>> -> memref<400x16xf32, #tpu.memory_space<vmem>>
        %dma_start3A_315 = arith.constant 0 : i32
        %dma_start3A_316 = tpu.memref_slice %arg7[%multiple_of3A_307, %dma_start3A_315] : memref<100000x16xf32, #tpu.memory_space<vmem_shared>> -> memref<400x16xf32, #tpu.memory_space<vmem_shared>>
        %dma_start3A_317 = arith.constant 0 : i32
        %dma_start3A_318 = arith.constant 0 : i32
        %dma_start3A_319 = tpu.memref_slice %arg17[%dma_start3A_317, %dma_start3A_318] : memref<512x16xf32, #tpu.memory_space<vmem>> -> memref<400x16xf32, #tpu.memory_space<vmem>>
        %dma_start3A_320 = arith.constant 0 : i32
        %dma_start3A_321 = tpu.memref_slice %arg7[%multiple_of3A_307, %dma_start3A_320] : memref<100000x16xf32, #tpu.memory_space<vmem_shared>> -> memref<400x16xf32, #tpu.memory_space<vmem_shared>>
        tpu.enqueue_dma source(%dma_start3A_321 : memref<400x16xf32, #tpu.memory_space<vmem_shared>>) target(%dma_start3A_319 : memref<400x16xf32, #tpu.memory_space<vmem>>) target_semaphore(%run_scoped3A : memref<!tpu.dma_semaphore, #tpu.memory_space<semaphore_mem>>)
        %dma_wait3A_322 = arith.constant 0 : i32
        %dma_wait3A_323 = arith.constant 0 : i32
        %dma_wait3A_324 = tpu.memref_slice %arg17[%dma_wait3A_322, %dma_wait3A_323] : memref<512x16xf32, #tpu.memory_space<vmem>> -> memref<400x16xf32, #tpu.memory_space<vmem>>
        %dma_wait3A_325 = arith.constant 0 : i32
        %dma_wait3A_326 = tpu.memref_slice %arg7[%multiple_of3A_307, %dma_wait3A_325] : memref<100000x16xf32, #tpu.memory_space<vmem_shared>> -> memref<400x16xf32, #tpu.memory_space<vmem_shared>>
        %dma_wait3A_327 = arith.constant 0 : i32
        %dma_wait3A_328 = arith.constant 0 : i32
        %dma_wait3A_329 = tpu.memref_slice %arg17[%dma_wait3A_327, %dma_wait3A_328] : memref<512x16xf32, #tpu.memory_space<vmem>> -> memref<400x16xf32, #tpu.memory_space<vmem>>
        %dma_wait3A_330 = arith.constant 0 : i32
        %dma_wait3A_331 = tpu.memref_slice %arg7[%multiple_of3A_307, %dma_wait3A_330] : memref<100000x16xf32, #tpu.memory_space<vmem_shared>> -> memref<400x16xf32, #tpu.memory_space<vmem_shared>>
        tpu.wait_dma2 semaphore(%run_scoped3A : memref<!tpu.dma_semaphore, #tpu.memory_space<semaphore_mem>>) src(%dma_wait3A_331 : memref<400x16xf32, #tpu.memory_space<vmem_shared>>) dst(%dma_wait3A_329 : memref<400x16xf32, #tpu.memory_space<vmem>>)
        tpu.yield
      }) : () -> ()
      "tpu.region"() ({
        %run_scoped3A = tpu.sem_alloc : memref<!tpu.dma_semaphore, #tpu.memory_space<semaphore_mem>>
        %dma_start3A_312 = arith.constant 0 : i32
        %dma_start3A_313 = arith.constant 0 : i32
        %dma_start3A_314 = tpu.memref_slice %arg17[%dma_start3A_312, %dma_start3A_313] : memref<512x16xf32, #tpu.memory_space<vmem>> -> memref<400x16xf32, #tpu.memory_space<vmem>>
        %dma_start3A_315 = arith.constant 0 : i32
        %dma_start3A_316 = tpu.memref_slice %arg5[%arg0, %multiple_of3A_307, %dma_start3A_315] : memref<2x100000x16xf32, #tpu.memory_space<hbm>> -> memref<1x400x16xf32, #tpu.memory_space<hbm>>
        %dma_start3A_317 = tpu.memref_squeeze %dma_start3A_316 : memref<1x400x16xf32, #tpu.memory_space<hbm>> -> memref<400x16xf32, #tpu.memory_space<hbm>>
        %dma_start3A_318 = arith.constant 0 : i32
        %dma_start3A_319 = tpu.memref_slice %arg5[%arg0, %multiple_of3A_307, %dma_start3A_318] : memref<2x100000x16xf32, #tpu.memory_space<hbm>> -> memref<1x400x16xf32, #tpu.memory_space<hbm>>
        %dma_start3A_320 = tpu.memref_squeeze %dma_start3A_319 : memref<1x400x16xf32, #tpu.memory_space<hbm>> -> memref<400x16xf32, #tpu.memory_space<hbm>>
        %dma_start3A_321 = arith.constant 0 : i32
        %dma_start3A_322 = arith.constant 0 : i32
        %dma_start3A_323 = tpu.memref_slice %arg17[%dma_start3A_321, %dma_start3A_322] : memref<512x16xf32, #tpu.memory_space<vmem>> -> memref<400x16xf32, #tpu.memory_space<vmem>>
        tpu.enqueue_dma source(%dma_start3A_323 : memref<400x16xf32, #tpu.memory_space<vmem>>) target(%dma_start3A_320 : memref<400x16xf32, #tpu.memory_space<hbm>>) target_semaphore(%run_scoped3A : memref<!tpu.dma_semaphore, #tpu.memory_space<semaphore_mem>>)
        %dma_wait3A_324 = arith.constant 0 : i32
        %dma_wait3A_325 = arith.constant 0 : i32
        %dma_wait3A_326 = tpu.memref_slice %arg17[%dma_wait3A_324, %dma_wait3A_325] : memref<512x16xf32, #tpu.memory_space<vmem>> -> memref<400x16xf32, #tpu.memory_space<vmem>>
        %dma_wait3A_327 = arith.constant 0 : i32
        %dma_wait3A_328 = tpu.memref_slice %arg5[%arg0, %multiple_of3A_307, %dma_wait3A_327] : memref<2x100000x16xf32, #tpu.memory_space<hbm>> -> memref<1x400x16xf32, #tpu.memory_space<hbm>>
        %dma_wait3A_329 = tpu.memref_squeeze %dma_wait3A_328 : memref<1x400x16xf32, #tpu.memory_space<hbm>> -> memref<400x16xf32, #tpu.memory_space<hbm>>
        %dma_wait3A_330 = arith.constant 0 : i32
        %dma_wait3A_331 = tpu.memref_slice %arg5[%arg0, %multiple_of3A_307, %dma_wait3A_330] : memref<2x100000x16xf32, #tpu.memory_space<hbm>> -> memref<1x400x16xf32, #tpu.memory_space<hbm>>
        %dma_wait3A_332 = tpu.memref_squeeze %dma_wait3A_331 : memref<1x400x16xf32, #tpu.memory_space<hbm>> -> memref<400x16xf32, #tpu.memory_space<hbm>>
        %dma_wait3A_333 = arith.constant 0 : i32
        %dma_wait3A_334 = arith.constant 0 : i32
        %dma_wait3A_335 = tpu.memref_slice %arg17[%dma_wait3A_333, %dma_wait3A_334] : memref<512x16xf32, #tpu.memory_space<vmem>> -> memref<400x16xf32, #tpu.memory_space<vmem>>
        tpu.wait_dma2 semaphore(%run_scoped3A : memref<!tpu.dma_semaphore, #tpu.memory_space<semaphore_mem>>) src(%dma_wait3A_335 : memref<400x16xf32, #tpu.memory_space<vmem>>) dst(%dma_wait3A_332 : memref<400x16xf32, #tpu.memory_space<hbm>>)
        tpu.yield
      }) : () -> ()
      "tpu.region"() ({
        %run_scoped3A = tpu.sem_alloc : memref<!tpu.dma_semaphore, #tpu.memory_space<semaphore_mem>>
        %dma_start3A_312 = tpu.memref_slice %arg8[%multiple_of3A_307] : memref<100000xf32, #tpu.memory_space<vmem_shared>> -> memref<400xf32, #tpu.memory_space<vmem_shared>>
        %dma_start3A_313 = tpu.memref_slice %arg8[%multiple_of3A_307] : memref<100000xf32, #tpu.memory_space<vmem_shared>> -> memref<400xf32, #tpu.memory_space<vmem_shared>>
        tpu.enqueue_dma source(%dma_start3A_313 : memref<400xf32, #tpu.memory_space<vmem_shared>>) target(%arg20 : memref<400xf32, #tpu.memory_space<vmem>>) target_semaphore(%run_scoped3A : memref<!tpu.dma_semaphore, #tpu.memory_space<semaphore_mem>>)
        %dma_wait3A_314 = tpu.memref_slice %arg8[%multiple_of3A_307] : memref<100000xf32, #tpu.memory_space<vmem_shared>> -> memref<400xf32, #tpu.memory_space<vmem_shared>>
        %dma_wait3A_315 = tpu.memref_slice %arg8[%multiple_of3A_307] : memref<100000xf32, #tpu.memory_space<vmem_shared>> -> memref<400xf32, #tpu.memory_space<vmem_shared>>
        tpu.wait_dma2 semaphore(%run_scoped3A : memref<!tpu.dma_semaphore, #tpu.memory_space<semaphore_mem>>) src(%dma_wait3A_315 : memref<400xf32, #tpu.memory_space<vmem_shared>>) dst(%arg20 : memref<400xf32, #tpu.memory_space<vmem>>)
        tpu.yield
      }) : () -> ()
      %mul3A_308 = arith.constant 100000 : i32
      %mul3A_309 = arith.muli %arg0, %mul3A_308 : i32
      %add3A_310 = arith.addi %mul3A_309, %multiple_of3A_307 : i32
      %multiple_of3A_311 = tpu.assume_multiple %add3A_310, 8 : i32
      "tpu.region"() ({
        %run_scoped3A = tpu.sem_alloc : memref<!tpu.dma_semaphore, #tpu.memory_space<semaphore_mem>>
        %dma_start3A_312 = tpu.memref_slice %arg6[%multiple_of3A_311] : memref<200000xf32, #tpu.memory_space<hbm>> -> memref<400xf32, #tpu.memory_space<hbm>>
        %dma_start3A_313 = tpu.memref_slice %arg6[%multiple_of3A_311] : memref<200000xf32, #tpu.memory_space<hbm>> -> memref<400xf32, #tpu.memory_space<hbm>>
        tpu.enqueue_dma source(%arg20 : memref<400xf32, #tpu.memory_space<vmem>>) target(%dma_start3A_313 : memref<400xf32, #tpu.memory_space<hbm>>) target_semaphore(%run_scoped3A : memref<!tpu.dma_semaphore, #tpu.memory_space<semaphore_mem>>)
        %dma_wait3A_314 = tpu.memref_slice %arg6[%multiple_of3A_311] : memref<200000xf32, #tpu.memory_space<hbm>> -> memref<400xf32, #tpu.memory_space<hbm>>
        %dma_wait3A_315 = tpu.memref_slice %arg6[%multiple_of3A_311] : memref<200000xf32, #tpu.memory_space<hbm>> -> memref<400xf32, #tpu.memory_space<hbm>>
        tpu.wait_dma2 semaphore(%run_scoped3A : memref<!tpu.dma_semaphore, #tpu.memory_space<semaphore_mem>>) src(%arg20 : memref<400xf32, #tpu.memory_space<vmem>>) dst(%dma_wait3A_315 : memref<400xf32, #tpu.memory_space<hbm>>)
        tpu.yield
      }) : () -> ()
    } else {
    }
    %add3A_228 = arith.constant 80 : i32
    %add3A_229 = arith.addi %arg1, %add3A_228 : i32
    %lt3A_230 = arith.constant 250 : i32
    %lt3A_231 = arith.cmpi slt, %add3A_229, %lt3A_230 : i32
    %convert_element_type3A_232 = arith.extui %lt3A_231 : i1 to i32
    %cond3A_233 = arith.constant 0 : i32
    %cond3A_234 = arith.cmpi ne, %convert_element_type3A_232, %cond3A_233 : i32
    scf.if %cond3A_234 {
      %mul3A_305 = arith.constant 400 : i32
      %mul3A_306 = arith.muli %add3A_229, %mul3A_305 : i32
      %multiple_of3A_307 = tpu.assume_multiple %mul3A_306, 8 : i32
      "tpu.region"() ({
        %run_scoped3A = tpu.sem_alloc : memref<!tpu.dma_semaphore, #tpu.memory_space<semaphore_mem>>
        %dma_start3A_312 = arith.constant 0 : i32
        %dma_start3A_313 = arith.constant 0 : i32
        %dma_start3A_314 = tpu.memref_slice %arg17[%dma_start3A_312, %dma_start3A_313] : memref<512x16xf32, #tpu.memory_space<vmem>> -> memref<400x16xf32, #tpu.memory_space<vmem>>
        %dma_start3A_315 = arith.constant 0 : i32
        %dma_start3A_316 = tpu.memref_slice %arg7[%multiple_of3A_307, %dma_start3A_315] : memref<100000x16xf32, #tpu.memory_space<vmem_shared>> -> memref<400x16xf32, #tpu.memory_space<vmem_shared>>
        %dma_start3A_317 = arith.constant 0 : i32
        %dma_start3A_318 = arith.constant 0 : i32
        %dma_start3A_319 = tpu.memref_slice %arg17[%dma_start3A_317, %dma_start3A_318] : memref<512x16xf32, #tpu.memory_space<vmem>> -> memref<400x16xf32, #tpu.memory_space<vmem>>
        %dma_start3A_320 = arith.constant 0 : i32
        %dma_start3A_321 = tpu.memref_slice %arg7[%multiple_of3A_307, %dma_start3A_320] : memref<100000x16xf32, #tpu.memory_space<vmem_shared>> -> memref<400x16xf32, #tpu.memory_space<vmem_shared>>
        tpu.enqueue_dma source(%dma_start3A_321 : memref<400x16xf32, #tpu.memory_space<vmem_shared>>) target(%dma_start3A_319 : memref<400x16xf32, #tpu.memory_space<vmem>>) target_semaphore(%run_scoped3A : memref<!tpu.dma_semaphore, #tpu.memory_space<semaphore_mem>>)
        %dma_wait3A_322 = arith.constant 0 : i32
        %dma_wait3A_323 = arith.constant 0 : i32
        %dma_wait3A_324 = tpu.memref_slice %arg17[%dma_wait3A_322, %dma_wait3A_323] : memref<512x16xf32, #tpu.memory_space<vmem>> -> memref<400x16xf32, #tpu.memory_space<vmem>>
        %dma_wait3A_325 = arith.constant 0 : i32
        %dma_wait3A_326 = tpu.memref_slice %arg7[%multiple_of3A_307, %dma_wait3A_325] : memref<100000x16xf32, #tpu.memory_space<vmem_shared>> -> memref<400x16xf32, #tpu.memory_space<vmem_shared>>
        %dma_wait3A_327 = arith.constant 0 : i32
        %dma_wait3A_328 = arith.constant 0 : i32
        %dma_wait3A_329 = tpu.memref_slice %arg17[%dma_wait3A_327, %dma_wait3A_328] : memref<512x16xf32, #tpu.memory_space<vmem>> -> memref<400x16xf32, #tpu.memory_space<vmem>>
        %dma_wait3A_330 = arith.constant 0 : i32
        %dma_wait3A_331 = tpu.memref_slice %arg7[%multiple_of3A_307, %dma_wait3A_330] : memref<100000x16xf32, #tpu.memory_space<vmem_shared>> -> memref<400x16xf32, #tpu.memory_space<vmem_shared>>
        tpu.wait_dma2 semaphore(%run_scoped3A : memref<!tpu.dma_semaphore, #tpu.memory_space<semaphore_mem>>) src(%dma_wait3A_331 : memref<400x16xf32, #tpu.memory_space<vmem_shared>>) dst(%dma_wait3A_329 : memref<400x16xf32, #tpu.memory_space<vmem>>)
        tpu.yield
      }) : () -> ()
      "tpu.region"() ({
        %run_scoped3A = tpu.sem_alloc : memref<!tpu.dma_semaphore, #tpu.memory_space<semaphore_mem>>
        %dma_start3A_312 = arith.constant 0 : i32
        %dma_start3A_313 = arith.constant 0 : i32
        %dma_start3A_314 = tpu.memref_slice %arg17[%dma_start3A_312, %dma_start3A_313] : memref<512x16xf32, #tpu.memory_space<vmem>> -> memref<400x16xf32, #tpu.memory_space<vmem>>
        %dma_start3A_315 = arith.constant 0 : i32
        %dma_start3A_316 = tpu.memref_slice %arg5[%arg0, %multiple_of3A_307, %dma_start3A_315] : memref<2x100000x16xf32, #tpu.memory_space<hbm>> -> memref<1x400x16xf32, #tpu.memory_space<hbm>>
        %dma_start3A_317 = tpu.memref_squeeze %dma_start3A_316 : memref<1x400x16xf32, #tpu.memory_space<hbm>> -> memref<400x16xf32, #tpu.memory_space<hbm>>
        %dma_start3A_318 = arith.constant 0 : i32
        %dma_start3A_319 = tpu.memref_slice %arg5[%arg0, %multiple_of3A_307, %dma_start3A_318] : memref<2x100000x16xf32, #tpu.memory_space<hbm>> -> memref<1x400x16xf32, #tpu.memory_space<hbm>>
        %dma_start3A_320 = tpu.memref_squeeze %dma_start3A_319 : memref<1x400x16xf32, #tpu.memory_space<hbm>> -> memref<400x16xf32, #tpu.memory_space<hbm>>
        %dma_start3A_321 = arith.constant 0 : i32
        %dma_start3A_322 = arith.constant 0 : i32
        %dma_start3A_323 = tpu.memref_slice %arg17[%dma_start3A_321, %dma_start3A_322] : memref<512x16xf32, #tpu.memory_space<vmem>> -> memref<400x16xf32, #tpu.memory_space<vmem>>
        tpu.enqueue_dma source(%dma_start3A_323 : memref<400x16xf32, #tpu.memory_space<vmem>>) target(%dma_start3A_320 : memref<400x16xf32, #tpu.memory_space<hbm>>) target_semaphore(%run_scoped3A : memref<!tpu.dma_semaphore, #tpu.memory_space<semaphore_mem>>)
        %dma_wait3A_324 = arith.constant 0 : i32
        %dma_wait3A_325 = arith.constant 0 : i32
        %dma_wait3A_326 = tpu.memref_slice %arg17[%dma_wait3A_324, %dma_wait3A_325] : memref<512x16xf32, #tpu.memory_space<vmem>> -> memref<400x16xf32, #tpu.memory_space<vmem>>
        %dma_wait3A_327 = arith.constant 0 : i32
        %dma_wait3A_328 = tpu.memref_slice %arg5[%arg0, %multiple_of3A_307, %dma_wait3A_327] : memref<2x100000x16xf32, #tpu.memory_space<hbm>> -> memref<1x400x16xf32, #tpu.memory_space<hbm>>
        %dma_wait3A_329 = tpu.memref_squeeze %dma_wait3A_328 : memref<1x400x16xf32, #tpu.memory_space<hbm>> -> memref<400x16xf32, #tpu.memory_space<hbm>>
        %dma_wait3A_330 = arith.constant 0 : i32
        %dma_wait3A_331 = tpu.memref_slice %arg5[%arg0, %multiple_of3A_307, %dma_wait3A_330] : memref<2x100000x16xf32, #tpu.memory_space<hbm>> -> memref<1x400x16xf32, #tpu.memory_space<hbm>>
        %dma_wait3A_332 = tpu.memref_squeeze %dma_wait3A_331 : memref<1x400x16xf32, #tpu.memory_space<hbm>> -> memref<400x16xf32, #tpu.memory_space<hbm>>
        %dma_wait3A_333 = arith.constant 0 : i32
        %dma_wait3A_334 = arith.constant 0 : i32
        %dma_wait3A_335 = tpu.memref_slice %arg17[%dma_wait3A_333, %dma_wait3A_334] : memref<512x16xf32, #tpu.memory_space<vmem>> -> memref<400x16xf32, #tpu.memory_space<vmem>>
        tpu.wait_dma2 semaphore(%run_scoped3A : memref<!tpu.dma_semaphore, #tpu.memory_space<semaphore_mem>>) src(%dma_wait3A_335 : memref<400x16xf32, #tpu.memory_space<vmem>>) dst(%dma_wait3A_332 : memref<400x16xf32, #tpu.memory_space<hbm>>)
        tpu.yield
      }) : () -> ()
      "tpu.region"() ({
        %run_scoped3A = tpu.sem_alloc : memref<!tpu.dma_semaphore, #tpu.memory_space<semaphore_mem>>
        %dma_start3A_312 = tpu.memref_slice %arg8[%multiple_of3A_307] : memref<100000xf32, #tpu.memory_space<vmem_shared>> -> memref<400xf32, #tpu.memory_space<vmem_shared>>
        %dma_start3A_313 = tpu.memref_slice %arg8[%multiple_of3A_307] : memref<100000xf32, #tpu.memory_space<vmem_shared>> -> memref<400xf32, #tpu.memory_space<vmem_shared>>
        tpu.enqueue_dma source(%dma_start3A_313 : memref<400xf32, #tpu.memory_space<vmem_shared>>) target(%arg20 : memref<400xf32, #tpu.memory_space<vmem>>) target_semaphore(%run_scoped3A : memref<!tpu.dma_semaphore, #tpu.memory_space<semaphore_mem>>)
        %dma_wait3A_314 = tpu.memref_slice %arg8[%multiple_of3A_307] : memref<100000xf32, #tpu.memory_space<vmem_shared>> -> memref<400xf32, #tpu.memory_space<vmem_shared>>
        %dma_wait3A_315 = tpu.memref_slice %arg8[%multiple_of3A_307] : memref<100000xf32, #tpu.memory_space<vmem_shared>> -> memref<400xf32, #tpu.memory_space<vmem_shared>>
        tpu.wait_dma2 semaphore(%run_scoped3A : memref<!tpu.dma_semaphore, #tpu.memory_space<semaphore_mem>>) src(%dma_wait3A_315 : memref<400xf32, #tpu.memory_space<vmem_shared>>) dst(%arg20 : memref<400xf32, #tpu.memory_space<vmem>>)
        tpu.yield
      }) : () -> ()
      %mul3A_308 = arith.constant 100000 : i32
      %mul3A_309 = arith.muli %arg0, %mul3A_308 : i32
      %add3A_310 = arith.addi %mul3A_309, %multiple_of3A_307 : i32
      %multiple_of3A_311 = tpu.assume_multiple %add3A_310, 8 : i32
      "tpu.region"() ({
        %run_scoped3A = tpu.sem_alloc : memref<!tpu.dma_semaphore, #tpu.memory_space<semaphore_mem>>
        %dma_start3A_312 = tpu.memref_slice %arg6[%multiple_of3A_311] : memref<200000xf32, #tpu.memory_space<hbm>> -> memref<400xf32, #tpu.memory_space<hbm>>
        %dma_start3A_313 = tpu.memref_slice %arg6[%multiple_of3A_311] : memref<200000xf32, #tpu.memory_space<hbm>> -> memref<400xf32, #tpu.memory_space<hbm>>
        tpu.enqueue_dma source(%arg20 : memref<400xf32, #tpu.memory_space<vmem>>) target(%dma_start3A_313 : memref<400xf32, #tpu.memory_space<hbm>>) target_semaphore(%run_scoped3A : memref<!tpu.dma_semaphore, #tpu.memory_space<semaphore_mem>>)
        %dma_wait3A_314 = tpu.memref_slice %arg6[%multiple_of3A_311] : memref<200000xf32, #tpu.memory_space<hbm>> -> memref<400xf32, #tpu.memory_space<hbm>>
        %dma_wait3A_315 = tpu.memref_slice %arg6[%multiple_of3A_311] : memref<200000xf32, #tpu.memory_space<hbm>> -> memref<400xf32, #tpu.memory_space<hbm>>
        tpu.wait_dma2 semaphore(%run_scoped3A : memref<!tpu.dma_semaphore, #tpu.memory_space<semaphore_mem>>) src(%arg20 : memref<400xf32, #tpu.memory_space<vmem>>) dst(%dma_wait3A_315 : memref<400xf32, #tpu.memory_space<hbm>>)
        tpu.yield
      }) : () -> ()
    } else {
    }
    %add3A_235 = arith.constant 96 : i32
    %add3A_236 = arith.addi %arg1, %add3A_235 : i32
    %lt3A_237 = arith.constant 250 : i32
    %lt3A_238 = arith.cmpi slt, %add3A_236, %lt3A_237 : i32
    %convert_element_type3A_239 = arith.extui %lt3A_238 : i1 to i32
    %cond3A_240 = arith.constant 0 : i32
    %cond3A_241 = arith.cmpi ne, %convert_element_type3A_239, %cond3A_240 : i32
    scf.if %cond3A_241 {
      %mul3A_305 = arith.constant 400 : i32
      %mul3A_306 = arith.muli %add3A_236, %mul3A_305 : i32
      %multiple_of3A_307 = tpu.assume_multiple %mul3A_306, 8 : i32
      "tpu.region"() ({
        %run_scoped3A = tpu.sem_alloc : memref<!tpu.dma_semaphore, #tpu.memory_space<semaphore_mem>>
        %dma_start3A_312 = arith.constant 0 : i32
        %dma_start3A_313 = arith.constant 0 : i32
        %dma_start3A_314 = tpu.memref_slice %arg17[%dma_start3A_312, %dma_start3A_313] : memref<512x16xf32, #tpu.memory_space<vmem>> -> memref<400x16xf32, #tpu.memory_space<vmem>>
        %dma_start3A_315 = arith.constant 0 : i32
        %dma_start3A_316 = tpu.memref_slice %arg7[%multiple_of3A_307, %dma_start3A_315] : memref<100000x16xf32, #tpu.memory_space<vmem_shared>> -> memref<400x16xf32, #tpu.memory_space<vmem_shared>>
        %dma_start3A_317 = arith.constant 0 : i32
        %dma_start3A_318 = arith.constant 0 : i32
        %dma_start3A_319 = tpu.memref_slice %arg17[%dma_start3A_317, %dma_start3A_318] : memref<512x16xf32, #tpu.memory_space<vmem>> -> memref<400x16xf32, #tpu.memory_space<vmem>>
        %dma_start3A_320 = arith.constant 0 : i32
        %dma_start3A_321 = tpu.memref_slice %arg7[%multiple_of3A_307, %dma_start3A_320] : memref<100000x16xf32, #tpu.memory_space<vmem_shared>> -> memref<400x16xf32, #tpu.memory_space<vmem_shared>>
        tpu.enqueue_dma source(%dma_start3A_321 : memref<400x16xf32, #tpu.memory_space<vmem_shared>>) target(%dma_start3A_319 : memref<400x16xf32, #tpu.memory_space<vmem>>) target_semaphore(%run_scoped3A : memref<!tpu.dma_semaphore, #tpu.memory_space<semaphore_mem>>)
        %dma_wait3A_322 = arith.constant 0 : i32
        %dma_wait3A_323 = arith.constant 0 : i32
        %dma_wait3A_324 = tpu.memref_slice %arg17[%dma_wait3A_322, %dma_wait3A_323] : memref<512x16xf32, #tpu.memory_space<vmem>> -> memref<400x16xf32, #tpu.memory_space<vmem>>
        %dma_wait3A_325 = arith.constant 0 : i32
        %dma_wait3A_326 = tpu.memref_slice %arg7[%multiple_of3A_307, %dma_wait3A_325] : memref<100000x16xf32, #tpu.memory_space<vmem_shared>> -> memref<400x16xf32, #tpu.memory_space<vmem_shared>>
        %dma_wait3A_327 = arith.constant 0 : i32
        %dma_wait3A_328 = arith.constant 0 : i32
        %dma_wait3A_329 = tpu.memref_slice %arg17[%dma_wait3A_327, %dma_wait3A_328] : memref<512x16xf32, #tpu.memory_space<vmem>> -> memref<400x16xf32, #tpu.memory_space<vmem>>
        %dma_wait3A_330 = arith.constant 0 : i32
        %dma_wait3A_331 = tpu.memref_slice %arg7[%multiple_of3A_307, %dma_wait3A_330] : memref<100000x16xf32, #tpu.memory_space<vmem_shared>> -> memref<400x16xf32, #tpu.memory_space<vmem_shared>>
        tpu.wait_dma2 semaphore(%run_scoped3A : memref<!tpu.dma_semaphore, #tpu.memory_space<semaphore_mem>>) src(%dma_wait3A_331 : memref<400x16xf32, #tpu.memory_space<vmem_shared>>) dst(%dma_wait3A_329 : memref<400x16xf32, #tpu.memory_space<vmem>>)
        tpu.yield
      }) : () -> ()
      "tpu.region"() ({
        %run_scoped3A = tpu.sem_alloc : memref<!tpu.dma_semaphore, #tpu.memory_space<semaphore_mem>>
        %dma_start3A_312 = arith.constant 0 : i32
        %dma_start3A_313 = arith.constant 0 : i32
        %dma_start3A_314 = tpu.memref_slice %arg17[%dma_start3A_312, %dma_start3A_313] : memref<512x16xf32, #tpu.memory_space<vmem>> -> memref<400x16xf32, #tpu.memory_space<vmem>>
        %dma_start3A_315 = arith.constant 0 : i32
        %dma_start3A_316 = tpu.memref_slice %arg5[%arg0, %multiple_of3A_307, %dma_start3A_315] : memref<2x100000x16xf32, #tpu.memory_space<hbm>> -> memref<1x400x16xf32, #tpu.memory_space<hbm>>
        %dma_start3A_317 = tpu.memref_squeeze %dma_start3A_316 : memref<1x400x16xf32, #tpu.memory_space<hbm>> -> memref<400x16xf32, #tpu.memory_space<hbm>>
        %dma_start3A_318 = arith.constant 0 : i32
        %dma_start3A_319 = tpu.memref_slice %arg5[%arg0, %multiple_of3A_307, %dma_start3A_318] : memref<2x100000x16xf32, #tpu.memory_space<hbm>> -> memref<1x400x16xf32, #tpu.memory_space<hbm>>
        %dma_start3A_320 = tpu.memref_squeeze %dma_start3A_319 : memref<1x400x16xf32, #tpu.memory_space<hbm>> -> memref<400x16xf32, #tpu.memory_space<hbm>>
        %dma_start3A_321 = arith.constant 0 : i32
        %dma_start3A_322 = arith.constant 0 : i32
        %dma_start3A_323 = tpu.memref_slice %arg17[%dma_start3A_321, %dma_start3A_322] : memref<512x16xf32, #tpu.memory_space<vmem>> -> memref<400x16xf32, #tpu.memory_space<vmem>>
        tpu.enqueue_dma source(%dma_start3A_323 : memref<400x16xf32, #tpu.memory_space<vmem>>) target(%dma_start3A_320 : memref<400x16xf32, #tpu.memory_space<hbm>>) target_semaphore(%run_scoped3A : memref<!tpu.dma_semaphore, #tpu.memory_space<semaphore_mem>>)
        %dma_wait3A_324 = arith.constant 0 : i32
        %dma_wait3A_325 = arith.constant 0 : i32
        %dma_wait3A_326 = tpu.memref_slice %arg17[%dma_wait3A_324, %dma_wait3A_325] : memref<512x16xf32, #tpu.memory_space<vmem>> -> memref<400x16xf32, #tpu.memory_space<vmem>>
        %dma_wait3A_327 = arith.constant 0 : i32
        %dma_wait3A_328 = tpu.memref_slice %arg5[%arg0, %multiple_of3A_307, %dma_wait3A_327] : memref<2x100000x16xf32, #tpu.memory_space<hbm>> -> memref<1x400x16xf32, #tpu.memory_space<hbm>>
        %dma_wait3A_329 = tpu.memref_squeeze %dma_wait3A_328 : memref<1x400x16xf32, #tpu.memory_space<hbm>> -> memref<400x16xf32, #tpu.memory_space<hbm>>
        %dma_wait3A_330 = arith.constant 0 : i32
        %dma_wait3A_331 = tpu.memref_slice %arg5[%arg0, %multiple_of3A_307, %dma_wait3A_330] : memref<2x100000x16xf32, #tpu.memory_space<hbm>> -> memref<1x400x16xf32, #tpu.memory_space<hbm>>
        %dma_wait3A_332 = tpu.memref_squeeze %dma_wait3A_331 : memref<1x400x16xf32, #tpu.memory_space<hbm>> -> memref<400x16xf32, #tpu.memory_space<hbm>>
        %dma_wait3A_333 = arith.constant 0 : i32
        %dma_wait3A_334 = arith.constant 0 : i32
        %dma_wait3A_335 = tpu.memref_slice %arg17[%dma_wait3A_333, %dma_wait3A_334] : memref<512x16xf32, #tpu.memory_space<vmem>> -> memref<400x16xf32, #tpu.memory_space<vmem>>
        tpu.wait_dma2 semaphore(%run_scoped3A : memref<!tpu.dma_semaphore, #tpu.memory_space<semaphore_mem>>) src(%dma_wait3A_335 : memref<400x16xf32, #tpu.memory_space<vmem>>) dst(%dma_wait3A_332 : memref<400x16xf32, #tpu.memory_space<hbm>>)
        tpu.yield
      }) : () -> ()
      "tpu.region"() ({
        %run_scoped3A = tpu.sem_alloc : memref<!tpu.dma_semaphore, #tpu.memory_space<semaphore_mem>>
        %dma_start3A_312 = tpu.memref_slice %arg8[%multiple_of3A_307] : memref<100000xf32, #tpu.memory_space<vmem_shared>> -> memref<400xf32, #tpu.memory_space<vmem_shared>>
        %dma_start3A_313 = tpu.memref_slice %arg8[%multiple_of3A_307] : memref<100000xf32, #tpu.memory_space<vmem_shared>> -> memref<400xf32, #tpu.memory_space<vmem_shared>>
        tpu.enqueue_dma source(%dma_start3A_313 : memref<400xf32, #tpu.memory_space<vmem_shared>>) target(%arg20 : memref<400xf32, #tpu.memory_space<vmem>>) target_semaphore(%run_scoped3A : memref<!tpu.dma_semaphore, #tpu.memory_space<semaphore_mem>>)
        %dma_wait3A_314 = tpu.memref_slice %arg8[%multiple_of3A_307] : memref<100000xf32, #tpu.memory_space<vmem_shared>> -> memref<400xf32, #tpu.memory_space<vmem_shared>>
        %dma_wait3A_315 = tpu.memref_slice %arg8[%multiple_of3A_307] : memref<100000xf32, #tpu.memory_space<vmem_shared>> -> memref<400xf32, #tpu.memory_space<vmem_shared>>
        tpu.wait_dma2 semaphore(%run_scoped3A : memref<!tpu.dma_semaphore, #tpu.memory_space<semaphore_mem>>) src(%dma_wait3A_315 : memref<400xf32, #tpu.memory_space<vmem_shared>>) dst(%arg20 : memref<400xf32, #tpu.memory_space<vmem>>)
        tpu.yield
      }) : () -> ()
      %mul3A_308 = arith.constant 100000 : i32
      %mul3A_309 = arith.muli %arg0, %mul3A_308 : i32
      %add3A_310 = arith.addi %mul3A_309, %multiple_of3A_307 : i32
      %multiple_of3A_311 = tpu.assume_multiple %add3A_310, 8 : i32
      "tpu.region"() ({
        %run_scoped3A = tpu.sem_alloc : memref<!tpu.dma_semaphore, #tpu.memory_space<semaphore_mem>>
        %dma_start3A_312 = tpu.memref_slice %arg6[%multiple_of3A_311] : memref<200000xf32, #tpu.memory_space<hbm>> -> memref<400xf32, #tpu.memory_space<hbm>>
        %dma_start3A_313 = tpu.memref_slice %arg6[%multiple_of3A_311] : memref<200000xf32, #tpu.memory_space<hbm>> -> memref<400xf32, #tpu.memory_space<hbm>>
        tpu.enqueue_dma source(%arg20 : memref<400xf32, #tpu.memory_space<vmem>>) target(%dma_start3A_313 : memref<400xf32, #tpu.memory_space<hbm>>) target_semaphore(%run_scoped3A : memref<!tpu.dma_semaphore, #tpu.memory_space<semaphore_mem>>)
        %dma_wait3A_314 = tpu.memref_slice %arg6[%multiple_of3A_311] : memref<200000xf32, #tpu.memory_space<hbm>> -> memref<400xf32, #tpu.memory_space<hbm>>
        %dma_wait3A_315 = tpu.memref_slice %arg6[%multiple_of3A_311] : memref<200000xf32, #tpu.memory_space<hbm>> -> memref<400xf32, #tpu.memory_space<hbm>>
        tpu.wait_dma2 semaphore(%run_scoped3A : memref<!tpu.dma_semaphore, #tpu.memory_space<semaphore_mem>>) src(%arg20 : memref<400xf32, #tpu.memory_space<vmem>>) dst(%dma_wait3A_315 : memref<400xf32, #tpu.memory_space<hbm>>)
        tpu.yield
      }) : () -> ()
    } else {
    }
    %add3A_242 = arith.constant 112 : i32
    %add3A_243 = arith.addi %arg1, %add3A_242 : i32
    %lt3A_244 = arith.constant 250 : i32
    %lt3A_245 = arith.cmpi slt, %add3A_243, %lt3A_244 : i32
    %convert_element_type3A_246 = arith.extui %lt3A_245 : i1 to i32
    %cond3A_247 = arith.constant 0 : i32
    %cond3A_248 = arith.cmpi ne, %convert_element_type3A_246, %cond3A_247 : i32
    scf.if %cond3A_248 {
      %mul3A_305 = arith.constant 400 : i32
      %mul3A_306 = arith.muli %add3A_243, %mul3A_305 : i32
      %multiple_of3A_307 = tpu.assume_multiple %mul3A_306, 8 : i32
      "tpu.region"() ({
        %run_scoped3A = tpu.sem_alloc : memref<!tpu.dma_semaphore, #tpu.memory_space<semaphore_mem>>
        %dma_start3A_312 = arith.constant 0 : i32
        %dma_start3A_313 = arith.constant 0 : i32
        %dma_start3A_314 = tpu.memref_slice %arg17[%dma_start3A_312, %dma_start3A_313] : memref<512x16xf32, #tpu.memory_space<vmem>> -> memref<400x16xf32, #tpu.memory_space<vmem>>
        %dma_start3A_315 = arith.constant 0 : i32
        %dma_start3A_316 = tpu.memref_slice %arg7[%multiple_of3A_307, %dma_start3A_315] : memref<100000x16xf32, #tpu.memory_space<vmem_shared>> -> memref<400x16xf32, #tpu.memory_space<vmem_shared>>
        %dma_start3A_317 = arith.constant 0 : i32
        %dma_start3A_318 = arith.constant 0 : i32
        %dma_start3A_319 = tpu.memref_slice %arg17[%dma_start3A_317, %dma_start3A_318] : memref<512x16xf32, #tpu.memory_space<vmem>> -> memref<400x16xf32, #tpu.memory_space<vmem>>
        %dma_start3A_320 = arith.constant 0 : i32
        %dma_start3A_321 = tpu.memref_slice %arg7[%multiple_of3A_307, %dma_start3A_320] : memref<100000x16xf32, #tpu.memory_space<vmem_shared>> -> memref<400x16xf32, #tpu.memory_space<vmem_shared>>
        tpu.enqueue_dma source(%dma_start3A_321 : memref<400x16xf32, #tpu.memory_space<vmem_shared>>) target(%dma_start3A_319 : memref<400x16xf32, #tpu.memory_space<vmem>>) target_semaphore(%run_scoped3A : memref<!tpu.dma_semaphore, #tpu.memory_space<semaphore_mem>>)
        %dma_wait3A_322 = arith.constant 0 : i32
        %dma_wait3A_323 = arith.constant 0 : i32
        %dma_wait3A_324 = tpu.memref_slice %arg17[%dma_wait3A_322, %dma_wait3A_323] : memref<512x16xf32, #tpu.memory_space<vmem>> -> memref<400x16xf32, #tpu.memory_space<vmem>>
        %dma_wait3A_325 = arith.constant 0 : i32
        %dma_wait3A_326 = tpu.memref_slice %arg7[%multiple_of3A_307, %dma_wait3A_325] : memref<100000x16xf32, #tpu.memory_space<vmem_shared>> -> memref<400x16xf32, #tpu.memory_space<vmem_shared>>
        %dma_wait3A_327 = arith.constant 0 : i32
        %dma_wait3A_328 = arith.constant 0 : i32
        %dma_wait3A_329 = tpu.memref_slice %arg17[%dma_wait3A_327, %dma_wait3A_328] : memref<512x16xf32, #tpu.memory_space<vmem>> -> memref<400x16xf32, #tpu.memory_space<vmem>>
        %dma_wait3A_330 = arith.constant 0 : i32
        %dma_wait3A_331 = tpu.memref_slice %arg7[%multiple_of3A_307, %dma_wait3A_330] : memref<100000x16xf32, #tpu.memory_space<vmem_shared>> -> memref<400x16xf32, #tpu.memory_space<vmem_shared>>
        tpu.wait_dma2 semaphore(%run_scoped3A : memref<!tpu.dma_semaphore, #tpu.memory_space<semaphore_mem>>) src(%dma_wait3A_331 : memref<400x16xf32, #tpu.memory_space<vmem_shared>>) dst(%dma_wait3A_329 : memref<400x16xf32, #tpu.memory_space<vmem>>)
        tpu.yield
      }) : () -> ()
      "tpu.region"() ({
        %run_scoped3A = tpu.sem_alloc : memref<!tpu.dma_semaphore, #tpu.memory_space<semaphore_mem>>
        %dma_start3A_312 = arith.constant 0 : i32
        %dma_start3A_313 = arith.constant 0 : i32
        %dma_start3A_314 = tpu.memref_slice %arg17[%dma_start3A_312, %dma_start3A_313] : memref<512x16xf32, #tpu.memory_space<vmem>> -> memref<400x16xf32, #tpu.memory_space<vmem>>
        %dma_start3A_315 = arith.constant 0 : i32
        %dma_start3A_316 = tpu.memref_slice %arg5[%arg0, %multiple_of3A_307, %dma_start3A_315] : memref<2x100000x16xf32, #tpu.memory_space<hbm>> -> memref<1x400x16xf32, #tpu.memory_space<hbm>>
        %dma_start3A_317 = tpu.memref_squeeze %dma_start3A_316 : memref<1x400x16xf32, #tpu.memory_space<hbm>> -> memref<400x16xf32, #tpu.memory_space<hbm>>
        %dma_start3A_318 = arith.constant 0 : i32
        %dma_start3A_319 = tpu.memref_slice %arg5[%arg0, %multiple_of3A_307, %dma_start3A_318] : memref<2x100000x16xf32, #tpu.memory_space<hbm>> -> memref<1x400x16xf32, #tpu.memory_space<hbm>>
        %dma_start3A_320 = tpu.memref_squeeze %dma_start3A_319 : memref<1x400x16xf32, #tpu.memory_space<hbm>> -> memref<400x16xf32, #tpu.memory_space<hbm>>
        %dma_start3A_321 = arith.constant 0 : i32
        %dma_start3A_322 = arith.constant 0 : i32
        %dma_start3A_323 = tpu.memref_slice %arg17[%dma_start3A_321, %dma_start3A_322] : memref<512x16xf32, #tpu.memory_space<vmem>> -> memref<400x16xf32, #tpu.memory_space<vmem>>
        tpu.enqueue_dma source(%dma_start3A_323 : memref<400x16xf32, #tpu.memory_space<vmem>>) target(%dma_start3A_320 : memref<400x16xf32, #tpu.memory_space<hbm>>) target_semaphore(%run_scoped3A : memref<!tpu.dma_semaphore, #tpu.memory_space<semaphore_mem>>)
        %dma_wait3A_324 = arith.constant 0 : i32
        %dma_wait3A_325 = arith.constant 0 : i32
        %dma_wait3A_326 = tpu.memref_slice %arg17[%dma_wait3A_324, %dma_wait3A_325] : memref<512x16xf32, #tpu.memory_space<vmem>> -> memref<400x16xf32, #tpu.memory_space<vmem>>
        %dma_wait3A_327 = arith.constant 0 : i32
        %dma_wait3A_328 = tpu.memref_slice %arg5[%arg0, %multiple_of3A_307, %dma_wait3A_327] : memref<2x100000x16xf32, #tpu.memory_space<hbm>> -> memref<1x400x16xf32, #tpu.memory_space<hbm>>
        %dma_wait3A_329 = tpu.memref_squeeze %dma_wait3A_328 : memref<1x400x16xf32, #tpu.memory_space<hbm>> -> memref<400x16xf32, #tpu.memory_space<hbm>>
        %dma_wait3A_330 = arith.constant 0 : i32
        %dma_wait3A_331 = tpu.memref_slice %arg5[%arg0, %multiple_of3A_307, %dma_wait3A_330] : memref<2x100000x16xf32, #tpu.memory_space<hbm>> -> memref<1x400x16xf32, #tpu.memory_space<hbm>>
        %dma_wait3A_332 = tpu.memref_squeeze %dma_wait3A_331 : memref<1x400x16xf32, #tpu.memory_space<hbm>> -> memref<400x16xf32, #tpu.memory_space<hbm>>
        %dma_wait3A_333 = arith.constant 0 : i32
        %dma_wait3A_334 = arith.constant 0 : i32
        %dma_wait3A_335 = tpu.memref_slice %arg17[%dma_wait3A_333, %dma_wait3A_334] : memref<512x16xf32, #tpu.memory_space<vmem>> -> memref<400x16xf32, #tpu.memory_space<vmem>>
        tpu.wait_dma2 semaphore(%run_scoped3A : memref<!tpu.dma_semaphore, #tpu.memory_space<semaphore_mem>>) src(%dma_wait3A_335 : memref<400x16xf32, #tpu.memory_space<vmem>>) dst(%dma_wait3A_332 : memref<400x16xf32, #tpu.memory_space<hbm>>)
        tpu.yield
      }) : () -> ()
      "tpu.region"() ({
        %run_scoped3A = tpu.sem_alloc : memref<!tpu.dma_semaphore, #tpu.memory_space<semaphore_mem>>
        %dma_start3A_312 = tpu.memref_slice %arg8[%multiple_of3A_307] : memref<100000xf32, #tpu.memory_space<vmem_shared>> -> memref<400xf32, #tpu.memory_space<vmem_shared>>
        %dma_start3A_313 = tpu.memref_slice %arg8[%multiple_of3A_307] : memref<100000xf32, #tpu.memory_space<vmem_shared>> -> memref<400xf32, #tpu.memory_space<vmem_shared>>
        tpu.enqueue_dma source(%dma_start3A_313 : memref<400xf32, #tpu.memory_space<vmem_shared>>) target(%arg20 : memref<400xf32, #tpu.memory_space<vmem>>) target_semaphore(%run_scoped3A : memref<!tpu.dma_semaphore, #tpu.memory_space<semaphore_mem>>)
        %dma_wait3A_314 = tpu.memref_slice %arg8[%multiple_of3A_307] : memref<100000xf32, #tpu.memory_space<vmem_shared>> -> memref<400xf32, #tpu.memory_space<vmem_shared>>
        %dma_wait3A_315 = tpu.memref_slice %arg8[%multiple_of3A_307] : memref<100000xf32, #tpu.memory_space<vmem_shared>> -> memref<400xf32, #tpu.memory_space<vmem_shared>>
        tpu.wait_dma2 semaphore(%run_scoped3A : memref<!tpu.dma_semaphore, #tpu.memory_space<semaphore_mem>>) src(%dma_wait3A_315 : memref<400xf32, #tpu.memory_space<vmem_shared>>) dst(%arg20 : memref<400xf32, #tpu.memory_space<vmem>>)
        tpu.yield
      }) : () -> ()
      %mul3A_308 = arith.constant 100000 : i32
      %mul3A_309 = arith.muli %arg0, %mul3A_308 : i32
      %add3A_310 = arith.addi %mul3A_309, %multiple_of3A_307 : i32
      %multiple_of3A_311 = tpu.assume_multiple %add3A_310, 8 : i32
      "tpu.region"() ({
        %run_scoped3A = tpu.sem_alloc : memref<!tpu.dma_semaphore, #tpu.memory_space<semaphore_mem>>
        %dma_start3A_312 = tpu.memref_slice %arg6[%multiple_of3A_311] : memref<200000xf32, #tpu.memory_space<hbm>> -> memref<400xf32, #tpu.memory_space<hbm>>
        %dma_start3A_313 = tpu.memref_slice %arg6[%multiple_of3A_311] : memref<200000xf32, #tpu.memory_space<hbm>> -> memref<400xf32, #tpu.memory_space<hbm>>
        tpu.enqueue_dma source(%arg20 : memref<400xf32, #tpu.memory_space<vmem>>) target(%dma_start3A_313 : memref<400xf32, #tpu.memory_space<hbm>>) target_semaphore(%run_scoped3A : memref<!tpu.dma_semaphore, #tpu.memory_space<semaphore_mem>>)
        %dma_wait3A_314 = tpu.memref_slice %arg6[%multiple_of3A_311] : memref<200000xf32, #tpu.memory_space<hbm>> -> memref<400xf32, #tpu.memory_space<hbm>>
        %dma_wait3A_315 = tpu.memref_slice %arg6[%multiple_of3A_311] : memref<200000xf32, #tpu.memory_space<hbm>> -> memref<400xf32, #tpu.memory_space<hbm>>
        tpu.wait_dma2 semaphore(%run_scoped3A : memref<!tpu.dma_semaphore, #tpu.memory_space<semaphore_mem>>) src(%arg20 : memref<400xf32, #tpu.memory_space<vmem>>) dst(%dma_wait3A_315 : memref<400xf32, #tpu.memory_space<hbm>>)
        tpu.yield
      }) : () -> ()
    } else {
    }
    %add3A_249 = arith.constant 128 : i32
    %add3A_250 = arith.addi %arg1, %add3A_249 : i32
    %lt3A_251 = arith.constant 250 : i32
    %lt3A_252 = arith.cmpi slt, %add3A_250, %lt3A_251 : i32
    %convert_element_type3A_253 = arith.extui %lt3A_252 : i1 to i32
    %cond3A_254 = arith.constant 0 : i32
    %cond3A_255 = arith.cmpi ne, %convert_element_type3A_253, %cond3A_254 : i32
    scf.if %cond3A_255 {
      %mul3A_305 = arith.constant 400 : i32
      %mul3A_306 = arith.muli %add3A_250, %mul3A_305 : i32
      %multiple_of3A_307 = tpu.assume_multiple %mul3A_306, 8 : i32
      "tpu.region"() ({
        %run_scoped3A = tpu.sem_alloc : memref<!tpu.dma_semaphore, #tpu.memory_space<semaphore_mem>>
        %dma_start3A_312 = arith.constant 0 : i32
        %dma_start3A_313 = arith.constant 0 : i32
        %dma_start3A_314 = tpu.memref_slice %arg17[%dma_start3A_312, %dma_start3A_313] : memref<512x16xf32, #tpu.memory_space<vmem>> -> memref<400x16xf32, #tpu.memory_space<vmem>>
        %dma_start3A_315 = arith.constant 0 : i32
        %dma_start3A_316 = tpu.memref_slice %arg7[%multiple_of3A_307, %dma_start3A_315] : memref<100000x16xf32, #tpu.memory_space<vmem_shared>> -> memref<400x16xf32, #tpu.memory_space<vmem_shared>>
        %dma_start3A_317 = arith.constant 0 : i32
        %dma_start3A_318 = arith.constant 0 : i32
        %dma_start3A_319 = tpu.memref_slice %arg17[%dma_start3A_317, %dma_start3A_318] : memref<512x16xf32, #tpu.memory_space<vmem>> -> memref<400x16xf32, #tpu.memory_space<vmem>>
        %dma_start3A_320 = arith.constant 0 : i32
        %dma_start3A_321 = tpu.memref_slice %arg7[%multiple_of3A_307, %dma_start3A_320] : memref<100000x16xf32, #tpu.memory_space<vmem_shared>> -> memref<400x16xf32, #tpu.memory_space<vmem_shared>>
        tpu.enqueue_dma source(%dma_start3A_321 : memref<400x16xf32, #tpu.memory_space<vmem_shared>>) target(%dma_start3A_319 : memref<400x16xf32, #tpu.memory_space<vmem>>) target_semaphore(%run_scoped3A : memref<!tpu.dma_semaphore, #tpu.memory_space<semaphore_mem>>)
        %dma_wait3A_322 = arith.constant 0 : i32
        %dma_wait3A_323 = arith.constant 0 : i32
        %dma_wait3A_324 = tpu.memref_slice %arg17[%dma_wait3A_322, %dma_wait3A_323] : memref<512x16xf32, #tpu.memory_space<vmem>> -> memref<400x16xf32, #tpu.memory_space<vmem>>
        %dma_wait3A_325 = arith.constant 0 : i32
        %dma_wait3A_326 = tpu.memref_slice %arg7[%multiple_of3A_307, %dma_wait3A_325] : memref<100000x16xf32, #tpu.memory_space<vmem_shared>> -> memref<400x16xf32, #tpu.memory_space<vmem_shared>>
        %dma_wait3A_327 = arith.constant 0 : i32
        %dma_wait3A_328 = arith.constant 0 : i32
        %dma_wait3A_329 = tpu.memref_slice %arg17[%dma_wait3A_327, %dma_wait3A_328] : memref<512x16xf32, #tpu.memory_space<vmem>> -> memref<400x16xf32, #tpu.memory_space<vmem>>
        %dma_wait3A_330 = arith.constant 0 : i32
        %dma_wait3A_331 = tpu.memref_slice %arg7[%multiple_of3A_307, %dma_wait3A_330] : memref<100000x16xf32, #tpu.memory_space<vmem_shared>> -> memref<400x16xf32, #tpu.memory_space<vmem_shared>>
        tpu.wait_dma2 semaphore(%run_scoped3A : memref<!tpu.dma_semaphore, #tpu.memory_space<semaphore_mem>>) src(%dma_wait3A_331 : memref<400x16xf32, #tpu.memory_space<vmem_shared>>) dst(%dma_wait3A_329 : memref<400x16xf32, #tpu.memory_space<vmem>>)
        tpu.yield
      }) : () -> ()
      "tpu.region"() ({
        %run_scoped3A = tpu.sem_alloc : memref<!tpu.dma_semaphore, #tpu.memory_space<semaphore_mem>>
        %dma_start3A_312 = arith.constant 0 : i32
        %dma_start3A_313 = arith.constant 0 : i32
        %dma_start3A_314 = tpu.memref_slice %arg17[%dma_start3A_312, %dma_start3A_313] : memref<512x16xf32, #tpu.memory_space<vmem>> -> memref<400x16xf32, #tpu.memory_space<vmem>>
        %dma_start3A_315 = arith.constant 0 : i32
        %dma_start3A_316 = tpu.memref_slice %arg5[%arg0, %multiple_of3A_307, %dma_start3A_315] : memref<2x100000x16xf32, #tpu.memory_space<hbm>> -> memref<1x400x16xf32, #tpu.memory_space<hbm>>
        %dma_start3A_317 = tpu.memref_squeeze %dma_start3A_316 : memref<1x400x16xf32, #tpu.memory_space<hbm>> -> memref<400x16xf32, #tpu.memory_space<hbm>>
        %dma_start3A_318 = arith.constant 0 : i32
        %dma_start3A_319 = tpu.memref_slice %arg5[%arg0, %multiple_of3A_307, %dma_start3A_318] : memref<2x100000x16xf32, #tpu.memory_space<hbm>> -> memref<1x400x16xf32, #tpu.memory_space<hbm>>
        %dma_start3A_320 = tpu.memref_squeeze %dma_start3A_319 : memref<1x400x16xf32, #tpu.memory_space<hbm>> -> memref<400x16xf32, #tpu.memory_space<hbm>>
        %dma_start3A_321 = arith.constant 0 : i32
        %dma_start3A_322 = arith.constant 0 : i32
        %dma_start3A_323 = tpu.memref_slice %arg17[%dma_start3A_321, %dma_start3A_322] : memref<512x16xf32, #tpu.memory_space<vmem>> -> memref<400x16xf32, #tpu.memory_space<vmem>>
        tpu.enqueue_dma source(%dma_start3A_323 : memref<400x16xf32, #tpu.memory_space<vmem>>) target(%dma_start3A_320 : memref<400x16xf32, #tpu.memory_space<hbm>>) target_semaphore(%run_scoped3A : memref<!tpu.dma_semaphore, #tpu.memory_space<semaphore_mem>>)
        %dma_wait3A_324 = arith.constant 0 : i32
        %dma_wait3A_325 = arith.constant 0 : i32
        %dma_wait3A_326 = tpu.memref_slice %arg17[%dma_wait3A_324, %dma_wait3A_325] : memref<512x16xf32, #tpu.memory_space<vmem>> -> memref<400x16xf32, #tpu.memory_space<vmem>>
        %dma_wait3A_327 = arith.constant 0 : i32
        %dma_wait3A_328 = tpu.memref_slice %arg5[%arg0, %multiple_of3A_307, %dma_wait3A_327] : memref<2x100000x16xf32, #tpu.memory_space<hbm>> -> memref<1x400x16xf32, #tpu.memory_space<hbm>>
        %dma_wait3A_329 = tpu.memref_squeeze %dma_wait3A_328 : memref<1x400x16xf32, #tpu.memory_space<hbm>> -> memref<400x16xf32, #tpu.memory_space<hbm>>
        %dma_wait3A_330 = arith.constant 0 : i32
        %dma_wait3A_331 = tpu.memref_slice %arg5[%arg0, %multiple_of3A_307, %dma_wait3A_330] : memref<2x100000x16xf32, #tpu.memory_space<hbm>> -> memref<1x400x16xf32, #tpu.memory_space<hbm>>
        %dma_wait3A_332 = tpu.memref_squeeze %dma_wait3A_331 : memref<1x400x16xf32, #tpu.memory_space<hbm>> -> memref<400x16xf32, #tpu.memory_space<hbm>>
        %dma_wait3A_333 = arith.constant 0 : i32
        %dma_wait3A_334 = arith.constant 0 : i32
        %dma_wait3A_335 = tpu.memref_slice %arg17[%dma_wait3A_333, %dma_wait3A_334] : memref<512x16xf32, #tpu.memory_space<vmem>> -> memref<400x16xf32, #tpu.memory_space<vmem>>
        tpu.wait_dma2 semaphore(%run_scoped3A : memref<!tpu.dma_semaphore, #tpu.memory_space<semaphore_mem>>) src(%dma_wait3A_335 : memref<400x16xf32, #tpu.memory_space<vmem>>) dst(%dma_wait3A_332 : memref<400x16xf32, #tpu.memory_space<hbm>>)
        tpu.yield
      }) : () -> ()
      "tpu.region"() ({
        %run_scoped3A = tpu.sem_alloc : memref<!tpu.dma_semaphore, #tpu.memory_space<semaphore_mem>>
        %dma_start3A_312 = tpu.memref_slice %arg8[%multiple_of3A_307] : memref<100000xf32, #tpu.memory_space<vmem_shared>> -> memref<400xf32, #tpu.memory_space<vmem_shared>>
        %dma_start3A_313 = tpu.memref_slice %arg8[%multiple_of3A_307] : memref<100000xf32, #tpu.memory_space<vmem_shared>> -> memref<400xf32, #tpu.memory_space<vmem_shared>>
        tpu.enqueue_dma source(%dma_start3A_313 : memref<400xf32, #tpu.memory_space<vmem_shared>>) target(%arg20 : memref<400xf32, #tpu.memory_space<vmem>>) target_semaphore(%run_scoped3A : memref<!tpu.dma_semaphore, #tpu.memory_space<semaphore_mem>>)
        %dma_wait3A_314 = tpu.memref_slice %arg8[%multiple_of3A_307] : memref<100000xf32, #tpu.memory_space<vmem_shared>> -> memref<400xf32, #tpu.memory_space<vmem_shared>>
        %dma_wait3A_315 = tpu.memref_slice %arg8[%multiple_of3A_307] : memref<100000xf32, #tpu.memory_space<vmem_shared>> -> memref<400xf32, #tpu.memory_space<vmem_shared>>
        tpu.wait_dma2 semaphore(%run_scoped3A : memref<!tpu.dma_semaphore, #tpu.memory_space<semaphore_mem>>) src(%dma_wait3A_315 : memref<400xf32, #tpu.memory_space<vmem_shared>>) dst(%arg20 : memref<400xf32, #tpu.memory_space<vmem>>)
        tpu.yield
      }) : () -> ()
      %mul3A_308 = arith.constant 100000 : i32
      %mul3A_309 = arith.muli %arg0, %mul3A_308 : i32
      %add3A_310 = arith.addi %mul3A_309, %multiple_of3A_307 : i32
      %multiple_of3A_311 = tpu.assume_multiple %add3A_310, 8 : i32
      "tpu.region"() ({
        %run_scoped3A = tpu.sem_alloc : memref<!tpu.dma_semaphore, #tpu.memory_space<semaphore_mem>>
        %dma_start3A_312 = tpu.memref_slice %arg6[%multiple_of3A_311] : memref<200000xf32, #tpu.memory_space<hbm>> -> memref<400xf32, #tpu.memory_space<hbm>>
        %dma_start3A_313 = tpu.memref_slice %arg6[%multiple_of3A_311] : memref<200000xf32, #tpu.memory_space<hbm>> -> memref<400xf32, #tpu.memory_space<hbm>>
        tpu.enqueue_dma source(%arg20 : memref<400xf32, #tpu.memory_space<vmem>>) target(%dma_start3A_313 : memref<400xf32, #tpu.memory_space<hbm>>) target_semaphore(%run_scoped3A : memref<!tpu.dma_semaphore, #tpu.memory_space<semaphore_mem>>)
        %dma_wait3A_314 = tpu.memref_slice %arg6[%multiple_of3A_311] : memref<200000xf32, #tpu.memory_space<hbm>> -> memref<400xf32, #tpu.memory_space<hbm>>
        %dma_wait3A_315 = tpu.memref_slice %arg6[%multiple_of3A_311] : memref<200000xf32, #tpu.memory_space<hbm>> -> memref<400xf32, #tpu.memory_space<hbm>>
        tpu.wait_dma2 semaphore(%run_scoped3A : memref<!tpu.dma_semaphore, #tpu.memory_space<semaphore_mem>>) src(%arg20 : memref<400xf32, #tpu.memory_space<vmem>>) dst(%dma_wait3A_315 : memref<400xf32, #tpu.memory_space<hbm>>)
        tpu.yield
      }) : () -> ()
    } else {
    }
    %add3A_256 = arith.constant 144 : i32
    %add3A_257 = arith.addi %arg1, %add3A_256 : i32
    %lt3A_258 = arith.constant 250 : i32
    %lt3A_259 = arith.cmpi slt, %add3A_257, %lt3A_258 : i32
    %convert_element_type3A_260 = arith.extui %lt3A_259 : i1 to i32
    %cond3A_261 = arith.constant 0 : i32
    %cond3A_262 = arith.cmpi ne, %convert_element_type3A_260, %cond3A_261 : i32
    scf.if %cond3A_262 {
      %mul3A_305 = arith.constant 400 : i32
      %mul3A_306 = arith.muli %add3A_257, %mul3A_305 : i32
      %multiple_of3A_307 = tpu.assume_multiple %mul3A_306, 8 : i32
      "tpu.region"() ({
        %run_scoped3A = tpu.sem_alloc : memref<!tpu.dma_semaphore, #tpu.memory_space<semaphore_mem>>
        %dma_start3A_312 = arith.constant 0 : i32
        %dma_start3A_313 = arith.constant 0 : i32
        %dma_start3A_314 = tpu.memref_slice %arg17[%dma_start3A_312, %dma_start3A_313] : memref<512x16xf32, #tpu.memory_space<vmem>> -> memref<400x16xf32, #tpu.memory_space<vmem>>
        %dma_start3A_315 = arith.constant 0 : i32
        %dma_start3A_316 = tpu.memref_slice %arg7[%multiple_of3A_307, %dma_start3A_315] : memref<100000x16xf32, #tpu.memory_space<vmem_shared>> -> memref<400x16xf32, #tpu.memory_space<vmem_shared>>
        %dma_start3A_317 = arith.constant 0 : i32
        %dma_start3A_318 = arith.constant 0 : i32
        %dma_start3A_319 = tpu.memref_slice %arg17[%dma_start3A_317, %dma_start3A_318] : memref<512x16xf32, #tpu.memory_space<vmem>> -> memref<400x16xf32, #tpu.memory_space<vmem>>
        %dma_start3A_320 = arith.constant 0 : i32
        %dma_start3A_321 = tpu.memref_slice %arg7[%multiple_of3A_307, %dma_start3A_320] : memref<100000x16xf32, #tpu.memory_space<vmem_shared>> -> memref<400x16xf32, #tpu.memory_space<vmem_shared>>
        tpu.enqueue_dma source(%dma_start3A_321 : memref<400x16xf32, #tpu.memory_space<vmem_shared>>) target(%dma_start3A_319 : memref<400x16xf32, #tpu.memory_space<vmem>>) target_semaphore(%run_scoped3A : memref<!tpu.dma_semaphore, #tpu.memory_space<semaphore_mem>>)
        %dma_wait3A_322 = arith.constant 0 : i32
        %dma_wait3A_323 = arith.constant 0 : i32
        %dma_wait3A_324 = tpu.memref_slice %arg17[%dma_wait3A_322, %dma_wait3A_323] : memref<512x16xf32, #tpu.memory_space<vmem>> -> memref<400x16xf32, #tpu.memory_space<vmem>>
        %dma_wait3A_325 = arith.constant 0 : i32
        %dma_wait3A_326 = tpu.memref_slice %arg7[%multiple_of3A_307, %dma_wait3A_325] : memref<100000x16xf32, #tpu.memory_space<vmem_shared>> -> memref<400x16xf32, #tpu.memory_space<vmem_shared>>
        %dma_wait3A_327 = arith.constant 0 : i32
        %dma_wait3A_328 = arith.constant 0 : i32
        %dma_wait3A_329 = tpu.memref_slice %arg17[%dma_wait3A_327, %dma_wait3A_328] : memref<512x16xf32, #tpu.memory_space<vmem>> -> memref<400x16xf32, #tpu.memory_space<vmem>>
        %dma_wait3A_330 = arith.constant 0 : i32
        %dma_wait3A_331 = tpu.memref_slice %arg7[%multiple_of3A_307, %dma_wait3A_330] : memref<100000x16xf32, #tpu.memory_space<vmem_shared>> -> memref<400x16xf32, #tpu.memory_space<vmem_shared>>
        tpu.wait_dma2 semaphore(%run_scoped3A : memref<!tpu.dma_semaphore, #tpu.memory_space<semaphore_mem>>) src(%dma_wait3A_331 : memref<400x16xf32, #tpu.memory_space<vmem_shared>>) dst(%dma_wait3A_329 : memref<400x16xf32, #tpu.memory_space<vmem>>)
        tpu.yield
      }) : () -> ()
      "tpu.region"() ({
        %run_scoped3A = tpu.sem_alloc : memref<!tpu.dma_semaphore, #tpu.memory_space<semaphore_mem>>
        %dma_start3A_312 = arith.constant 0 : i32
        %dma_start3A_313 = arith.constant 0 : i32
        %dma_start3A_314 = tpu.memref_slice %arg17[%dma_start3A_312, %dma_start3A_313] : memref<512x16xf32, #tpu.memory_space<vmem>> -> memref<400x16xf32, #tpu.memory_space<vmem>>
        %dma_start3A_315 = arith.constant 0 : i32
        %dma_start3A_316 = tpu.memref_slice %arg5[%arg0, %multiple_of3A_307, %dma_start3A_315] : memref<2x100000x16xf32, #tpu.memory_space<hbm>> -> memref<1x400x16xf32, #tpu.memory_space<hbm>>
        %dma_start3A_317 = tpu.memref_squeeze %dma_start3A_316 : memref<1x400x16xf32, #tpu.memory_space<hbm>> -> memref<400x16xf32, #tpu.memory_space<hbm>>
        %dma_start3A_318 = arith.constant 0 : i32
        %dma_start3A_319 = tpu.memref_slice %arg5[%arg0, %multiple_of3A_307, %dma_start3A_318] : memref<2x100000x16xf32, #tpu.memory_space<hbm>> -> memref<1x400x16xf32, #tpu.memory_space<hbm>>
        %dma_start3A_320 = tpu.memref_squeeze %dma_start3A_319 : memref<1x400x16xf32, #tpu.memory_space<hbm>> -> memref<400x16xf32, #tpu.memory_space<hbm>>
        %dma_start3A_321 = arith.constant 0 : i32
        %dma_start3A_322 = arith.constant 0 : i32
        %dma_start3A_323 = tpu.memref_slice %arg17[%dma_start3A_321, %dma_start3A_322] : memref<512x16xf32, #tpu.memory_space<vmem>> -> memref<400x16xf32, #tpu.memory_space<vmem>>
        tpu.enqueue_dma source(%dma_start3A_323 : memref<400x16xf32, #tpu.memory_space<vmem>>) target(%dma_start3A_320 : memref<400x16xf32, #tpu.memory_space<hbm>>) target_semaphore(%run_scoped3A : memref<!tpu.dma_semaphore, #tpu.memory_space<semaphore_mem>>)
        %dma_wait3A_324 = arith.constant 0 : i32
        %dma_wait3A_325 = arith.constant 0 : i32
        %dma_wait3A_326 = tpu.memref_slice %arg17[%dma_wait3A_324, %dma_wait3A_325] : memref<512x16xf32, #tpu.memory_space<vmem>> -> memref<400x16xf32, #tpu.memory_space<vmem>>
        %dma_wait3A_327 = arith.constant 0 : i32
        %dma_wait3A_328 = tpu.memref_slice %arg5[%arg0, %multiple_of3A_307, %dma_wait3A_327] : memref<2x100000x16xf32, #tpu.memory_space<hbm>> -> memref<1x400x16xf32, #tpu.memory_space<hbm>>
        %dma_wait3A_329 = tpu.memref_squeeze %dma_wait3A_328 : memref<1x400x16xf32, #tpu.memory_space<hbm>> -> memref<400x16xf32, #tpu.memory_space<hbm>>
        %dma_wait3A_330 = arith.constant 0 : i32
        %dma_wait3A_331 = tpu.memref_slice %arg5[%arg0, %multiple_of3A_307, %dma_wait3A_330] : memref<2x100000x16xf32, #tpu.memory_space<hbm>> -> memref<1x400x16xf32, #tpu.memory_space<hbm>>
        %dma_wait3A_332 = tpu.memref_squeeze %dma_wait3A_331 : memref<1x400x16xf32, #tpu.memory_space<hbm>> -> memref<400x16xf32, #tpu.memory_space<hbm>>
        %dma_wait3A_333 = arith.constant 0 : i32
        %dma_wait3A_334 = arith.constant 0 : i32
        %dma_wait3A_335 = tpu.memref_slice %arg17[%dma_wait3A_333, %dma_wait3A_334] : memref<512x16xf32, #tpu.memory_space<vmem>> -> memref<400x16xf32, #tpu.memory_space<vmem>>
        tpu.wait_dma2 semaphore(%run_scoped3A : memref<!tpu.dma_semaphore, #tpu.memory_space<semaphore_mem>>) src(%dma_wait3A_335 : memref<400x16xf32, #tpu.memory_space<vmem>>) dst(%dma_wait3A_332 : memref<400x16xf32, #tpu.memory_space<hbm>>)
        tpu.yield
      }) : () -> ()
      "tpu.region"() ({
        %run_scoped3A = tpu.sem_alloc : memref<!tpu.dma_semaphore, #tpu.memory_space<semaphore_mem>>
        %dma_start3A_312 = tpu.memref_slice %arg8[%multiple_of3A_307] : memref<100000xf32, #tpu.memory_space<vmem_shared>> -> memref<400xf32, #tpu.memory_space<vmem_shared>>
        %dma_start3A_313 = tpu.memref_slice %arg8[%multiple_of3A_307] : memref<100000xf32, #tpu.memory_space<vmem_shared>> -> memref<400xf32, #tpu.memory_space<vmem_shared>>
        tpu.enqueue_dma source(%dma_start3A_313 : memref<400xf32, #tpu.memory_space<vmem_shared>>) target(%arg20 : memref<400xf32, #tpu.memory_space<vmem>>) target_semaphore(%run_scoped3A : memref<!tpu.dma_semaphore, #tpu.memory_space<semaphore_mem>>)
        %dma_wait3A_314 = tpu.memref_slice %arg8[%multiple_of3A_307] : memref<100000xf32, #tpu.memory_space<vmem_shared>> -> memref<400xf32, #tpu.memory_space<vmem_shared>>
        %dma_wait3A_315 = tpu.memref_slice %arg8[%multiple_of3A_307] : memref<100000xf32, #tpu.memory_space<vmem_shared>> -> memref<400xf32, #tpu.memory_space<vmem_shared>>
        tpu.wait_dma2 semaphore(%run_scoped3A : memref<!tpu.dma_semaphore, #tpu.memory_space<semaphore_mem>>) src(%dma_wait3A_315 : memref<400xf32, #tpu.memory_space<vmem_shared>>) dst(%arg20 : memref<400xf32, #tpu.memory_space<vmem>>)
        tpu.yield
      }) : () -> ()
      %mul3A_308 = arith.constant 100000 : i32
      %mul3A_309 = arith.muli %arg0, %mul3A_308 : i32
      %add3A_310 = arith.addi %mul3A_309, %multiple_of3A_307 : i32
      %multiple_of3A_311 = tpu.assume_multiple %add3A_310, 8 : i32
      "tpu.region"() ({
        %run_scoped3A = tpu.sem_alloc : memref<!tpu.dma_semaphore, #tpu.memory_space<semaphore_mem>>
        %dma_start3A_312 = tpu.memref_slice %arg6[%multiple_of3A_311] : memref<200000xf32, #tpu.memory_space<hbm>> -> memref<400xf32, #tpu.memory_space<hbm>>
        %dma_start3A_313 = tpu.memref_slice %arg6[%multiple_of3A_311] : memref<200000xf32, #tpu.memory_space<hbm>> -> memref<400xf32, #tpu.memory_space<hbm>>
        tpu.enqueue_dma source(%arg20 : memref<400xf32, #tpu.memory_space<vmem>>) target(%dma_start3A_313 : memref<400xf32, #tpu.memory_space<hbm>>) target_semaphore(%run_scoped3A : memref<!tpu.dma_semaphore, #tpu.memory_space<semaphore_mem>>)
        %dma_wait3A_314 = tpu.memref_slice %arg6[%multiple_of3A_311] : memref<200000xf32, #tpu.memory_space<hbm>> -> memref<400xf32, #tpu.memory_space<hbm>>
        %dma_wait3A_315 = tpu.memref_slice %arg6[%multiple_of3A_311] : memref<200000xf32, #tpu.memory_space<hbm>> -> memref<400xf32, #tpu.memory_space<hbm>>
        tpu.wait_dma2 semaphore(%run_scoped3A : memref<!tpu.dma_semaphore, #tpu.memory_space<semaphore_mem>>) src(%arg20 : memref<400xf32, #tpu.memory_space<vmem>>) dst(%dma_wait3A_315 : memref<400xf32, #tpu.memory_space<hbm>>)
        tpu.yield
      }) : () -> ()
    } else {
    }
    %add3A_263 = arith.constant 160 : i32
    %add3A_264 = arith.addi %arg1, %add3A_263 : i32
    %lt3A_265 = arith.constant 250 : i32
    %lt3A_266 = arith.cmpi slt, %add3A_264, %lt3A_265 : i32
    %convert_element_type3A_267 = arith.extui %lt3A_266 : i1 to i32
    %cond3A_268 = arith.constant 0 : i32
    %cond3A_269 = arith.cmpi ne, %convert_element_type3A_267, %cond3A_268 : i32
    scf.if %cond3A_269 {
      %mul3A_305 = arith.constant 400 : i32
      %mul3A_306 = arith.muli %add3A_264, %mul3A_305 : i32
      %multiple_of3A_307 = tpu.assume_multiple %mul3A_306, 8 : i32
      "tpu.region"() ({
        %run_scoped3A = tpu.sem_alloc : memref<!tpu.dma_semaphore, #tpu.memory_space<semaphore_mem>>
        %dma_start3A_312 = arith.constant 0 : i32
        %dma_start3A_313 = arith.constant 0 : i32
        %dma_start3A_314 = tpu.memref_slice %arg17[%dma_start3A_312, %dma_start3A_313] : memref<512x16xf32, #tpu.memory_space<vmem>> -> memref<400x16xf32, #tpu.memory_space<vmem>>
        %dma_start3A_315 = arith.constant 0 : i32
        %dma_start3A_316 = tpu.memref_slice %arg7[%multiple_of3A_307, %dma_start3A_315] : memref<100000x16xf32, #tpu.memory_space<vmem_shared>> -> memref<400x16xf32, #tpu.memory_space<vmem_shared>>
        %dma_start3A_317 = arith.constant 0 : i32
        %dma_start3A_318 = arith.constant 0 : i32
        %dma_start3A_319 = tpu.memref_slice %arg17[%dma_start3A_317, %dma_start3A_318] : memref<512x16xf32, #tpu.memory_space<vmem>> -> memref<400x16xf32, #tpu.memory_space<vmem>>
        %dma_start3A_320 = arith.constant 0 : i32
        %dma_start3A_321 = tpu.memref_slice %arg7[%multiple_of3A_307, %dma_start3A_320] : memref<100000x16xf32, #tpu.memory_space<vmem_shared>> -> memref<400x16xf32, #tpu.memory_space<vmem_shared>>
        tpu.enqueue_dma source(%dma_start3A_321 : memref<400x16xf32, #tpu.memory_space<vmem_shared>>) target(%dma_start3A_319 : memref<400x16xf32, #tpu.memory_space<vmem>>) target_semaphore(%run_scoped3A : memref<!tpu.dma_semaphore, #tpu.memory_space<semaphore_mem>>)
        %dma_wait3A_322 = arith.constant 0 : i32
        %dma_wait3A_323 = arith.constant 0 : i32
        %dma_wait3A_324 = tpu.memref_slice %arg17[%dma_wait3A_322, %dma_wait3A_323] : memref<512x16xf32, #tpu.memory_space<vmem>> -> memref<400x16xf32, #tpu.memory_space<vmem>>
        %dma_wait3A_325 = arith.constant 0 : i32
        %dma_wait3A_326 = tpu.memref_slice %arg7[%multiple_of3A_307, %dma_wait3A_325] : memref<100000x16xf32, #tpu.memory_space<vmem_shared>> -> memref<400x16xf32, #tpu.memory_space<vmem_shared>>
        %dma_wait3A_327 = arith.constant 0 : i32
        %dma_wait3A_328 = arith.constant 0 : i32
        %dma_wait3A_329 = tpu.memref_slice %arg17[%dma_wait3A_327, %dma_wait3A_328] : memref<512x16xf32, #tpu.memory_space<vmem>> -> memref<400x16xf32, #tpu.memory_space<vmem>>
        %dma_wait3A_330 = arith.constant 0 : i32
        %dma_wait3A_331 = tpu.memref_slice %arg7[%multiple_of3A_307, %dma_wait3A_330] : memref<100000x16xf32, #tpu.memory_space<vmem_shared>> -> memref<400x16xf32, #tpu.memory_space<vmem_shared>>
        tpu.wait_dma2 semaphore(%run_scoped3A : memref<!tpu.dma_semaphore, #tpu.memory_space<semaphore_mem>>) src(%dma_wait3A_331 : memref<400x16xf32, #tpu.memory_space<vmem_shared>>) dst(%dma_wait3A_329 : memref<400x16xf32, #tpu.memory_space<vmem>>)
        tpu.yield
      }) : () -> ()
      "tpu.region"() ({
        %run_scoped3A = tpu.sem_alloc : memref<!tpu.dma_semaphore, #tpu.memory_space<semaphore_mem>>
        %dma_start3A_312 = arith.constant 0 : i32
        %dma_start3A_313 = arith.constant 0 : i32
        %dma_start3A_314 = tpu.memref_slice %arg17[%dma_start3A_312, %dma_start3A_313] : memref<512x16xf32, #tpu.memory_space<vmem>> -> memref<400x16xf32, #tpu.memory_space<vmem>>
        %dma_start3A_315 = arith.constant 0 : i32
        %dma_start3A_316 = tpu.memref_slice %arg5[%arg0, %multiple_of3A_307, %dma_start3A_315] : memref<2x100000x16xf32, #tpu.memory_space<hbm>> -> memref<1x400x16xf32, #tpu.memory_space<hbm>>
        %dma_start3A_317 = tpu.memref_squeeze %dma_start3A_316 : memref<1x400x16xf32, #tpu.memory_space<hbm>> -> memref<400x16xf32, #tpu.memory_space<hbm>>
        %dma_start3A_318 = arith.constant 0 : i32
        %dma_start3A_319 = tpu.memref_slice %arg5[%arg0, %multiple_of3A_307, %dma_start3A_318] : memref<2x100000x16xf32, #tpu.memory_space<hbm>> -> memref<1x400x16xf32, #tpu.memory_space<hbm>>
        %dma_start3A_320 = tpu.memref_squeeze %dma_start3A_319 : memref<1x400x16xf32, #tpu.memory_space<hbm>> -> memref<400x16xf32, #tpu.memory_space<hbm>>
        %dma_start3A_321 = arith.constant 0 : i32
        %dma_start3A_322 = arith.constant 0 : i32
        %dma_start3A_323 = tpu.memref_slice %arg17[%dma_start3A_321, %dma_start3A_322] : memref<512x16xf32, #tpu.memory_space<vmem>> -> memref<400x16xf32, #tpu.memory_space<vmem>>
        tpu.enqueue_dma source(%dma_start3A_323 : memref<400x16xf32, #tpu.memory_space<vmem>>) target(%dma_start3A_320 : memref<400x16xf32, #tpu.memory_space<hbm>>) target_semaphore(%run_scoped3A : memref<!tpu.dma_semaphore, #tpu.memory_space<semaphore_mem>>)
        %dma_wait3A_324 = arith.constant 0 : i32
        %dma_wait3A_325 = arith.constant 0 : i32
        %dma_wait3A_326 = tpu.memref_slice %arg17[%dma_wait3A_324, %dma_wait3A_325] : memref<512x16xf32, #tpu.memory_space<vmem>> -> memref<400x16xf32, #tpu.memory_space<vmem>>
        %dma_wait3A_327 = arith.constant 0 : i32
        %dma_wait3A_328 = tpu.memref_slice %arg5[%arg0, %multiple_of3A_307, %dma_wait3A_327] : memref<2x100000x16xf32, #tpu.memory_space<hbm>> -> memref<1x400x16xf32, #tpu.memory_space<hbm>>
        %dma_wait3A_329 = tpu.memref_squeeze %dma_wait3A_328 : memref<1x400x16xf32, #tpu.memory_space<hbm>> -> memref<400x16xf32, #tpu.memory_space<hbm>>
        %dma_wait3A_330 = arith.constant 0 : i32
        %dma_wait3A_331 = tpu.memref_slice %arg5[%arg0, %multiple_of3A_307, %dma_wait3A_330] : memref<2x100000x16xf32, #tpu.memory_space<hbm>> -> memref<1x400x16xf32, #tpu.memory_space<hbm>>
        %dma_wait3A_332 = tpu.memref_squeeze %dma_wait3A_331 : memref<1x400x16xf32, #tpu.memory_space<hbm>> -> memref<400x16xf32, #tpu.memory_space<hbm>>
        %dma_wait3A_333 = arith.constant 0 : i32
        %dma_wait3A_334 = arith.constant 0 : i32
        %dma_wait3A_335 = tpu.memref_slice %arg17[%dma_wait3A_333, %dma_wait3A_334] : memref<512x16xf32, #tpu.memory_space<vmem>> -> memref<400x16xf32, #tpu.memory_space<vmem>>
        tpu.wait_dma2 semaphore(%run_scoped3A : memref<!tpu.dma_semaphore, #tpu.memory_space<semaphore_mem>>) src(%dma_wait3A_335 : memref<400x16xf32, #tpu.memory_space<vmem>>) dst(%dma_wait3A_332 : memref<400x16xf32, #tpu.memory_space<hbm>>)
        tpu.yield
      }) : () -> ()
      "tpu.region"() ({
        %run_scoped3A = tpu.sem_alloc : memref<!tpu.dma_semaphore, #tpu.memory_space<semaphore_mem>>
        %dma_start3A_312 = tpu.memref_slice %arg8[%multiple_of3A_307] : memref<100000xf32, #tpu.memory_space<vmem_shared>> -> memref<400xf32, #tpu.memory_space<vmem_shared>>
        %dma_start3A_313 = tpu.memref_slice %arg8[%multiple_of3A_307] : memref<100000xf32, #tpu.memory_space<vmem_shared>> -> memref<400xf32, #tpu.memory_space<vmem_shared>>
        tpu.enqueue_dma source(%dma_start3A_313 : memref<400xf32, #tpu.memory_space<vmem_shared>>) target(%arg20 : memref<400xf32, #tpu.memory_space<vmem>>) target_semaphore(%run_scoped3A : memref<!tpu.dma_semaphore, #tpu.memory_space<semaphore_mem>>)
        %dma_wait3A_314 = tpu.memref_slice %arg8[%multiple_of3A_307] : memref<100000xf32, #tpu.memory_space<vmem_shared>> -> memref<400xf32, #tpu.memory_space<vmem_shared>>
        %dma_wait3A_315 = tpu.memref_slice %arg8[%multiple_of3A_307] : memref<100000xf32, #tpu.memory_space<vmem_shared>> -> memref<400xf32, #tpu.memory_space<vmem_shared>>
        tpu.wait_dma2 semaphore(%run_scoped3A : memref<!tpu.dma_semaphore, #tpu.memory_space<semaphore_mem>>) src(%dma_wait3A_315 : memref<400xf32, #tpu.memory_space<vmem_shared>>) dst(%arg20 : memref<400xf32, #tpu.memory_space<vmem>>)
        tpu.yield
      }) : () -> ()
      %mul3A_308 = arith.constant 100000 : i32
      %mul3A_309 = arith.muli %arg0, %mul3A_308 : i32
      %add3A_310 = arith.addi %mul3A_309, %multiple_of3A_307 : i32
      %multiple_of3A_311 = tpu.assume_multiple %add3A_310, 8 : i32
      "tpu.region"() ({
        %run_scoped3A = tpu.sem_alloc : memref<!tpu.dma_semaphore, #tpu.memory_space<semaphore_mem>>
        %dma_start3A_312 = tpu.memref_slice %arg6[%multiple_of3A_311] : memref<200000xf32, #tpu.memory_space<hbm>> -> memref<400xf32, #tpu.memory_space<hbm>>
        %dma_start3A_313 = tpu.memref_slice %arg6[%multiple_of3A_311] : memref<200000xf32, #tpu.memory_space<hbm>> -> memref<400xf32, #tpu.memory_space<hbm>>
        tpu.enqueue_dma source(%arg20 : memref<400xf32, #tpu.memory_space<vmem>>) target(%dma_start3A_313 : memref<400xf32, #tpu.memory_space<hbm>>) target_semaphore(%run_scoped3A : memref<!tpu.dma_semaphore, #tpu.memory_space<semaphore_mem>>)
        %dma_wait3A_314 = tpu.memref_slice %arg6[%multiple_of3A_311] : memref<200000xf32, #tpu.memory_space<hbm>> -> memref<400xf32, #tpu.memory_space<hbm>>
        %dma_wait3A_315 = tpu.memref_slice %arg6[%multiple_of3A_311] : memref<200000xf32, #tpu.memory_space<hbm>> -> memref<400xf32, #tpu.memory_space<hbm>>
        tpu.wait_dma2 semaphore(%run_scoped3A : memref<!tpu.dma_semaphore, #tpu.memory_space<semaphore_mem>>) src(%arg20 : memref<400xf32, #tpu.memory_space<vmem>>) dst(%dma_wait3A_315 : memref<400xf32, #tpu.memory_space<hbm>>)
        tpu.yield
      }) : () -> ()
    } else {
    }
    %add3A_270 = arith.constant 176 : i32
    %add3A_271 = arith.addi %arg1, %add3A_270 : i32
    %lt3A_272 = arith.constant 250 : i32
    %lt3A_273 = arith.cmpi slt, %add3A_271, %lt3A_272 : i32
    %convert_element_type3A_274 = arith.extui %lt3A_273 : i1 to i32
    %cond3A_275 = arith.constant 0 : i32
    %cond3A_276 = arith.cmpi ne, %convert_element_type3A_274, %cond3A_275 : i32
    scf.if %cond3A_276 {
      %mul3A_305 = arith.constant 400 : i32
      %mul3A_306 = arith.muli %add3A_271, %mul3A_305 : i32
      %multiple_of3A_307 = tpu.assume_multiple %mul3A_306, 8 : i32
      "tpu.region"() ({
        %run_scoped3A = tpu.sem_alloc : memref<!tpu.dma_semaphore, #tpu.memory_space<semaphore_mem>>
        %dma_start3A_312 = arith.constant 0 : i32
        %dma_start3A_313 = arith.constant 0 : i32
        %dma_start3A_314 = tpu.memref_slice %arg17[%dma_start3A_312, %dma_start3A_313] : memref<512x16xf32, #tpu.memory_space<vmem>> -> memref<400x16xf32, #tpu.memory_space<vmem>>
        %dma_start3A_315 = arith.constant 0 : i32
        %dma_start3A_316 = tpu.memref_slice %arg7[%multiple_of3A_307, %dma_start3A_315] : memref<100000x16xf32, #tpu.memory_space<vmem_shared>> -> memref<400x16xf32, #tpu.memory_space<vmem_shared>>
        %dma_start3A_317 = arith.constant 0 : i32
        %dma_start3A_318 = arith.constant 0 : i32
        %dma_start3A_319 = tpu.memref_slice %arg17[%dma_start3A_317, %dma_start3A_318] : memref<512x16xf32, #tpu.memory_space<vmem>> -> memref<400x16xf32, #tpu.memory_space<vmem>>
        %dma_start3A_320 = arith.constant 0 : i32
        %dma_start3A_321 = tpu.memref_slice %arg7[%multiple_of3A_307, %dma_start3A_320] : memref<100000x16xf32, #tpu.memory_space<vmem_shared>> -> memref<400x16xf32, #tpu.memory_space<vmem_shared>>
        tpu.enqueue_dma source(%dma_start3A_321 : memref<400x16xf32, #tpu.memory_space<vmem_shared>>) target(%dma_start3A_319 : memref<400x16xf32, #tpu.memory_space<vmem>>) target_semaphore(%run_scoped3A : memref<!tpu.dma_semaphore, #tpu.memory_space<semaphore_mem>>)
        %dma_wait3A_322 = arith.constant 0 : i32
        %dma_wait3A_323 = arith.constant 0 : i32
        %dma_wait3A_324 = tpu.memref_slice %arg17[%dma_wait3A_322, %dma_wait3A_323] : memref<512x16xf32, #tpu.memory_space<vmem>> -> memref<400x16xf32, #tpu.memory_space<vmem>>
        %dma_wait3A_325 = arith.constant 0 : i32
        %dma_wait3A_326 = tpu.memref_slice %arg7[%multiple_of3A_307, %dma_wait3A_325] : memref<100000x16xf32, #tpu.memory_space<vmem_shared>> -> memref<400x16xf32, #tpu.memory_space<vmem_shared>>
        %dma_wait3A_327 = arith.constant 0 : i32
        %dma_wait3A_328 = arith.constant 0 : i32
        %dma_wait3A_329 = tpu.memref_slice %arg17[%dma_wait3A_327, %dma_wait3A_328] : memref<512x16xf32, #tpu.memory_space<vmem>> -> memref<400x16xf32, #tpu.memory_space<vmem>>
        %dma_wait3A_330 = arith.constant 0 : i32
        %dma_wait3A_331 = tpu.memref_slice %arg7[%multiple_of3A_307, %dma_wait3A_330] : memref<100000x16xf32, #tpu.memory_space<vmem_shared>> -> memref<400x16xf32, #tpu.memory_space<vmem_shared>>
        tpu.wait_dma2 semaphore(%run_scoped3A : memref<!tpu.dma_semaphore, #tpu.memory_space<semaphore_mem>>) src(%dma_wait3A_331 : memref<400x16xf32, #tpu.memory_space<vmem_shared>>) dst(%dma_wait3A_329 : memref<400x16xf32, #tpu.memory_space<vmem>>)
        tpu.yield
      }) : () -> ()
      "tpu.region"() ({
        %run_scoped3A = tpu.sem_alloc : memref<!tpu.dma_semaphore, #tpu.memory_space<semaphore_mem>>
        %dma_start3A_312 = arith.constant 0 : i32
        %dma_start3A_313 = arith.constant 0 : i32
        %dma_start3A_314 = tpu.memref_slice %arg17[%dma_start3A_312, %dma_start3A_313] : memref<512x16xf32, #tpu.memory_space<vmem>> -> memref<400x16xf32, #tpu.memory_space<vmem>>
        %dma_start3A_315 = arith.constant 0 : i32
        %dma_start3A_316 = tpu.memref_slice %arg5[%arg0, %multiple_of3A_307, %dma_start3A_315] : memref<2x100000x16xf32, #tpu.memory_space<hbm>> -> memref<1x400x16xf32, #tpu.memory_space<hbm>>
        %dma_start3A_317 = tpu.memref_squeeze %dma_start3A_316 : memref<1x400x16xf32, #tpu.memory_space<hbm>> -> memref<400x16xf32, #tpu.memory_space<hbm>>
        %dma_start3A_318 = arith.constant 0 : i32
        %dma_start3A_319 = tpu.memref_slice %arg5[%arg0, %multiple_of3A_307, %dma_start3A_318] : memref<2x100000x16xf32, #tpu.memory_space<hbm>> -> memref<1x400x16xf32, #tpu.memory_space<hbm>>
        %dma_start3A_320 = tpu.memref_squeeze %dma_start3A_319 : memref<1x400x16xf32, #tpu.memory_space<hbm>> -> memref<400x16xf32, #tpu.memory_space<hbm>>
        %dma_start3A_321 = arith.constant 0 : i32
        %dma_start3A_322 = arith.constant 0 : i32
        %dma_start3A_323 = tpu.memref_slice %arg17[%dma_start3A_321, %dma_start3A_322] : memref<512x16xf32, #tpu.memory_space<vmem>> -> memref<400x16xf32, #tpu.memory_space<vmem>>
        tpu.enqueue_dma source(%dma_start3A_323 : memref<400x16xf32, #tpu.memory_space<vmem>>) target(%dma_start3A_320 : memref<400x16xf32, #tpu.memory_space<hbm>>) target_semaphore(%run_scoped3A : memref<!tpu.dma_semaphore, #tpu.memory_space<semaphore_mem>>)
        %dma_wait3A_324 = arith.constant 0 : i32
        %dma_wait3A_325 = arith.constant 0 : i32
        %dma_wait3A_326 = tpu.memref_slice %arg17[%dma_wait3A_324, %dma_wait3A_325] : memref<512x16xf32, #tpu.memory_space<vmem>> -> memref<400x16xf32, #tpu.memory_space<vmem>>
        %dma_wait3A_327 = arith.constant 0 : i32
        %dma_wait3A_328 = tpu.memref_slice %arg5[%arg0, %multiple_of3A_307, %dma_wait3A_327] : memref<2x100000x16xf32, #tpu.memory_space<hbm>> -> memref<1x400x16xf32, #tpu.memory_space<hbm>>
        %dma_wait3A_329 = tpu.memref_squeeze %dma_wait3A_328 : memref<1x400x16xf32, #tpu.memory_space<hbm>> -> memref<400x16xf32, #tpu.memory_space<hbm>>
        %dma_wait3A_330 = arith.constant 0 : i32
        %dma_wait3A_331 = tpu.memref_slice %arg5[%arg0, %multiple_of3A_307, %dma_wait3A_330] : memref<2x100000x16xf32, #tpu.memory_space<hbm>> -> memref<1x400x16xf32, #tpu.memory_space<hbm>>
        %dma_wait3A_332 = tpu.memref_squeeze %dma_wait3A_331 : memref<1x400x16xf32, #tpu.memory_space<hbm>> -> memref<400x16xf32, #tpu.memory_space<hbm>>
        %dma_wait3A_333 = arith.constant 0 : i32
        %dma_wait3A_334 = arith.constant 0 : i32
        %dma_wait3A_335 = tpu.memref_slice %arg17[%dma_wait3A_333, %dma_wait3A_334] : memref<512x16xf32, #tpu.memory_space<vmem>> -> memref<400x16xf32, #tpu.memory_space<vmem>>
        tpu.wait_dma2 semaphore(%run_scoped3A : memref<!tpu.dma_semaphore, #tpu.memory_space<semaphore_mem>>) src(%dma_wait3A_335 : memref<400x16xf32, #tpu.memory_space<vmem>>) dst(%dma_wait3A_332 : memref<400x16xf32, #tpu.memory_space<hbm>>)
        tpu.yield
      }) : () -> ()
      "tpu.region"() ({
        %run_scoped3A = tpu.sem_alloc : memref<!tpu.dma_semaphore, #tpu.memory_space<semaphore_mem>>
        %dma_start3A_312 = tpu.memref_slice %arg8[%multiple_of3A_307] : memref<100000xf32, #tpu.memory_space<vmem_shared>> -> memref<400xf32, #tpu.memory_space<vmem_shared>>
        %dma_start3A_313 = tpu.memref_slice %arg8[%multiple_of3A_307] : memref<100000xf32, #tpu.memory_space<vmem_shared>> -> memref<400xf32, #tpu.memory_space<vmem_shared>>
        tpu.enqueue_dma source(%dma_start3A_313 : memref<400xf32, #tpu.memory_space<vmem_shared>>) target(%arg20 : memref<400xf32, #tpu.memory_space<vmem>>) target_semaphore(%run_scoped3A : memref<!tpu.dma_semaphore, #tpu.memory_space<semaphore_mem>>)
        %dma_wait3A_314 = tpu.memref_slice %arg8[%multiple_of3A_307] : memref<100000xf32, #tpu.memory_space<vmem_shared>> -> memref<400xf32, #tpu.memory_space<vmem_shared>>
        %dma_wait3A_315 = tpu.memref_slice %arg8[%multiple_of3A_307] : memref<100000xf32, #tpu.memory_space<vmem_shared>> -> memref<400xf32, #tpu.memory_space<vmem_shared>>
        tpu.wait_dma2 semaphore(%run_scoped3A : memref<!tpu.dma_semaphore, #tpu.memory_space<semaphore_mem>>) src(%dma_wait3A_315 : memref<400xf32, #tpu.memory_space<vmem_shared>>) dst(%arg20 : memref<400xf32, #tpu.memory_space<vmem>>)
        tpu.yield
      }) : () -> ()
      %mul3A_308 = arith.constant 100000 : i32
      %mul3A_309 = arith.muli %arg0, %mul3A_308 : i32
      %add3A_310 = arith.addi %mul3A_309, %multiple_of3A_307 : i32
      %multiple_of3A_311 = tpu.assume_multiple %add3A_310, 8 : i32
      "tpu.region"() ({
        %run_scoped3A = tpu.sem_alloc : memref<!tpu.dma_semaphore, #tpu.memory_space<semaphore_mem>>
        %dma_start3A_312 = tpu.memref_slice %arg6[%multiple_of3A_311] : memref<200000xf32, #tpu.memory_space<hbm>> -> memref<400xf32, #tpu.memory_space<hbm>>
        %dma_start3A_313 = tpu.memref_slice %arg6[%multiple_of3A_311] : memref<200000xf32, #tpu.memory_space<hbm>> -> memref<400xf32, #tpu.memory_space<hbm>>
        tpu.enqueue_dma source(%arg20 : memref<400xf32, #tpu.memory_space<vmem>>) target(%dma_start3A_313 : memref<400xf32, #tpu.memory_space<hbm>>) target_semaphore(%run_scoped3A : memref<!tpu.dma_semaphore, #tpu.memory_space<semaphore_mem>>)
        %dma_wait3A_314 = tpu.memref_slice %arg6[%multiple_of3A_311] : memref<200000xf32, #tpu.memory_space<hbm>> -> memref<400xf32, #tpu.memory_space<hbm>>
        %dma_wait3A_315 = tpu.memref_slice %arg6[%multiple_of3A_311] : memref<200000xf32, #tpu.memory_space<hbm>> -> memref<400xf32, #tpu.memory_space<hbm>>
        tpu.wait_dma2 semaphore(%run_scoped3A : memref<!tpu.dma_semaphore, #tpu.memory_space<semaphore_mem>>) src(%arg20 : memref<400xf32, #tpu.memory_space<vmem>>) dst(%dma_wait3A_315 : memref<400xf32, #tpu.memory_space<hbm>>)
        tpu.yield
      }) : () -> ()
    } else {
    }
    %add3A_277 = arith.constant 192 : i32
    %add3A_278 = arith.addi %arg1, %add3A_277 : i32
    %lt3A_279 = arith.constant 250 : i32
    %lt3A_280 = arith.cmpi slt, %add3A_278, %lt3A_279 : i32
    %convert_element_type3A_281 = arith.extui %lt3A_280 : i1 to i32
    %cond3A_282 = arith.constant 0 : i32
    %cond3A_283 = arith.cmpi ne, %convert_element_type3A_281, %cond3A_282 : i32
    scf.if %cond3A_283 {
      %mul3A_305 = arith.constant 400 : i32
      %mul3A_306 = arith.muli %add3A_278, %mul3A_305 : i32
      %multiple_of3A_307 = tpu.assume_multiple %mul3A_306, 8 : i32
      "tpu.region"() ({
        %run_scoped3A = tpu.sem_alloc : memref<!tpu.dma_semaphore, #tpu.memory_space<semaphore_mem>>
        %dma_start3A_312 = arith.constant 0 : i32
        %dma_start3A_313 = arith.constant 0 : i32
        %dma_start3A_314 = tpu.memref_slice %arg17[%dma_start3A_312, %dma_start3A_313] : memref<512x16xf32, #tpu.memory_space<vmem>> -> memref<400x16xf32, #tpu.memory_space<vmem>>
        %dma_start3A_315 = arith.constant 0 : i32
        %dma_start3A_316 = tpu.memref_slice %arg7[%multiple_of3A_307, %dma_start3A_315] : memref<100000x16xf32, #tpu.memory_space<vmem_shared>> -> memref<400x16xf32, #tpu.memory_space<vmem_shared>>
        %dma_start3A_317 = arith.constant 0 : i32
        %dma_start3A_318 = arith.constant 0 : i32
        %dma_start3A_319 = tpu.memref_slice %arg17[%dma_start3A_317, %dma_start3A_318] : memref<512x16xf32, #tpu.memory_space<vmem>> -> memref<400x16xf32, #tpu.memory_space<vmem>>
        %dma_start3A_320 = arith.constant 0 : i32
        %dma_start3A_321 = tpu.memref_slice %arg7[%multiple_of3A_307, %dma_start3A_320] : memref<100000x16xf32, #tpu.memory_space<vmem_shared>> -> memref<400x16xf32, #tpu.memory_space<vmem_shared>>
        tpu.enqueue_dma source(%dma_start3A_321 : memref<400x16xf32, #tpu.memory_space<vmem_shared>>) target(%dma_start3A_319 : memref<400x16xf32, #tpu.memory_space<vmem>>) target_semaphore(%run_scoped3A : memref<!tpu.dma_semaphore, #tpu.memory_space<semaphore_mem>>)
        %dma_wait3A_322 = arith.constant 0 : i32
        %dma_wait3A_323 = arith.constant 0 : i32
        %dma_wait3A_324 = tpu.memref_slice %arg17[%dma_wait3A_322, %dma_wait3A_323] : memref<512x16xf32, #tpu.memory_space<vmem>> -> memref<400x16xf32, #tpu.memory_space<vmem>>
        %dma_wait3A_325 = arith.constant 0 : i32
        %dma_wait3A_326 = tpu.memref_slice %arg7[%multiple_of3A_307, %dma_wait3A_325] : memref<100000x16xf32, #tpu.memory_space<vmem_shared>> -> memref<400x16xf32, #tpu.memory_space<vmem_shared>>
        %dma_wait3A_327 = arith.constant 0 : i32
        %dma_wait3A_328 = arith.constant 0 : i32
        %dma_wait3A_329 = tpu.memref_slice %arg17[%dma_wait3A_327, %dma_wait3A_328] : memref<512x16xf32, #tpu.memory_space<vmem>> -> memref<400x16xf32, #tpu.memory_space<vmem>>
        %dma_wait3A_330 = arith.constant 0 : i32
        %dma_wait3A_331 = tpu.memref_slice %arg7[%multiple_of3A_307, %dma_wait3A_330] : memref<100000x16xf32, #tpu.memory_space<vmem_shared>> -> memref<400x16xf32, #tpu.memory_space<vmem_shared>>
        tpu.wait_dma2 semaphore(%run_scoped3A : memref<!tpu.dma_semaphore, #tpu.memory_space<semaphore_mem>>) src(%dma_wait3A_331 : memref<400x16xf32, #tpu.memory_space<vmem_shared>>) dst(%dma_wait3A_329 : memref<400x16xf32, #tpu.memory_space<vmem>>)
        tpu.yield
      }) : () -> ()
      "tpu.region"() ({
        %run_scoped3A = tpu.sem_alloc : memref<!tpu.dma_semaphore, #tpu.memory_space<semaphore_mem>>
        %dma_start3A_312 = arith.constant 0 : i32
        %dma_start3A_313 = arith.constant 0 : i32
        %dma_start3A_314 = tpu.memref_slice %arg17[%dma_start3A_312, %dma_start3A_313] : memref<512x16xf32, #tpu.memory_space<vmem>> -> memref<400x16xf32, #tpu.memory_space<vmem>>
        %dma_start3A_315 = arith.constant 0 : i32
        %dma_start3A_316 = tpu.memref_slice %arg5[%arg0, %multiple_of3A_307, %dma_start3A_315] : memref<2x100000x16xf32, #tpu.memory_space<hbm>> -> memref<1x400x16xf32, #tpu.memory_space<hbm>>
        %dma_start3A_317 = tpu.memref_squeeze %dma_start3A_316 : memref<1x400x16xf32, #tpu.memory_space<hbm>> -> memref<400x16xf32, #tpu.memory_space<hbm>>
        %dma_start3A_318 = arith.constant 0 : i32
        %dma_start3A_319 = tpu.memref_slice %arg5[%arg0, %multiple_of3A_307, %dma_start3A_318] : memref<2x100000x16xf32, #tpu.memory_space<hbm>> -> memref<1x400x16xf32, #tpu.memory_space<hbm>>
        %dma_start3A_320 = tpu.memref_squeeze %dma_start3A_319 : memref<1x400x16xf32, #tpu.memory_space<hbm>> -> memref<400x16xf32, #tpu.memory_space<hbm>>
        %dma_start3A_321 = arith.constant 0 : i32
        %dma_start3A_322 = arith.constant 0 : i32
        %dma_start3A_323 = tpu.memref_slice %arg17[%dma_start3A_321, %dma_start3A_322] : memref<512x16xf32, #tpu.memory_space<vmem>> -> memref<400x16xf32, #tpu.memory_space<vmem>>
        tpu.enqueue_dma source(%dma_start3A_323 : memref<400x16xf32, #tpu.memory_space<vmem>>) target(%dma_start3A_320 : memref<400x16xf32, #tpu.memory_space<hbm>>) target_semaphore(%run_scoped3A : memref<!tpu.dma_semaphore, #tpu.memory_space<semaphore_mem>>)
        %dma_wait3A_324 = arith.constant 0 : i32
        %dma_wait3A_325 = arith.constant 0 : i32
        %dma_wait3A_326 = tpu.memref_slice %arg17[%dma_wait3A_324, %dma_wait3A_325] : memref<512x16xf32, #tpu.memory_space<vmem>> -> memref<400x16xf32, #tpu.memory_space<vmem>>
        %dma_wait3A_327 = arith.constant 0 : i32
        %dma_wait3A_328 = tpu.memref_slice %arg5[%arg0, %multiple_of3A_307, %dma_wait3A_327] : memref<2x100000x16xf32, #tpu.memory_space<hbm>> -> memref<1x400x16xf32, #tpu.memory_space<hbm>>
        %dma_wait3A_329 = tpu.memref_squeeze %dma_wait3A_328 : memref<1x400x16xf32, #tpu.memory_space<hbm>> -> memref<400x16xf32, #tpu.memory_space<hbm>>
        %dma_wait3A_330 = arith.constant 0 : i32
        %dma_wait3A_331 = tpu.memref_slice %arg5[%arg0, %multiple_of3A_307, %dma_wait3A_330] : memref<2x100000x16xf32, #tpu.memory_space<hbm>> -> memref<1x400x16xf32, #tpu.memory_space<hbm>>
        %dma_wait3A_332 = tpu.memref_squeeze %dma_wait3A_331 : memref<1x400x16xf32, #tpu.memory_space<hbm>> -> memref<400x16xf32, #tpu.memory_space<hbm>>
        %dma_wait3A_333 = arith.constant 0 : i32
        %dma_wait3A_334 = arith.constant 0 : i32
        %dma_wait3A_335 = tpu.memref_slice %arg17[%dma_wait3A_333, %dma_wait3A_334] : memref<512x16xf32, #tpu.memory_space<vmem>> -> memref<400x16xf32, #tpu.memory_space<vmem>>
        tpu.wait_dma2 semaphore(%run_scoped3A : memref<!tpu.dma_semaphore, #tpu.memory_space<semaphore_mem>>) src(%dma_wait3A_335 : memref<400x16xf32, #tpu.memory_space<vmem>>) dst(%dma_wait3A_332 : memref<400x16xf32, #tpu.memory_space<hbm>>)
        tpu.yield
      }) : () -> ()
      "tpu.region"() ({
        %run_scoped3A = tpu.sem_alloc : memref<!tpu.dma_semaphore, #tpu.memory_space<semaphore_mem>>
        %dma_start3A_312 = tpu.memref_slice %arg8[%multiple_of3A_307] : memref<100000xf32, #tpu.memory_space<vmem_shared>> -> memref<400xf32, #tpu.memory_space<vmem_shared>>
        %dma_start3A_313 = tpu.memref_slice %arg8[%multiple_of3A_307] : memref<100000xf32, #tpu.memory_space<vmem_shared>> -> memref<400xf32, #tpu.memory_space<vmem_shared>>
        tpu.enqueue_dma source(%dma_start3A_313 : memref<400xf32, #tpu.memory_space<vmem_shared>>) target(%arg20 : memref<400xf32, #tpu.memory_space<vmem>>) target_semaphore(%run_scoped3A : memref<!tpu.dma_semaphore, #tpu.memory_space<semaphore_mem>>)
        %dma_wait3A_314 = tpu.memref_slice %arg8[%multiple_of3A_307] : memref<100000xf32, #tpu.memory_space<vmem_shared>> -> memref<400xf32, #tpu.memory_space<vmem_shared>>
        %dma_wait3A_315 = tpu.memref_slice %arg8[%multiple_of3A_307] : memref<100000xf32, #tpu.memory_space<vmem_shared>> -> memref<400xf32, #tpu.memory_space<vmem_shared>>
        tpu.wait_dma2 semaphore(%run_scoped3A : memref<!tpu.dma_semaphore, #tpu.memory_space<semaphore_mem>>) src(%dma_wait3A_315 : memref<400xf32, #tpu.memory_space<vmem_shared>>) dst(%arg20 : memref<400xf32, #tpu.memory_space<vmem>>)
        tpu.yield
      }) : () -> ()
      %mul3A_308 = arith.constant 100000 : i32
      %mul3A_309 = arith.muli %arg0, %mul3A_308 : i32
      %add3A_310 = arith.addi %mul3A_309, %multiple_of3A_307 : i32
      %multiple_of3A_311 = tpu.assume_multiple %add3A_310, 8 : i32
      "tpu.region"() ({
        %run_scoped3A = tpu.sem_alloc : memref<!tpu.dma_semaphore, #tpu.memory_space<semaphore_mem>>
        %dma_start3A_312 = tpu.memref_slice %arg6[%multiple_of3A_311] : memref<200000xf32, #tpu.memory_space<hbm>> -> memref<400xf32, #tpu.memory_space<hbm>>
        %dma_start3A_313 = tpu.memref_slice %arg6[%multiple_of3A_311] : memref<200000xf32, #tpu.memory_space<hbm>> -> memref<400xf32, #tpu.memory_space<hbm>>
        tpu.enqueue_dma source(%arg20 : memref<400xf32, #tpu.memory_space<vmem>>) target(%dma_start3A_313 : memref<400xf32, #tpu.memory_space<hbm>>) target_semaphore(%run_scoped3A : memref<!tpu.dma_semaphore, #tpu.memory_space<semaphore_mem>>)
        %dma_wait3A_314 = tpu.memref_slice %arg6[%multiple_of3A_311] : memref<200000xf32, #tpu.memory_space<hbm>> -> memref<400xf32, #tpu.memory_space<hbm>>
        %dma_wait3A_315 = tpu.memref_slice %arg6[%multiple_of3A_311] : memref<200000xf32, #tpu.memory_space<hbm>> -> memref<400xf32, #tpu.memory_space<hbm>>
        tpu.wait_dma2 semaphore(%run_scoped3A : memref<!tpu.dma_semaphore, #tpu.memory_space<semaphore_mem>>) src(%arg20 : memref<400xf32, #tpu.memory_space<vmem>>) dst(%dma_wait3A_315 : memref<400xf32, #tpu.memory_space<hbm>>)
        tpu.yield
      }) : () -> ()
    } else {
    }
    %add3A_284 = arith.constant 208 : i32
    %add3A_285 = arith.addi %arg1, %add3A_284 : i32
    %lt3A_286 = arith.constant 250 : i32
    %lt3A_287 = arith.cmpi slt, %add3A_285, %lt3A_286 : i32
    %convert_element_type3A_288 = arith.extui %lt3A_287 : i1 to i32
    %cond3A_289 = arith.constant 0 : i32
    %cond3A_290 = arith.cmpi ne, %convert_element_type3A_288, %cond3A_289 : i32
    scf.if %cond3A_290 {
      %mul3A_305 = arith.constant 400 : i32
      %mul3A_306 = arith.muli %add3A_285, %mul3A_305 : i32
      %multiple_of3A_307 = tpu.assume_multiple %mul3A_306, 8 : i32
      "tpu.region"() ({
        %run_scoped3A = tpu.sem_alloc : memref<!tpu.dma_semaphore, #tpu.memory_space<semaphore_mem>>
        %dma_start3A_312 = arith.constant 0 : i32
        %dma_start3A_313 = arith.constant 0 : i32
        %dma_start3A_314 = tpu.memref_slice %arg17[%dma_start3A_312, %dma_start3A_313] : memref<512x16xf32, #tpu.memory_space<vmem>> -> memref<400x16xf32, #tpu.memory_space<vmem>>
        %dma_start3A_315 = arith.constant 0 : i32
        %dma_start3A_316 = tpu.memref_slice %arg7[%multiple_of3A_307, %dma_start3A_315] : memref<100000x16xf32, #tpu.memory_space<vmem_shared>> -> memref<400x16xf32, #tpu.memory_space<vmem_shared>>
        %dma_start3A_317 = arith.constant 0 : i32
        %dma_start3A_318 = arith.constant 0 : i32
        %dma_start3A_319 = tpu.memref_slice %arg17[%dma_start3A_317, %dma_start3A_318] : memref<512x16xf32, #tpu.memory_space<vmem>> -> memref<400x16xf32, #tpu.memory_space<vmem>>
        %dma_start3A_320 = arith.constant 0 : i32
        %dma_start3A_321 = tpu.memref_slice %arg7[%multiple_of3A_307, %dma_start3A_320] : memref<100000x16xf32, #tpu.memory_space<vmem_shared>> -> memref<400x16xf32, #tpu.memory_space<vmem_shared>>
        tpu.enqueue_dma source(%dma_start3A_321 : memref<400x16xf32, #tpu.memory_space<vmem_shared>>) target(%dma_start3A_319 : memref<400x16xf32, #tpu.memory_space<vmem>>) target_semaphore(%run_scoped3A : memref<!tpu.dma_semaphore, #tpu.memory_space<semaphore_mem>>)
        %dma_wait3A_322 = arith.constant 0 : i32
        %dma_wait3A_323 = arith.constant 0 : i32
        %dma_wait3A_324 = tpu.memref_slice %arg17[%dma_wait3A_322, %dma_wait3A_323] : memref<512x16xf32, #tpu.memory_space<vmem>> -> memref<400x16xf32, #tpu.memory_space<vmem>>
        %dma_wait3A_325 = arith.constant 0 : i32
        %dma_wait3A_326 = tpu.memref_slice %arg7[%multiple_of3A_307, %dma_wait3A_325] : memref<100000x16xf32, #tpu.memory_space<vmem_shared>> -> memref<400x16xf32, #tpu.memory_space<vmem_shared>>
        %dma_wait3A_327 = arith.constant 0 : i32
        %dma_wait3A_328 = arith.constant 0 : i32
        %dma_wait3A_329 = tpu.memref_slice %arg17[%dma_wait3A_327, %dma_wait3A_328] : memref<512x16xf32, #tpu.memory_space<vmem>> -> memref<400x16xf32, #tpu.memory_space<vmem>>
        %dma_wait3A_330 = arith.constant 0 : i32
        %dma_wait3A_331 = tpu.memref_slice %arg7[%multiple_of3A_307, %dma_wait3A_330] : memref<100000x16xf32, #tpu.memory_space<vmem_shared>> -> memref<400x16xf32, #tpu.memory_space<vmem_shared>>
        tpu.wait_dma2 semaphore(%run_scoped3A : memref<!tpu.dma_semaphore, #tpu.memory_space<semaphore_mem>>) src(%dma_wait3A_331 : memref<400x16xf32, #tpu.memory_space<vmem_shared>>) dst(%dma_wait3A_329 : memref<400x16xf32, #tpu.memory_space<vmem>>)
        tpu.yield
      }) : () -> ()
      "tpu.region"() ({
        %run_scoped3A = tpu.sem_alloc : memref<!tpu.dma_semaphore, #tpu.memory_space<semaphore_mem>>
        %dma_start3A_312 = arith.constant 0 : i32
        %dma_start3A_313 = arith.constant 0 : i32
        %dma_start3A_314 = tpu.memref_slice %arg17[%dma_start3A_312, %dma_start3A_313] : memref<512x16xf32, #tpu.memory_space<vmem>> -> memref<400x16xf32, #tpu.memory_space<vmem>>
        %dma_start3A_315 = arith.constant 0 : i32
        %dma_start3A_316 = tpu.memref_slice %arg5[%arg0, %multiple_of3A_307, %dma_start3A_315] : memref<2x100000x16xf32, #tpu.memory_space<hbm>> -> memref<1x400x16xf32, #tpu.memory_space<hbm>>
        %dma_start3A_317 = tpu.memref_squeeze %dma_start3A_316 : memref<1x400x16xf32, #tpu.memory_space<hbm>> -> memref<400x16xf32, #tpu.memory_space<hbm>>
        %dma_start3A_318 = arith.constant 0 : i32
        %dma_start3A_319 = tpu.memref_slice %arg5[%arg0, %multiple_of3A_307, %dma_start3A_318] : memref<2x100000x16xf32, #tpu.memory_space<hbm>> -> memref<1x400x16xf32, #tpu.memory_space<hbm>>
        %dma_start3A_320 = tpu.memref_squeeze %dma_start3A_319 : memref<1x400x16xf32, #tpu.memory_space<hbm>> -> memref<400x16xf32, #tpu.memory_space<hbm>>
        %dma_start3A_321 = arith.constant 0 : i32
        %dma_start3A_322 = arith.constant 0 : i32
        %dma_start3A_323 = tpu.memref_slice %arg17[%dma_start3A_321, %dma_start3A_322] : memref<512x16xf32, #tpu.memory_space<vmem>> -> memref<400x16xf32, #tpu.memory_space<vmem>>
        tpu.enqueue_dma source(%dma_start3A_323 : memref<400x16xf32, #tpu.memory_space<vmem>>) target(%dma_start3A_320 : memref<400x16xf32, #tpu.memory_space<hbm>>) target_semaphore(%run_scoped3A : memref<!tpu.dma_semaphore, #tpu.memory_space<semaphore_mem>>)
        %dma_wait3A_324 = arith.constant 0 : i32
        %dma_wait3A_325 = arith.constant 0 : i32
        %dma_wait3A_326 = tpu.memref_slice %arg17[%dma_wait3A_324, %dma_wait3A_325] : memref<512x16xf32, #tpu.memory_space<vmem>> -> memref<400x16xf32, #tpu.memory_space<vmem>>
        %dma_wait3A_327 = arith.constant 0 : i32
        %dma_wait3A_328 = tpu.memref_slice %arg5[%arg0, %multiple_of3A_307, %dma_wait3A_327] : memref<2x100000x16xf32, #tpu.memory_space<hbm>> -> memref<1x400x16xf32, #tpu.memory_space<hbm>>
        %dma_wait3A_329 = tpu.memref_squeeze %dma_wait3A_328 : memref<1x400x16xf32, #tpu.memory_space<hbm>> -> memref<400x16xf32, #tpu.memory_space<hbm>>
        %dma_wait3A_330 = arith.constant 0 : i32
        %dma_wait3A_331 = tpu.memref_slice %arg5[%arg0, %multiple_of3A_307, %dma_wait3A_330] : memref<2x100000x16xf32, #tpu.memory_space<hbm>> -> memref<1x400x16xf32, #tpu.memory_space<hbm>>
        %dma_wait3A_332 = tpu.memref_squeeze %dma_wait3A_331 : memref<1x400x16xf32, #tpu.memory_space<hbm>> -> memref<400x16xf32, #tpu.memory_space<hbm>>
        %dma_wait3A_333 = arith.constant 0 : i32
        %dma_wait3A_334 = arith.constant 0 : i32
        %dma_wait3A_335 = tpu.memref_slice %arg17[%dma_wait3A_333, %dma_wait3A_334] : memref<512x16xf32, #tpu.memory_space<vmem>> -> memref<400x16xf32, #tpu.memory_space<vmem>>
        tpu.wait_dma2 semaphore(%run_scoped3A : memref<!tpu.dma_semaphore, #tpu.memory_space<semaphore_mem>>) src(%dma_wait3A_335 : memref<400x16xf32, #tpu.memory_space<vmem>>) dst(%dma_wait3A_332 : memref<400x16xf32, #tpu.memory_space<hbm>>)
        tpu.yield
      }) : () -> ()
      "tpu.region"() ({
        %run_scoped3A = tpu.sem_alloc : memref<!tpu.dma_semaphore, #tpu.memory_space<semaphore_mem>>
        %dma_start3A_312 = tpu.memref_slice %arg8[%multiple_of3A_307] : memref<100000xf32, #tpu.memory_space<vmem_shared>> -> memref<400xf32, #tpu.memory_space<vmem_shared>>
        %dma_start3A_313 = tpu.memref_slice %arg8[%multiple_of3A_307] : memref<100000xf32, #tpu.memory_space<vmem_shared>> -> memref<400xf32, #tpu.memory_space<vmem_shared>>
        tpu.enqueue_dma source(%dma_start3A_313 : memref<400xf32, #tpu.memory_space<vmem_shared>>) target(%arg20 : memref<400xf32, #tpu.memory_space<vmem>>) target_semaphore(%run_scoped3A : memref<!tpu.dma_semaphore, #tpu.memory_space<semaphore_mem>>)
        %dma_wait3A_314 = tpu.memref_slice %arg8[%multiple_of3A_307] : memref<100000xf32, #tpu.memory_space<vmem_shared>> -> memref<400xf32, #tpu.memory_space<vmem_shared>>
        %dma_wait3A_315 = tpu.memref_slice %arg8[%multiple_of3A_307] : memref<100000xf32, #tpu.memory_space<vmem_shared>> -> memref<400xf32, #tpu.memory_space<vmem_shared>>
        tpu.wait_dma2 semaphore(%run_scoped3A : memref<!tpu.dma_semaphore, #tpu.memory_space<semaphore_mem>>) src(%dma_wait3A_315 : memref<400xf32, #tpu.memory_space<vmem_shared>>) dst(%arg20 : memref<400xf32, #tpu.memory_space<vmem>>)
        tpu.yield
      }) : () -> ()
      %mul3A_308 = arith.constant 100000 : i32
      %mul3A_309 = arith.muli %arg0, %mul3A_308 : i32
      %add3A_310 = arith.addi %mul3A_309, %multiple_of3A_307 : i32
      %multiple_of3A_311 = tpu.assume_multiple %add3A_310, 8 : i32
      "tpu.region"() ({
        %run_scoped3A = tpu.sem_alloc : memref<!tpu.dma_semaphore, #tpu.memory_space<semaphore_mem>>
        %dma_start3A_312 = tpu.memref_slice %arg6[%multiple_of3A_311] : memref<200000xf32, #tpu.memory_space<hbm>> -> memref<400xf32, #tpu.memory_space<hbm>>
        %dma_start3A_313 = tpu.memref_slice %arg6[%multiple_of3A_311] : memref<200000xf32, #tpu.memory_space<hbm>> -> memref<400xf32, #tpu.memory_space<hbm>>
        tpu.enqueue_dma source(%arg20 : memref<400xf32, #tpu.memory_space<vmem>>) target(%dma_start3A_313 : memref<400xf32, #tpu.memory_space<hbm>>) target_semaphore(%run_scoped3A : memref<!tpu.dma_semaphore, #tpu.memory_space<semaphore_mem>>)
        %dma_wait3A_314 = tpu.memref_slice %arg6[%multiple_of3A_311] : memref<200000xf32, #tpu.memory_space<hbm>> -> memref<400xf32, #tpu.memory_space<hbm>>
        %dma_wait3A_315 = tpu.memref_slice %arg6[%multiple_of3A_311] : memref<200000xf32, #tpu.memory_space<hbm>> -> memref<400xf32, #tpu.memory_space<hbm>>
        tpu.wait_dma2 semaphore(%run_scoped3A : memref<!tpu.dma_semaphore, #tpu.memory_space<semaphore_mem>>) src(%arg20 : memref<400xf32, #tpu.memory_space<vmem>>) dst(%dma_wait3A_315 : memref<400xf32, #tpu.memory_space<hbm>>)
        tpu.yield
      }) : () -> ()
    } else {
    }
    %add3A_291 = arith.constant 224 : i32
    %add3A_292 = arith.addi %arg1, %add3A_291 : i32
    %lt3A_293 = arith.constant 250 : i32
    %lt3A_294 = arith.cmpi slt, %add3A_292, %lt3A_293 : i32
    %convert_element_type3A_295 = arith.extui %lt3A_294 : i1 to i32
    %cond3A_296 = arith.constant 0 : i32
    %cond3A_297 = arith.cmpi ne, %convert_element_type3A_295, %cond3A_296 : i32
    scf.if %cond3A_297 {
      %mul3A_305 = arith.constant 400 : i32
      %mul3A_306 = arith.muli %add3A_292, %mul3A_305 : i32
      %multiple_of3A_307 = tpu.assume_multiple %mul3A_306, 8 : i32
      "tpu.region"() ({
        %run_scoped3A = tpu.sem_alloc : memref<!tpu.dma_semaphore, #tpu.memory_space<semaphore_mem>>
        %dma_start3A_312 = arith.constant 0 : i32
        %dma_start3A_313 = arith.constant 0 : i32
        %dma_start3A_314 = tpu.memref_slice %arg17[%dma_start3A_312, %dma_start3A_313] : memref<512x16xf32, #tpu.memory_space<vmem>> -> memref<400x16xf32, #tpu.memory_space<vmem>>
        %dma_start3A_315 = arith.constant 0 : i32
        %dma_start3A_316 = tpu.memref_slice %arg7[%multiple_of3A_307, %dma_start3A_315] : memref<100000x16xf32, #tpu.memory_space<vmem_shared>> -> memref<400x16xf32, #tpu.memory_space<vmem_shared>>
        %dma_start3A_317 = arith.constant 0 : i32
        %dma_start3A_318 = arith.constant 0 : i32
        %dma_start3A_319 = tpu.memref_slice %arg17[%dma_start3A_317, %dma_start3A_318] : memref<512x16xf32, #tpu.memory_space<vmem>> -> memref<400x16xf32, #tpu.memory_space<vmem>>
        %dma_start3A_320 = arith.constant 0 : i32
        %dma_start3A_321 = tpu.memref_slice %arg7[%multiple_of3A_307, %dma_start3A_320] : memref<100000x16xf32, #tpu.memory_space<vmem_shared>> -> memref<400x16xf32, #tpu.memory_space<vmem_shared>>
        tpu.enqueue_dma source(%dma_start3A_321 : memref<400x16xf32, #tpu.memory_space<vmem_shared>>) target(%dma_start3A_319 : memref<400x16xf32, #tpu.memory_space<vmem>>) target_semaphore(%run_scoped3A : memref<!tpu.dma_semaphore, #tpu.memory_space<semaphore_mem>>)
        %dma_wait3A_322 = arith.constant 0 : i32
        %dma_wait3A_323 = arith.constant 0 : i32
        %dma_wait3A_324 = tpu.memref_slice %arg17[%dma_wait3A_322, %dma_wait3A_323] : memref<512x16xf32, #tpu.memory_space<vmem>> -> memref<400x16xf32, #tpu.memory_space<vmem>>
        %dma_wait3A_325 = arith.constant 0 : i32
        %dma_wait3A_326 = tpu.memref_slice %arg7[%multiple_of3A_307, %dma_wait3A_325] : memref<100000x16xf32, #tpu.memory_space<vmem_shared>> -> memref<400x16xf32, #tpu.memory_space<vmem_shared>>
        %dma_wait3A_327 = arith.constant 0 : i32
        %dma_wait3A_328 = arith.constant 0 : i32
        %dma_wait3A_329 = tpu.memref_slice %arg17[%dma_wait3A_327, %dma_wait3A_328] : memref<512x16xf32, #tpu.memory_space<vmem>> -> memref<400x16xf32, #tpu.memory_space<vmem>>
        %dma_wait3A_330 = arith.constant 0 : i32
        %dma_wait3A_331 = tpu.memref_slice %arg7[%multiple_of3A_307, %dma_wait3A_330] : memref<100000x16xf32, #tpu.memory_space<vmem_shared>> -> memref<400x16xf32, #tpu.memory_space<vmem_shared>>
        tpu.wait_dma2 semaphore(%run_scoped3A : memref<!tpu.dma_semaphore, #tpu.memory_space<semaphore_mem>>) src(%dma_wait3A_331 : memref<400x16xf32, #tpu.memory_space<vmem_shared>>) dst(%dma_wait3A_329 : memref<400x16xf32, #tpu.memory_space<vmem>>)
        tpu.yield
      }) : () -> ()
      "tpu.region"() ({
        %run_scoped3A = tpu.sem_alloc : memref<!tpu.dma_semaphore, #tpu.memory_space<semaphore_mem>>
        %dma_start3A_312 = arith.constant 0 : i32
        %dma_start3A_313 = arith.constant 0 : i32
        %dma_start3A_314 = tpu.memref_slice %arg17[%dma_start3A_312, %dma_start3A_313] : memref<512x16xf32, #tpu.memory_space<vmem>> -> memref<400x16xf32, #tpu.memory_space<vmem>>
        %dma_start3A_315 = arith.constant 0 : i32
        %dma_start3A_316 = tpu.memref_slice %arg5[%arg0, %multiple_of3A_307, %dma_start3A_315] : memref<2x100000x16xf32, #tpu.memory_space<hbm>> -> memref<1x400x16xf32, #tpu.memory_space<hbm>>
        %dma_start3A_317 = tpu.memref_squeeze %dma_start3A_316 : memref<1x400x16xf32, #tpu.memory_space<hbm>> -> memref<400x16xf32, #tpu.memory_space<hbm>>
        %dma_start3A_318 = arith.constant 0 : i32
        %dma_start3A_319 = tpu.memref_slice %arg5[%arg0, %multiple_of3A_307, %dma_start3A_318] : memref<2x100000x16xf32, #tpu.memory_space<hbm>> -> memref<1x400x16xf32, #tpu.memory_space<hbm>>
        %dma_start3A_320 = tpu.memref_squeeze %dma_start3A_319 : memref<1x400x16xf32, #tpu.memory_space<hbm>> -> memref<400x16xf32, #tpu.memory_space<hbm>>
        %dma_start3A_321 = arith.constant 0 : i32
        %dma_start3A_322 = arith.constant 0 : i32
        %dma_start3A_323 = tpu.memref_slice %arg17[%dma_start3A_321, %dma_start3A_322] : memref<512x16xf32, #tpu.memory_space<vmem>> -> memref<400x16xf32, #tpu.memory_space<vmem>>
        tpu.enqueue_dma source(%dma_start3A_323 : memref<400x16xf32, #tpu.memory_space<vmem>>) target(%dma_start3A_320 : memref<400x16xf32, #tpu.memory_space<hbm>>) target_semaphore(%run_scoped3A : memref<!tpu.dma_semaphore, #tpu.memory_space<semaphore_mem>>)
        %dma_wait3A_324 = arith.constant 0 : i32
        %dma_wait3A_325 = arith.constant 0 : i32
        %dma_wait3A_326 = tpu.memref_slice %arg17[%dma_wait3A_324, %dma_wait3A_325] : memref<512x16xf32, #tpu.memory_space<vmem>> -> memref<400x16xf32, #tpu.memory_space<vmem>>
        %dma_wait3A_327 = arith.constant 0 : i32
        %dma_wait3A_328 = tpu.memref_slice %arg5[%arg0, %multiple_of3A_307, %dma_wait3A_327] : memref<2x100000x16xf32, #tpu.memory_space<hbm>> -> memref<1x400x16xf32, #tpu.memory_space<hbm>>
        %dma_wait3A_329 = tpu.memref_squeeze %dma_wait3A_328 : memref<1x400x16xf32, #tpu.memory_space<hbm>> -> memref<400x16xf32, #tpu.memory_space<hbm>>
        %dma_wait3A_330 = arith.constant 0 : i32
        %dma_wait3A_331 = tpu.memref_slice %arg5[%arg0, %multiple_of3A_307, %dma_wait3A_330] : memref<2x100000x16xf32, #tpu.memory_space<hbm>> -> memref<1x400x16xf32, #tpu.memory_space<hbm>>
        %dma_wait3A_332 = tpu.memref_squeeze %dma_wait3A_331 : memref<1x400x16xf32, #tpu.memory_space<hbm>> -> memref<400x16xf32, #tpu.memory_space<hbm>>
        %dma_wait3A_333 = arith.constant 0 : i32
        %dma_wait3A_334 = arith.constant 0 : i32
        %dma_wait3A_335 = tpu.memref_slice %arg17[%dma_wait3A_333, %dma_wait3A_334] : memref<512x16xf32, #tpu.memory_space<vmem>> -> memref<400x16xf32, #tpu.memory_space<vmem>>
        tpu.wait_dma2 semaphore(%run_scoped3A : memref<!tpu.dma_semaphore, #tpu.memory_space<semaphore_mem>>) src(%dma_wait3A_335 : memref<400x16xf32, #tpu.memory_space<vmem>>) dst(%dma_wait3A_332 : memref<400x16xf32, #tpu.memory_space<hbm>>)
        tpu.yield
      }) : () -> ()
      "tpu.region"() ({
        %run_scoped3A = tpu.sem_alloc : memref<!tpu.dma_semaphore, #tpu.memory_space<semaphore_mem>>
        %dma_start3A_312 = tpu.memref_slice %arg8[%multiple_of3A_307] : memref<100000xf32, #tpu.memory_space<vmem_shared>> -> memref<400xf32, #tpu.memory_space<vmem_shared>>
        %dma_start3A_313 = tpu.memref_slice %arg8[%multiple_of3A_307] : memref<100000xf32, #tpu.memory_space<vmem_shared>> -> memref<400xf32, #tpu.memory_space<vmem_shared>>
        tpu.enqueue_dma source(%dma_start3A_313 : memref<400xf32, #tpu.memory_space<vmem_shared>>) target(%arg20 : memref<400xf32, #tpu.memory_space<vmem>>) target_semaphore(%run_scoped3A : memref<!tpu.dma_semaphore, #tpu.memory_space<semaphore_mem>>)
        %dma_wait3A_314 = tpu.memref_slice %arg8[%multiple_of3A_307] : memref<100000xf32, #tpu.memory_space<vmem_shared>> -> memref<400xf32, #tpu.memory_space<vmem_shared>>
        %dma_wait3A_315 = tpu.memref_slice %arg8[%multiple_of3A_307] : memref<100000xf32, #tpu.memory_space<vmem_shared>> -> memref<400xf32, #tpu.memory_space<vmem_shared>>
        tpu.wait_dma2 semaphore(%run_scoped3A : memref<!tpu.dma_semaphore, #tpu.memory_space<semaphore_mem>>) src(%dma_wait3A_315 : memref<400xf32, #tpu.memory_space<vmem_shared>>) dst(%arg20 : memref<400xf32, #tpu.memory_space<vmem>>)
        tpu.yield
      }) : () -> ()
      %mul3A_308 = arith.constant 100000 : i32
      %mul3A_309 = arith.muli %arg0, %mul3A_308 : i32
      %add3A_310 = arith.addi %mul3A_309, %multiple_of3A_307 : i32
      %multiple_of3A_311 = tpu.assume_multiple %add3A_310, 8 : i32
      "tpu.region"() ({
        %run_scoped3A = tpu.sem_alloc : memref<!tpu.dma_semaphore, #tpu.memory_space<semaphore_mem>>
        %dma_start3A_312 = tpu.memref_slice %arg6[%multiple_of3A_311] : memref<200000xf32, #tpu.memory_space<hbm>> -> memref<400xf32, #tpu.memory_space<hbm>>
        %dma_start3A_313 = tpu.memref_slice %arg6[%multiple_of3A_311] : memref<200000xf32, #tpu.memory_space<hbm>> -> memref<400xf32, #tpu.memory_space<hbm>>
        tpu.enqueue_dma source(%arg20 : memref<400xf32, #tpu.memory_space<vmem>>) target(%dma_start3A_313 : memref<400xf32, #tpu.memory_space<hbm>>) target_semaphore(%run_scoped3A : memref<!tpu.dma_semaphore, #tpu.memory_space<semaphore_mem>>)
        %dma_wait3A_314 = tpu.memref_slice %arg6[%multiple_of3A_311] : memref<200000xf32, #tpu.memory_space<hbm>> -> memref<400xf32, #tpu.memory_space<hbm>>
        %dma_wait3A_315 = tpu.memref_slice %arg6[%multiple_of3A_311] : memref<200000xf32, #tpu.memory_space<hbm>> -> memref<400xf32, #tpu.memory_space<hbm>>
        tpu.wait_dma2 semaphore(%run_scoped3A : memref<!tpu.dma_semaphore, #tpu.memory_space<semaphore_mem>>) src(%arg20 : memref<400xf32, #tpu.memory_space<vmem>>) dst(%dma_wait3A_315 : memref<400xf32, #tpu.memory_space<hbm>>)
        tpu.yield
      }) : () -> ()
    } else {
    }
    %add3A_298 = arith.constant 240 : i32
    %add3A_299 = arith.addi %arg1, %add3A_298 : i32
    %lt3A_300 = arith.constant 250 : i32
    %lt3A_301 = arith.cmpi slt, %add3A_299, %lt3A_300 : i32
    %convert_element_type3A_302 = arith.extui %lt3A_301 : i1 to i32
    %cond3A_303 = arith.constant 0 : i32
    %cond3A_304 = arith.cmpi ne, %convert_element_type3A_302, %cond3A_303 : i32
    scf.if %cond3A_304 {
      %mul3A_305 = arith.constant 400 : i32
      %mul3A_306 = arith.muli %add3A_299, %mul3A_305 : i32
      %multiple_of3A_307 = tpu.assume_multiple %mul3A_306, 8 : i32
      "tpu.region"() ({
        %run_scoped3A = tpu.sem_alloc : memref<!tpu.dma_semaphore, #tpu.memory_space<semaphore_mem>>
        %dma_start3A_312 = arith.constant 0 : i32
        %dma_start3A_313 = arith.constant 0 : i32
        %dma_start3A_314 = tpu.memref_slice %arg17[%dma_start3A_312, %dma_start3A_313] : memref<512x16xf32, #tpu.memory_space<vmem>> -> memref<400x16xf32, #tpu.memory_space<vmem>>
        %dma_start3A_315 = arith.constant 0 : i32
        %dma_start3A_316 = tpu.memref_slice %arg7[%multiple_of3A_307, %dma_start3A_315] : memref<100000x16xf32, #tpu.memory_space<vmem_shared>> -> memref<400x16xf32, #tpu.memory_space<vmem_shared>>
        %dma_start3A_317 = arith.constant 0 : i32
        %dma_start3A_318 = arith.constant 0 : i32
        %dma_start3A_319 = tpu.memref_slice %arg17[%dma_start3A_317, %dma_start3A_318] : memref<512x16xf32, #tpu.memory_space<vmem>> -> memref<400x16xf32, #tpu.memory_space<vmem>>
        %dma_start3A_320 = arith.constant 0 : i32
        %dma_start3A_321 = tpu.memref_slice %arg7[%multiple_of3A_307, %dma_start3A_320] : memref<100000x16xf32, #tpu.memory_space<vmem_shared>> -> memref<400x16xf32, #tpu.memory_space<vmem_shared>>
        tpu.enqueue_dma source(%dma_start3A_321 : memref<400x16xf32, #tpu.memory_space<vmem_shared>>) target(%dma_start3A_319 : memref<400x16xf32, #tpu.memory_space<vmem>>) target_semaphore(%run_scoped3A : memref<!tpu.dma_semaphore, #tpu.memory_space<semaphore_mem>>)
        %dma_wait3A_322 = arith.constant 0 : i32
        %dma_wait3A_323 = arith.constant 0 : i32
        %dma_wait3A_324 = tpu.memref_slice %arg17[%dma_wait3A_322, %dma_wait3A_323] : memref<512x16xf32, #tpu.memory_space<vmem>> -> memref<400x16xf32, #tpu.memory_space<vmem>>
        %dma_wait3A_325 = arith.constant 0 : i32
        %dma_wait3A_326 = tpu.memref_slice %arg7[%multiple_of3A_307, %dma_wait3A_325] : memref<100000x16xf32, #tpu.memory_space<vmem_shared>> -> memref<400x16xf32, #tpu.memory_space<vmem_shared>>
        %dma_wait3A_327 = arith.constant 0 : i32
        %dma_wait3A_328 = arith.constant 0 : i32
        %dma_wait3A_329 = tpu.memref_slice %arg17[%dma_wait3A_327, %dma_wait3A_328] : memref<512x16xf32, #tpu.memory_space<vmem>> -> memref<400x16xf32, #tpu.memory_space<vmem>>
        %dma_wait3A_330 = arith.constant 0 : i32
        %dma_wait3A_331 = tpu.memref_slice %arg7[%multiple_of3A_307, %dma_wait3A_330] : memref<100000x16xf32, #tpu.memory_space<vmem_shared>> -> memref<400x16xf32, #tpu.memory_space<vmem_shared>>
        tpu.wait_dma2 semaphore(%run_scoped3A : memref<!tpu.dma_semaphore, #tpu.memory_space<semaphore_mem>>) src(%dma_wait3A_331 : memref<400x16xf32, #tpu.memory_space<vmem_shared>>) dst(%dma_wait3A_329 : memref<400x16xf32, #tpu.memory_space<vmem>>)
        tpu.yield
      }) : () -> ()
      "tpu.region"() ({
        %run_scoped3A = tpu.sem_alloc : memref<!tpu.dma_semaphore, #tpu.memory_space<semaphore_mem>>
        %dma_start3A_312 = arith.constant 0 : i32
        %dma_start3A_313 = arith.constant 0 : i32
        %dma_start3A_314 = tpu.memref_slice %arg17[%dma_start3A_312, %dma_start3A_313] : memref<512x16xf32, #tpu.memory_space<vmem>> -> memref<400x16xf32, #tpu.memory_space<vmem>>
        %dma_start3A_315 = arith.constant 0 : i32
        %dma_start3A_316 = tpu.memref_slice %arg5[%arg0, %multiple_of3A_307, %dma_start3A_315] : memref<2x100000x16xf32, #tpu.memory_space<hbm>> -> memref<1x400x16xf32, #tpu.memory_space<hbm>>
        %dma_start3A_317 = tpu.memref_squeeze %dma_start3A_316 : memref<1x400x16xf32, #tpu.memory_space<hbm>> -> memref<400x16xf32, #tpu.memory_space<hbm>>
        %dma_start3A_318 = arith.constant 0 : i32
        %dma_start3A_319 = tpu.memref_slice %arg5[%arg0, %multiple_of3A_307, %dma_start3A_318] : memref<2x100000x16xf32, #tpu.memory_space<hbm>> -> memref<1x400x16xf32, #tpu.memory_space<hbm>>
        %dma_start3A_320 = tpu.memref_squeeze %dma_start3A_319 : memref<1x400x16xf32, #tpu.memory_space<hbm>> -> memref<400x16xf32, #tpu.memory_space<hbm>>
        %dma_start3A_321 = arith.constant 0 : i32
        %dma_start3A_322 = arith.constant 0 : i32
        %dma_start3A_323 = tpu.memref_slice %arg17[%dma_start3A_321, %dma_start3A_322] : memref<512x16xf32, #tpu.memory_space<vmem>> -> memref<400x16xf32, #tpu.memory_space<vmem>>
        tpu.enqueue_dma source(%dma_start3A_323 : memref<400x16xf32, #tpu.memory_space<vmem>>) target(%dma_start3A_320 : memref<400x16xf32, #tpu.memory_space<hbm>>) target_semaphore(%run_scoped3A : memref<!tpu.dma_semaphore, #tpu.memory_space<semaphore_mem>>)
        %dma_wait3A_324 = arith.constant 0 : i32
        %dma_wait3A_325 = arith.constant 0 : i32
        %dma_wait3A_326 = tpu.memref_slice %arg17[%dma_wait3A_324, %dma_wait3A_325] : memref<512x16xf32, #tpu.memory_space<vmem>> -> memref<400x16xf32, #tpu.memory_space<vmem>>
        %dma_wait3A_327 = arith.constant 0 : i32
        %dma_wait3A_328 = tpu.memref_slice %arg5[%arg0, %multiple_of3A_307, %dma_wait3A_327] : memref<2x100000x16xf32, #tpu.memory_space<hbm>> -> memref<1x400x16xf32, #tpu.memory_space<hbm>>
        %dma_wait3A_329 = tpu.memref_squeeze %dma_wait3A_328 : memref<1x400x16xf32, #tpu.memory_space<hbm>> -> memref<400x16xf32, #tpu.memory_space<hbm>>
        %dma_wait3A_330 = arith.constant 0 : i32
        %dma_wait3A_331 = tpu.memref_slice %arg5[%arg0, %multiple_of3A_307, %dma_wait3A_330] : memref<2x100000x16xf32, #tpu.memory_space<hbm>> -> memref<1x400x16xf32, #tpu.memory_space<hbm>>
        %dma_wait3A_332 = tpu.memref_squeeze %dma_wait3A_331 : memref<1x400x16xf32, #tpu.memory_space<hbm>> -> memref<400x16xf32, #tpu.memory_space<hbm>>
        %dma_wait3A_333 = arith.constant 0 : i32
        %dma_wait3A_334 = arith.constant 0 : i32
        %dma_wait3A_335 = tpu.memref_slice %arg17[%dma_wait3A_333, %dma_wait3A_334] : memref<512x16xf32, #tpu.memory_space<vmem>> -> memref<400x16xf32, #tpu.memory_space<vmem>>
        tpu.wait_dma2 semaphore(%run_scoped3A : memref<!tpu.dma_semaphore, #tpu.memory_space<semaphore_mem>>) src(%dma_wait3A_335 : memref<400x16xf32, #tpu.memory_space<vmem>>) dst(%dma_wait3A_332 : memref<400x16xf32, #tpu.memory_space<hbm>>)
        tpu.yield
      }) : () -> ()
      "tpu.region"() ({
        %run_scoped3A = tpu.sem_alloc : memref<!tpu.dma_semaphore, #tpu.memory_space<semaphore_mem>>
        %dma_start3A_312 = tpu.memref_slice %arg8[%multiple_of3A_307] : memref<100000xf32, #tpu.memory_space<vmem_shared>> -> memref<400xf32, #tpu.memory_space<vmem_shared>>
        %dma_start3A_313 = tpu.memref_slice %arg8[%multiple_of3A_307] : memref<100000xf32, #tpu.memory_space<vmem_shared>> -> memref<400xf32, #tpu.memory_space<vmem_shared>>
        tpu.enqueue_dma source(%dma_start3A_313 : memref<400xf32, #tpu.memory_space<vmem_shared>>) target(%arg20 : memref<400xf32, #tpu.memory_space<vmem>>) target_semaphore(%run_scoped3A : memref<!tpu.dma_semaphore, #tpu.memory_space<semaphore_mem>>)
        %dma_wait3A_314 = tpu.memref_slice %arg8[%multiple_of3A_307] : memref<100000xf32, #tpu.memory_space<vmem_shared>> -> memref<400xf32, #tpu.memory_space<vmem_shared>>
        %dma_wait3A_315 = tpu.memref_slice %arg8[%multiple_of3A_307] : memref<100000xf32, #tpu.memory_space<vmem_shared>> -> memref<400xf32, #tpu.memory_space<vmem_shared>>
        tpu.wait_dma2 semaphore(%run_scoped3A : memref<!tpu.dma_semaphore, #tpu.memory_space<semaphore_mem>>) src(%dma_wait3A_315 : memref<400xf32, #tpu.memory_space<vmem_shared>>) dst(%arg20 : memref<400xf32, #tpu.memory_space<vmem>>)
        tpu.yield
      }) : () -> ()
      %mul3A_308 = arith.constant 100000 : i32
      %mul3A_309 = arith.muli %arg0, %mul3A_308 : i32
      %add3A_310 = arith.addi %mul3A_309, %multiple_of3A_307 : i32
      %multiple_of3A_311 = tpu.assume_multiple %add3A_310, 8 : i32
      "tpu.region"() ({
        %run_scoped3A = tpu.sem_alloc : memref<!tpu.dma_semaphore, #tpu.memory_space<semaphore_mem>>
        %dma_start3A_312 = tpu.memref_slice %arg6[%multiple_of3A_311] : memref<200000xf32, #tpu.memory_space<hbm>> -> memref<400xf32, #tpu.memory_space<hbm>>
        %dma_start3A_313 = tpu.memref_slice %arg6[%multiple_of3A_311] : memref<200000xf32, #tpu.memory_space<hbm>> -> memref<400xf32, #tpu.memory_space<hbm>>
        tpu.enqueue_dma source(%arg20 : memref<400xf32, #tpu.memory_space<vmem>>) target(%dma_start3A_313 : memref<400xf32, #tpu.memory_space<hbm>>) target_semaphore(%run_scoped3A : memref<!tpu.dma_semaphore, #tpu.memory_space<semaphore_mem>>)
        %dma_wait3A_314 = tpu.memref_slice %arg6[%multiple_of3A_311] : memref<200000xf32, #tpu.memory_space<hbm>> -> memref<400xf32, #tpu.memory_space<hbm>>
        %dma_wait3A_315 = tpu.memref_slice %arg6[%multiple_of3A_311] : memref<200000xf32, #tpu.memory_space<hbm>> -> memref<400xf32, #tpu.memory_space<hbm>>
        tpu.wait_dma2 semaphore(%run_scoped3A : memref<!tpu.dma_semaphore, #tpu.memory_space<semaphore_mem>>) src(%arg20 : memref<400xf32, #tpu.memory_space<vmem>>) dst(%dma_wait3A_315 : memref<400xf32, #tpu.memory_space<hbm>>)
        tpu.yield
      }) : () -> ()
    } else {
    }
    return
  }
}

module attributes {stable_mosaic.version = 14 : i64} {
  func.func @_tc_body(%arg0: i32, %arg1: memref<2x1024x16xf32, #tpu.memory_space<vmem>>, %arg2: memref<2x1024x1xf32, #tpu.memory_space<vmem>>, %arg3: memref<1024x16xf32, #tpu.memory_space<vmem>>, %arg4: memref<1x1024x1xi32, #tpu.memory_space<vmem>>, %arg5: memref<32x16xf32, #tpu.memory_space<vmem>>, %arg6: memref<1x32xf32, #tpu.memory_space<vmem>>, %arg7: memref<32x16xf32, #tpu.memory_space<vmem>>, %arg8: memref<64x32xf32, #tpu.memory_space<vmem>>, %arg9: memref<1x64xf32, #tpu.memory_space<vmem>>, %arg10: memref<512x64xf32, #tpu.memory_space<vmem>>, %arg11: memref<512x48xf32, #tpu.memory_space<vmem>>) attributes {dimension_semantics = [#tpu.dimension_semantics<arbitrary>], iteration_bounds = array<i64: 98>, scalar_prefetch = 0 : i64, scratch_operands = 1 : i64, tpu.core_type = #tpu.core_type<tc>, window_params = [{transform_indices = @transform_0, window_bounds = array<i64: 2, 1024, 16>}, {transform_indices = @transform_1, window_bounds = array<i64: 2, 1024, 1>}, {transform_indices = @transform_2, window_bounds = array<i64: 1024, 16>}, {transform_indices = @transform_3, window_bounds = array<i64: 1, 1024, 1>}, {pipeline_mode = #tpu.pipeline_mode<synchronous>, transform_indices = @transform_4, window_bounds = array<i64: 32, 16>}, {pipeline_mode = #tpu.pipeline_mode<synchronous>, transform_indices = @transform_5, window_bounds = array<i64: 1, 32>}, {pipeline_mode = #tpu.pipeline_mode<synchronous>, transform_indices = @transform_6, window_bounds = array<i64: 32, 16>}, {pipeline_mode = #tpu.pipeline_mode<synchronous>, transform_indices = @transform_7, window_bounds = array<i64: 64, 32>}, {pipeline_mode = #tpu.pipeline_mode<synchronous>, transform_indices = @transform_8, window_bounds = array<i64: 1, 64>}, {pipeline_mode = #tpu.pipeline_mode<synchronous>, transform_indices = @transform_9, window_bounds = array<i64: 512, 64>}]} {
    %eq3A = arith.constant 0 : i32
    %eq3A_0 = arith.cmpi eq, %arg0, %eq3A : i32
    %convert_element_type3A = arith.extui %eq3A_0 : i1 to i32
    %cond3A = arith.constant 0 : i32
    %cond3A_1 = arith.cmpi ne, %convert_element_type3A, %cond3A : i32
    scf.if %cond3A_1 {
      %broadcast_in_dim3A_65 = arith.constant 0.000000e+00 : f32
      %broadcast_in_dim3A_66 = vector.broadcast %broadcast_in_dim3A_65 : f32 to vector<512x48xf32>
      %swap3A_67 = arith.constant 0 : index
      %swap3A_68 = arith.constant 0 : index
      %swap3A_69 = vector.load %arg11[%swap3A_67, %swap3A_68] : memref<512x48xf32, #tpu.memory_space<vmem>>, vector<512x48xf32>
      tpu.vector_store %arg11[%swap3A_67, %swap3A_68], %broadcast_in_dim3A_66 {strides = array<i32>} : memref<512x48xf32, #tpu.memory_space<vmem>>, vector<512x48xf32>,
    } else {
    }
    %get3A = arith.constant 0 : index
    %get3A_2 = arith.constant 0 : index
    %get3A_3 = arith.constant 0 : index
    %get3A_4 = vector.load %arg1[%get3A, %get3A_2, %get3A_3] : memref<2x1024x16xf32, #tpu.memory_space<vmem>>, vector<1x1024x16xf32>
    %get3A_5 = vector.shape_cast %get3A_4 : vector<1x1024x16xf32> to vector<1024x16xf32>
    %get3A_6 = arith.constant 1 : index
    %get3A_7 = arith.constant 0 : index
    %get3A_8 = arith.constant 0 : index
    %get3A_9 = vector.load %arg1[%get3A_6, %get3A_7, %get3A_8] : memref<2x1024x16xf32, #tpu.memory_space<vmem>>, vector<1x1024x16xf32>
    %get3A_10 = vector.shape_cast %get3A_9 : vector<1x1024x16xf32> to vector<1024x16xf32>
    %add3A = arith.addf %get3A_5, %get3A_10 : vector<1024x16xf32>
    %get3A_11 = arith.constant 0 : index
    %get3A_12 = arith.constant 0 : index
    %get3A_13 = arith.constant 0 : index
    %get3A_14 = vector.load %arg2[%get3A_11, %get3A_12, %get3A_13] : memref<2x1024x1xf32, #tpu.memory_space<vmem>>, vector<1x1024x1xf32>
    %get3A_15 = vector.shape_cast %get3A_14 : vector<1x1024x1xf32> to vector<1024x1xf32>
    %get3A_16 = arith.constant 1 : index
    %get3A_17 = arith.constant 0 : index
    %get3A_18 = arith.constant 0 : index
    %get3A_19 = vector.load %arg2[%get3A_16, %get3A_17, %get3A_18] : memref<2x1024x1xf32, #tpu.memory_space<vmem>>, vector<1x1024x1xf32>
    %get3A_20 = vector.shape_cast %get3A_19 : vector<1x1024x1xf32> to vector<1024x1xf32>
    %add3A_21 = arith.addf %get3A_15, %get3A_20 : vector<1024x1xf32>
    %max3A = arith.constant 1.000000e+00 : f32
    %max3A_22 = vector.broadcast %max3A : f32 to vector<1024x1xf32>
    %max3A_23 = arith.maximumf %add3A_21, %max3A_22 : vector<1024x1xf32>
    %div3A = vector.broadcast %max3A_23 : vector<1024x1xf32> to vector<1024x16xf32>
    %div3A_24 = arith.divf %add3A, %div3A : vector<1024x16xf32>
    %get3A_25 = arith.constant 0 : index
    %get3A_26 = arith.constant 0 : index
    %get3A_27 = arith.constant 0 : index
    %get3A_28 = vector.load %arg4[%get3A_25, %get3A_26, %get3A_27] : memref<1x1024x1xi32, #tpu.memory_space<vmem>>, vector<1x1024x1xi32>
    %get3A_29 = vector.shape_cast %get3A_28 : vector<1x1024x1xi32> to vector<1024x1xi32>
    %mul3A = arith.constant 1024 : i32
    %mul3A_30 = arith.muli %arg0, %mul3A : i32
    %iota3A = tpu.iota {dimensions = array<i32: 0>} : vector<1024x1xi32>
    %add3A_31 = vector.broadcast %mul3A_30 : i32 to vector<1024x1xi32>
    %add3A_32 = arith.addi %add3A_31, %iota3A : vector<1024x1xi32>
    %lt3A = arith.constant 100000 : i32
    %lt3A_33 = vector.broadcast %lt3A : i32 to vector<1024x1xi32>
    %lt3A_34 = arith.cmpi slt, %add3A_32, %lt3A_33 : vector<1024x1xi32>
    %iota3A_35 = tpu.iota {dimensions = array<i32: 1>} : vector<1024x512xi32>
    %eq3A_36 = vector.broadcast %get3A_29 : vector<1024x1xi32> to vector<1024x512xi32>
    %eq3A_37 = arith.cmpi eq, %eq3A_36, %iota3A_35 : vector<1024x512xi32>
    %and3A = vector.broadcast %lt3A_34 : vector<1024x1xi1> to vector<1024x512xi1>
    %and3A_38 = arith.andi %eq3A_37, %and3A : vector<1024x512xi1>
    %jit3A = arith.constant 1.000000e+00 : f32
    %jit3A_39 = arith.constant 0.000000e+00 : f32
    %broadcast_in_dim3A = vector.broadcast %jit3A : f32 to vector<1024x512xf32>
    %broadcast_in_dim3A_40 = vector.broadcast %jit3A_39 : f32 to vector<1024x512xf32>
    %select_n3A = arith.select %and3A_38, %broadcast_in_dim3A, %broadcast_in_dim3A_40 : vector<1024x512xi1>, vector<1024x512xf32>
    %get3A_41 = arith.constant 0 : index
    %get3A_42 = arith.constant 0 : index
    %get3A_43 = vector.load %arg3[%get3A_41, %get3A_42] : memref<1024x16xf32, #tpu.memory_space<vmem>>, vector<1024x16xf32>
    %broadcast_in_dim3A_44 = arith.constant 1.000000e+00 : f32
    %broadcast_in_dim3A_45 = vector.broadcast %broadcast_in_dim3A_44 : f32 to vector<1024x1xf32>
    %broadcast_in_dim3A_46 = arith.constant 0.000000e+00 : f32
    %broadcast_in_dim3A_47 = vector.broadcast %broadcast_in_dim3A_46 : f32 to vector<1024x15xf32>
    %concatenate3A = tpu.concatenate %div3A_24, %get3A_43, %broadcast_in_dim3A_45, %broadcast_in_dim3A_47 in 1 : vector<1024x16xf32>, vector<1024x16xf32>, vector<1024x1xf32>, vector<1024x15xf32> -> vector<1024x48xf32>
    %jit3A_48 = arith.constant 0.000000e+00 : f32
    %broadcast_in_dim3A_49 = vector.shape_cast %lt3A_34 : vector<1024x1xi1> to vector<1024x1xi1>
    %broadcast_in_dim3A_50 = vector.broadcast %broadcast_in_dim3A_49 : vector<1024x1xi1> to vector<1024x48xi1>
    %broadcast_in_dim3A_51 = vector.broadcast %jit3A_48 : f32 to vector<1024x48xf32>
    %select_n3A_52 = arith.select %broadcast_in_dim3A_50, %concatenate3A, %broadcast_in_dim3A_51 : vector<1024x48xi1>, vector<1024x48xf32>
    %get3A_53 = arith.constant 0 : index
    %get3A_54 = arith.constant 0 : index
    %get3A_55 = vector.load %arg11[%get3A_53, %get3A_54] : memref<512x48xf32, #tpu.memory_space<vmem>>, vector<512x48xf32>
    %dot_general3A = arith.constant dense<0.000000e+00> : vector<512x48xf32>
    %dot_general3A_56 = tpu.matmul %select_n3A, %select_n3A_52, %dot_general3A {dimension_numbers = #tpu.dot_dimension_numbers<[0], [0], [1], [1], [0, 1, 1, 1], [], []>, transpose_lhs_hint = false} : vector<1024x512xf32>, vector<1024x48xf32>, vector<512x48xf32> -> vector<512x48xf32>
    %add3A_57 = arith.addf %get3A_55, %dot_general3A_56 : vector<512x48xf32>
    %swap3A = arith.constant 0 : index
    %swap3A_58 = arith.constant 0 : index
    %swap3A_59 = vector.load %arg11[%swap3A, %swap3A_58] : memref<512x48xf32, #tpu.memory_space<vmem>>, vector<512x48xf32>
    tpu.vector_store %arg11[%swap3A, %swap3A_58], %add3A_57 {strides = array<i32>} : memref<512x48xf32, #tpu.memory_space<vmem>>, vector<512x48xf32>,
    %eq3A_60 = arith.constant 97 : i32
    %eq3A_61 = arith.cmpi eq, %arg0, %eq3A_60 : i32
    %convert_element_type3A_62 = arith.extui %eq3A_61 : i1 to i32
    %cond3A_63 = arith.constant 0 : i32
    %cond3A_64 = arith.cmpi ne, %convert_element_type3A_62, %cond3A_63 : i32
    scf.if %cond3A_64 {
      %get3A_65 = arith.constant 0 : index
      %get3A_66 = arith.constant 0 : index
      %get3A_67 = vector.load %arg11[%get3A_65, %get3A_66] : memref<512x48xf32, #tpu.memory_space<vmem>>, vector<512x48xf32>
      %slice3A = vector.extract_strided_slice %get3A_67 {offsets = [0, 0], sizes = [512, 16], strides = [1, 1]} : vector<512x48xf32> to vector<512x16xf32>
      %slice3A_68 = vector.extract_strided_slice %get3A_67 {offsets = [0, 16], sizes = [512, 16], strides = [1, 1]} : vector<512x48xf32> to vector<512x16xf32>
      %slice3A_69 = vector.extract_strided_slice %get3A_67 {offsets = [0, 32], sizes = [512, 1], strides = [1, 1]} : vector<512x48xf32> to vector<512x1xf32>
      %get3A_70 = arith.constant 0 : index
      %get3A_71 = arith.constant 0 : index
      %get3A_72 = vector.load %arg5[%get3A_70, %get3A_71] : memref<32x16xf32, #tpu.memory_space<vmem>>, vector<32x16xf32>
      %dot_general3A_73 = arith.constant dense<0.000000e+00> : vector<512x32xf32>
      %dot_general3A_74 = tpu.matmul %slice3A, %get3A_72, %dot_general3A_73 {dimension_numbers = #tpu.dot_dimension_numbers<[1], [1], [0], [0], [0, 0, 1, 0], [], []>, transpose_lhs_hint = false} : vector<512x16xf32>, vector<32x16xf32>, vector<512x32xf32> -> vector<512x32xf32>
      %get3A_75 = arith.constant 0 : index
      %get3A_76 = arith.constant 0 : index
      %get3A_77 = vector.load %arg7[%get3A_75, %get3A_76] : memref<32x16xf32, #tpu.memory_space<vmem>>, vector<32x16xf32>
      %dot_general3A_78 = arith.constant dense<0.000000e+00> : vector<512x32xf32>
      %dot_general3A_79 = tpu.matmul %slice3A_68, %get3A_77, %dot_general3A_78 {dimension_numbers = #tpu.dot_dimension_numbers<[1], [1], [0], [0], [0, 0, 1, 0], [], []>, transpose_lhs_hint = false} : vector<512x16xf32>, vector<32x16xf32>, vector<512x32xf32> -> vector<512x32xf32>
      %add3A_80 = arith.addf %dot_general3A_74, %dot_general3A_79 : vector<512x32xf32>
      %get3A_81 = arith.constant 0 : index
      %get3A_82 = arith.constant 0 : index
      %get3A_83 = vector.load %arg6[%get3A_81, %get3A_82] : memref<1x32xf32, #tpu.memory_space<vmem>>, vector<1x32xf32>
      %mul3A_84 = vector.broadcast %slice3A_69 : vector<512x1xf32> to vector<512x32xf32>
      %mul3A_85 = vector.broadcast %get3A_83 : vector<1x32xf32> to vector<512x32xf32>
      %mul3A_86 = arith.mulf %mul3A_84, %mul3A_85 : vector<512x32xf32>
      %add3A_87 = arith.addf %add3A_80, %mul3A_86 : vector<512x32xf32>
      %max3A_88 = arith.constant 1.000000e+00 : f32
      %max3A_89 = vector.broadcast %max3A_88 : f32 to vector<512x1xf32>
      %max3A_90 = arith.maximumf %slice3A_69, %max3A_89 : vector<512x1xf32>
      %div3A_91 = vector.broadcast %max3A_90 : vector<512x1xf32> to vector<512x32xf32>
      %div3A_92 = arith.divf %add3A_87, %div3A_91 : vector<512x32xf32>
      %get3A_93 = arith.constant 0 : index
      %get3A_94 = arith.constant 0 : index
      %get3A_95 = vector.load %arg8[%get3A_93, %get3A_94] : memref<64x32xf32, #tpu.memory_space<vmem>>, vector<64x32xf32>
      %dot_general3A_96 = arith.constant dense<0.000000e+00> : vector<512x64xf32>
      %dot_general3A_97 = tpu.matmul %div3A_92, %get3A_95, %dot_general3A_96 {dimension_numbers = #tpu.dot_dimension_numbers<[1], [1], [0], [0], [0, 0, 1, 0], [], []>, transpose_lhs_hint = false} : vector<512x32xf32>, vector<64x32xf32>, vector<512x64xf32> -> vector<512x64xf32>
      %get3A_98 = arith.constant 0 : index
      %get3A_99 = arith.constant 0 : index
      %get3A_100 = vector.load %arg9[%get3A_98, %get3A_99] : memref<1x64xf32, #tpu.memory_space<vmem>>, vector<1x64xf32>
      %add3A_101 = vector.broadcast %get3A_100 : vector<1x64xf32> to vector<512x64xf32>
      %add3A_102 = arith.addf %dot_general3A_97, %add3A_101 : vector<512x64xf32>
      %swap3A_103 = arith.constant 0 : index
      %swap3A_104 = arith.constant 0 : index
      %swap3A_105 = vector.load %arg10[%swap3A_103, %swap3A_104] : memref<512x64xf32, #tpu.memory_space<vmem>>, vector<512x64xf32>
      tpu.vector_store %arg10[%swap3A_103, %swap3A_104], %add3A_102 {strides = array<i32>} : memref<512x64xf32, #tpu.memory_space<vmem>>, vector<512x64xf32>,
    } else {
    }
    return
  }
  func.func @transform_0(%arg0: i32) -> (i32, i32, i32) {
    %c0_i32 = arith.constant 0 : i32
    %c0_i32_0 = arith.constant 0 : i32
    %c0_i32_1 = arith.constant 0 : i32
    return %c0_i32, %arg0, %c0_i32_0 : i32, i32, i32
  }
  func.func @transform_1(%arg0: i32) -> (i32, i32, i32) {
    %c0_i32 = arith.constant 0 : i32
    %c0_i32_0 = arith.constant 0 : i32
    %c0_i32_1 = arith.constant 0 : i32
    return %c0_i32, %arg0, %c0_i32_0 : i32, i32, i32
  }
  func.func @transform_2(%arg0: i32) -> (i32, i32) {
    %c0_i32 = arith.constant 0 : i32
    %c0_i32_0 = arith.constant 0 : i32
    return %arg0, %c0_i32 : i32, i32
  }
  func.func @transform_3(%arg0: i32) -> (i32, i32, i32) {
    %c0_i32 = arith.constant 0 : i32
    %c0_i32_0 = arith.constant 0 : i32
    %c0_i32_1 = arith.constant 0 : i32
    return %arg0, %c0_i32, %c0_i32_0 : i32, i32, i32
  }
  func.func @transform_4(%arg0: i32) -> (i32, i32) {
    %c0_i32 = arith.constant 0 : i32
    %c0_i32_0 = arith.constant 0 : i32
    %c0_i32_1 = arith.constant 0 : i32
    return %c0_i32, %c0_i32_0 : i32, i32
  }
  func.func @transform_5(%arg0: i32) -> (i32, i32) {
    %c0_i32 = arith.constant 0 : i32
    %c0_i32_0 = arith.constant 0 : i32
    %c0_i32_1 = arith.constant 0 : i32
    return %c0_i32, %c0_i32_0 : i32, i32
  }
  func.func @transform_6(%arg0: i32) -> (i32, i32) {
    %c0_i32 = arith.constant 0 : i32
    %c0_i32_0 = arith.constant 0 : i32
    %c0_i32_1 = arith.constant 0 : i32
    return %c0_i32, %c0_i32_0 : i32, i32
  }
  func.func @transform_7(%arg0: i32) -> (i32, i32) {
    %c0_i32 = arith.constant 0 : i32
    %c0_i32_0 = arith.constant 0 : i32
    %c0_i32_1 = arith.constant 0 : i32
    return %c0_i32, %c0_i32_0 : i32, i32
  }
  func.func @transform_8(%arg0: i32) -> (i32, i32) {
    %c0_i32 = arith.constant 0 : i32
    %c0_i32_0 = arith.constant 0 : i32
    %c0_i32_1 = arith.constant 0 : i32
    return %c0_i32, %c0_i32_0 : i32, i32
  }
  func.func @transform_9(%arg0: i32) -> (i32, i32) {
    %c0_i32 = arith.constant 0 : i32
    %c0_i32_0 = arith.constant 0 : i32
    %c0_i32_1 = arith.constant 0 : i32
    return %c0_i32, %c0_i32_0 : i32, i32
  }
}

</mosaic_0001>

<sc_bundles>
// kernel: kernel.4.cloned.1.call-start
scs
__scs_entry_jumppad:
0x0: {  	(pc) =	sbr.rel $0x88, $3  }
0x1: {  	(tag) =	ssettag $0x0;
	lr =	simm.s32 $0x1  }
0x2: {  	[smem:$0x3F99] =	sst lr;
	_ =	strace $0xD0000000  }
0x3: {  	_ = 	snop  }
0x4: {  	_ = 	snop  }
0x5: {  	_ = 	snop  }
0x6: {  	_ = 	snop  }
0x7: {  	_ = 	snop  }
__scs_overlays_trampoline_lowered:
0x8: {  	[smem:$0x3FA8] =	sst s0  }
0x9: {  	[smem:$0x3FA9] =	sst s1  }
0xa: {  	[smem:$0x3FAA] =	sst s2  }
0xb: {  	[smem:$0x3FAB] =	sst s3  }
0xc: {  	[smem:$0x3FAC] =	sst s4  }
0xd: {  	[smem:$0x3FAD] =	sst s5  }
0xe: {  	[smem:$0x3FAE] =	sst s6  }
0xf: {  	[smem:$0x3FAF] =	sst s7  }
0x10: {  	[smem:$0x3FB0] =	sst s8  }
0x11: {  	[smem:$0x3FB1] =	sst s9;
	s0 =	simm.s32 @!p0 $0x0  }
0x12: {  	s1 =	sld [smem:$0x3F97];
	s0 =	simm.s32 @p0 $0x1  }
0x13: {  	[smem:$0x3FB2] =	sst s0;
	s0 =	simm.s32 @!p1 $0x0  }
0x14: {  	s2 =	sld [smem:$0x3F96];
	s0 =	simm.s32 @p1 $0x1  }
0x15: {  	[smem:$0x3FB3] =	sst s0;
	s0 =	simm.s32 @!p2 $0x0  }
0x16: {  	s3 =	sld [smem:$0x3FDB];
	s0 =	simm.s32 @p2 $0x1  }
0x17: {  	s4 =	simm.s32 $0x1BF5;
	[smem:$0x3FB5] =	sst s0  }
0x18: {  	s0 =	sld [smem:$0x3F98];
	_ =	swait.ge [sflag:s4], $0x0  }
0x19: {  	s7 =	sld [smem:$0x3F99]  }
0x1a: {  	s8 =	sadd.s32 $0xFFFFE003, lr  }
0x1b: {  	s9 =	sadd.s32 $0xFFFFFEF7, lr;
	s5 =	simm.s32 $0xFFFFFFFF;
	p2 =	slt.u32 s8, $0xFFFFF086  }
0x1c: {  	p1 =	slt.u32 s9, $0xF7A;
	s5 =	simm.s32 @!p2 $0x0  }
0x1d: {  	s5 =	simm.s32 @p1 $0x1;
	p0 =	seq.s32 s7, s2  }
0x1e: {  	s7 =	smul.u32 @!p0 $0xF7A, s2;
	p2 =	seq.s32 @!p0 s5, $0x0  }
0x1f: {  	s9 =	smul.u32 $0xF7A, s1;
	s8 =	simm.s32 @!p0 $0x1BF5;
	p2 =	por !p2, p0  }
0x20: {  	[sflag:s8] =	ssyncset.s32 @!p0 $0xFFFFF086;
	s6 =	sadd.s32 @!p0 s3, s7;
	s7 =	simm.s32 @!p0 $0x108  }
0x21: {  	s3 =	sadd.s32 s3, s9;
	s6 =	sadd.s32 @!p0 $0x88, s6;
	s7 =	simm.s32 @p2 $0x1082  }
0x22: {  	[simem:s7], [sflag:s8] =	dma.local @!p0 [hbm:s6], $0xF7A  }
0x23: {  	s9 =	sor.u32 $0xD0000000, s2;
	s6 =	simm.s32 $0x108;
	_ =	swait.ge @!p0 [sflag:s8], $0x0  }
0x24: {  	s3 =	sadd.s32 $0x88, s3;
	s6 =	simm.s32 @!p1 $0x1082;
	[sflag:s4] =	ssyncset.s32 $0xFFFFF086  }
0x25: {  	[simem:s6], [sflag:s4] =	dma.local [hbm:s3], $0xF7A  }
0x26: {  	[smem:$0x3F99] =	sst s1;
	(tag) =	ssettag s2;
	_ =	strace s9  }
0x27: {  	s1 =	sld [smem:$0x3FA9]  }
0x28: {  	s2 =	sld [smem:$0x3FAA]  }
0x29: {  	s4 =	sld [smem:$0x3FAC]  }
0x2a: {  	p0 =	seq.s32 s5, $0x0;
	s5 =	sld [smem:$0x3FAD]  }
0x2b: {  	s6 =	sld [smem:$0x3FAE]  }
0x2c: {  	s7 =	sld [smem:$0x3FAF]  }
0x2d: {  	s3 =	simm.s32 $0x108;
	s8 =	sld [smem:$0x3FB0]  }
0x2e: {  	s3 =	simm.s32 @!p0 $0x1082;
	s9 =	sld [smem:$0x3FB1]  }
0x2f: {  	lr =	sadd.s32 s0, s3;
	s0 =	sld [smem:$0x3FA8]  }
0x30: {  	s3 =	sld [smem:$0x3FAB]  }
0x31: {  	[smem:$0x3FB4] =	sst s10  }
0x32: {  	s10 =	sld [smem:$0x3FB2];
	_ =	sdelay $0x3  }
0x33: {  	p0 =	seq.s32 s10, $0x1;
	s10 =	sld [smem:$0x3FB4];
	_ =	sdelay $0x3  }
0x34: {  	[smem:$0x3FB4] =	sst s10  }
0x35: {  	s10 =	sld [smem:$0x3FB3];
	_ =	sdelay $0x3  }
0x36: {  	p1 =	seq.s32 s10, $0x1;
	s10 =	sld [smem:$0x3FB4];
	_ =	sdelay $0x3  }
0x37: {  	[smem:$0x3FB4] =	sst s10  }
0x38: {  	s10 =	sld [smem:$0x3FB5]  }
0x39: {  	_ = 	snop;
	(pc) =	sbr.ind lr, $3  }
0x3a: {  	_ = 	snop  }
0x3b: {  	_ = 	snop  }
0x3c: {  	p2 =	seq.s32 s10, $0x1;
	s10 =	sld [smem:$0x3FB4]  }
0x3d: {  	_ =	shalt  }
0x3e: {  	_ =	shalt  }
0x3f: {  	_ =	shalt  }
0x40: {  	_ =	shalt  }
0x41: {  	_ =	shalt  }
0x42: {  	_ =	shalt  }
0x43: {  	_ =	shalt  }
0x44: {  	_ =	shalt  }
0x45: {  	_ =	shalt  }
0x46: {  	_ =	shalt  }
0x47: {  	_ =	shalt  }
0x48: {  	_ =	shalt  }
0x49: {  	_ =	shalt  }
0x4a: {  	_ =	shalt  }
0x4b: {  	_ =	shalt  }
0x4c: {  	_ =	shalt  }
0x4d: {  	_ =	shalt  }
0x4e: {  	_ =	shalt  }
0x4f: {  	_ =	shalt  }
0x50: {  	_ =	shalt  }
0x51: {  	_ =	shalt  }
0x52: {  	_ =	shalt  }
0x53: {  	_ =	shalt  }
0x54: {  	_ =	shalt  }
0x55: {  	_ =	shalt  }
0x56: {  	_ =	shalt  }
0x57: {  	_ =	shalt  }
0x58: {  	_ =	shalt  }
0x59: {  	_ =	shalt  }
0x5a: {  	_ =	shalt  }
0x5b: {  	_ =	shalt  }
0x5c: {  	_ =	shalt  }
0x5d: {  	_ =	shalt  }
0x5e: {  	_ =	shalt  }
0x5f: {  	_ =	shalt  }
0x60: {  	_ =	shalt  }
0x61: {  	_ =	shalt  }
0x62: {  	_ =	shalt  }
0x63: {  	_ =	shalt  }
0x64: {  	_ =	shalt  }
0x65: {  	_ =	shalt  }
0x66: {  	_ =	shalt  }
0x67: {  	_ =	shalt  }
0x68: {  	_ =	shalt  }
0x69: {  	_ =	shalt  }
0x6a: {  	_ =	shalt  }
0x6b: {  	_ =	shalt  }
0x6c: {  	_ =	shalt  }
0x6d: {  	_ =	shalt  }
0x6e: {  	_ =	shalt  }
0x6f: {  	_ =	shalt  }
0x70: {  	_ =	shalt  }
0x71: {  	_ =	shalt  }
0x72: {  	_ =	shalt  }
0x73: {  	_ =	shalt  }
0x74: {  	_ =	shalt  }
0x75: {  	_ =	shalt  }
0x76: {  	_ =	shalt  }
0x77: {  	_ =	shalt  }
0x78: {  	_ =	shalt  }
0x79: {  	_ =	shalt  }
0x7a: {  	_ =	shalt  }
0x7b: {  	_ =	shalt  }
0x7c: {  	_ =	shalt  }
0x7d: {  	_ =	shalt  }
0x7e: {  	_ =	shalt  }
0x7f: {  	_ =	shalt  }
0x80: {  	_ =	shalt  }
0x81: {  	_ =	shalt  }
0x82: {  	_ =	shalt  }
0x83: {  	_ =	shalt  }
0x84: {  	_ =	shalt  }
0x85: {  	_ =	shalt  }
0x86: {  	_ =	shalt  }
0x87: {  	_ =	shalt  }
.Lfunc_end0:
.L_simem_size_0:
called_computation_lowered:
.L_overlay_start_0:
0x88: {  	s2 =	sld [smem:$0x3FD9]  }
0x89: {  	s3 =	sld [smem:$0x3FFE];
	_ =	sdelay $0x1  }
0x8a: {  	s1 =	srdreg.scid  }
0x8b: {  	s0 =	sand.u32 $0x1, s1  }
0x8c: {  	s16 =	sshll.u32 s0, $0xA;
	s2 =	sadd.s32 s3, s2  }
0x8d: {  	s2 =	sadd.s32 s2, s16  }
0x8e: {  	[smem:$0x3FC0] =	sst s2  }
0x8f: {  	_ = 	snop  }
0x90: {  	(tm) =	ssettm $0x1  }
0x91: {  	s17 =	sld [smem:$0x3FFB];
	_ =	sdelay $0x3  }
0x92: {  	_ =	strace s17  }
0x93: {  	s2 =	sld [smem:$0x3FFC];
	_ =	sdelay $0x3  }
0x94: {  	_ =	strace s2  }
0x95: {  	s2 =	sld [smem:$0x3FFD];
	_ =	sdelay $0x3  }
0x96: {  	_ =	strace s2  }
0x97: {  	_ =	strace $0x8FFFFFFF  }
0x98: {  	s18 =	sld [smem:$0x3FDB];
	_ =	sdelay $0x1  }
0x99: {  	s19 =	simm.s32 $_scs_section_size  }
0x9a: {  	s4 =	simm.s32 $_size__tile_overlayer_lowered;
	s5 =	simm.s32 $_tile_overlayer_lowered  }
0x9b: {  	s22 =	simm.s32 $0x1BFF;
	s21 =	sshll.u32 s5, $0x1;
	s2 =	sadd.s32 s19, s18  }
0x9c: {  	s6 =	simm.s32 $0x0;
	s20 =	sshll.u32 s4, $0x1;
	s4 =	sadd.s32 s21, s2  }
0x9d: {  	[timem:s6], [sflag:s22] =	dma.local [hbm:s4], s20  }
0x9e: {  	_ =	swait.ge [sflag:s22], s20  }
0x9f: {  	s3 =	ssub.s32 $0x0, s20;
	[sflag:s22] =	ssyncset.done $0x0  }
0xa0: {  	[sflag:s22] =	ssyncadd.s32 s3;
	_ =	sdelay $0x1  }
0xa1: {  	s23 =	simm.s32 $0x1B8B  }
0xa2: {  	_ =	swait.ge [sflag:s23], $0x1  }
0xa3: {  	[sflag:s23] =	ssyncset.done $0x0  }
0xa4: {  	s25 =	simm.s32 $0x1B8E;
	s24 =	sld [smem:$0x3FFE];
	[sflag:s23] =	ssyncadd.s32 $0xFFFFFFFF  }
0xa5: {  	s26 =	simm.s32 $execute0_lowered;
	[smem:$0x3FD2] =	sst s25  }
0xa6: {  	s4 =	sshll.u32 s26, $0x1;
	_ =	strace $0x80000046;
	[dreg:$0x1] =	wrdreg $0xFFFFFFFF  }
0xa7: {  	s28 =	simm.s32 $_size_execute0_lowered;
	s2 =	sadd.s32 s2, s4;
	[dreg:$0x0] =	wrdreg $0x0  }
0xa8: {  	s4 =	sshll.u32 s28, $0x1;
	[dreg:$0x2] =	wrdreg s2  }
0xa9: {  	[dreg:$0x3] =	wrdreg s4  }
0xaa: {  	[dreg:$0x4] =	wrdreg $0xC0  }
0xab: {  	_ =	task [dreg:s6], $0x5FFFF  }
0xac: {  	[dreg:$0x1] =	wrdreg $0xFFFFFFFF  }
0xad: {  	[dreg:$0x0] =	wrdreg $0x60  }
0xae: {  	[dreg:$0x2] =	wrdreg s24  }
0xaf: {  	[dreg:$0x3] =	wrdreg $0x0  }
0xb0: {  	[dreg:$0x4] =	wrdreg $0x186A00  }
0xb1: {  	[dreg:$0x5] =	wrdreg $0x9  }
0xb2: {  	_ =	task.clear_ibuf [dreg:s6], $0x6FFFF;
	_ =	strace $0x90000046  }
0xb3: {  	s29 =	simm.s32 $0x9;
	_ =	strace $0x80000048  }
0xb4: {  	_ =	swait.ge [sflag:s29], $0x1  }
0xb5: {  	[sflag:s29] =	ssyncadd.s32 $0xFFFFFFFF  }
0xb6: {  	_ =	strace $0x90000048  }
0xb7: {  	_ =	sfence  }
0xb8: {  	s30 =	sld [smem:$0x0];
	_ =	sdelay $0x2  }
0xb9: {  	s31 =	sshll.u32 s1, $0xD;
	s1 =	sshrl.u32 s1, $0x2  }
0xba: {  	s3 =	sand.u32 $0x4000, s31;
	s1 =	sadd.s32 s1, s30  }
0xbb: {  	s0 =	sor.u32 s3, s0;
	s1 =	sshll.u32 s1, $0x11  }
0xbc: {  	s0 =	sor.u32 s1, s0  }
0xbd: {  	s0 =	sadd.s32 $0x8F2B, s0  }
0xbe: {  	[sflag:s0] =	ssyncadd.remote.s32 $0x1  }
0xbf: {  	_ =	sfence.sel $0xFFFF  }
0xc0: {  	[dreg:$0x0] =	wrdreg $0xFFFFFFFF;
	(pc) =	sbr.abs _section_cstart, $3  }
0xc1: {  	[dreg:$0x1] =	wrdreg $0xFFFFFFFF  }
0xc2: {  	_ =	task.clear_ibuf [dreg:s6], $0x2FFFF;
	_ =	strace $0x9FFFFFFF  }
0xc3: {  	(tm) =	ssettm $0x7FFFFFFF  }
tec
execute0_lowered:
.L_overlay_start_1:
0x0: {  	(tag) =	ssettag $0x1  }
0x1: {  	s19 =	rddreg [dreg:$0x0]  }
0x2: {  	s3 =	rddreg [dreg:$0x1]  }
0x3: {  	s2 =	simm.s32 $0x0;
	s0 =	srdreg.scid;
	s10 =	stileid.u32  }
0x4: {  	[smem:$0x7FF] =	sst s2;
	s17 =	sand.u32 $0x1, s0;
	s24 =	sshll.u32 s10, $0x1  }
0x5: {  	s4 =	sadd.s32 $0x27E400, s19;
	s6 =	sor.u32 $0x10, s10;
	s29 =	smul.u32 $0x1900, s10  }
0x6: {  	s9 =	sor.u32 $0x20, s10;
	s21 =	sor.u32 $0x30, s10;
	s14 =	smul.u32 $0x186A00, s17  }
0x7: {  	s30 =	sor.u32 $0x40, s10;
	_ =	strace $0x80000047;
	s7 =	smul.u32 $0x1900, s6  }
0x8: {  	s25 =	ssub.s32 $0x2, s17;
	s18 =	sor.u32 s17, s24;
	s1 =	smul.u32 $0x1900, s9  }
0x9: {  	s24 =	sor.u32 $0x60, s10;
	s11 =	smul.u32 $0x1900, s21;
	[smem:$0x7C0] =	sst s29  }
0xa: {  	s12 =	smul.u32 $0x1900, s30;
	s26 =	sshrl.u32 s25, $0x1;
	[smem:$0x7C4] =	sst s7  }
0xb: {  	s5 =	ssub.s32 $0x1869, s18;
	s0 =	ssub.s32 s25, s26;
	[smem:$0x7C8] =	sst s1  }
0xc: {  	s5 =	sshrl.u32 s5, $0x5;
	s26 =	sor.u32 $0x50, s10;
	[smem:$0x7CC] =	sst s11  }
0xd: {  	s7 =	sadd.s32 s14, s7;
	s8 =	sadd.s32 s14, s1;
	[smem:$0x7D0] =	sst s12  }
0xe: {  	s16 =	sadd.s32 s14, s11;
	s20 =	sadd.s32 s14, s12;
	s12 =	sor.u32 $0x70, s10  }
0xf: {  	[smem:$0x7FC] =	sst s0;
	s31 =	sadd.s32 $0xFFFFFFFE, s5;
	s0 =	sadd.s32 s29, s14  }
0x10: {  	s7 =	sshrl.u32 s7, $0x3;
	s15 =	sshrl.u32 s8, $0x3;
	s22 =	smul.u32 $0x1900, s26  }
0x11: {  	s8 =	sshrl.u32 s20, $0x3;
	[dreg:$0x4] =	wrdreg s31;
	s13 =	sadd.s32 s4, s7  }
0x12: {  	s1 =	smul.u32 $0x1900, s12;
	s2 =	sshrl.u32 s0, $0x3;
	[dreg:$0x6] =	wrdreg s13  }
0x13: {  	s7 =	sshrl.u32 s16, $0x3;
	s23 =	sadd.s32 s4, s15;
	[smem:$0x7D4] =	sst s22  }
0x14: {  	s29 =	sadd.s32 s4, s8;
	s2 =	sadd.s32 s4, s2;
	[dreg:$0x7] =	wrdreg s23  }
0x15: {  	s13 =	smul.u32 $0x1900, s24;
	s25 =	sadd.s32 s4, s7;
	[dreg:$0x9] =	wrdreg s29  }
0x16: {  	s31 =	sadd.s32 s14, s22;
	[smem:$0x7DC] =	sst s1;
	s7 =	sor.u32 $0x80, s10  }
0x17: {  	s16 =	sadd.s32 s14, s1;
	s22 =	sor.u32 $0xA0, s10;
	[dreg:$0x5] =	wrdreg s2  }
0x18: {  	[dreg:$0x8] =	wrdreg s25;
	s2 =	sshrl.u32 s31, $0x3;
	s20 =	smul.u32 $0x1900, s7  }
0x19: {  	[smem:$0x7D8] =	sst s13;
	s0 =	sadd.s32 s14, s13;
	s13 =	sadd.s32 s4, s2  }
0x1a: {  	s31 =	smul.u32 $0x1900, s22;
	s8 =	sshrl.u32 s0, $0x3;
	[dreg:$0xa] =	wrdreg s13  }
0x1b: {  	s13 =	sor.u32 $0x90, s10;
	[smem:$0x7E0] =	sst s20;
	s29 =	sadd.s32 s14, s20  }
0x1c: {  	[smem:$0x7E8] =	sst s31;
	s15 =	sadd.s32 s4, s8;
	s23 =	smul.u32 $0x1900, s13  }
0x1d: {  	s20 =	sor.u32 $0xB0, s10;
	s8 =	sshrl.u32 s16, $0x3;
	[dreg:$0xb] =	wrdreg s15  }
0x1e: {  	s1 =	smul.u32 $0x1900, s20;
	s25 =	sadd.s32 s4, s8;
	[smem:$0x7E4] =	sst s23  }
0x1f: {  	s8 =	sshrl.u32 s29, $0x3;
	s15 =	sadd.s32 s14, s31;
	[dreg:$0xc] =	wrdreg s25  }
0x20: {  	s11 =	sadd.s32 s14, s23;
	[smem:$0x7EC] =	sst s1;
	s16 =	sadd.s32 s4, s8  }
0x21: {  	s25 =	sshrl.u32 s15, $0x3;
	s8 =	sor.u32 $0xC0, s10;
	s31 =	sadd.s32 s14, s1  }
0x22: {  	s11 =	sshrl.u32 s11, $0x3;
	[dreg:$0xd] =	wrdreg s16;
	s29 =	sadd.s32 s4, s25  }
0x23: {  	s1 =	smul.u32 $0x1900, s8;
	s23 =	sadd.s32 s4, s11;
	[dreg:$0xf] =	wrdreg s29  }
0x24: {  	s0 =	sshrl.u32 s31, $0x3;
	s31 =	sor.u32 $0xE0, s10;
	[dreg:$0xe] =	wrdreg s23  }
0x25: {  	s16 =	sadd.s32 s4, s0;
	s2 =	smul.u32 $0x1900, s31;
	[smem:$0x7F0] =	sst s1  }
0x26: {  	s28 =	sor.u32 $0xF0, s10;
	s11 =	sor.u32 $0xD0, s10;
	[dreg:$0x10] =	wrdreg s16  }
0x27: {  	s23 =	smul.u32 $0x1900, s11;
	s25 =	sadd.s32 s14, s1;
	[smem:$0x7F6] =	sst s2  }
0x28: {  	s15 =	sshrl.u32 s25, $0x3;
	s25 =	smul.u32 $0x190, s10;
	s2 =	sadd.s32 s14, s2  }
0x29: {  	[smem:$0x7F3] =	sst s23;
	s16 =	sadd.s32 s14, s23;
	s29 =	sadd.s32 s4, s15  }
0x2a: {  	s23 =	smul.u32 $0x1900, s28;
	[dreg:$0x11] =	wrdreg s29;
	s1 =	sshrl.u32 s16, $0x3  }
0x2b: {  	[smem:$0x7C2] =	sst s25;
	s16 =	sshrl.u32 s2, $0x3;
	s2 =	smul.u32 $0x190, s6  }
0x2c: {  	s29 =	smul.u32 $0x186A0, s17;
	[smem:$0x7F9] =	sst s23  }
0x2d: {  	s14 =	sadd.s32 s14, s23;
	s23 =	sadd.s32 s4, s1;
	[smem:$0x7C6] =	sst s2  }
0x2e: {  	s1 =	sadd.s32 s4, s16;
	s14 =	sshrl.u32 s14, $0x3;
	[dreg:$0x12] =	wrdreg s23  }
0x2f: {  	[dreg:$0x13] =	wrdreg s1;
	s23 =	smul.u32 $0x190, s9;
	s14 =	sadd.s32 s4, s14  }
0x30: {  	s0 =	sadd.s32 $0x2E0000, s19;
	s15 =	sadd.s32 s25, s29;
	[dreg:$0x14] =	wrdreg s14  }
0x31: {  	s16 =	sadd.s32 s29, s2;
	s4 =	sshrl.u32 s15, $0x3;
	[smem:$0x7CA] =	sst s23  }
0x32: {  	s14 =	sshrl.u32 s16, $0x3;
	s16 =	smul.u32 $0x190, s21;
	s25 =	sadd.s32 s0, s4  }
0x33: {  	s15 =	sadd.s32 s29, s23;
	s23 =	smul.u32 $0x190, s30;
	[dreg:$0x15] =	wrdreg s25  }
0x34: {  	s1 =	sadd.s32 s0, s14;
	[smem:$0x7CE] =	sst s16  }
0x35: {  	s2 =	sshrl.u32 s15, $0x3;
	s25 =	smul.u32 $0x190, s24;
	[smem:$0x7D2] =	sst s23  }
0x36: {  	[dreg:$0x16] =	wrdreg s1;
	s15 =	sadd.s32 s29, s16;
	s16 =	sadd.s32 s29, s23  }
0x37: {  	s23 =	smul.u32 $0x190, s26;
	s1 =	sadd.s32 s0, s2;
	[smem:$0x7DA] =	sst s25  }
0x38: {  	s14 =	sshrl.u32 s15, $0x3;
	s15 =	sshrl.u32 s16, $0x3;
	[dreg:$0x17] =	wrdreg s1  }
0x39: {  	s16 =	sadd.s32 s29, s25;
	[smem:$0x7D6] =	sst s23;
	s4 =	sadd.s32 s0, s14  }
0x3a: {  	s25 =	smul.u32 $0x190, s7;
	s14 =	sadd.s32 s0, s15;
	[dreg:$0x18] =	wrdreg s4  }
0x3b: {  	s15 =	sadd.s32 s29, s23;
	s23 =	smul.u32 $0x190, s12;
	[dreg:$0x19] =	wrdreg s14  }
0x3c: {  	s4 =	sshrl.u32 s15, $0x3;
	s14 =	sshrl.u32 s16, $0x3;
	[smem:$0x7E2] =	sst s25  }
0x3d: {  	s15 =	sadd.s32 s29, s25;
	[smem:$0x7DE] =	sst s23;
	s1 =	sadd.s32 s0, s4  }
0x3e: {  	s25 =	smul.u32 $0x190, s22;
	s4 =	sadd.s32 s0, s14;
	[dreg:$0x1a] =	wrdreg s1  }
0x3f: {  	s14 =	sadd.s32 s29, s23;
	[dreg:$0x1b] =	wrdreg s4;
	s1 =	smul.u32 $0x190, s13  }
0x40: {  	s23 =	sshrl.u32 s15, $0x3;
	s4 =	sshrl.u32 s14, $0x3;
	[smem:$0x7EA] =	sst s25  }
0x41: {  	s15 =	sadd.s32 s29, s25;
	s16 =	sadd.s32 s0, s4;
	[smem:$0x7E6] =	sst s1  }
0x42: {  	s25 =	smul.u32 $0x190, s8;
	s4 =	sadd.s32 s0, s23;
	[dreg:$0x1c] =	wrdreg s16  }
0x43: {  	[dreg:$0x1d] =	wrdreg s4;
	s14 =	sadd.s32 s29, s1;
	s1 =	smul.u32 $0x190, s20  }
0x44: {  	s4 =	sshrl.u32 s15, $0x3;
	s15 =	sadd.s32 s29, s25;
	s16 =	sshrl.u32 s14, $0x3  }
0x45: {  	s4 =	sadd.s32 s0, s4;
	[smem:$0x7EE] =	sst s1;
	s23 =	sadd.s32 s0, s16  }
0x46: {  	s2 =	sadd.s32 s29, s1;
	s16 =	smul.u32 $0x190, s31;
	[dreg:$0x1f] =	wrdreg s4  }
0x47: {  	[dreg:$0x1e] =	wrdreg s23;
	s23 =	smul.u32 $0x190, s11;
	s14 =	sshrl.u32 s2, $0x3  }
0x48: {  	s2 =	sshrl.u32 s15, $0x3;
	s15 =	smul.u32 $0x190, s28;
	s1 =	sadd.s32 s0, s14  }
0x49: {  	s2 =	sadd.s32 s0, s2;
	[smem:$0x795] =	sst s1;
	s4 =	sadd.s32 s29, s23  }
0x4a: {  	s14 =	sadd.s32 s29, s16;
	[smem:$0x796] =	sst s2;
	s2 =	sshrl.u32 s4, $0x3  }
0x4b: {  	s1 =	sadd.s32 s29, s15;
	s4 =	sshrl.u32 s14, $0x3;
	s2 =	sadd.s32 s0, s2  }
0x4c: {  	s14 =	sshrl.u32 s1, $0x3;
	s29 =	sadd.s32 s0, s4;
	[smem:$0x797] =	sst s2  }
0x4d: {  	s0 =	sadd.s32 s0, s14;
	[smem:$0x798] =	sst s29  }
0x4e: {  	s14 =	sadd.s32 $0x1BAC00, s19;
	[smem:$0x799] =	sst s0;
	s0 =	sshll.u32 s18, $0x6  }
0x4f: {  	s2 =	sadd.s32 $0x21C800, s19;
	s18 =	sor.u32 $0x800, s0;
	s29 =	sadd.s32 s14, s0  }
0x50: {  	s4 =	smul.u32 $0x6400, s6;
	s1 =	sadd.s32 s2, s18;
	[smem:$0x79D] =	sst s29  }
0x51: {  	s6 =	smul.u32 $0x640, s6;
	s18 =	sadd.s32 s14, s18;
	[smem:$0x79A] =	sst s1  }
0x52: {  	s29 =	smul.u32 $0x6400, s21;
	[smem:$0x79B] =	sst s18  }
0x53: {  	s1 =	sadd.s32 s2, s0;
	s0 =	sor.u32 $0x1000, s0;
	s18 =	sshll.u32 s10, $0x7  }
0x54: {  	[smem:$0x79C] =	sst s1;
	s1 =	sadd.s32 s2, s0;
	s0 =	sadd.s32 s14, s0  }
0x55: {  	s2 =	sadd.s32 s18, s2;
	s14 =	sadd.s32 s18, s14;
	s18 =	sshll.u32 s17, $0x6  }
0x56: {  	s29 =	sshrl.u32 s29, $0x2;
	[smem:$0x79E] =	sst s1;
	s1 =	smul.u32 $0x6400, s10  }
0x57: {  	[smem:$0x79F] =	sst s0;
	s17 =	sadd.s32 s18, s2;
	s0 =	smul.u32 $0x640, s10  }
0x58: {  	s18 =	sadd.s32 s18, s14;
	s14 =	smul.u32 $0x6400, s9;
	s1 =	sshrl.u32 s1, $0x2  }
0x59: {  	s0 =	sshrl.u32 s0, $0x2;
	s2 =	sadd.s32 s1, s3;
	s1 =	rddreg [dreg:$0x2]  }
0x5a: {  	[smem:$0x7A0] =	sst s2;
	s2 =	smul.u32 $0x640, s9;
	s0 =	sadd.s32 s0, s1  }
0x5b: {  	s9 =	sshrl.u32 s4, $0x2;
	s4 =	smul.u32 $0x6400, s12;
	[smem:$0x7A1] =	sst s0  }
0x5c: {  	s0 =	sadd.s32 s9, s3;
	s9 =	sshrl.u32 s6, $0x2;
	s6 =	smul.u32 $0x640, s21  }
0x5d: {  	[smem:$0x7A2] =	sst s0;
	s0 =	sadd.s32 s9, s1;
	s9 =	smul.u32 $0x6400, s30  }
0x5e: {  	s14 =	sshrl.u32 s14, $0x2;
	s21 =	sshrl.u32 s2, $0x2;
	s2 =	smul.u32 $0x640, s30  }
0x5f: {  	s30 =	smul.u32 $0x6400, s26;
	[smem:$0x7A3] =	sst s0;
	s0 =	sadd.s32 s14, s3  }
0x60: {  	s6 =	sshrl.u32 s6, $0x2;
	s14 =	smul.u32 $0x640, s26;
	[smem:$0x7A4] =	sst s0  }
0x61: {  	s0 =	sadd.s32 s21, s1;
	s21 =	sshrl.u32 s9, $0x2;
	s9 =	smul.u32 $0x6400, s24  }
0x62: {  	s26 =	sshrl.u32 s2, $0x2;
	s30 =	sshrl.u32 s30, $0x2;
	[smem:$0x7A5] =	sst s0  }
0x63: {  	s0 =	sadd.s32 s29, s3;
	s29 =	smul.u32 $0x640, s24;
	s14 =	sshrl.u32 s14, $0x2  }
0x64: {  	[smem:$0x7A6] =	sst s0;
	s0 =	sadd.s32 s6, s1;
	s24 =	sshrl.u32 s9, $0x2  }
0x65: {  	[smem:$0x7A7] =	sst s0;
	s0 =	sadd.s32 s21, s3;
	s21 =	smul.u32 $0x640, s12  }
0x66: {  	s12 =	smul.u32 $0x6400, s13;
	[smem:$0x7A8] =	sst s0;
	s0 =	sadd.s32 s26, s1  }
0x67: {  	s29 =	sshrl.u32 s29, $0x2;
	s26 =	smul.u32 $0x6400, s7;
	[smem:$0x7A9] =	sst s0  }
0x68: {  	s0 =	sadd.s32 s30, s3;
	s30 =	smul.u32 $0x640, s7;
	s7 =	sshrl.u32 s4, $0x2  }
0x69: {  	s9 =	sshrl.u32 s12, $0x2;
	s12 =	smul.u32 $0x6400, s20;
	[smem:$0x7AA] =	sst s0  }
0x6a: {  	s0 =	sadd.s32 s14, s1;
	s14 =	sshrl.u32 s21, $0x2;
	s21 =	smul.u32 $0x640, s13  }
0x6b: {  	[smem:$0x7AB] =	sst s0;
	s0 =	sadd.s32 s24, s3;
	s24 =	sshrl.u32 s26, $0x2  }
0x6c: {  	s26 =	smul.u32 $0x6400, s22;
	[smem:$0x7AC] =	sst s0;
	s0 =	sadd.s32 s29, s1  }
0x6d: {  	s29 =	sshrl.u32 s30, $0x2;
	s30 =	smul.u32 $0x640, s22;
	s13 =	sshrl.u32 s21, $0x2  }
0x6e: {  	s21 =	smul.u32 $0x6400, s8;
	[smem:$0x7AD] =	sst s0;
	s0 =	sadd.s32 s7, s3  }
0x6f: {  	[smem:$0x7AE] =	sst s0;
	s0 =	sadd.s32 s14, s1;
	s14 =	smul.u32 $0x640, s20  }
0x70: {  	s23 =	sadd.s32 s23, s1;
	s20 =	sshrl.u32 s26, $0x2;
	s26 =	smul.u32 $0x640, s8  }
0x71: {  	[smem:$0x7F5] =	sst s23;
	s22 =	sshrl.u32 s30, $0x2;
	s30 =	smul.u32 $0x6400, s11  }
0x72: {  	s4 =	sld [smem:$0x7DE];
	s8 =	smul.u32 $0x640, s11  }
0x73: {  	s11 =	smul.u32 $0x6400, s31;
	[smem:$0x7AF] =	sst s0;
	s0 =	sadd.s32 s24, s3  }
0x74: {  	[smem:$0x7B0] =	sst s0  }
0x75: {  	s0 =	sadd.s32 s29, s1;
	s7 =	sshrl.u32 s11, $0x2;
	s11 =	sld [smem:$0x7C6]  }
0x76: {  	s29 =	sshrl.u32 s12, $0x2;
	s12 =	sshrl.u32 s26, $0x2;
	[smem:$0x7B1] =	sst s0  }
0x77: {  	s0 =	sadd.s32 s9, s3;
	s26 =	sadd.s32 s7, s3;
	s7 =	sld [smem:$0x7C0]  }
0x78: {  	[smem:$0x7B2] =	sst s0  }
0x79: {  	s9 =	sshrl.u32 s21, $0x2;
	[smem:$0x7BC] =	sst s26  }
0x7a: {  	s21 =	smul.u32 $0x640, s28;
	s0 =	sadd.s32 s13, s1;
	s26 =	sld [smem:$0x7D4]  }
0x7b: {  	s13 =	smul.u32 $0x640, s31;
	[smem:$0x7B3] =	sst s0  }
0x7c: {  	s0 =	sadd.s32 s20, s3;
	s31 =	sshrl.u32 s21, $0x2;
	s21 =	sld [smem:$0x7D0]  }
0x7d: {  	[smem:$0x7B4] =	sst s0;
	s0 =	sadd.s32 s22, s1  }
0x7e: {  	s6 =	sshrl.u32 s14, $0x2;
	s20 =	smul.u32 $0x6400, s28;
	[smem:$0x7B5] =	sst s0  }
0x7f: {  	s0 =	sadd.s32 s29, s3;
	s29 =	sshrl.u32 s13, $0x2;
	s13 =	sld [smem:$0x7CA]  }
0x80: {  	s14 =	sshrl.u32 s30, $0x2;
	s30 =	sshrl.u32 s20, $0x2;
	s20 =	sld [smem:$0x7CE]  }
0x81: {  	[smem:$0x7B6] =	sst s0  }
0x82: {  	s0 =	sadd.s32 s6, s1;
	s6 =	sshrl.u32 s8, $0x2;
	s8 =	sld [smem:$0x7C2]  }
0x83: {  	s2 =	sadd.s32 s30, s3;
	s30 =	sld [smem:$0x7D8]  }
0x84: {  	[smem:$0x7B7] =	sst s0  }
0x85: {  	[smem:$0x7BE] =	sst s2  }
0x86: {  	s0 =	sadd.s32 s9, s3;
	s9 =	sld [smem:$0x7C4]  }
0x87: {  	s22 =	sadd.s32 s6, s1;
	s6 =	sadd.s32 s31, s1;
	s31 =	sld [smem:$0x7DA]  }
0x88: {  	s2 =	sld [smem:$0x7DC]  }
0x89: {  	[smem:$0x7B8] =	sst s0  }
0x8a: {  	[smem:$0x7BB] =	sst s22  }
0x8b: {  	[smem:$0x7BF] =	sst s6  }
0x8c: {  	s0 =	sadd.s32 s12, s1;
	s12 =	sld [smem:$0x7C8]  }
0x8d: {  	s22 =	sld [smem:$0x7D2]  }
0x8e: {  	s6 =	sld [smem:$0x7E0]  }
0x8f: {  	[smem:$0x7B9] =	sst s0  }
0x90: {  	s0 =	sadd.s32 s14, s3;
	s14 =	sld [smem:$0x7CC]  }
0x91: {  	[smem:$0x7BA] =	sst s0  }
0x92: {  	s0 =	sadd.s32 s29, s1;
	s29 =	sld [smem:$0x7D6]  }
0x93: {  	[smem:$0x7BD] =	sst s0  }
0x94: {  	s0 =	sadd.s32 s7, s3;
	s7 =	sld [smem:$0x7E2]  }
0x95: {  	[smem:$0x7C1] =	sst s0  }
0x96: {  	s0 =	sadd.s32 s8, s1;
	s8 =	sld [smem:$0x7E4]  }
0x97: {  	[smem:$0x7C3] =	sst s0  }
0x98: {  	s0 =	sadd.s32 s9, s3;
	s9 =	sld [smem:$0x7E6]  }
0x99: {  	[smem:$0x7C5] =	sst s0  }
0x9a: {  	s0 =	sadd.s32 s11, s1;
	s11 =	sld [smem:$0x7E8]  }
0x9b: {  	[smem:$0x7C7] =	sst s0  }
0x9c: {  	s0 =	sadd.s32 s12, s3;
	s12 =	sld [smem:$0x7EA]  }
0x9d: {  	[smem:$0x7C9] =	sst s0  }
0x9e: {  	s0 =	sadd.s32 s13, s1;
	s13 =	sld [smem:$0x7EC]  }
0x9f: {  	[smem:$0x7CB] =	sst s0  }
0xa0: {  	s0 =	sadd.s32 s14, s3;
	s14 =	sld [smem:$0x7EE]  }
0xa1: {  	[smem:$0x7CD] =	sst s0  }
0xa2: {  	s0 =	sadd.s32 s20, s1;
	s20 =	sld [smem:$0x7F0]  }
0xa3: {  	[smem:$0x7CF] =	sst s0  }
0xa4: {  	s0 =	sadd.s32 s21, s3;
	s21 =	sadd.s32 s25, s1;
	s25 =	sld [smem:$0x7F6]  }
0xa5: {  	[smem:$0x7D1] =	sst s0  }
0xa6: {  	[smem:$0x7F2] =	sst s21  }
0xa7: {  	s0 =	sadd.s32 s22, s1;
	s22 =	sld [smem:$0x7F3]  }
0xa8: {  	[smem:$0x7D3] =	sst s0;
	s0 =	sadd.s32 s26, s3  }
0xa9: {  	s26 =	sadd.s32 s16, s1;
	[smem:$0x7D5] =	sst s0  }
0xaa: {  	[smem:$0x7F8] =	sst s26  }
0xab: {  	s0 =	sadd.s32 s29, s1;
	s29 =	sld [smem:$0x7F9]  }
0xac: {  	[smem:$0x7D7] =	sst s0;
	s0 =	sadd.s32 s30, s3  }
0xad: {  	p0 =	sgt.u32 s10, $0x9;
	s30 =	sadd.s32 s15, s1;
	[smem:$0x7D9] =	sst s0  }
0xae: {  	p1 =	sgt.u32 s10, $0x4;
	s19 =	sadd.s32 $0x189E00, s19;
	[smem:$0x7FB] =	sst s30  }
0xaf: {  	s10 =	simm.s32 $0x1A910;
	s0 =	sadd.s32 s31, s1;
	s31 =	sld [smem:$0x7FC]  }
0xb0: {  	s23 =	simm.s32 $0x1CF10;
	[smem:$0x7DB] =	sst s0;
	s0 =	sadd.s32 s2, s3  }
0xb1: {  	s24 =	smov.u32 s1;
	[smem:$0x7DD] =	sst s0;
	s0 =	sadd.s32 s4, s1  }
0xb2: {  	s28 =	simm.s32 $0x8;
	[smem:$0x7DF] =	sst s0;
	s0 =	sadd.s32 s6, s3  }
0xb3: {  	s21 =	simm.s32 $0x200;
	[smem:$0x7E1] =	sst s0;
	s0 =	sadd.s32 s7, s1  }
0xb4: {  	s16 =	simm.s32 $0x1A710;
	[smem:$0x7E3] =	sst s0;
	s0 =	sadd.s32 s8, s3  }
0xb5: {  	s26 =	simm.s32 $0x5;
	[smem:$0x7E5] =	sst s0;
	s0 =	sadd.s32 s9, s1  }
0xb6: {  	s4 =	simm.s32 $0x0;
	[smem:$0x7E7] =	sst s0;
	s0 =	sadd.s32 s11, s3  }
0xb7: {  	s7 =	simm.s32 $0x9;
	[smem:$0x7E9] =	sst s0;
	s0 =	sadd.s32 s12, s1  }
0xb8: {  	s8 =	simm.s32 $0x1F110;
	[smem:$0x7EB] =	sst s0;
	s0 =	sadd.s32 s13, s3  }
0xb9: {  	s9 =	simm.s32 $0x1A110;
	[smem:$0x7ED] =	sst s0;
	s0 =	sadd.s32 s14, s1  }
0xba: {  	s11 =	simm.s32 $0x1CF10;
	[smem:$0x7EF] =	sst s0;
	s0 =	sadd.s32 s20, s3  }
0xbb: {  	s12 =	simm.s32 $0x1EF10;
	[smem:$0x7F1] =	sst s0;
	s0 =	sadd.s32 s22, s3  }
0xbc: {  	s13 =	simm.s32 $0x5;
	[smem:$0x7F4] =	sst s0;
	s0 =	sadd.s32 s25, s3  }
0xbd: {  	s14 =	simm.s32 $0x1AF10;
	[smem:$0x7F7] =	sst s0;
	s0 =	sadd.s32 s29, s3  }
0xbe: {  	s1 =	simm.s32 $0x6;
	[smem:$0x7FA] =	sst s0;
	s0 =	smax.u32 s31, $0x1  }
0xbf: {  	v0 =	vimm.f32 $0.0e+00;
	v1 =	vimm.f32 $1.000000000e+00;
	s22 =	simm.s32 $0x2;
	s25 =	simm.s32 $0x7;
	[smem:$0x7FD] =	sst s0  }
.LBB2_1:
0xc0: {  	[smem:$0x794] =	sst s4;
	s0 =	simm.s32 $0x40;
	s2 =	simm.s32 $0x0  }
.LBB2_2:
0xc1: {  	p2 =	sne.s32 s0, $0x63C0;
	[tilespmem:s2+$0x1AF10] =	vst v0;
	s2 =	smov.u32 s0;
	s0 =	sadd.s32 $0x40, s0  }
.Ltmp0:
0xc2: {  	(pc) =	sbr.rel @p2 .LBB2_2-.Ltmp0, $2  }
0xc3: {  	_ =	sdelay $0x2  }
0xc4: {  	s2 =	sshra.s32 s2, $0x2  }
0xc5: {  	[tilespmem:s2+$0x1AF10] =	vst v0  }
0xc6: {  	[tilespmem:$0x1EF10] =	vst v1  }
0xc7: {  	[tilespmem:$0x1EF20] =	vst v1  }
0xc8: {  	[tilespmem:$0x1EF30] =	vst v1  }
0xc9: {  	[tilespmem:$0x1EF40] =	vst v1  }
0xca: {  	[tilespmem:$0x1EF50] =	vst v1  }
0xcb: {  	[tilespmem:$0x1EF60] =	vst v1  }
0xcc: {  	[tilespmem:$0x1EF70] =	vst v1  }
0xcd: {  	[tilespmem:$0x1EF80] =	vst v1  }
0xce: {  	[tilespmem:$0x1EF90] =	vst v1  }
0xcf: {  	[tilespmem:$0x1EFA0] =	vst v1  }
0xd0: {  	[tilespmem:$0x1EFB0] =	vst v1  }
0xd1: {  	[tilespmem:$0x1EFC0] =	vst v1  }
0xd2: {  	[tilespmem:$0x1EFD0] =	vst v1  }
0xd3: {  	[tilespmem:$0x1EFE0] =	vst v1  }
0xd4: {  	[tilespmem:$0x1EFF0] =	vst v1  }
0xd5: {  	[tilespmem:$0x1F000] =	vst v1  }
0xd6: {  	[tilespmem:$0x1F010] =	vst v1  }
0xd7: {  	[tilespmem:$0x1F020] =	vst v1  }
0xd8: {  	[tilespmem:$0x1F030] =	vst v1  }
0xd9: {  	[tilespmem:$0x1F040] =	vst v1  }
0xda: {  	[tilespmem:$0x1F050] =	vst v1  }
0xdb: {  	[tilespmem:$0x1F060] =	vst v1  }
0xdc: {  	[tilespmem:$0x1F070] =	vst v1  }
0xdd: {  	[tilespmem:$0x1F080] =	vst v1  }
0xde: {  	[tilespmem:$0x1F090] =	vst v1  }
0xdf: {  	[tilespmem:$0x1F0A0] =	vst v1  }
0xe0: {  	[tilespmem:$0x1F0B0] =	vst v1  }
0xe1: {  	[tilespmem:$0x1F0C0] =	vst v1  }
0xe2: {  	[tilespmem:$0x1F0D0] =	vst v1  }
0xe3: {  	[tilespmem:$0x1F0E0] =	vst v1  }
0xe4: {  	[tilespmem:$0x1F0F0] =	vst v1  }
0xe5: {  	[tilespmem:$0x1F100] =	vst v1  }
0xe6: {  	[tilespmem:$0x1F110] =	vst v0  }
0xe7: {  	[tilespmem:$0x1F120] =	vst v0  }
0xe8: {  	[tilespmem:$0x1F130] =	vst v0  }
0xe9: {  	[tilespmem:$0x1F140] =	vst v0  }
0xea: {  	[tilespmem:$0x1F150] =	vst v0  }
0xeb: {  	[tilespmem:$0x1F160] =	vst v0  }
0xec: {  	[tilespmem:$0x1F170] =	vst v0  }
0xed: {  	[tilespmem:$0x1F180] =	vst v0  }
0xee: {  	[tilespmem:$0x1F190] =	vst v0  }
0xef: {  	[tilespmem:$0x1F1A0] =	vst v0  }
0xf0: {  	[tilespmem:$0x1F1B0] =	vst v0  }
0xf1: {  	[tilespmem:$0x1F1C0] =	vst v0  }
0xf2: {  	[tilespmem:$0x1F1D0] =	vst v0  }
0xf3: {  	[tilespmem:$0x1F1E0] =	vst v0  }
0xf4: {  	[tilespmem:$0x1F1F0] =	vst v0  }
0xf5: {  	[tilespmem:$0x1F200] =	vst v0  }
0xf6: {  	[tilespmem:$0x1F210] =	vst v0  }
0xf7: {  	[tilespmem:$0x1F220] =	vst v0  }
0xf8: {  	[tilespmem:$0x1F230] =	vst v0  }
0xf9: {  	[tilespmem:$0x1F240] =	vst v0  }
0xfa: {  	[tilespmem:$0x1F250] =	vst v0  }
0xfb: {  	[tilespmem:$0x1F260] =	vst v0  }
0xfc: {  	s0 =	sld [smem:$0x7A0];
	[tilespmem:$0x1F270] =	vst v0  }
0xfd: {  	[tilespmem:$0x1F280] =	vst v0  }
0xfe: {  	[tilespmem:$0x1F290] =	vst v0  }
0xff: {  	[spmem:s0] =	stream.linear.scatter [tilespmem:s14], [sflag:$0x9], $0x1900, $0x38;
	[tilespmem:$0x1F2A0] =	vst v63  }
0x100: {  	_ =	swait.ge [sflag:s7], $0x1900  }
0x101: {  	s15 =	sld [smem:$0x7A1]  }
0x102: {  	[sflag:s7] =	ssyncset.done $0x0  }
0x103: {  	[sflag:s7] =	ssyncadd.s32 $0xFFFFE700  }
0x104: {  	[spmem:s15] =	stream.linear.scatter [tilespmem:s8], [sflag:$0x9], $0x190, $0x38;
	[tilespmem:$0x1F2A0] =	vst v63  }
0x105: {  	_ =	swait.ge [sflag:s7], $0x190  }
0x106: {  	s20 =	sld [smem:$0x7A2]  }
0x107: {  	[sflag:s7] =	ssyncset.done $0x0  }
0x108: {  	[sflag:s7] =	ssyncadd.s32 $0xFFFFFE70  }
0x109: {  	[spmem:s20] =	stream.linear.scatter [tilespmem:s14], [sflag:$0x9], $0x1900, $0x38;
	[tilespmem:$0x1F2A0] =	vst v63  }
0x10a: {  	_ =	swait.ge [sflag:s7], $0x1900  }
0x10b: {  	s2 =	sld [smem:$0x7A3]  }
0x10c: {  	[sflag:s7] =	ssyncset.done $0x0  }
0x10d: {  	[sflag:s7] =	ssyncadd.s32 $0xFFFFE700  }
0x10e: {  	[spmem:s2] =	stream.linear.scatter [tilespmem:s8], [sflag:$0x9], $0x190, $0x38;
	[tilespmem:$0x1F2A0] =	vst v63  }
0x10f: {  	_ =	swait.ge [sflag:s7], $0x190  }
0x110: {  	s4 =	sld [smem:$0x7A4]  }
0x111: {  	[sflag:s7] =	ssyncset.done $0x0  }
0x112: {  	[sflag:s7] =	ssyncadd.s32 $0xFFFFFE70  }
0x113: {  	[spmem:s4] =	stream.linear.scatter [tilespmem:s14], [sflag:$0x9], $0x1900, $0x38;
	[tilespmem:$0x1F2A0] =	vst v63  }
0x114: {  	_ =	swait.ge [sflag:s7], $0x1900  }
0x115: {  	s6 =	sld [smem:$0x7A5]  }
0x116: {  	[sflag:s7] =	ssyncset.done $0x0  }
0x117: {  	[sflag:s7] =	ssyncadd.s32 $0xFFFFE700  }
0x118: {  	[spmem:s6] =	stream.linear.scatter [tilespmem:s8], [sflag:$0x9], $0x190, $0x38;
	[tilespmem:$0x1F2A0] =	vst v63  }
0x119: {  	_ =	swait.ge [sflag:s7], $0x190  }
0x11a: {  	s15 =	sld [smem:$0x7A6]  }
0x11b: {  	[sflag:s7] =	ssyncset.done $0x0  }
0x11c: {  	[sflag:s7] =	ssyncadd.s32 $0xFFFFFE70  }
0x11d: {  	[spmem:s15] =	stream.linear.scatter [tilespmem:s14], [sflag:$0x9], $0x1900, $0x38;
	[tilespmem:$0x1F2A0] =	vst v63  }
0x11e: {  	_ =	swait.ge [sflag:s7], $0x1900  }
0x11f: {  	s20 =	sld [smem:$0x7A7]  }
0x120: {  	[sflag:s7] =	ssyncset.done $0x0  }
0x121: {  	[sflag:s7] =	ssyncadd.s32 $0xFFFFE700  }
0x122: {  	[spmem:s20] =	stream.linear.scatter [tilespmem:s8], [sflag:$0x9], $0x190, $0x38;
	[tilespmem:$0x1F2A0] =	vst v63  }
0x123: {  	_ =	swait.ge [sflag:s7], $0x190  }
0x124: {  	s2 =	sld [smem:$0x7A8]  }
0x125: {  	[sflag:s7] =	ssyncset.done $0x0  }
0x126: {  	[sflag:s7] =	ssyncadd.s32 $0xFFFFFE70  }
0x127: {  	[spmem:s2] =	stream.linear.scatter [tilespmem:s14], [sflag:$0x9], $0x1900, $0x38;
	[tilespmem:$0x1F2A0] =	vst v63  }
0x128: {  	_ =	swait.ge [sflag:s7], $0x1900  }
0x129: {  	s4 =	sld [smem:$0x7A9]  }
0x12a: {  	[sflag:s7] =	ssyncset.done $0x0  }
0x12b: {  	[sflag:s7] =	ssyncadd.s32 $0xFFFFE700  }
0x12c: {  	[spmem:s4] =	stream.linear.scatter [tilespmem:s8], [sflag:$0x9], $0x190, $0x38;
	[tilespmem:$0x1F2A0] =	vst v63  }
0x12d: {  	_ =	swait.ge [sflag:s7], $0x190  }
0x12e: {  	s6 =	sld [smem:$0x7AA]  }
0x12f: {  	[sflag:s7] =	ssyncset.done $0x0  }
0x130: {  	[sflag:s7] =	ssyncadd.s32 $0xFFFFFE70  }
0x131: {  	[spmem:s6] =	stream.linear.scatter [tilespmem:s14], [sflag:$0x9], $0x1900, $0x38;
	[tilespmem:$0x1F2A0] =	vst v63  }
0x132: {  	_ =	swait.ge [sflag:s7], $0x1900  }
0x133: {  	s15 =	sld [smem:$0x7AB]  }
0x134: {  	[sflag:s7] =	ssyncset.done $0x0  }
0x135: {  	[sflag:s7] =	ssyncadd.s32 $0xFFFFE700  }
0x136: {  	[spmem:s15] =	stream.linear.scatter [tilespmem:s8], [sflag:$0x9], $0x190, $0x38;
	[tilespmem:$0x1F2A0] =	vst v63  }
0x137: {  	_ =	swait.ge [sflag:s7], $0x190  }
0x138: {  	s20 =	sld [smem:$0x7AC]  }
0x139: {  	[sflag:s7] =	ssyncset.done $0x0  }
0x13a: {  	[sflag:s7] =	ssyncadd.s32 $0xFFFFFE70  }
0x13b: {  	[spmem:s20] =	stream.linear.scatter [tilespmem:s14], [sflag:$0x9], $0x1900, $0x38;
	[tilespmem:$0x1F2A0] =	vst v63  }
0x13c: {  	_ =	swait.ge [sflag:s7], $0x1900  }
0x13d: {  	s2 =	sld [smem:$0x7AD]  }
0x13e: {  	[sflag:s7] =	ssyncset.done $0x0  }
0x13f: {  	[sflag:s7] =	ssyncadd.s32 $0xFFFFE700  }
0x140: {  	[spmem:s2] =	stream.linear.scatter [tilespmem:s8], [sflag:$0x9], $0x190, $0x38;
	[tilespmem:$0x1F2A0] =	vst v63  }
0x141: {  	_ =	swait.ge [sflag:s7], $0x190  }
0x142: {  	s4 =	sld [smem:$0x7AE]  }
0x143: {  	[sflag:s7] =	ssyncset.done $0x0  }
0x144: {  	[sflag:s7] =	ssyncadd.s32 $0xFFFFFE70  }
0x145: {  	[spmem:s4] =	stream.linear.scatter [tilespmem:s14], [sflag:$0x9], $0x1900, $0x38;
	[tilespmem:$0x1F2A0] =	vst v63  }
0x146: {  	_ =	swait.ge [sflag:s7], $0x1900  }
0x147: {  	s6 =	sld [smem:$0x7AF]  }
0x148: {  	[sflag:s7] =	ssyncset.done $0x0  }
0x149: {  	[sflag:s7] =	ssyncadd.s32 $0xFFFFE700  }
0x14a: {  	[spmem:s6] =	stream.linear.scatter [tilespmem:s8], [sflag:$0x9], $0x190, $0x38;
	[tilespmem:$0x1F2A0] =	vst v63  }
0x14b: {  	_ =	swait.ge [sflag:s7], $0x190  }
0x14c: {  	s15 =	sld [smem:$0x7B0]  }
0x14d: {  	[sflag:s7] =	ssyncset.done $0x0  }
0x14e: {  	[sflag:s7] =	ssyncadd.s32 $0xFFFFFE70  }
0x14f: {  	[spmem:s15] =	stream.linear.scatter [tilespmem:s14], [sflag:$0x9], $0x1900, $0x38;
	[tilespmem:$0x1F2A0] =	vst v63  }
0x150: {  	_ =	swait.ge [sflag:s7], $0x1900  }
0x151: {  	s20 =	sld [smem:$0x7B1]  }
0x152: {  	[sflag:s7] =	ssyncset.done $0x0  }
0x153: {  	[sflag:s7] =	ssyncadd.s32 $0xFFFFE700  }
0x154: {  	[spmem:s20] =	stream.linear.scatter [tilespmem:s8], [sflag:$0x9], $0x190, $0x38;
	[tilespmem:$0x1F2A0] =	vst v63  }
0x155: {  	_ =	swait.ge [sflag:s7], $0x190  }
0x156: {  	s2 =	sld [smem:$0x7B2]  }
0x157: {  	[sflag:s7] =	ssyncset.done $0x0  }
0x158: {  	[sflag:s7] =	ssyncadd.s32 $0xFFFFFE70  }
0x159: {  	[spmem:s2] =	stream.linear.scatter [tilespmem:s14], [sflag:$0x9], $0x1900, $0x38;
	[tilespmem:$0x1F2A0] =	vst v63  }
0x15a: {  	_ =	swait.ge [sflag:s7], $0x1900  }
0x15b: {  	s4 =	sld [smem:$0x7B3]  }
0x15c: {  	[sflag:s7] =	ssyncset.done $0x0  }
0x15d: {  	[sflag:s7] =	ssyncadd.s32 $0xFFFFE700  }
0x15e: {  	[spmem:s4] =	stream.linear.scatter [tilespmem:s8], [sflag:$0x9], $0x190, $0x38;
	[tilespmem:$0x1F2A0] =	vst v63  }
0x15f: {  	_ =	swait.ge [sflag:s7], $0x190  }
0x160: {  	s6 =	sld [smem:$0x7B4]  }
0x161: {  	[sflag:s7] =	ssyncset.done $0x0  }
0x162: {  	[sflag:s7] =	ssyncadd.s32 $0xFFFFFE70  }
0x163: {  	[spmem:s6] =	stream.linear.scatter [tilespmem:s14], [sflag:$0x9], $0x1900, $0x38;
	[tilespmem:$0x1F2A0] =	vst v63  }
0x164: {  	_ =	swait.ge [sflag:s7], $0x1900  }
0x165: {  	s15 =	sld [smem:$0x7B5]  }
0x166: {  	[sflag:s7] =	ssyncset.done $0x0  }
0x167: {  	[sflag:s7] =	ssyncadd.s32 $0xFFFFE700  }
0x168: {  	[spmem:s15] =	stream.linear.scatter [tilespmem:s8], [sflag:$0x9], $0x190, $0x38;
	[tilespmem:$0x1F2A0] =	vst v63  }
0x169: {  	_ =	swait.ge [sflag:s7], $0x190  }
0x16a: {  	s20 =	sld [smem:$0x7B6]  }
0x16b: {  	[sflag:s7] =	ssyncset.done $0x0  }
0x16c: {  	[sflag:s7] =	ssyncadd.s32 $0xFFFFFE70  }
0x16d: {  	[spmem:s20] =	stream.linear.scatter [tilespmem:s14], [sflag:$0x9], $0x1900, $0x38;
	[tilespmem:$0x1F2A0] =	vst v63  }
0x16e: {  	_ =	swait.ge [sflag:s7], $0x1900  }
0x16f: {  	s2 =	sld [smem:$0x7B7]  }
0x170: {  	[sflag:s7] =	ssyncset.done $0x0  }
0x171: {  	[sflag:s7] =	ssyncadd.s32 $0xFFFFE700  }
0x172: {  	[spmem:s2] =	stream.linear.scatter [tilespmem:s8], [sflag:$0x9], $0x190, $0x38;
	[tilespmem:$0x1F2A0] =	vst v63  }
0x173: {  	_ =	swait.ge [sflag:s7], $0x190  }
0x174: {  	s4 =	sld [smem:$0x7B8]  }
0x175: {  	[sflag:s7] =	ssyncset.done $0x0  }
0x176: {  	[sflag:s7] =	ssyncadd.s32 $0xFFFFFE70  }
0x177: {  	[spmem:s4] =	stream.linear.scatter [tilespmem:s14], [sflag:$0x9], $0x1900, $0x38;
	[tilespmem:$0x1F2A0] =	vst v63  }
0x178: {  	_ =	swait.ge [sflag:s7], $0x1900  }
0x179: {  	s6 =	sld [smem:$0x7B9]  }
0x17a: {  	[sflag:s7] =	ssyncset.done $0x0  }
0x17b: {  	[sflag:s7] =	ssyncadd.s32 $0xFFFFE700  }
0x17c: {  	[spmem:s6] =	stream.linear.scatter [tilespmem:s8], [sflag:$0x9], $0x190, $0x38;
	[tilespmem:$0x1F2A0] =	vst v63  }
0x17d: {  	_ =	swait.ge [sflag:s7], $0x190  }
0x17e: {  	s15 =	sld [smem:$0x7BA]  }
0x17f: {  	[sflag:s7] =	ssyncset.done $0x0  }
0x180: {  	[sflag:s7] =	ssyncadd.s32 $0xFFFFFE70  }
0x181: {  	[spmem:s15] =	stream.linear.scatter [tilespmem:s14], [sflag:$0x9], $0x1900, $0x38;
	[tilespmem:$0x1F2A0] =	vst v63  }
0x182: {  	_ =	swait.ge [sflag:s7], $0x1900  }
0x183: {  	s20 =	sld [smem:$0x7BB]  }
0x184: {  	[sflag:s7] =	ssyncset.done $0x0  }
0x185: {  	[sflag:s7] =	ssyncadd.s32 $0xFFFFE700  }
0x186: {  	[spmem:s20] =	stream.linear.scatter [tilespmem:s8], [sflag:$0x9], $0x190, $0x38;
	[tilespmem:$0x1F2A0] =	vst v63  }
0x187: {  	_ =	swait.ge [sflag:s7], $0x190  }
0x188: {  	s2 =	sld [smem:$0x7BC]  }
0x189: {  	[sflag:s7] =	ssyncset.done $0x0  }
0x18a: {  	[sflag:s7] =	ssyncadd.s32 $0xFFFFFE70  }
0x18b: {  	[spmem:s2] =	stream.linear.scatter [tilespmem:s14], [sflag:$0x9], $0x1900, $0x38;
	[tilespmem:$0x1F2A0] =	vst v63  }
0x18c: {  	_ =	swait.ge [sflag:s7], $0x1900  }
0x18d: {  	s4 =	sld [smem:$0x7BD]  }
0x18e: {  	[sflag:s7] =	ssyncset.done $0x0  }
0x18f: {  	[sflag:s7] =	ssyncadd.s32 $0xFFFFE700  }
0x190: {  	[spmem:s4] =	stream.linear.scatter [tilespmem:s8], [sflag:$0x9], $0x190, $0x38;
	[tilespmem:$0x1F2A0] =	vst v63  }
0x191: {  	_ =	swait.ge [sflag:s7], $0x190  }
0x192: {  	s2 =	sld [smem:$0x7BE]  }
0x193: {  	[sflag:s7] =	ssyncset.done $0x0  }
0x194: {  	s0 =	simm.s32 @!p0 $0x1AF10;
	[sflag:s7] =	ssyncadd.s32 $0xFFFFFE70  }
0x195: {  	[spmem:s2] =	stream.linear.scatter @!p0 [tilespmem:s0], [sflag:$0x9], $0x1900, $0x38;
	[tilespmem:$0x1F2A0] =	vst v63  }
0x196: {  	s0 =	simm.s32 @!p0 $0x9  }
0x197: {  	_ =	swait.ge @!p0 [sflag:s0], $0x1900  }
0x198: {  	s4 =	sld [smem:$0x7BF]  }
0x199: {  	[sflag:s0] =	ssyncset.done @!p0 $0x0  }
0x19a: {  	s2 =	simm.s32 @!p0 $0x1F110;
	[sflag:s0] =	ssyncadd.s32 @!p0 $0xFFFFE700  }
0x19b: {  	[spmem:s4] =	stream.linear.scatter @!p0 [tilespmem:s2], [sflag:$0x9], $0x190, $0x38;
	[tilespmem:$0x1F2A0] =	vst v63  }
0x19c: {  	_ =	swait.ge @!p0 [sflag:s0], $0x190  }
0x19d: {  	[sflag:s0] =	ssyncset.done @!p0 $0x0  }
0x19e: {  	[sflag:s0] =	ssyncadd.s32 @!p0 $0xFFFFFE70  }
0x19f: {  	[bflag:$0x0] =	sbarrier.arrive $0xFFFF  }
0x1a0: {  	s6 =	sld [smem:$0x79C];
	_ =	sdelay $0x1  }
0x1a1: {  	s4 =	simm.s32 $0x19F10;
	s0 =	simm.s32 $0x0;
	s7 =	sld [smem:$0x79D]  }
0x1a2: {  	[tilespmem:s4], [sflag:$0x1] =	stream.linear.gather [hbm4b:s6+s0], $0x200, $0x38;
	[tilespmem:$0x1F2A0] =	vst v63  }
0x1a3: {  	s8 =	sld [smem:$0x79A]  }
0x1a4: {  	[tilespmem:s16], [sflag:$0x1] =	stream.linear.gather [hbm4b:s7+s0], $0x200, $0x38;
	[tilespmem:$0x1F2A0] =	vst v63  }
0x1a5: {  	s15 =	sld [smem:$0x79B]  }
0x1a6: {  	[tilespmem:s9], [sflag:$0x2] =	stream.linear.gather [hbm4b:s8+s0], $0x200, $0x38;
	[tilespmem:$0x1F2A0] =	vst v63  }
0x1a7: {  	s20 =	sld [smem:$0x79E]  }
0x1a8: {  	[tilespmem:s10], [sflag:$0x2] =	stream.linear.gather [hbm4b:s15+s0], $0x200, $0x38;
	[tilespmem:$0x1F2A0] =	vst v63  }
0x1a9: {  	s6 =	simm.s32 $0x1A310;
	s7 =	sld [smem:$0x79F]  }
0x1aa: {  	[tilespmem:s6], [sflag:$0x3] =	stream.linear.gather [hbm4b:s20+s0], $0x200, $0x38;
	[tilespmem:$0x1F2A0] =	vst v63  }
0x1ab: {  	s8 =	simm.s32 $0x1AB10;
	s15 =	simm.s32 $0x1  }
0x1ac: {  	[tilespmem:s8], [sflag:$0x3] =	stream.linear.gather [hbm4b:s7+s0], $0x200, $0x38;
	[tilespmem:$0x1F2A0] =	vst v63  }
0x1ad: {  	_ =	swait.ge [sflag:s15], $0x200  }
0x1ae: {  	[sflag:s15] =	ssyncset.done $0x0  }
0x1af: {  	[sflag:s15] =	ssyncadd.s32 $0xFFFFFE00  }
0x1b0: {  	_ =	swait.ge [sflag:s15], $0x200  }
0x1b1: {  	p3 =	por $0x1, $0x1;
	[sflag:s15] =	ssyncset.done $0x0  }
0x1b2: {  	s2 =	simm.s32 @!p3 $0x8;
	[sflag:s15] =	ssyncadd.s32 $0xFFFFFE00  }
0x1b3: {  	[tilespmem:s14], [sflag:$0x5] =	stream.indirect.gather [hbm4b:s19+s21], $0x10, s4, s21, $0xb8;
	[tilespmem:$0x1F2A0] =	vst v63  }
0x1b4: {  	_ =	swait.ge @!p3 [sflag:s2], $0x2000  }
0x1b5: {  	[sflag:s2] =	ssyncset.done @!p3 $0x0  }
0x1b6: {  	p2 =	slt.u32 s5, $0x3;
	[sflag:s2] =	ssyncadd.s32 @!p3 $0xFFFFE000  }
0x1b7: {  	s0 =	sadd.s32 @!p2 $0x0, s17;
	_ =	swait.ge @!p3 [sflag:s2], $0x200  }
0x1b8: {  	s6 =	sadd.s32 @!p2 $0x1800, s0;
	s0 =	simm.s32 @!p2 $0x1A510;
	[sflag:s2] =	ssyncset.done @!p3 $0x0  }
0x1b9: {  	s4 =	simm.s32 @!p2 $0x0;
	[sflag:s2] =	ssyncadd.s32 @!p3 $0xFFFFFE00;
	s2 =	sadd.s32 @!p2 $0x0, s18  }
0x1ba: {  	[tilespmem:s0], [sflag:$0x4] =	stream.linear.gather @!p2 [hbm4b:s6+s4], $0x200, $0x38;
	[tilespmem:$0x1F2A0] =	vst v63  }
0x1bb: {  	s6 =	sadd.s32 @!p2 $0x1800, s2;
	s2 =	simm.s32 @!p2 $0x1AD10  }
0x1bc: {  	[tilespmem:s2], [sflag:$0x4] =	stream.linear.gather @!p2 [hbm4b:s6+s4], $0x200, $0x38;
	[tilespmem:$0x1F2A0] =	vst v63  }
0x1bd: {  	_ =	swait.ge [sflag:s22], $0x200  }
0x1be: {  	[sflag:s22] =	ssyncset.done $0x0  }
0x1bf: {  	[sflag:s22] =	ssyncadd.s32 $0xFFFFFE00  }
0x1c0: {  	_ =	swait.ge [sflag:s22], $0x200  }
0x1c1: {  	[sflag:s22] =	ssyncset.done $0x0  }
0x1c2: {  	[sflag:s22] =	ssyncadd.s32 $0xFFFFFE00  }
0x1c3: {  	[tilespmem:s11], [sflag:$0x6] =	stream.indirect.gather [hbm4b:s19+s21], $0x10, s9, s21, $0xb8;
	[tilespmem:$0x1F2A0] =	vst v63  }
0x1c4: {  	_ =	swait.ge [sflag:s13], $0x2000  }
0x1c5: {  	[sflag:s13] =	ssyncset.done $0x0  }
0x1c6: {  	[sflag:s13] =	ssyncadd.s32 $0xFFFFE000  }
0x1c7: {  	[spmem:s3] =	stream.indirect.scatter.add.f32 [tilespmem:s14], [sflag:$0x7], $0x10, s16, s21, $0xb8;
	[tilespmem:$0x1F2A0] =	vst v63  }
0x1c8: {  	_ = 	snop  }
0x1c9: {  	[spmem:s24] =	stream.indirect.scatter.add.f32 [tilespmem:s12], [sflag:$0x7], $0x1, s16, s21, $0xb8;
	[tilespmem:$0x1F2A0] =	vst v63  }
0x1ca: {  	_ =	swait.ge [sflag:s25], $0x2000  }
0x1cb: {  	[sflag:s25] =	ssyncset.done $0x0  }
0x1cc: {  	p3 =	slt.u32 s5, $0x4;
	[sflag:s25] =	ssyncadd.s32 $0xFFFFE000  }
0x1cd: {  	s8 =	simm.s32 @!p3 $0x0;
	s6 =	sadd.s32 @!p3 $0x0, s17;
	_ =	swait.ge [sflag:s25], $0x200  }
0x1ce: {  	s4 =	sadd.s32 @!p3 $0x0, s18;
	s6 =	sadd.s32 @!p3 $0x2000, s6;
	[sflag:s25] =	ssyncset.done $0x0  }
0x1cf: {  	s9 =	simm.s32 @!p3 $0x19F10;
	s20 =	rddreg [dreg:$0x4];
	[sflag:s25] =	ssyncadd.s32 $0xFFFFFE00  }
0x1d0: {  	[tilespmem:s9], [sflag:$0x1] =	stream.linear.gather @!p3 [hbm4b:s6+s8], $0x200, $0x38;
	[tilespmem:$0x1F2A0] =	vst v63  }
0x1d1: {  	s4 =	sadd.s32 @!p3 $0x2000, s4;
	p4 =	slt.u32 s20, $0x0;
	s6 =	simm.s32 @!p3 $0x1A710  }
0x1d2: {  	[tilespmem:s6], [sflag:$0x1] =	stream.linear.gather @!p3 [hbm4b:s4+s8], $0x200, $0x38;
	[tilespmem:$0x1F2A0] =	vst v63  }
0x1d3: {  	s4 =	simm.s32 @!p4 $0x3  }
0x1d4: {  	_ =	swait.ge @!p4 [sflag:s4], $0x200  }
0x1d5: {  	[sflag:s4] =	ssyncset.done @!p4 $0x0  }
0x1d6: {  	[sflag:s4] =	ssyncadd.s32 @!p4 $0xFFFFFE00  }
0x1d7: {  	_ =	swait.ge @!p4 [sflag:s4], $0x200  }
0x1d8: {  	s7 =	simm.s32 @!p4 $0x1A310;
	[sflag:s4] =	ssyncset.done @!p4 $0x0  }
0x1d9: {  	s6 =	simm.s32 @!p4 $0x1AF10;
	[sflag:s4] =	ssyncadd.s32 @!p4 $0xFFFFFE00;
	s4 =	simm.s32 @!p4 $0x200  }
0x1da: {  	[tilespmem:s6], [sflag:$0x5] =	stream.indirect.gather @!p4 [hbm4b:s19+s4], $0x10, s7, s4, $0xb8;
	[tilespmem:$0x1F2A0] =	vst v63  }
0x1db: {  	_ =	swait.ge [sflag:s1], $0x2000  }
0x1dc: {  	[sflag:s1] =	ssyncset.done $0x0  }
0x1dd: {  	[sflag:s1] =	ssyncadd.s32 $0xFFFFE000  }
0x1de: {  	[spmem:s3] =	stream.indirect.scatter.add.f32 [tilespmem:s11], [sflag:$0x8], $0x10, s10, s21, $0xb8;
	[tilespmem:$0x1F2A0] =	vst v63  }
0x1df: {  	_ = 	snop  }
0x1e0: {  	[spmem:s24] =	stream.indirect.scatter.add.f32 [tilespmem:s12], [sflag:$0x8], $0x1, s10, s21, $0xb8;
	[tilespmem:$0x1F2A0] =	vst v63  }
0x1e1: {  	_ =	swait.ge [sflag:s28], $0x2000  }
0x1e2: {  	[sflag:s28] =	ssyncset.done $0x0  }
0x1e3: {  	p5 =	slt.u32 s5, $0x5;
	[sflag:s28] =	ssyncadd.s32 $0xFFFFE000  }
0x1e4: {  	s7 =	sadd.s32 @!p5 $0x0, s17;
	_ =	swait.ge [sflag:s28], $0x200  }
0x1e5: {  	s8 =	sadd.s32 @!p5 $0x0, s18;
	s7 =	sadd.s32 @!p5 $0x2800, s7;
	[sflag:s28] =	ssyncset.done $0x0  }
0x1e6: {  	s11 =	simm.s32 @!p5 $0x0;
	s12 =	simm.s32 @!p5 $0x1A110;
	[sflag:s28] =	ssyncadd.s32 $0xFFFFFE00  }
0x1e7: {  	[tilespmem:s12], [sflag:$0x2] =	stream.linear.gather @!p5 [hbm4b:s7+s11], $0x200, $0x38;
	[tilespmem:$0x1F2A0] =	vst v63  }
0x1e8: {  	s15 =	simm.s32 @!p2 $0x4;
	s8 =	sadd.s32 @!p5 $0x2800, s8;
	s7 =	simm.s32 @!p5 $0x1A910  }
0x1e9: {  	[tilespmem:s7], [sflag:$0x2] =	stream.linear.gather @!p5 [hbm4b:s8+s11], $0x200, $0x38;
	[tilespmem:$0x1F2A0] =	vst v63  }
0x1ea: {  	_ =	swait.ge @!p2 [sflag:s15], $0x200  }
0x1eb: {  	[sflag:s15] =	ssyncset.done @!p2 $0x0  }
0x1ec: {  	[sflag:s15] =	ssyncadd.s32 @!p2 $0xFFFFFE00  }
0x1ed: {  	_ =	swait.ge @!p2 [sflag:s15], $0x200  }
0x1ee: {  	s29 =	simm.s32 @!p2 $0x200;
	[sflag:s15] =	ssyncset.done @!p2 $0x0  }
0x1ef: {  	s12 =	simm.s32 @!p2 $0x1CF10;
	s7 =	simm.s32 @!p4 $0x5;
	[sflag:s15] =	ssyncadd.s32 @!p2 $0xFFFFFE00  }
0x1f0: {  	[tilespmem:s12], [sflag:$0x6] =	stream.indirect.gather @!p2 [hbm4b:s19+s29], $0x10, s0, s29, $0xb8;
	[tilespmem:$0x1F2A0] =	vst v63  }
0x1f1: {  	_ =	swait.ge @!p4 [sflag:s7], $0x2000  }
0x1f2: {  	[sflag:s7] =	ssyncset.done @!p4 $0x0  }
0x1f3: {  	s0 =	simm.s32 @!p4 $0x1AB10;
	[sflag:s7] =	ssyncadd.s32 @!p4 $0xFFFFE000  }
0x1f4: {  	[spmem:s3] =	stream.indirect.scatter.add.f32 @!p4 [tilespmem:s6], [sflag:$0x7], $0x10, s0, s4, $0xb8;
	[tilespmem:$0x1F2A0] =	vst v63  }
0x1f5: {  	s7 =	simm.s32 @!p4 $0x7;
	s6 =	simm.s32 @!p4 $0x1EF10  }
0x1f6: {  	[spmem:s24] =	stream.indirect.scatter.add.f32 @!p4 [tilespmem:s6], [sflag:$0x7], $0x1, s0, s4, $0xb8;
	[tilespmem:$0x1F2A0] =	vst v63  }
0x1f7: {  	_ =	swait.ge @!p4 [sflag:s7], $0x2000  }
0x1f8: {  	s31 =	simm.s32 $0x2000;
	[sflag:s7] =	ssyncset.done @!p4 $0x0  }
0x1f9: {  	s30 =	simm.s32 $0x4000;
	p5 =	slt.u32 s5, $0x6;
	[sflag:s7] =	ssyncadd.s32 @!p4 $0xFFFFE000  }
0x1fa: {  	s13 =	simm.s32 $0x1EF10;
	s8 =	sadd.s32 @!p5 $0x0, s18;
	_ =	swait.ge @!p4 [sflag:s7], $0x200  }
0x1fb: {  	s0 =	sadd.s32 @!p5 $0x0, s17;
	s4 =	simm.s32 @!p5 $0x1A310;
	[sflag:s7] =	ssyncset.done @!p4 $0x0  }
0x1fc: {  	s6 =	simm.s32 @!p5 $0x0;
	s0 =	sadd.s32 @!p5 $0x3000, s0;
	[sflag:s7] =	ssyncadd.s32 @!p4 $0xFFFFFE00  }
0x1fd: {  	[tilespmem:s4], [sflag:$0x3] =	stream.linear.gather @!p5 [hbm4b:s0+s6], $0x200, $0x38;
	[tilespmem:$0x1F2A0] =	vst v63  }
0x1fe: {  	s1 =	simm.s32 $0x6;
	s0 =	simm.s32 @!p5 $0x1AB10;
	s4 =	sadd.s32 @!p5 $0x3000, s8  }
0x1ff: {  	[tilespmem:s0], [sflag:$0x3] =	stream.linear.gather @!p5 [hbm4b:s4+s6], $0x200, $0x38;
	[tilespmem:$0x1F2A0] =	vst v63  }
0x200: {  	s7 =	simm.s32 $0x4;
	s8 =	simm.s32 $0x6000;
	s4 =	simm.s32 @!p3 $0x1  }
0x201: {  	s6 =	simm.s32 $0x9;
	s0 =	simm.s32 $0x4;
	_ =	swait.ge @!p3 [sflag:s4], $0x200  }
.LBB2_4:
0x202: {  	[sflag:s4] =	ssyncset.done @!p3 $0x0  }
0x203: {  	[sflag:s4] =	ssyncadd.s32 @!p3 $0xFFFFFE00  }
0x204: {  	_ =	swait.ge @!p3 [sflag:s4], $0x200  }
0x205: {  	s11 =	simm.s32 @!p3 $0x1AF10;
	[sflag:s4] =	ssyncset.done @!p3 $0x0  }
0x206: {  	s15 =	simm.s32 @!p2 $0x6;
	[sflag:s4] =	ssyncadd.s32 @!p3 $0xFFFFFE00;
	s4 =	simm.s32 @!p3 $0x200  }
0x207: {  	[tilespmem:s11], [sflag:$0x5] =	stream.indirect.gather @!p3 [hbm4b:s19+s4], $0x10, s9, s4, $0xb8;
	[tilespmem:$0x1F2A0] =	vst v63  }
0x208: {  	_ =	swait.ge @!p2 [sflag:s15], $0x2000  }
0x209: {  	[sflag:s15] =	ssyncset.done @!p2 $0x0  }
0x20a: {  	p3 =	seq.s32 s31, $0x0;
	[sflag:s15] =	ssyncadd.s32 @!p2 $0xFFFFE000  }
0x20b: {  	[spmem:s3] =	stream.indirect.scatter.add.f32 @!p2 [tilespmem:s12], [sflag:$0x8], $0x10, s2, s29, $0xb8;
	[tilespmem:$0x1F2A0] =	vst v63  }
0x20c: {  	s4 =	simm.s32 @!p2 $0x1EF10;
	s9 =	simm.s32 @!p3 $0x8  }
0x20d: {  	[spmem:s24] =	stream.indirect.scatter.add.f32 @!p2 [tilespmem:s4], [sflag:$0x8], $0x1, s2, s29, $0xb8;
	[tilespmem:$0x1F2A0] =	vst v63  }
0x20e: {  	_ =	swait.ge @!p3 [sflag:s9], $0x2000  }
0x20f: {  	s11 =	sadd.s32 $0x3, s7;
	[sflag:s9] =	ssyncset.done @!p3 $0x0  }
0x210: {  	p2 =	sgt.u32 s11, s5;
	[sflag:s9] =	ssyncadd.s32 @!p3 $0xFFFFE000  }
0x211: {  	s2 =	sadd.s32 @!p2 s31, s17;
	_ =	swait.ge @!p3 [sflag:s9], $0x200  }
0x212: {  	s11 =	simm.s32 @!p2 $0x0;
	s4 =	simm.s32 @!p2 $0x1A510;
	[sflag:s9] =	ssyncset.done @!p3 $0x0  }
0x213: {  	s2 =	sadd.s32 @!p2 $0x1800, s2;
	[sflag:s9] =	ssyncadd.s32 @!p3 $0xFFFFFE00;
	s9 =	sadd.s32 @!p2 s31, s18  }
0x214: {  	[tilespmem:s4], [sflag:$0x4] =	stream.linear.gather @!p2 [hbm4b:s2+s11], $0x200, $0x38;
	[tilespmem:$0x1F2A0] =	vst v63  }
0x215: {  	s9 =	sadd.s32 @!p2 $0x1800, s9;
	s2 =	simm.s32 @!p2 $0x1AD10  }
0x216: {  	[tilespmem:s2], [sflag:$0x4] =	stream.linear.gather @!p2 [hbm4b:s9+s11], $0x200, $0x38;
	[tilespmem:$0x1F2A0] =	vst v63  }
0x217: {  	_ =	swait.ge [sflag:s22], $0x200  }
0x218: {  	[sflag:s22] =	ssyncset.done $0x0  }
0x219: {  	[sflag:s22] =	ssyncadd.s32 $0xFFFFFE00  }
0x21a: {  	_ =	swait.ge [sflag:s22], $0x200  }
0x21b: {  	[sflag:s22] =	ssyncset.done $0x0  }
0x21c: {  	s12 =	simm.s32 $0x1A110;
	[sflag:s22] =	ssyncadd.s32 $0xFFFFFE00  }
0x21d: {  	[tilespmem:s23], [sflag:$0x6] =	stream.indirect.gather [hbm4b:s19+s21], $0x10, s12, s21, $0xb8;
	[tilespmem:$0x1F2A0] =	vst v63  }
0x21e: {  	_ =	swait.ge [sflag:s26], $0x2000  }
0x21f: {  	[sflag:s26] =	ssyncset.done $0x0  }
0x220: {  	[sflag:s26] =	ssyncadd.s32 $0xFFFFE000  }
0x221: {  	[spmem:s3] =	stream.indirect.scatter.add.f32 [tilespmem:s14], [sflag:$0x7], $0x10, s16, s21, $0xb8;
	[tilespmem:$0x1F2A0] =	vst v63  }
0x222: {  	_ = 	snop  }
0x223: {  	[spmem:s24] =	stream.indirect.scatter.add.f32 [tilespmem:s13], [sflag:$0x7], $0x1, s16, s21, $0xb8;
	[tilespmem:$0x1F2A0] =	vst v63  }
0x224: {  	s7 =	sadd.s32 $0x4, s7;
	_ =	swait.ge [sflag:s25], $0x2000  }
0x225: {  	p3 =	sgt.u32 s7, s5;
	[sflag:s25] =	ssyncset.done $0x0  }
0x226: {  	s15 =	sadd.s32 @!p3 s31, s17;
	s9 =	sadd.s32 @!p3 s31, s18;
	[sflag:s25] =	ssyncadd.s32 $0xFFFFE000  }
0x227: {  	s15 =	sadd.s32 @!p3 $0x2000, s15;
	s29 =	sadd.s32 @!p3 $0x2000, s9;
	_ =	swait.ge [sflag:s25], $0x200  }
0x228: {  	s9 =	simm.s32 @!p3 $0x19F10;
	[sflag:s25] =	ssyncset.done $0x0;
	s10 =	rddreg [dreg:$0x4]  }
0x229: {  	s14 =	simm.s32 @!p3 $0x0;
	[sflag:s25] =	ssyncadd.s32 $0xFFFFFE00;
	p5 =	sgt.u32 s0, s10  }
0x22a: {  	[tilespmem:s9], [sflag:$0x1] =	stream.linear.gather @!p3 [hbm4b:s15+s14], $0x200, $0x38;
	[tilespmem:$0x1F2A0] =	vst v63  }
0x22b: {  	s11 =	simm.s32 @!p3 $0x1A710;
	s10 =	simm.s32 @!p5 $0x3  }
0x22c: {  	[tilespmem:s11], [sflag:$0x1] =	stream.linear.gather @!p3 [hbm4b:s29+s14], $0x200, $0x38;
	[tilespmem:$0x1F2A0] =	vst v63  }
0x22d: {  	_ =	swait.ge @!p5 [sflag:s10], $0x200  }
0x22e: {  	[sflag:s10] =	ssyncset.done @!p5 $0x0  }
0x22f: {  	[sflag:s10] =	ssyncadd.s32 @!p5 $0xFFFFFE00  }
0x230: {  	_ =	swait.ge @!p5 [sflag:s10], $0x200  }
0x231: {  	s15 =	simm.s32 @!p5 $0x1AF10;
	[sflag:s10] =	ssyncset.done @!p5 $0x0  }
0x232: {  	s11 =	simm.s32 @!p5 $0x200;
	[sflag:s10] =	ssyncadd.s32 @!p5 $0xFFFFFE00;
	s10 =	simm.s32 @!p5 $0x1A310  }
0x233: {  	[tilespmem:s15], [sflag:$0x5] =	stream.indirect.gather @!p5 [hbm4b:s19+s11], $0x10, s10, s11, $0xb8;
	[tilespmem:$0x1F2A0] =	vst v63  }
0x234: {  	_ =	swait.ge [sflag:s1], $0x2000  }
0x235: {  	[sflag:s1] =	ssyncset.done $0x0  }
0x236: {  	s14 =	simm.s32 $0x1A910;
	[sflag:s1] =	ssyncadd.s32 $0xFFFFE000  }
0x237: {  	[spmem:s3] =	stream.indirect.scatter.add.f32 [tilespmem:s23], [sflag:$0x8], $0x10, s14, s21, $0xb8;
	[tilespmem:$0x1F2A0] =	vst v63  }
0x238: {  	_ = 	snop  }
0x239: {  	[spmem:s24] =	stream.indirect.scatter.add.f32 [tilespmem:s13], [sflag:$0x8], $0x1, s14, s21, $0xb8;
	[tilespmem:$0x1F2A0] =	vst v63  }
0x23a: {  	_ =	swait.ge [sflag:s28], $0x2000  }
0x23b: {  	[sflag:s28] =	ssyncset.done $0x0  }
0x23c: {  	p6 =	sgt.u32 s6, s5;
	s12 =	sadd.s32 $0x5, s7;
	[sflag:s28] =	ssyncadd.s32 $0xFFFFE000  }
0x23d: {  	s6 =	smov.u32 s12;
	s16 =	simm.s32 @!p6 $0x1A110;
	_ =	swait.ge [sflag:s28], $0x200  }
0x23e: {  	s29 =	simm.s32 @!p6 $0x0;
	s10 =	sadd.s32 @!p6 s31, s17;
	[sflag:s28] =	ssyncset.done $0x0  }
0x23f: {  	s10 =	sadd.s32 @!p6 $0x2800, s10;
	s14 =	sadd.s32 @!p6 s31, s18;
	[sflag:s28] =	ssyncadd.s32 $0xFFFFFE00  }
0x240: {  	[tilespmem:s16], [sflag:$0x2] =	stream.linear.gather @!p6 [hbm4b:s10+s29], $0x200, $0x38;
	[tilespmem:$0x1F2A0] =	vst v63  }
0x241: {  	s12 =	simm.s32 @!p6 $0x1A910;
	s14 =	sadd.s32 @!p6 $0x2800, s14;
	s10 =	simm.s32 @!p2 $0x4  }
0x242: {  	[tilespmem:s12], [sflag:$0x2] =	stream.linear.gather @!p6 [hbm4b:s14+s29], $0x200, $0x38;
	[tilespmem:$0x1F2A0] =	vst v63  }
0x243: {  	_ =	swait.ge @!p2 [sflag:s10], $0x200  }
0x244: {  	[sflag:s10] =	ssyncset.done @!p2 $0x0  }
0x245: {  	[sflag:s10] =	ssyncadd.s32 @!p2 $0xFFFFFE00  }
0x246: {  	_ =	swait.ge @!p2 [sflag:s10], $0x200  }
0x247: {  	s29 =	simm.s32 @!p2 $0x200;
	[sflag:s10] =	ssyncset.done @!p2 $0x0  }
0x248: {  	s12 =	simm.s32 @!p2 $0x1CF10;
	[sflag:s10] =	ssyncadd.s32 @!p2 $0xFFFFFE00;
	s10 =	simm.s32 @!p5 $0x5  }
0x249: {  	[tilespmem:s12], [sflag:$0x6] =	stream.indirect.gather @!p2 [hbm4b:s19+s29], $0x10, s4, s29, $0xb8;
	[tilespmem:$0x1F2A0] =	vst v63  }
0x24a: {  	_ =	swait.ge @!p5 [sflag:s10], $0x2000  }
0x24b: {  	[sflag:s10] =	ssyncset.done @!p5 $0x0  }
0x24c: {  	s20 =	smov.u32 s8;
	s4 =	simm.s32 @!p5 $0x1AB10;
	[sflag:s10] =	ssyncadd.s32 @!p5 $0xFFFFE000  }
0x24d: {  	[spmem:s3] =	stream.indirect.scatter.add.f32 @!p5 [tilespmem:s15], [sflag:$0x7], $0x10, s4, s11, $0xb8;
	[tilespmem:$0x1F2A0] =	vst v63  }
0x24e: {  	s8 =	sadd.s32 $0x2000, s8;
	s14 =	simm.s32 @!p5 $0x7;
	s10 =	simm.s32 @!p5 $0x1EF10  }
0x24f: {  	[spmem:s24] =	stream.indirect.scatter.add.f32 @!p5 [tilespmem:s10], [sflag:$0x7], $0x1, s4, s11, $0xb8;
	[tilespmem:$0x1F2A0] =	vst v63  }
0x250: {  	p4 =	sne.s32 s8, $0x62000;
	s16 =	sadd.s32 $0x6, s0;
	_ =	swait.ge @!p5 [sflag:s14], $0x2000  }
0x251: {  	s0 =	smov.u32 s7;
	p6 =	sgt.u32 s16, s5;
	[sflag:s14] =	ssyncset.done @!p5 $0x0  }
0x252: {  	s16 =	simm.s32 @!p6 $0x1AB10;
	s15 =	sadd.s32 @!p6 s31, s18;
	[sflag:s14] =	ssyncadd.s32 @!p5 $0xFFFFE000  }
0x253: {  	s15 =	sadd.s32 @!p6 $0x3000, s15;
	s4 =	sadd.s32 @!p6 s31, s17;
	_ =	swait.ge @!p5 [sflag:s14], $0x200  }
0x254: {  	s10 =	simm.s32 @!p6 $0x1A310;
	s11 =	simm.s32 @!p6 $0x0;
	[sflag:s14] =	ssyncset.done @!p5 $0x0  }
.Ltmp1:
0x255: {  	s4 =	sadd.s32 @!p6 $0x3000, s4;
	[sflag:s14] =	ssyncadd.s32 @!p5 $0xFFFFFE00;
	(pc) =	sbr.rel @p4 .LBB2_4-.Ltmp1, $4  }
0x256: {  	[tilespmem:s10], [sflag:$0x3] =	stream.linear.gather @!p6 [hbm4b:s4+s11], $0x200, $0x38;
	[tilespmem:$0x1F2A0] =	vst v63  }
0x257: {  	s31 =	smov.u32 s30;
	s30 =	smov.u32 s20;
	s4 =	simm.s32 @!p3 $0x1  }
0x258: {  	[tilespmem:s16], [sflag:$0x3] =	stream.linear.gather @!p6 [hbm4b:s15+s11], $0x200, $0x38;
	[tilespmem:$0x1F2A0] =	vst v63  }
0x259: {  	s14 =	simm.s32 $0x1AF10;
	s16 =	simm.s32 $0x1A710;
	_ =	swait.ge @!p3 [sflag:s4], $0x200  }
0x25a: {  	[sflag:s4] =	ssyncset.done @!p3 $0x0  }
0x25b: {  	[sflag:s4] =	ssyncadd.s32 @!p3 $0xFFFFFE00  }
0x25c: {  	_ =	swait.ge @!p3 [sflag:s4], $0x200  }
0x25d: {  	s8 =	simm.s32 @!p3 $0x1AF10;
	[sflag:s4] =	ssyncset.done @!p3 $0x0  }
0x25e: {  	s10 =	simm.s32 @!p2 $0x6;
	[sflag:s4] =	ssyncadd.s32 @!p3 $0xFFFFFE00;
	s4 =	simm.s32 @!p3 $0x200  }
0x25f: {  	[tilespmem:s8], [sflag:$0x5] =	stream.indirect.gather @!p3 [hbm4b:s19+s4], $0x10, s9, s4, $0xb8;
	[tilespmem:$0x1F2A0] =	vst v63  }
0x260: {  	_ =	swait.ge @!p2 [sflag:s10], $0x2000  }
0x261: {  	[sflag:s10] =	ssyncset.done @!p2 $0x0  }
0x262: {  	p3 =	seq.s32 s31, $0x0;
	[sflag:s10] =	ssyncadd.s32 @!p2 $0xFFFFE000  }
0x263: {  	[spmem:s3] =	stream.indirect.scatter.add.f32 @!p2 [tilespmem:s12], [sflag:$0x8], $0x10, s2, s29, $0xb8;
	[tilespmem:$0x1F2A0] =	vst v63  }
0x264: {  	s4 =	simm.s32 @!p2 $0x1EF10;
	s9 =	simm.s32 @!p3 $0x8  }
0x265: {  	[spmem:s24] =	stream.indirect.scatter.add.f32 @!p2 [tilespmem:s4], [sflag:$0x8], $0x1, s2, s29, $0xb8;
	[tilespmem:$0x1F2A0] =	vst v63  }
0x266: {  	_ =	swait.ge @!p3 [sflag:s9], $0x2000  }
0x267: {  	s8 =	sadd.s32 $0x3, s7;
	[sflag:s9] =	ssyncset.done @!p3 $0x0  }
0x268: {  	p2 =	sgt.u32 s8, s5;
	[sflag:s9] =	ssyncadd.s32 @!p3 $0xFFFFE000  }
0x269: {  	s2 =	sadd.s32 @!p2 s31, s17;
	_ =	swait.ge @!p3 [sflag:s9], $0x200  }
0x26a: {  	s10 =	simm.s32 @!p2 $0x0;
	s8 =	simm.s32 @!p2 $0x1A510;
	[sflag:s9] =	ssyncset.done @!p3 $0x0  }
0x26b: {  	s4 =	sadd.s32 @!p2 s31, s18;
	s2 =	sadd.s32 @!p2 $0x1800, s2;
	[sflag:s9] =	ssyncadd.s32 @!p3 $0xFFFFFE00  }
0x26c: {  	[tilespmem:s8], [sflag:$0x4] =	stream.linear.gather @!p2 [hbm4b:s2+s10], $0x200, $0x38;
	[tilespmem:$0x1F2A0] =	vst v63  }
0x26d: {  	s2 =	sadd.s32 @!p2 $0x1800, s4;
	s4 =	simm.s32 @!p2 $0x1AD10  }
0x26e: {  	[tilespmem:s4], [sflag:$0x4] =	stream.linear.gather @!p2 [hbm4b:s2+s10], $0x200, $0x38;
	[tilespmem:$0x1F2A0] =	vst v63  }
0x26f: {  	_ =	swait.ge [sflag:s22], $0x200  }
0x270: {  	[sflag:s22] =	ssyncset.done $0x0  }
0x271: {  	[sflag:s22] =	ssyncadd.s32 $0xFFFFFE00  }
0x272: {  	_ =	swait.ge [sflag:s22], $0x200  }
0x273: {  	[sflag:s22] =	ssyncset.done $0x0  }
0x274: {  	s20 =	simm.s32 $0x1A110;
	[sflag:s22] =	ssyncadd.s32 $0xFFFFFE00  }
0x275: {  	[tilespmem:s23], [sflag:$0x6] =	stream.indirect.gather [hbm4b:s19+s21], $0x10, s20, s21, $0xb8;
	[tilespmem:$0x1F2A0] =	vst v63  }
0x276: {  	_ =	swait.ge [sflag:s26], $0x2000  }
0x277: {  	[sflag:s26] =	ssyncset.done $0x0  }
0x278: {  	[sflag:s26] =	ssyncadd.s32 $0xFFFFE000  }
0x279: {  	[spmem:s3] =	stream.indirect.scatter.add.f32 [tilespmem:s14], [sflag:$0x7], $0x10, s16, s21, $0xb8;
	[tilespmem:$0x1F2A0] =	vst v63  }
0x27a: {  	_ = 	snop  }
0x27b: {  	[spmem:s24] =	stream.indirect.scatter.add.f32 [tilespmem:s13], [sflag:$0x7], $0x1, s16, s21, $0xb8;
	[tilespmem:$0x1F2A0] =	vst v63  }
0x27c: {  	_ =	swait.ge [sflag:s25], $0x2000  }
0x27d: {  	s2 =	sadd.s32 $0x4, s7;
	[sflag:s25] =	ssyncset.done $0x0  }
0x27e: {  	p3 =	sgt.u32 s2, s5;
	[sflag:s25] =	ssyncadd.s32 $0xFFFFE000  }
0x27f: {  	s9 =	sadd.s32 @!p3 s31, s18;
	s7 =	sadd.s32 @!p3 s31, s17;
	_ =	swait.ge [sflag:s25], $0x200  }
0x280: {  	s12 =	simm.s32 @!p3 $0x0;
	s10 =	sadd.s32 @!p3 $0x2000, s7;
	[sflag:s25] =	ssyncset.done $0x0  }
0x281: {  	s7 =	simm.s32 @!p3 $0x19F10;
	s11 =	rddreg [dreg:$0x4];
	[sflag:s25] =	ssyncadd.s32 $0xFFFFFE00  }
0x282: {  	[tilespmem:s7], [sflag:$0x1] =	stream.linear.gather @!p3 [hbm4b:s10+s12], $0x200, $0x38;
	[tilespmem:$0x1F2A0] =	vst v63  }
0x283: {  	s9 =	sadd.s32 @!p3 $0x2000, s9;
	p4 =	sgt.u32 s0, s11;
	s10 =	simm.s32 @!p3 $0x1A710  }
0x284: {  	[tilespmem:s10], [sflag:$0x1] =	stream.linear.gather @!p3 [hbm4b:s9+s12], $0x200, $0x38;
	[tilespmem:$0x1F2A0] =	vst v63  }
0x285: {  	s9 =	simm.s32 @!p4 $0x3  }
0x286: {  	_ =	swait.ge @!p4 [sflag:s9], $0x200  }
0x287: {  	[sflag:s9] =	ssyncset.done @!p4 $0x0  }
0x288: {  	[sflag:s9] =	ssyncadd.s32 @!p4 $0xFFFFFE00  }
0x289: {  	_ =	swait.ge @!p4 [sflag:s9], $0x200  }
0x28a: {  	s11 =	simm.s32 @!p4 $0x1A310;
	[sflag:s9] =	ssyncset.done @!p4 $0x0  }
0x28b: {  	s10 =	simm.s32 @!p4 $0x1AF10;
	[sflag:s9] =	ssyncadd.s32 @!p4 $0xFFFFFE00;
	s9 =	simm.s32 @!p4 $0x200  }
0x28c: {  	[tilespmem:s10], [sflag:$0x5] =	stream.indirect.gather @!p4 [hbm4b:s19+s9], $0x10, s11, s9, $0xb8;
	[tilespmem:$0x1F2A0] =	vst v63  }
0x28d: {  	_ =	swait.ge [sflag:s1], $0x2000  }
0x28e: {  	[sflag:s1] =	ssyncset.done $0x0  }
0x28f: {  	s15 =	simm.s32 $0x1A910;
	[sflag:s1] =	ssyncadd.s32 $0xFFFFE000  }
0x290: {  	[spmem:s3] =	stream.indirect.scatter.add.f32 [tilespmem:s23], [sflag:$0x8], $0x10, s15, s21, $0xb8;
	[tilespmem:$0x1F2A0] =	vst v63  }
0x291: {  	_ = 	snop  }
0x292: {  	[spmem:s24] =	stream.indirect.scatter.add.f32 [tilespmem:s13], [sflag:$0x8], $0x1, s15, s21, $0xb8;
	[tilespmem:$0x1F2A0] =	vst v63  }
0x293: {  	_ =	swait.ge [sflag:s28], $0x2000  }
0x294: {  	[sflag:s28] =	ssyncset.done $0x0  }
0x295: {  	p5 =	sgt.u32 s6, s5;
	[sflag:s28] =	ssyncadd.s32 $0xFFFFE000  }
0x296: {  	s6 =	sadd.s32 @!p5 s31, s17;
	_ =	swait.ge [sflag:s28], $0x200  }
0x297: {  	s6 =	sadd.s32 @!p5 $0x2800, s6;
	[sflag:s28] =	ssyncset.done $0x0  }
0x298: {  	s12 =	simm.s32 @!p5 $0x1A110;
	s11 =	simm.s32 @!p5 $0x0;
	[sflag:s28] =	ssyncadd.s32 $0xFFFFFE00  }
0x299: {  	[tilespmem:s12], [sflag:$0x2] =	stream.linear.gather @!p5 [hbm4b:s6+s11], $0x200, $0x38;
	[tilespmem:$0x1F2A0] =	vst v63  }
0x29a: {  	s6 =	sadd.s32 @!p5 s31, s18  }
0x29b: {  	s12 =	simm.s32 @!p5 $0x1A910;
	s6 =	sadd.s32 @!p5 $0x2800, s6  }
0x29c: {  	[tilespmem:s12], [sflag:$0x2] =	stream.linear.gather @!p5 [hbm4b:s6+s11], $0x200, $0x38;
	[tilespmem:$0x1F2A0] =	vst v63  }
0x29d: {  	s6 =	simm.s32 @!p2 $0x4  }
0x29e: {  	_ =	swait.ge @!p2 [sflag:s6], $0x200  }
0x29f: {  	[sflag:s6] =	ssyncset.done @!p2 $0x0  }
0x2a0: {  	[sflag:s6] =	ssyncadd.s32 @!p2 $0xFFFFFE00  }
0x2a1: {  	_ =	swait.ge @!p2 [sflag:s6], $0x200  }
0x2a2: {  	[sflag:s6] =	ssyncset.done @!p2 $0x0  }
0x2a3: {  	s11 =	simm.s32 @!p2 $0x200;
	[sflag:s6] =	ssyncadd.s32 @!p2 $0xFFFFFE00;
	s6 =	simm.s32 @!p2 $0x1CF10  }
0x2a4: {  	[tilespmem:s6], [sflag:$0x6] =	stream.indirect.gather @!p2 [hbm4b:s19+s11], $0x10, s8, s11, $0xb8;
	[tilespmem:$0x1F2A0] =	vst v63  }
0x2a5: {  	s8 =	simm.s32 @!p4 $0x5  }
0x2a6: {  	_ =	swait.ge @!p4 [sflag:s8], $0x2000  }
0x2a7: {  	[sflag:s8] =	ssyncset.done @!p4 $0x0  }
0x2a8: {  	[sflag:s8] =	ssyncadd.s32 @!p4 $0xFFFFE000;
	s8 =	simm.s32 @!p4 $0x1AB10  }
0x2a9: {  	[spmem:s3] =	stream.indirect.scatter.add.f32 @!p4 [tilespmem:s10], [sflag:$0x7], $0x10, s8, s9, $0xb8;
	[tilespmem:$0x1F2A0] =	vst v63  }
0x2aa: {  	s10 =	simm.s32 @!p4 $0x1EF10  }
0x2ab: {  	[spmem:s24] =	stream.indirect.scatter.add.f32 @!p4 [tilespmem:s10], [sflag:$0x7], $0x1, s8, s9, $0xb8;
	[tilespmem:$0x1F2A0] =	vst v63  }
0x2ac: {  	s8 =	simm.s32 @!p4 $0x7  }
0x2ad: {  	_ =	swait.ge @!p4 [sflag:s8], $0x2000  }
0x2ae: {  	s10 =	sadd.s32 $0x6, s0;
	[sflag:s8] =	ssyncset.done @!p4 $0x0  }
0x2af: {  	p5 =	sgt.u32 s10, s5;
	[sflag:s8] =	ssyncadd.s32 @!p4 $0xFFFFE000  }
0x2b0: {  	s0 =	sadd.s32 @!p5 s31, s17;
	_ =	swait.ge @!p4 [sflag:s8], $0x200  }
0x2b1: {  	s9 =	simm.s32 @!p5 $0x1A310;
	s10 =	sadd.s32 @!p5 s31, s18;
	[sflag:s8] =	ssyncset.done @!p4 $0x0  }
0x2b2: {  	s0 =	sadd.s32 @!p5 $0x3000, s0;
	[sflag:s8] =	ssyncadd.s32 @!p4 $0xFFFFFE00;
	s8 =	simm.s32 @!p5 $0x0  }
0x2b3: {  	[tilespmem:s9], [sflag:$0x3] =	stream.linear.gather @!p5 [hbm4b:s0+s8], $0x200, $0x38;
	[tilespmem:$0x1F2A0] =	vst v63  }
0x2b4: {  	s0 =	simm.s32 @!p5 $0x1AB10;
	s9 =	sadd.s32 @!p5 $0x3000, s10;
	s10 =	simm.s32 @!p3 $0x1  }
0x2b5: {  	[tilespmem:s0], [sflag:$0x3] =	stream.linear.gather @!p5 [hbm4b:s9+s8], $0x200, $0x38;
	[tilespmem:$0x1F2A0] =	vst v63  }
0x2b6: {  	_ =	swait.ge @!p3 [sflag:s10], $0x200  }
0x2b7: {  	[sflag:s10] =	ssyncset.done @!p3 $0x0  }
0x2b8: {  	[sflag:s10] =	ssyncadd.s32 @!p3 $0xFFFFFE00  }
0x2b9: {  	_ =	swait.ge @!p3 [sflag:s10], $0x200  }
0x2ba: {  	s0 =	simm.s32 @!p3 $0x1AF10;
	[sflag:s10] =	ssyncset.done @!p3 $0x0  }
0x2bb: {  	s8 =	simm.s32 @!p3 $0x200;
	s9 =	simm.s32 @!p2 $0x6;
	[sflag:s10] =	ssyncadd.s32 @!p3 $0xFFFFFE00  }
0x2bc: {  	[tilespmem:s0], [sflag:$0x5] =	stream.indirect.gather @!p3 [hbm4b:s19+s8], $0x10, s7, s8, $0xb8;
	[tilespmem:$0x1F2A0] =	vst v63  }
0x2bd: {  	_ =	swait.ge @!p2 [sflag:s9], $0x2000  }
0x2be: {  	[sflag:s9] =	ssyncset.done @!p2 $0x0  }
0x2bf: {  	p3 =	seq.s32 s30, $0x0;
	[sflag:s9] =	ssyncadd.s32 @!p2 $0xFFFFE000  }
0x2c0: {  	[spmem:s3] =	stream.indirect.scatter.add.f32 @!p2 [tilespmem:s6], [sflag:$0x8], $0x10, s4, s11, $0xb8;
	[tilespmem:$0x1F2A0] =	vst v63  }
0x2c1: {  	s0 =	simm.s32 @!p2 $0x1EF10;
	s7 =	simm.s32 @!p3 $0x8  }
0x2c2: {  	[spmem:s24] =	stream.indirect.scatter.add.f32 @!p2 [tilespmem:s0], [sflag:$0x8], $0x1, s4, s11, $0xb8;
	[tilespmem:$0x1F2A0] =	vst v63  }
0x2c3: {  	_ =	swait.ge @!p3 [sflag:s7], $0x2000  }
0x2c4: {  	s12 =	sadd.s32 $0x3, s2;
	[sflag:s7] =	ssyncset.done @!p3 $0x0  }
0x2c5: {  	p2 =	sgt.u32 s12, s5;
	[sflag:s7] =	ssyncadd.s32 @!p3 $0xFFFFE000  }
0x2c6: {  	s0 =	sadd.s32 @!p2 s30, s17;
	_ =	swait.ge @!p3 [sflag:s7], $0x200  }
0x2c7: {  	s4 =	simm.s32 @!p2 $0x0;
	s6 =	simm.s32 @!p2 $0x1A510;
	[sflag:s7] =	ssyncset.done @!p3 $0x0  }
0x2c8: {  	s0 =	sadd.s32 @!p2 $0x1800, s0;
	[sflag:s7] =	ssyncadd.s32 @!p3 $0xFFFFFE00;
	s7 =	sadd.s32 @!p2 s30, s18  }
0x2c9: {  	[tilespmem:s6], [sflag:$0x4] =	stream.linear.gather @!p2 [hbm4b:s0+s4], $0x200, $0x38;
	[tilespmem:$0x1F2A0] =	vst v63  }
0x2ca: {  	s7 =	sadd.s32 @!p2 $0x1800, s7;
	s0 =	simm.s32 @!p2 $0x1AD10  }
0x2cb: {  	[tilespmem:s0], [sflag:$0x4] =	stream.linear.gather @!p2 [hbm4b:s7+s4], $0x200, $0x38;
	[tilespmem:$0x1F2A0] =	vst v63  }
0x2cc: {  	_ =	swait.ge [sflag:s22], $0x200  }
0x2cd: {  	[sflag:s22] =	ssyncset.done $0x0  }
0x2ce: {  	[sflag:s22] =	ssyncadd.s32 $0xFFFFFE00  }
0x2cf: {  	_ =	swait.ge [sflag:s22], $0x200  }
0x2d0: {  	[sflag:s22] =	ssyncset.done $0x0  }
0x2d1: {  	[sflag:s22] =	ssyncadd.s32 $0xFFFFFE00  }
0x2d2: {  	[tilespmem:s23], [sflag:$0x6] =	stream.indirect.gather [hbm4b:s19+s21], $0x10, s20, s21, $0xb8;
	[tilespmem:$0x1F2A0] =	vst v63  }
0x2d3: {  	_ =	swait.ge [sflag:s26], $0x2000  }
0x2d4: {  	[sflag:s26] =	ssyncset.done $0x0  }
0x2d5: {  	[sflag:s26] =	ssyncadd.s32 $0xFFFFE000  }
0x2d6: {  	[spmem:s3] =	stream.indirect.scatter.add.f32 [tilespmem:s14], [sflag:$0x7], $0x10, s16, s21, $0xb8;
	[tilespmem:$0x1F2A0] =	vst v63  }
0x2d7: {  	_ = 	snop  }
0x2d8: {  	[spmem:s24] =	stream.indirect.scatter.add.f32 [tilespmem:s13], [sflag:$0x7], $0x1, s16, s21, $0xb8;
	[tilespmem:$0x1F2A0] =	vst v63  }
0x2d9: {  	_ =	swait.ge [sflag:s25], $0x2000  }
0x2da: {  	s29 =	sadd.s32 $0x4, s2;
	[sflag:s25] =	ssyncset.done $0x0  }
0x2db: {  	p3 =	sgt.u32 s29, s5;
	[sflag:s25] =	ssyncadd.s32 $0xFFFFE000  }
0x2dc: {  	s10 =	simm.s32 @!p3 $0x0;
	s4 =	sadd.s32 @!p3 s30, s17;
	_ =	swait.ge [sflag:s25], $0x200  }
0x2dd: {  	s7 =	sadd.s32 @!p3 s30, s18;
	s8 =	sadd.s32 @!p3 $0x2000, s4;
	[sflag:s25] =	ssyncset.done $0x0  }
0x2de: {  	s4 =	simm.s32 @!p3 $0x19F10;
	s31 =	rddreg [dreg:$0x4];
	[sflag:s25] =	ssyncadd.s32 $0xFFFFFE00  }
0x2df: {  	[tilespmem:s4], [sflag:$0x1] =	stream.linear.gather @!p3 [hbm4b:s8+s10], $0x200, $0x38;
	[tilespmem:$0x1F2A0] =	vst v63  }
0x2e0: {  	s7 =	sadd.s32 @!p3 $0x2000, s7;
	p4 =	sgt.u32 s2, s31;
	s8 =	simm.s32 @!p3 $0x1A710  }
0x2e1: {  	[tilespmem:s8], [sflag:$0x1] =	stream.linear.gather @!p3 [hbm4b:s7+s10], $0x200, $0x38;
	[tilespmem:$0x1F2A0] =	vst v63  }
0x2e2: {  	s7 =	simm.s32 @!p4 $0x3  }
0x2e3: {  	_ =	swait.ge @!p4 [sflag:s7], $0x200  }
0x2e4: {  	[sflag:s7] =	ssyncset.done @!p4 $0x0  }
0x2e5: {  	[sflag:s7] =	ssyncadd.s32 @!p4 $0xFFFFFE00  }
0x2e6: {  	_ =	swait.ge @!p4 [sflag:s7], $0x200  }
0x2e7: {  	s9 =	simm.s32 @!p4 $0x1A310;
	[sflag:s7] =	ssyncset.done @!p4 $0x0  }
0x2e8: {  	s8 =	simm.s32 @!p4 $0x1AF10;
	[sflag:s7] =	ssyncadd.s32 @!p4 $0xFFFFFE00;
	s7 =	simm.s32 @!p4 $0x200  }
0x2e9: {  	[tilespmem:s8], [sflag:$0x5] =	stream.indirect.gather @!p4 [hbm4b:s19+s7], $0x10, s9, s7, $0xb8;
	[tilespmem:$0x1F2A0] =	vst v63  }
0x2ea: {  	_ =	swait.ge [sflag:s1], $0x2000  }
0x2eb: {  	[sflag:s1] =	ssyncset.done $0x0  }
0x2ec: {  	[sflag:s1] =	ssyncadd.s32 $0xFFFFE000  }
0x2ed: {  	[spmem:s3] =	stream.indirect.scatter.add.f32 [tilespmem:s23], [sflag:$0x8], $0x10, s15, s21, $0xb8;
	[tilespmem:$0x1F2A0] =	vst v63  }
0x2ee: {  	_ = 	snop  }
0x2ef: {  	[spmem:s24] =	stream.indirect.scatter.add.f32 [tilespmem:s13], [sflag:$0x8], $0x1, s15, s21, $0xb8;
	[tilespmem:$0x1F2A0] =	vst v63  }
0x2f0: {  	_ =	swait.ge [sflag:s28], $0x2000  }
0x2f1: {  	[sflag:s28] =	ssyncset.done $0x0  }
0x2f2: {  	s1 =	sadd.s32 $0x5, s2;
	[sflag:s28] =	ssyncadd.s32 $0xFFFFE000  }
0x2f3: {  	p5 =	sgt.u32 s1, s5;
	_ =	swait.ge [sflag:s28], $0x200  }
0x2f4: {  	s9 =	sadd.s32 @!p5 s30, s17;
	s10 =	simm.s32 @!p5 $0x0;
	[sflag:s28] =	ssyncset.done $0x0  }
0x2f5: {  	s11 =	simm.s32 @!p5 $0x1A110;
	s9 =	sadd.s32 @!p5 $0x2800, s9;
	[sflag:s28] =	ssyncadd.s32 $0xFFFFFE00  }
0x2f6: {  	[tilespmem:s11], [sflag:$0x2] =	stream.linear.gather @!p5 [hbm4b:s9+s10], $0x200, $0x38;
	[tilespmem:$0x1F2A0] =	vst v63  }
0x2f7: {  	s9 =	sadd.s32 @!p5 s30, s18  }
0x2f8: {  	s11 =	simm.s32 @!p5 $0x1A910;
	s9 =	sadd.s32 @!p5 $0x2800, s9  }
0x2f9: {  	[tilespmem:s11], [sflag:$0x2] =	stream.linear.gather @!p5 [hbm4b:s9+s10], $0x200, $0x38;
	[tilespmem:$0x1F2A0] =	vst v63  }
0x2fa: {  	s9 =	simm.s32 @!p2 $0x4  }
0x2fb: {  	_ =	swait.ge @!p2 [sflag:s9], $0x200  }
0x2fc: {  	[sflag:s9] =	ssyncset.done @!p2 $0x0  }
0x2fd: {  	[sflag:s9] =	ssyncadd.s32 @!p2 $0xFFFFFE00  }
0x2fe: {  	_ =	swait.ge @!p2 [sflag:s9], $0x200  }
0x2ff: {  	[sflag:s9] =	ssyncset.done @!p2 $0x0  }
0x300: {  	s10 =	simm.s32 @!p2 $0x200;
	[sflag:s9] =	ssyncadd.s32 @!p2 $0xFFFFFE00;
	s9 =	simm.s32 @!p2 $0x1CF10  }
0x301: {  	[tilespmem:s9], [sflag:$0x6] =	stream.indirect.gather @!p2 [hbm4b:s19+s10], $0x10, s6, s10, $0xb8;
	[tilespmem:$0x1F2A0] =	vst v63  }
0x302: {  	s6 =	simm.s32 @!p4 $0x5  }
0x303: {  	_ =	swait.ge @!p4 [sflag:s6], $0x2000  }
0x304: {  	[sflag:s6] =	ssyncset.done @!p4 $0x0  }
0x305: {  	[sflag:s6] =	ssyncadd.s32 @!p4 $0xFFFFE000;
	s6 =	simm.s32 @!p4 $0x1AB10  }
0x306: {  	[spmem:s3] =	stream.indirect.scatter.add.f32 @!p4 [tilespmem:s8], [sflag:$0x7], $0x10, s6, s7, $0xb8;
	[tilespmem:$0x1F2A0] =	vst v63  }
0x307: {  	s8 =	simm.s32 @!p4 $0x1EF10  }
0x308: {  	[spmem:s24] =	stream.indirect.scatter.add.f32 @!p4 [tilespmem:s8], [sflag:$0x7], $0x1, s6, s7, $0xb8;
	[tilespmem:$0x1F2A0] =	vst v63  }
0x309: {  	s6 =	simm.s32 @!p4 $0x7  }
0x30a: {  	_ =	swait.ge @!p4 [sflag:s6], $0x2000  }
0x30b: {  	s2 =	sadd.s32 $0x6, s2;
	[sflag:s6] =	ssyncset.done @!p4 $0x0  }
0x30c: {  	p5 =	sgt.u32 s2, s5;
	[sflag:s6] =	ssyncadd.s32 @!p4 $0xFFFFE000  }
0x30d: {  	s2 =	sadd.s32 @!p5 s30, s17;
	_ =	swait.ge @!p4 [sflag:s6], $0x200  }
0x30e: {  	s2 =	sadd.s32 @!p5 $0x3000, s2;
	[sflag:s6] =	ssyncset.done @!p4 $0x0  }
0x30f: {  	s7 =	simm.s32 @!p5 $0x1A310;
	[sflag:s6] =	ssyncadd.s32 @!p4 $0xFFFFFE00;
	s6 =	simm.s32 @!p5 $0x0  }
0x310: {  	[tilespmem:s7], [sflag:$0x3] =	stream.linear.gather @!p5 [hbm4b:s2+s6], $0x200, $0x38;
	[tilespmem:$0x1F2A0] =	vst v63  }
0x311: {  	s2 =	sadd.s32 @!p5 s30, s18  }
0x312: {  	s7 =	simm.s32 @!p5 $0x1AB10;
	s2 =	sadd.s32 @!p5 $0x3000, s2  }
0x313: {  	[tilespmem:s7], [sflag:$0x3] =	stream.linear.gather @!p5 [hbm4b:s2+s6], $0x200, $0x38;
	[tilespmem:$0x1F2A0] =	vst v63  }
0x314: {  	s2 =	simm.s32 @!p3 $0x1  }
0x315: {  	_ =	swait.ge @!p3 [sflag:s2], $0x200  }
0x316: {  	[sflag:s2] =	ssyncset.done @!p3 $0x0  }
0x317: {  	[sflag:s2] =	ssyncadd.s32 @!p3 $0xFFFFFE00  }
0x318: {  	_ =	swait.ge @!p3 [sflag:s2], $0x200  }
0x319: {  	[sflag:s2] =	ssyncset.done @!p3 $0x0  }
0x31a: {  	s6 =	simm.s32 @!p3 $0x1AF10;
	[sflag:s2] =	ssyncadd.s32 @!p3 $0xFFFFFE00;
	s2 =	simm.s32 @!p3 $0x200  }
0x31b: {  	[tilespmem:s6], [sflag:$0x5] =	stream.indirect.gather @!p3 [hbm4b:s19+s2], $0x10, s4, s2, $0xb8;
	[tilespmem:$0x1F2A0] =	vst v63  }
0x31c: {  	s2 =	simm.s32 @!p2 $0x6  }
0x31d: {  	_ =	swait.ge @!p2 [sflag:s2], $0x2000  }
0x31e: {  	[sflag:s2] =	ssyncset.done @!p2 $0x0  }
0x31f: {  	[sflag:s2] =	ssyncadd.s32 @!p2 $0xFFFFE000  }
0x320: {  	[spmem:s3] =	stream.indirect.scatter.add.f32 @!p2 [tilespmem:s9], [sflag:$0x8], $0x10, s0, s10, $0xb8;
	[tilespmem:$0x1F2A0] =	vst v63  }
0x321: {  	s2 =	simm.s32 @!p2 $0x1EF10  }
0x322: {  	[spmem:s24] =	stream.indirect.scatter.add.f32 @!p2 [tilespmem:s2], [sflag:$0x8], $0x1, s0, s10, $0xb8;
	[tilespmem:$0x1F2A0] =	vst v63  }
0x323: {  	s0 =	simm.s32 @!p1 $0x8  }
0x324: {  	_ =	swait.ge @!p1 [sflag:s0], $0x2000  }
0x325: {  	[sflag:s0] =	ssyncset.done @!p1 $0x0  }
0x326: {  	[sflag:s0] =	ssyncadd.s32 @!p1 $0xFFFFE000  }
0x327: {  	_ =	swait.ge @!p1 [sflag:s0], $0x200  }
0x328: {  	[sflag:s0] =	ssyncset.done @!p1 $0x0  }
0x329: {  	[sflag:s0] =	ssyncadd.s32 @!p1 $0xFFFFFE00  }
0x32a: {  	[bflag:$0x0] =	sbarrier.arrive $0xFFFF  }
0x32b: {  	s9 =	sld [smem:$0x7C1];
	_ =	sdelay $0x1  }
0x32c: {  	s7 =	simm.s32 $0x9  }
0x32d: {  	[tilespmem:s14], [sflag:$0x9] =	stream.linear.gather [spmem:s9], $0x1900, $0x38;
	[tilespmem:$0x1F2A0] =	vst v63  }
0x32e: {  	_ =	swait.ge [sflag:s7], $0x1900  }
0x32f: {  	[sflag:s7] =	ssyncset.done $0x0  }
0x330: {  	s0 =	simm.s32 $0x0;
	s10 =	rddreg [dreg:$0x5];
	[sflag:s7] =	ssyncadd.s32 $0xFFFFE700  }
0x331: {  	[hbm4b:s10+s0] =	stream.linear.scatter [tilespmem:s14], [sflag:$0x9], $0x1900, $0x38;
	[tilespmem:$0x1F2A0] =	vst v63  }
0x332: {  	_ =	swait.ge [sflag:s7], $0x1900  }
0x333: {  	s11 =	sld [smem:$0x7C3]  }
0x334: {  	[sflag:s7] =	ssyncset.done $0x0  }
0x335: {  	s8 =	simm.s32 $0x1F110;
	[sflag:s7] =	ssyncadd.s32 $0xFFFFE700  }
0x336: {  	[tilespmem:s8], [sflag:$0x9] =	stream.linear.gather [spmem:s11], $0x190, $0x38;
	[tilespmem:$0x1F2A0] =	vst v63  }
0x337: {  	_ =	swait.ge [sflag:s7], $0x190  }
0x338: {  	[sflag:s7] =	ssyncset.done $0x0  }
0x339: {  	s12 =	rddreg [dreg:$0x15];
	[sflag:s7] =	ssyncadd.s32 $0xFFFFFE70  }
0x33a: {  	[hbm4b:s12+s0] =	stream.linear.scatter [tilespmem:s8], [sflag:$0x9], $0x190, $0x38;
	[tilespmem:$0x1F2A0] =	vst v63  }
0x33b: {  	_ =	swait.ge [sflag:s7], $0x190  }
0x33c: {  	s13 =	sld [smem:$0x7C5]  }
0x33d: {  	[sflag:s7] =	ssyncset.done $0x0  }
0x33e: {  	[sflag:s7] =	ssyncadd.s32 $0xFFFFFE70  }
0x33f: {  	[tilespmem:s14], [sflag:$0x9] =	stream.linear.gather [spmem:s13], $0x1900, $0x38;
	[tilespmem:$0x1F2A0] =	vst v63  }
0x340: {  	_ =	swait.ge [sflag:s7], $0x1900  }
0x341: {  	[sflag:s7] =	ssyncset.done $0x0  }
0x342: {  	s15 =	rddreg [dreg:$0x6];
	[sflag:s7] =	ssyncadd.s32 $0xFFFFE700  }
0x343: {  	[hbm4b:s15+s0] =	stream.linear.scatter [tilespmem:s14], [sflag:$0x9], $0x1900, $0x38;
	[tilespmem:$0x1F2A0] =	vst v63  }
0x344: {  	_ =	swait.ge [sflag:s7], $0x1900  }
0x345: {  	s20 =	sld [smem:$0x7C7]  }
0x346: {  	[sflag:s7] =	ssyncset.done $0x0  }
0x347: {  	[sflag:s7] =	ssyncadd.s32 $0xFFFFE700  }
0x348: {  	[tilespmem:s8], [sflag:$0x9] =	stream.linear.gather [spmem:s20], $0x190, $0x38;
	[tilespmem:$0x1F2A0] =	vst v63  }
0x349: {  	_ =	swait.ge [sflag:s7], $0x190  }
0x34a: {  	[sflag:s7] =	ssyncset.done $0x0  }
0x34b: {  	s29 =	rddreg [dreg:$0x16];
	[sflag:s7] =	ssyncadd.s32 $0xFFFFFE70  }
0x34c: {  	[hbm4b:s29+s0] =	stream.linear.scatter [tilespmem:s8], [sflag:$0x9], $0x190, $0x38;
	[tilespmem:$0x1F2A0] =	vst v63  }
0x34d: {  	_ =	swait.ge [sflag:s7], $0x190  }
0x34e: {  	s30 =	sld [smem:$0x7C9]  }
0x34f: {  	[sflag:s7] =	ssyncset.done $0x0  }
0x350: {  	[sflag:s7] =	ssyncadd.s32 $0xFFFFFE70  }
0x351: {  	[tilespmem:s14], [sflag:$0x9] =	stream.linear.gather [spmem:s30], $0x1900, $0x38;
	[tilespmem:$0x1F2A0] =	vst v63  }
0x352: {  	_ =	swait.ge [sflag:s7], $0x1900  }
0x353: {  	[sflag:s7] =	ssyncset.done $0x0  }
0x354: {  	s31 =	rddreg [dreg:$0x7];
	[sflag:s7] =	ssyncadd.s32 $0xFFFFE700  }
0x355: {  	[hbm4b:s31+s0] =	stream.linear.scatter [tilespmem:s14], [sflag:$0x9], $0x1900, $0x38;
	[tilespmem:$0x1F2A0] =	vst v63  }
0x356: {  	_ =	swait.ge [sflag:s7], $0x1900  }
0x357: {  	s1 =	sld [smem:$0x7CB]  }
0x358: {  	[sflag:s7] =	ssyncset.done $0x0  }
0x359: {  	[sflag:s7] =	ssyncadd.s32 $0xFFFFE700  }
0x35a: {  	[tilespmem:s8], [sflag:$0x9] =	stream.linear.gather [spmem:s1], $0x190, $0x38;
	[tilespmem:$0x1F2A0] =	vst v63  }
0x35b: {  	_ =	swait.ge [sflag:s7], $0x190  }
0x35c: {  	[sflag:s7] =	ssyncset.done $0x0  }
0x35d: {  	s4 =	rddreg [dreg:$0x17];
	[sflag:s7] =	ssyncadd.s32 $0xFFFFFE70  }
0x35e: {  	[hbm4b:s4+s0] =	stream.linear.scatter [tilespmem:s8], [sflag:$0x9], $0x190, $0x38;
	[tilespmem:$0x1F2A0] =	vst v63  }
0x35f: {  	_ =	swait.ge [sflag:s7], $0x190  }
0x360: {  	s6 =	sld [smem:$0x7CD]  }
0x361: {  	[sflag:s7] =	ssyncset.done $0x0  }
0x362: {  	[sflag:s7] =	ssyncadd.s32 $0xFFFFFE70  }
0x363: {  	[tilespmem:s14], [sflag:$0x9] =	stream.linear.gather [spmem:s6], $0x1900, $0x38;
	[tilespmem:$0x1F2A0] =	vst v63  }
0x364: {  	_ =	swait.ge [sflag:s7], $0x1900  }
0x365: {  	[sflag:s7] =	ssyncset.done $0x0  }
0x366: {  	s9 =	rddreg [dreg:$0x8];
	[sflag:s7] =	ssyncadd.s32 $0xFFFFE700  }
0x367: {  	[hbm4b:s9+s0] =	stream.linear.scatter [tilespmem:s14], [sflag:$0x9], $0x1900, $0x38;
	[tilespmem:$0x1F2A0] =	vst v63  }
0x368: {  	_ =	swait.ge [sflag:s7], $0x1900  }
0x369: {  	s10 =	sld [smem:$0x7CF]  }
0x36a: {  	[sflag:s7] =	ssyncset.done $0x0  }
0x36b: {  	[sflag:s7] =	ssyncadd.s32 $0xFFFFE700  }
0x36c: {  	[tilespmem:s8], [sflag:$0x9] =	stream.linear.gather [spmem:s10], $0x190, $0x38;
	[tilespmem:$0x1F2A0] =	vst v63  }
0x36d: {  	_ =	swait.ge [sflag:s7], $0x190  }
0x36e: {  	[sflag:s7] =	ssyncset.done $0x0  }
0x36f: {  	s11 =	rddreg [dreg:$0x18];
	[sflag:s7] =	ssyncadd.s32 $0xFFFFFE70  }
0x370: {  	[hbm4b:s11+s0] =	stream.linear.scatter [tilespmem:s8], [sflag:$0x9], $0x190, $0x38;
	[tilespmem:$0x1F2A0] =	vst v63  }
0x371: {  	_ =	swait.ge [sflag:s7], $0x190  }
0x372: {  	s12 =	sld [smem:$0x7D1]  }
0x373: {  	[sflag:s7] =	ssyncset.done $0x0  }
0x374: {  	[sflag:s7] =	ssyncadd.s32 $0xFFFFFE70  }
0x375: {  	[tilespmem:s14], [sflag:$0x9] =	stream.linear.gather [spmem:s12], $0x1900, $0x38;
	[tilespmem:$0x1F2A0] =	vst v63  }
0x376: {  	_ =	swait.ge [sflag:s7], $0x1900  }
0x377: {  	[sflag:s7] =	ssyncset.done $0x0  }
0x378: {  	s13 =	rddreg [dreg:$0x9];
	[sflag:s7] =	ssyncadd.s32 $0xFFFFE700  }
0x379: {  	[hbm4b:s13+s0] =	stream.linear.scatter [tilespmem:s14], [sflag:$0x9], $0x1900, $0x38;
	[tilespmem:$0x1F2A0] =	vst v63  }
0x37a: {  	_ =	swait.ge [sflag:s7], $0x1900  }
0x37b: {  	s15 =	sld [smem:$0x7D3]  }
0x37c: {  	[sflag:s7] =	ssyncset.done $0x0  }
0x37d: {  	[sflag:s7] =	ssyncadd.s32 $0xFFFFE700  }
0x37e: {  	[tilespmem:s8], [sflag:$0x9] =	stream.linear.gather [spmem:s15], $0x190, $0x38;
	[tilespmem:$0x1F2A0] =	vst v63  }
0x37f: {  	_ =	swait.ge [sflag:s7], $0x190  }
0x380: {  	[sflag:s7] =	ssyncset.done $0x0  }
0x381: {  	s20 =	rddreg [dreg:$0x19];
	[sflag:s7] =	ssyncadd.s32 $0xFFFFFE70  }
0x382: {  	[hbm4b:s20+s0] =	stream.linear.scatter [tilespmem:s8], [sflag:$0x9], $0x190, $0x38;
	[tilespmem:$0x1F2A0] =	vst v63  }
0x383: {  	_ =	swait.ge [sflag:s7], $0x190  }
0x384: {  	s29 =	sld [smem:$0x7D5]  }
0x385: {  	[sflag:s7] =	ssyncset.done $0x0  }
0x386: {  	[sflag:s7] =	ssyncadd.s32 $0xFFFFFE70  }
0x387: {  	[tilespmem:s14], [sflag:$0x9] =	stream.linear.gather [spmem:s29], $0x1900, $0x38;
	[tilespmem:$0x1F2A0] =	vst v63  }
0x388: {  	_ =	swait.ge [sflag:s7], $0x1900  }
0x389: {  	[sflag:s7] =	ssyncset.done $0x0  }
0x38a: {  	s30 =	rddreg [dreg:$0xa];
	[sflag:s7] =	ssyncadd.s32 $0xFFFFE700  }
0x38b: {  	[hbm4b:s30+s0] =	stream.linear.scatter [tilespmem:s14], [sflag:$0x9], $0x1900, $0x38;
	[tilespmem:$0x1F2A0] =	vst v63  }
0x38c: {  	_ =	swait.ge [sflag:s7], $0x1900  }
0x38d: {  	s31 =	sld [smem:$0x7D7]  }
0x38e: {  	[sflag:s7] =	ssyncset.done $0x0  }
0x38f: {  	[sflag:s7] =	ssyncadd.s32 $0xFFFFE700  }
0x390: {  	[tilespmem:s8], [sflag:$0x9] =	stream.linear.gather [spmem:s31], $0x190, $0x38;
	[tilespmem:$0x1F2A0] =	vst v63  }
0x391: {  	_ =	swait.ge [sflag:s7], $0x190  }
0x392: {  	[sflag:s7] =	ssyncset.done $0x0  }
0x393: {  	s1 =	rddreg [dreg:$0x1a];
	[sflag:s7] =	ssyncadd.s32 $0xFFFFFE70  }
0x394: {  	[hbm4b:s1+s0] =	stream.linear.scatter [tilespmem:s8], [sflag:$0x9], $0x190, $0x38;
	[tilespmem:$0x1F2A0] =	vst v63  }
0x395: {  	_ =	swait.ge [sflag:s7], $0x190  }
0x396: {  	s4 =	sld [smem:$0x7D9]  }
0x397: {  	[sflag:s7] =	ssyncset.done $0x0  }
0x398: {  	[sflag:s7] =	ssyncadd.s32 $0xFFFFFE70  }
0x399: {  	[tilespmem:s14], [sflag:$0x9] =	stream.linear.gather [spmem:s4], $0x1900, $0x38;
	[tilespmem:$0x1F2A0] =	vst v63  }
0x39a: {  	_ =	swait.ge [sflag:s7], $0x1900  }
0x39b: {  	[sflag:s7] =	ssyncset.done $0x0  }
0x39c: {  	s6 =	rddreg [dreg:$0xb];
	[sflag:s7] =	ssyncadd.s32 $0xFFFFE700  }
0x39d: {  	[hbm4b:s6+s0] =	stream.linear.scatter [tilespmem:s14], [sflag:$0x9], $0x1900, $0x38;
	[tilespmem:$0x1F2A0] =	vst v63  }
0x39e: {  	_ =	swait.ge [sflag:s7], $0x1900  }
0x39f: {  	s9 =	sld [smem:$0x7DB]  }
0x3a0: {  	[sflag:s7] =	ssyncset.done $0x0  }
0x3a1: {  	[sflag:s7] =	ssyncadd.s32 $0xFFFFE700  }
0x3a2: {  	[tilespmem:s8], [sflag:$0x9] =	stream.linear.gather [spmem:s9], $0x190, $0x38;
	[tilespmem:$0x1F2A0] =	vst v63  }
0x3a3: {  	_ =	swait.ge [sflag:s7], $0x190  }
0x3a4: {  	[sflag:s7] =	ssyncset.done $0x0  }
0x3a5: {  	s10 =	rddreg [dreg:$0x1b];
	[sflag:s7] =	ssyncadd.s32 $0xFFFFFE70  }
0x3a6: {  	[hbm4b:s10+s0] =	stream.linear.scatter [tilespmem:s8], [sflag:$0x9], $0x190, $0x38;
	[tilespmem:$0x1F2A0] =	vst v63  }
0x3a7: {  	_ =	swait.ge [sflag:s7], $0x190  }
0x3a8: {  	s11 =	sld [smem:$0x7DD]  }
0x3a9: {  	[sflag:s7] =	ssyncset.done $0x0  }
0x3aa: {  	[sflag:s7] =	ssyncadd.s32 $0xFFFFFE70  }
0x3ab: {  	[tilespmem:s14], [sflag:$0x9] =	stream.linear.gather [spmem:s11], $0x1900, $0x38;
	[tilespmem:$0x1F2A0] =	vst v63  }
0x3ac: {  	_ =	swait.ge [sflag:s7], $0x1900  }
0x3ad: {  	[sflag:s7] =	ssyncset.done $0x0  }
0x3ae: {  	s12 =	rddreg [dreg:$0xc];
	[sflag:s7] =	ssyncadd.s32 $0xFFFFE700  }
0x3af: {  	[hbm4b:s12+s0] =	stream.linear.scatter [tilespmem:s14], [sflag:$0x9], $0x1900, $0x38;
	[tilespmem:$0x1F2A0] =	vst v63  }
0x3b0: {  	_ =	swait.ge [sflag:s7], $0x1900  }
0x3b1: {  	s13 =	sld [smem:$0x7DF]  }
0x3b2: {  	[sflag:s7] =	ssyncset.done $0x0  }
0x3b3: {  	[sflag:s7] =	ssyncadd.s32 $0xFFFFE700  }
0x3b4: {  	[tilespmem:s8], [sflag:$0x9] =	stream.linear.gather [spmem:s13], $0x190, $0x38;
	[tilespmem:$0x1F2A0] =	vst v63  }
0x3b5: {  	_ =	swait.ge [sflag:s7], $0x190  }
0x3b6: {  	[sflag:s7] =	ssyncset.done $0x0  }
0x3b7: {  	s15 =	rddreg [dreg:$0x1c];
	[sflag:s7] =	ssyncadd.s32 $0xFFFFFE70  }
0x3b8: {  	[hbm4b:s15+s0] =	stream.linear.scatter [tilespmem:s8], [sflag:$0x9], $0x190, $0x38;
	[tilespmem:$0x1F2A0] =	vst v63  }
0x3b9: {  	_ =	swait.ge [sflag:s7], $0x190  }
0x3ba: {  	s20 =	sld [smem:$0x7E1]  }
0x3bb: {  	[sflag:s7] =	ssyncset.done $0x0  }
0x3bc: {  	[sflag:s7] =	ssyncadd.s32 $0xFFFFFE70  }
0x3bd: {  	[tilespmem:s14], [sflag:$0x9] =	stream.linear.gather [spmem:s20], $0x1900, $0x38;
	[tilespmem:$0x1F2A0] =	vst v63  }
0x3be: {  	_ =	swait.ge [sflag:s7], $0x1900  }
0x3bf: {  	[sflag:s7] =	ssyncset.done $0x0  }
0x3c0: {  	s29 =	rddreg [dreg:$0xd];
	[sflag:s7] =	ssyncadd.s32 $0xFFFFE700  }
0x3c1: {  	[hbm4b:s29+s0] =	stream.linear.scatter [tilespmem:s14], [sflag:$0x9], $0x1900, $0x38;
	[tilespmem:$0x1F2A0] =	vst v63  }
0x3c2: {  	_ =	swait.ge [sflag:s7], $0x1900  }
0x3c3: {  	s30 =	sld [smem:$0x7E3]  }
0x3c4: {  	[sflag:s7] =	ssyncset.done $0x0  }
0x3c5: {  	[sflag:s7] =	ssyncadd.s32 $0xFFFFE700  }
0x3c6: {  	[tilespmem:s8], [sflag:$0x9] =	stream.linear.gather [spmem:s30], $0x190, $0x38;
	[tilespmem:$0x1F2A0] =	vst v63  }
0x3c7: {  	_ =	swait.ge [sflag:s7], $0x190  }
0x3c8: {  	[sflag:s7] =	ssyncset.done $0x0  }
0x3c9: {  	s31 =	rddreg [dreg:$0x1d];
	[sflag:s7] =	ssyncadd.s32 $0xFFFFFE70  }
0x3ca: {  	[hbm4b:s31+s0] =	stream.linear.scatter [tilespmem:s8], [sflag:$0x9], $0x190, $0x38;
	[tilespmem:$0x1F2A0] =	vst v63  }
0x3cb: {  	_ =	swait.ge [sflag:s7], $0x190  }
0x3cc: {  	s1 =	sld [smem:$0x7E5]  }
0x3cd: {  	[sflag:s7] =	ssyncset.done $0x0  }
0x3ce: {  	[sflag:s7] =	ssyncadd.s32 $0xFFFFFE70  }
0x3cf: {  	[tilespmem:s14], [sflag:$0x9] =	stream.linear.gather [spmem:s1], $0x1900, $0x38;
	[tilespmem:$0x1F2A0] =	vst v63  }
0x3d0: {  	_ =	swait.ge [sflag:s7], $0x1900  }
0x3d1: {  	[sflag:s7] =	ssyncset.done $0x0  }
0x3d2: {  	s4 =	rddreg [dreg:$0xe];
	[sflag:s7] =	ssyncadd.s32 $0xFFFFE700  }
0x3d3: {  	[hbm4b:s4+s0] =	stream.linear.scatter [tilespmem:s14], [sflag:$0x9], $0x1900, $0x38;
	[tilespmem:$0x1F2A0] =	vst v63  }
0x3d4: {  	_ =	swait.ge [sflag:s7], $0x1900  }
0x3d5: {  	s6 =	sld [smem:$0x7E7]  }
0x3d6: {  	[sflag:s7] =	ssyncset.done $0x0  }
0x3d7: {  	[sflag:s7] =	ssyncadd.s32 $0xFFFFE700  }
0x3d8: {  	[tilespmem:s8], [sflag:$0x9] =	stream.linear.gather [spmem:s6], $0x190, $0x38;
	[tilespmem:$0x1F2A0] =	vst v63  }
0x3d9: {  	_ =	swait.ge [sflag:s7], $0x190  }
0x3da: {  	[sflag:s7] =	ssyncset.done $0x0  }
0x3db: {  	s9 =	rddreg [dreg:$0x1e];
	[sflag:s7] =	ssyncadd.s32 $0xFFFFFE70  }
0x3dc: {  	[hbm4b:s9+s0] =	stream.linear.scatter [tilespmem:s8], [sflag:$0x9], $0x190, $0x38;
	[tilespmem:$0x1F2A0] =	vst v63  }
0x3dd: {  	_ =	swait.ge [sflag:s7], $0x190  }
0x3de: {  	s10 =	sld [smem:$0x7E9]  }
0x3df: {  	[sflag:s7] =	ssyncset.done $0x0  }
0x3e0: {  	[sflag:s7] =	ssyncadd.s32 $0xFFFFFE70  }
0x3e1: {  	[tilespmem:s14], [sflag:$0x9] =	stream.linear.gather [spmem:s10], $0x1900, $0x38;
	[tilespmem:$0x1F2A0] =	vst v63  }
0x3e2: {  	_ =	swait.ge [sflag:s7], $0x1900  }
0x3e3: {  	[sflag:s7] =	ssyncset.done $0x0  }
0x3e4: {  	s11 =	rddreg [dreg:$0xf];
	[sflag:s7] =	ssyncadd.s32 $0xFFFFE700  }
0x3e5: {  	[hbm4b:s11+s0] =	stream.linear.scatter [tilespmem:s14], [sflag:$0x9], $0x1900, $0x38;
	[tilespmem:$0x1F2A0] =	vst v63  }
0x3e6: {  	_ =	swait.ge [sflag:s7], $0x1900  }
0x3e7: {  	s12 =	sld [smem:$0x7EB]  }
0x3e8: {  	[sflag:s7] =	ssyncset.done $0x0  }
0x3e9: {  	[sflag:s7] =	ssyncadd.s32 $0xFFFFE700  }
0x3ea: {  	[tilespmem:s8], [sflag:$0x9] =	stream.linear.gather [spmem:s12], $0x190, $0x38;
	[tilespmem:$0x1F2A0] =	vst v63  }
0x3eb: {  	_ =	swait.ge [sflag:s7], $0x190  }
0x3ec: {  	[sflag:s7] =	ssyncset.done $0x0  }
0x3ed: {  	s13 =	rddreg [dreg:$0x1f];
	[sflag:s7] =	ssyncadd.s32 $0xFFFFFE70  }
0x3ee: {  	[hbm4b:s13+s0] =	stream.linear.scatter [tilespmem:s8], [sflag:$0x9], $0x190, $0x38;
	[tilespmem:$0x1F2A0] =	vst v63  }
0x3ef: {  	_ =	swait.ge [sflag:s7], $0x190  }
0x3f0: {  	s15 =	sld [smem:$0x7ED]  }
0x3f1: {  	[sflag:s7] =	ssyncset.done $0x0  }
0x3f2: {  	[sflag:s7] =	ssyncadd.s32 $0xFFFFFE70  }
0x3f3: {  	[tilespmem:s14], [sflag:$0x9] =	stream.linear.gather [spmem:s15], $0x1900, $0x38;
	[tilespmem:$0x1F2A0] =	vst v63  }
0x3f4: {  	_ =	swait.ge [sflag:s7], $0x1900  }
0x3f5: {  	[sflag:s7] =	ssyncset.done $0x0  }
0x3f6: {  	s20 =	rddreg [dreg:$0x10];
	[sflag:s7] =	ssyncadd.s32 $0xFFFFE700  }
0x3f7: {  	[hbm4b:s20+s0] =	stream.linear.scatter [tilespmem:s14], [sflag:$0x9], $0x1900, $0x38;
	[tilespmem:$0x1F2A0] =	vst v63  }
0x3f8: {  	_ =	swait.ge [sflag:s7], $0x1900  }
0x3f9: {  	s29 =	sld [smem:$0x7EF]  }
0x3fa: {  	[sflag:s7] =	ssyncset.done $0x0  }
0x3fb: {  	[sflag:s7] =	ssyncadd.s32 $0xFFFFE700  }
0x3fc: {  	[tilespmem:s8], [sflag:$0x9] =	stream.linear.gather [spmem:s29], $0x190, $0x38;
	[tilespmem:$0x1F2A0] =	vst v63  }
0x3fd: {  	_ =	swait.ge [sflag:s7], $0x190  }
0x3fe: {  	s30 =	sld [smem:$0x795]  }
0x3ff: {  	[sflag:s7] =	ssyncset.done $0x0  }
0x400: {  	[sflag:s7] =	ssyncadd.s32 $0xFFFFFE70  }
0x401: {  	[hbm4b:s30+s0] =	stream.linear.scatter [tilespmem:s8], [sflag:$0x9], $0x190, $0x38;
	[tilespmem:$0x1F2A0] =	vst v63  }
0x402: {  	_ =	swait.ge [sflag:s7], $0x190  }
0x403: {  	s31 =	sld [smem:$0x7F1]  }
0x404: {  	[sflag:s7] =	ssyncset.done $0x0  }
0x405: {  	[sflag:s7] =	ssyncadd.s32 $0xFFFFFE70  }
0x406: {  	[tilespmem:s14], [sflag:$0x9] =	stream.linear.gather [spmem:s31], $0x1900, $0x38;
	[tilespmem:$0x1F2A0] =	vst v63  }
0x407: {  	_ =	swait.ge [sflag:s7], $0x1900  }
0x408: {  	[sflag:s7] =	ssyncset.done $0x0  }
0x409: {  	s1 =	rddreg [dreg:$0x11];
	[sflag:s7] =	ssyncadd.s32 $0xFFFFE700  }
0x40a: {  	[hbm4b:s1+s0] =	stream.linear.scatter [tilespmem:s14], [sflag:$0x9], $0x1900, $0x38;
	[tilespmem:$0x1F2A0] =	vst v63  }
0x40b: {  	_ =	swait.ge [sflag:s7], $0x1900  }
0x40c: {  	s4 =	sld [smem:$0x7F2]  }
0x40d: {  	[sflag:s7] =	ssyncset.done $0x0  }
0x40e: {  	[sflag:s7] =	ssyncadd.s32 $0xFFFFE700  }
0x40f: {  	[tilespmem:s8], [sflag:$0x9] =	stream.linear.gather [spmem:s4], $0x190, $0x38;
	[tilespmem:$0x1F2A0] =	vst v63  }
0x410: {  	_ =	swait.ge [sflag:s7], $0x190  }
0x411: {  	s6 =	sld [smem:$0x796]  }
0x412: {  	[sflag:s7] =	ssyncset.done $0x0  }
0x413: {  	[sflag:s7] =	ssyncadd.s32 $0xFFFFFE70  }
0x414: {  	[hbm4b:s6+s0] =	stream.linear.scatter [tilespmem:s8], [sflag:$0x9], $0x190, $0x38;
	[tilespmem:$0x1F2A0] =	vst v63  }
0x415: {  	_ =	swait.ge [sflag:s7], $0x190  }
0x416: {  	s9 =	sld [smem:$0x7F4]  }
0x417: {  	[sflag:s7] =	ssyncset.done $0x0  }
0x418: {  	[sflag:s7] =	ssyncadd.s32 $0xFFFFFE70  }
0x419: {  	[tilespmem:s14], [sflag:$0x9] =	stream.linear.gather [spmem:s9], $0x1900, $0x38;
	[tilespmem:$0x1F2A0] =	vst v63  }
0x41a: {  	_ =	swait.ge [sflag:s7], $0x1900  }
0x41b: {  	[sflag:s7] =	ssyncset.done $0x0  }
0x41c: {  	s10 =	rddreg [dreg:$0x12];
	[sflag:s7] =	ssyncadd.s32 $0xFFFFE700  }
0x41d: {  	[hbm4b:s10+s0] =	stream.linear.scatter [tilespmem:s14], [sflag:$0x9], $0x1900, $0x38;
	[tilespmem:$0x1F2A0] =	vst v63  }
0x41e: {  	_ =	swait.ge [sflag:s7], $0x1900  }
0x41f: {  	s11 =	sld [smem:$0x7F5]  }
0x420: {  	[sflag:s7] =	ssyncset.done $0x0  }
0x421: {  	[sflag:s7] =	ssyncadd.s32 $0xFFFFE700  }
0x422: {  	[tilespmem:s8], [sflag:$0x9] =	stream.linear.gather [spmem:s11], $0x190, $0x38;
	[tilespmem:$0x1F2A0] =	vst v63  }
0x423: {  	_ =	swait.ge [sflag:s7], $0x190  }
0x424: {  	s12 =	sld [smem:$0x797]  }
0x425: {  	[sflag:s7] =	ssyncset.done $0x0  }
0x426: {  	[sflag:s7] =	ssyncadd.s32 $0xFFFFFE70  }
0x427: {  	[hbm4b:s12+s0] =	stream.linear.scatter [tilespmem:s8], [sflag:$0x9], $0x190, $0x38;
	[tilespmem:$0x1F2A0] =	vst v63  }
0x428: {  	_ =	swait.ge [sflag:s7], $0x190  }
0x429: {  	s13 =	sld [smem:$0x7F7]  }
0x42a: {  	[sflag:s7] =	ssyncset.done $0x0  }
0x42b: {  	[sflag:s7] =	ssyncadd.s32 $0xFFFFFE70  }
0x42c: {  	[tilespmem:s14], [sflag:$0x9] =	stream.linear.gather [spmem:s13], $0x1900, $0x38;
	[tilespmem:$0x1F2A0] =	vst v63  }
0x42d: {  	_ =	swait.ge [sflag:s7], $0x1900  }
0x42e: {  	[sflag:s7] =	ssyncset.done $0x0  }
0x42f: {  	s15 =	rddreg [dreg:$0x13];
	[sflag:s7] =	ssyncadd.s32 $0xFFFFE700  }
0x430: {  	[hbm4b:s15+s0] =	stream.linear.scatter [tilespmem:s14], [sflag:$0x9], $0x1900, $0x38;
	[tilespmem:$0x1F2A0] =	vst v63  }
0x431: {  	_ =	swait.ge [sflag:s7], $0x1900  }
0x432: {  	s20 =	sld [smem:$0x7F8]  }
0x433: {  	[sflag:s7] =	ssyncset.done $0x0  }
0x434: {  	[sflag:s7] =	ssyncadd.s32 $0xFFFFE700  }
0x435: {  	[tilespmem:s8], [sflag:$0x9] =	stream.linear.gather [spmem:s20], $0x190, $0x38;
	[tilespmem:$0x1F2A0] =	vst v63  }
0x436: {  	_ =	swait.ge [sflag:s7], $0x190  }
0x437: {  	s29 =	sld [smem:$0x798]  }
0x438: {  	[sflag:s7] =	ssyncset.done $0x0  }
0x439: {  	[sflag:s7] =	ssyncadd.s32 $0xFFFFFE70  }
0x43a: {  	[hbm4b:s29+s0] =	stream.linear.scatter [tilespmem:s8], [sflag:$0x9], $0x190, $0x38;
	[tilespmem:$0x1F2A0] =	vst v63  }
0x43b: {  	_ =	swait.ge [sflag:s7], $0x190  }
0x43c: {  	s2 =	sld [smem:$0x7FA]  }
0x43d: {  	[sflag:s7] =	ssyncset.done $0x0  }
0x43e: {  	s0 =	simm.s32 @!p0 $0x1AF10;
	[sflag:s7] =	ssyncadd.s32 $0xFFFFFE70  }
0x43f: {  	[tilespmem:s0], [sflag:$0x9] =	stream.linear.gather @!p0 [spmem:s2], $0x1900, $0x38;
	[tilespmem:$0x1F2A0] =	vst v63  }
0x440: {  	s2 =	simm.s32 @!p0 $0x9  }
0x441: {  	_ =	swait.ge @!p0 [sflag:s2], $0x1900  }
0x442: {  	[sflag:s2] =	ssyncset.done @!p0 $0x0  }
0x443: {  	s4 =	simm.s32 @!p0 $0x0;
	s6 =	rddreg [dreg:$0x14];
	[sflag:s2] =	ssyncadd.s32 @!p0 $0xFFFFE700  }
0x444: {  	[hbm4b:s6+s4] =	stream.linear.scatter @!p0 [tilespmem:s0], [sflag:$0x9], $0x1900, $0x38;
	[tilespmem:$0x1F2A0] =	vst v63  }
0x445: {  	_ =	swait.ge @!p0 [sflag:s2], $0x1900  }
0x446: {  	s6 =	sld [smem:$0x7FB]  }
0x447: {  	[sflag:s2] =	ssyncset.done @!p0 $0x0  }
0x448: {  	s0 =	simm.s32 @!p0 $0x1F110;
	[sflag:s2] =	ssyncadd.s32 @!p0 $0xFFFFE700  }
0x449: {  	[tilespmem:s0], [sflag:$0x9] =	stream.linear.gather @!p0 [spmem:s6], $0x190, $0x38;
	[tilespmem:$0x1F2A0] =	vst v63  }
0x44a: {  	_ =	swait.ge @!p0 [sflag:s2], $0x190  }
0x44b: {  	s6 =	sld [smem:$0x799]  }
0x44c: {  	[sflag:s2] =	ssyncset.done @!p0 $0x0  }
0x44d: {  	[sflag:s2] =	ssyncadd.s32 @!p0 $0xFFFFFE70  }
0x44e: {  	[hbm4b:s6+s4] =	stream.linear.scatter @!p0 [tilespmem:s0], [sflag:$0x9], $0x190, $0x38;
	[tilespmem:$0x1F2A0] =	vst v63  }
0x44f: {  	_ =	swait.ge @!p0 [sflag:s2], $0x190  }
0x450: {  	s30 =	sld [smem:$0x794]  }
0x451: {  	s31 =	sld [smem:$0x7FD];
	_ =	sdelay $0x1  }
0x452: {  	s4 =	sadd.s32 $0x1, s30  }
0x453: {  	p2 =	sne.s32 s4, s31  }
.Ltmp2:
0x454: {  	_ = 	snop;
	(pc) =	sbr.rel @p2 .LBB2_1-.Ltmp2, $4  }
0x455: {  	_ = 	snop  }
0x456: {  	s1 =	simm.s32 $0x6;
	s9 =	simm.s32 $0x1A110  }
0x457: {  	s10 =	simm.s32 $0x1A910;
	s11 =	simm.s32 $0x1CF10;
	[sflag:s2] =	ssyncset.done @!p0 $0x0  }
0x458: {  	s12 =	simm.s32 $0x1EF10;
	s13 =	simm.s32 $0x5;
	[sflag:s2] =	ssyncadd.s32 @!p0 $0xFFFFFE70  }
0x459: {  	_ =	sfence.sel $0x180000  }
0x45a: {  	[bflag:$0x0] =	sbarrier.arrive $0xFFFF  }
0x45b: {  	_ =	strace $0x90000047  }
0x45c: {  	s0 =	stileid.u32;
	[bflag:$0x2] =	sbarrier.arrive $0xFFFF  }
0x45d: {  	p0 =	sne.s32 s0, $0x0;
	s0 =	rddreg [dreg:$0x3]  }
0x45e: {  	s0 =	sadd.s32 @!p0 $0x100000, s0  }
0x45f: {  	[sflag:s0] =	ssyncadd.tile.s32 @!p0 $0x1;
	_ =	shalt  }
.Lfunc_end2:
_tile_overlayer_lowered:
.L_overlay_start_2:
0x460: {  	(tag) =	ssettag $0x2  }
0x461: {  	s0 =	rddreg [dreg:$0x0];
	s2 =	stileid.u32  }
0x462: {  	s1 =	rddreg [dreg:$0x1];
	p0 =	sne.s32 s2, $0x0  }
0x463: {  	s3 =	rddreg [dreg:$0x2];
	[bflag:$0x3] =	sbarrier.arrive $0xFFFF;
	s2 =	simm.s32 @!p0 $0x1C09  }
0x464: {  	[timem:s3], [sflag:s2] =	dma.local @!p0 [hbm:s0], s1  }
0x465: {  	s0 =	simm.s32 @!p0 $0x9  }
0x466: {  	_ =	swait.ge @!p0 [sflag:s0], s1  }
0x467: {  	s1 =	ssub.s32 @!p0 $0x0, s1;
	[sflag:s0] =	ssyncset.done @!p0 $0x0  }
0x468: {  	[sflag:s0] =	ssyncadd.s32 @!p0 s1  }
0x469: {  	[bflag:$0x3] =	sbarrier.arrive $0xFFFF  }
0x46a: {  	_ =	shalt  }

</sc_bundles>
